<compile_context>
chip_gen: v7x
topology: tpu7x:2x2x1
jax: 0.10.2.dev20260603
libtpu: 0.0.44.dev20260713+nightly
codegen_flags: <defaults>
</compile_context>

<pallas_src>
import functools

import jax
import jax.numpy as jnp
from jax import lax
from jax.experimental import pallas as pl
from jax.experimental.pallas import tpu as pltpu
from jax.experimental.pallas import tpu_sc as plsc

N = 10000
E = 320000
D = 128
EDGE_D = 16
G = 64
L = 3
OUT = 128

NP = 10240
HALF = NP // 2
AGG_R = HALF
POISON = N
EP = 327680
EPS = EP // 16
C = 128
NCH = EPS // C
IBLK = 80

NB = 1024
NBLK = NP // NB



def _poison_pad_rows(y):
    g = pl.program_id(0)
    rowid = g * NB + lax.broadcasted_iota(jnp.int32, (NB, 1), 0)
    return jnp.where(rowid < N, y, -1e30)


def _enc_body(x_ref, w_ref, b_ref, o_ref):
    o_ref[...] = _poison_pad_rows(x_ref[...] @ w_ref[...] + b_ref[...])


def _edge_mm_body(a_ref, w_ref, b_ref, o_ref):
    o_ref[0] = a_ref[...] @ w_ref[0] + b_ref[0]


def _mlp_body(s_ref, h_ref, agg_ref, w1_ref, b1_ref, w2_ref, b2_ref, o_ref):
    z = h_ref[...] * s_ref[...] + agg_ref[...]
    z = jnp.maximum(z @ w1_ref[...] + b1_ref[...], 0.0)
    o_ref[...] = _poison_pad_rows(
        jnp.maximum(z @ w2_ref[...] + b2_ref[...], 0.0))


def _pool_body(bt_ref, h_ref, wfc_ref, bfc_ref, o_ref):
    b = pl.program_id(0)
    bid = bt_ref[0]
    ids = lax.broadcasted_iota(jnp.int32, (G, NB), 0)
    m = (ids == bid).astype(jnp.float32)
    part = jax.lax.dot(m, h_ref[...])

    @pl.when(b == 0)
    def _():
        o_ref[...] = part

    @pl.when(b > 0)
    def _():
        o_ref[...] = o_ref[...] + part

    @pl.when(b == NBLK - 1)
    def _():
        o_ref[...] = o_ref[...] @ wfc_ref[...] + bfc_ref[...]




def _make_edge_kernel(layer: int):
    mesh = plsc.VectorSubcoreMesh(
        core_axis_name="c", subcore_axis_name="s", num_cores=2, num_subcores=16
    )

    @functools.partial(
        pl.kernel,
        mesh=mesh,
        out_type=jax.ShapeDtypeStruct((NP, D), jnp.float32),
        scratch_types=[
            pltpu.VMEM((IBLK, 128), jnp.int32),
            pltpu.VMEM((IBLK, 128), jnp.int32),
            pltpu.VMEM((C, D), jnp.float32),
            pltpu.VMEM((C, D), jnp.float32),
            pltpu.VMEM((C, D), jnp.float32),
            pltpu.VMEM((C, D), jnp.float32),
            pltpu.VMEM_SHARED((AGG_R, D), jnp.float32),
            pltpu.SemaphoreType.DMA,
            pltpu.SemaphoreType.DMA,
        ],
    )
    def edge_k(h_hbm, src_hbm, dst_hbm, e_hbm, out_hbm,
               srcblk, dstblk, rows0, rows1, ebuf0, ebuf1, agg,
               sem0, sem1):
        c = lax.axis_index("c")
        s = lax.axis_index("s")
        rowbank = (rows0, rows1)
        ebank = (ebuf0, ebuf1)
        sems = (sem0, sem1)

        zv = jnp.zeros((16,), jnp.float32)

        def zero_body(r, _):
            for j in range(D // 16):
                ebuf0[r, pl.ds(j * 16, 16)] = zv
            return 0

        lax.fori_loop(0, C, zero_body, 0)
        zbase = s * (AGG_R // 16)
        pltpu.sync_copy(ebuf0, agg.at[pl.ds(zbase, C)])
        pltpu.sync_copy(ebuf0, agg.at[pl.ds(zbase + C, C)])
        pltpu.sync_copy(ebuf0.at[pl.ds(0, AGG_R // 16 - 2 * C)],
                        agg.at[pl.ds(zbase + 2 * C, AGG_R // 16 - 2 * C)])
        plsc.subcore_barrier()

        def stage_idx(t):
            rbase = pl.multiple_of(s * (EPS // 128) + t, 8)
            pltpu.sync_copy(src_hbm.at[c, pl.ds(rbase, IBLK)], srcblk)
            pltpu.sync_copy(dst_hbm.at[c, pl.ds(rbase, IBLK)], dstblk)

        def issue(t, p):
            j = t % IBLK
            ebase = s * EPS + t * C
            pltpu.async_copy(e_hbm.at[layer, pl.ds(ebase, C)],
                             ebank[p], sems[p])
            pltpu.async_copy(h_hbm.at[srcblk.at[j]], rowbank[p], sems[p])

        stage_idx(0)
        issue(0, 0)

        def pair_body(tt, _):
            for p in (0, 1):
                t = 2 * tt + p
                j = t % IBLK
                ebase = s * EPS + t * C
                pltpu.make_async_copy(e_hbm.at[layer, pl.ds(ebase, C)],
                                      ebank[p], sems[p]).wait()
                pltpu.make_async_copy(h_hbm.at[srcblk.at[j]],
                                      rowbank[p], sems[p]).wait()
                nxt_in_blk = (t + 1) % IBLK != 0

                @pl.when(nxt_in_blk)
                def _():
                    issue(t + 1, 1 - p)

                def row_body(rr, _):
                    for u in range(2):
                        r = 2 * rr + u
                        for g in range(D // 16):
                            sl = pl.ds(g * 16, 16)
                            rowbank[p][r, sl] = jnp.maximum(
                                rowbank[p][r, sl] + ebank[p][r, sl], 0.0)
                    return 0

                lax.fori_loop(0, C // 2, row_body, 0)
                pltpu.sync_copy(rowbank[p], agg.at[dstblk.at[j]], add=True)

                @pl.when(jnp.logical_and(jnp.logical_not(nxt_in_blk),
                                         t + 1 < NCH))
                def _():
                    stage_idx(t + 1)
                    issue(t + 1, 1 - p)

            return 0

        lax.fori_loop(0, NCH // 2, pair_body, 0)
        plsc.subcore_barrier()

        pltpu.sync_copy(agg.at[pl.ds(s * (HALF // 16), HALF // 16)],
                        out_hbm.at[pl.ds(c * HALF + s * (HALF // 16),
                                         HALF // 16)])

    return edge_k




def kernel(x, edge_index, edge_attr, batch, W_enc, b_enc, eps_all, W_edge_all,
           b_edge_all, W1_all, b1_all, W2_all, b2_all, W_fc, b_fc):
    f32 = jnp.float32
    x_pad = jnp.zeros((NP, D), f32).at[:N].set(x)
    src = edge_index[0].astype(jnp.int32)
    dst = edge_index[1].astype(jnp.int32)
    src_p = jnp.concatenate([src, jnp.full((EP - E,), POISON, jnp.int32)])
    dst_p = jnp.concatenate([dst, jnp.full((EP - E,), NP, jnp.int32)])
    spread = jnp.arange(EP, dtype=jnp.int32) % HALF
    poison_spread = POISON + (jnp.arange(EP, dtype=jnp.int32) % (NP - N))
    valid0 = dst_p < HALF
    valid1 = jnp.logical_and(dst_p >= HALF, dst_p < NP)
    src2 = jnp.stack([jnp.where(valid0, src_p, poison_spread),
                      jnp.where(valid1, src_p, poison_spread)]
                     ).reshape(2, EP // 128, 128)
    dst2 = jnp.stack([jnp.where(valid0, dst_p, spread),
                      jnp.where(valid1, dst_p - HALF, spread)]
                     ).reshape(2, EP // 128, 128)
    ea_pad = jnp.zeros((EP, EDGE_D), f32).at[:E].set(edge_attr)
    batch_pad = jnp.concatenate(
        [batch.astype(jnp.int32), jnp.full((NP - N,), G, jnp.int32)]
    ).reshape(NBLK, 1, NB)
    b_enc2 = b_enc.reshape(1, D)
    b_edge2 = b_edge_all.reshape(L, 1, D)
    b_fc2 = b_fc.reshape(1, OUT)

    h = pl.pallas_call(
        _enc_body,
        grid=(NBLK,),
        in_specs=[
            pl.BlockSpec((NB, D), lambda b: (b, 0)),
            pl.BlockSpec((D, D), lambda b: (0, 0)),
            pl.BlockSpec((1, D), lambda b: (0, 0)),
        ],
        out_specs=pl.BlockSpec((NB, D), lambda b: (b, 0)),
        out_shape=jax.ShapeDtypeStruct((NP, D), f32),
    )(x_pad, W_enc, b_enc2)

    EB = 2048

    def edge_feat(i):
        return pl.pallas_call(
            _edge_mm_body,
            grid=(EP // EB,),
            in_specs=[
                pl.BlockSpec((EB, EDGE_D), lambda b: (b, 0)),
                pl.BlockSpec((1, EDGE_D, D), lambda b: (0, 0, 0)),
                pl.BlockSpec((1, 1, D), lambda b: (0, 0, 0)),
            ],
            out_specs=pl.BlockSpec((1, EB, D), lambda b: (0, b, 0)),
            out_shape=jax.ShapeDtypeStruct((1, EP, D), f32),
        )(ea_pad, W_edge_all[i:i + 1], b_edge2[i:i + 1])

    e_cur = edge_feat(0)

    for i in range(L):
        agg = _make_edge_kernel(0)(h, src2, dst2, e_cur)
        if i + 1 < L:
            e_cur = edge_feat(i + 1)
        scale = jnp.full((1, D), 1.0, f32) + eps_all[i]
        h = pl.pallas_call(
            _mlp_body,
            grid=(NBLK,),
            in_specs=[
                pl.BlockSpec((1, D), lambda b: (0, 0)),
                pl.BlockSpec((NB, D), lambda b: (b, 0)),
                pl.BlockSpec((NB, D), lambda b: (b, 0)),
                pl.BlockSpec((D, D), lambda b: (0, 0)),
                pl.BlockSpec((1, D), lambda b: (0, 0)),
                pl.BlockSpec((D, D), lambda b: (0, 0)),
                pl.BlockSpec((1, D), lambda b: (0, 0)),
            ],
            out_specs=pl.BlockSpec((NB, D), lambda b: (b, 0)),
            out_shape=jax.ShapeDtypeStruct((NP, D), f32),
        )(scale, h, agg, W1_all[i], b1_all[i].reshape(1, D),
          W2_all[i], b2_all[i].reshape(1, D))

    out = pl.pallas_call(
        _pool_body,
        grid=(NBLK,),
        in_specs=[
            pl.BlockSpec((1, 1, NB), lambda b: (b, 0, 0)),
            pl.BlockSpec((NB, D), lambda b: (b, 0)),
            pl.BlockSpec((D, OUT), lambda b: (0, 0)),
            pl.BlockSpec((1, OUT), lambda b: (0, 0)),
        ],
        out_specs=pl.BlockSpec((G, OUT), lambda b: (0, 0)),
        out_shape=jax.ShapeDtypeStruct((G, OUT), f32),
    )(batch_pad, h, W_fc, b_fc2)
    return out

# --- scband reference (transcript-rebuilt; emitter-appended) ---
"""Pipeline reference for scband-ginmodel-26723286516466 (READ-ONLY COPY).

The authoritative reference and input builder live on the scoring server;
editing this copy changes nothing except your own understanding.
"""

import jax, jax.numpy as jnp
import numpy as np

N = 10000
E = 320000
D = 128
EDGE_D = 16
G = 64
L = 3
OUT = 128


def setup_inputs(seed: int = 0) -> dict:
    key = jax.random.key(seed)
    ks = jax.random.split(key, 24)
    s = 0.05
    inp = {}
    inp["x"] = jax.random.normal(ks[0], (N, D), dtype=jnp.float32)
    inp["edge_index"] = jax.random.randint(ks[1], (2, E), 0, N, dtype=jnp.int64) if jax.config.jax_enable_x64 else jax.random.randint(ks[1], (2, E), 0, N).astype(jnp.int32)
    inp["edge_attr"] = jax.random.normal(ks[2], (E, EDGE_D), dtype=jnp.float32)
    inp["batch"] = jnp.sort(jax.random.randint(ks[3], (N,), 0, G)).astype(jnp.int32)
    # node_encoder: Linear(D, D)
    inp["W_enc"] = jax.random.normal(ks[4], (D, D), dtype=jnp.float32) * s
    inp["b_enc"] = jnp.zeros((D,), dtype=jnp.float32)
    # per-layer GINEConv params (stacked over layers)
    inp["eps_all"] = jnp.zeros((L,), dtype=jnp.float32)  # gin_eps=0.0, trainable
    inp["W_edge_all"] = jax.random.normal(ks[5], (L, EDGE_D, D), dtype=jnp.float32) * s
    inp["b_edge_all"] = jnp.zeros((L, D), dtype=jnp.float32)
    inp["W1_all"] = jax.random.normal(ks[6], (L, D, D), dtype=jnp.float32) * s
    inp["b1_all"] = jnp.zeros((L, D), dtype=jnp.float32)
    inp["W2_all"] = jax.random.normal(ks[7], (L, D, D), dtype=jnp.float32) * s
    inp["b2_all"] = jnp.zeros((L, D), dtype=jnp.float32)
    # readout fc: Linear(D, OUT)
    inp["W_fc"] = jax.random.normal(ks[8], (D, OUT), dtype=jnp.float32) * s
    inp["b_fc"] = jnp.zeros((OUT,), dtype=jnp.float32)
    return inp


def reference(x, edge_index, edge_attr, batch, W_enc, b_enc, eps_all, W_edge_all, b_edge_all, W1_all, b1_all, W2_all, b2_all, W_fc, b_fc):
    src = edge_index[0]
    dst = edge_index[1]
    # node encoder
    h = x @ W_enc + b_enc
    for i in range(L):
        # GINEConv message: relu(x_j + lin(edge_attr))
        e = edge_attr @ W_edge_all[i] + b_edge_all[i]
        msg = jax.nn.relu(h[src] + e)
        agg = jax.ops.segment_sum(msg, dst, num_segments=N)
        z = (1.0 + eps_all[i]) * h + agg
        # conv nn: Linear -> ReLU -> Linear -> ReLU (dropout=0 -> omitted)
        z = jax.nn.relu(z @ W1_all[i] + b1_all[i])
        h = jax.nn.relu(z @ W2_all[i] + b2_all[i])
        # norm_type='none' -> Identity; use_residual=False
    # jk_mode='last'
    node_out = h
    # global_add_pool
    graph_emb = jax.ops.segment_sum(node_out, batch, num_segments=G)
    out = graph_emb @ W_fc + b_fc
    return out

if __name__ == "__main__":
    import jax
    _d = setup_inputs()
    print(jax.jit(kernel)(*tuple(_d.values())))

</pallas_src>

<mosaic_0001>
#map = affine_map<(d0, d1) -> (0, 0)>
#map1 = affine_map<(d0, d1) -> (0, 0, 0)>
module attributes {stable_mosaic.version = 14 : i64} {
  func.func @edge_k(%arg0: i32, %arg1: i32, %arg2: memref<10240x128xf32, #tpu.memory_space<hbm>>, %arg3: memref<2x2560x128xi32, #tpu.memory_space<hbm>>, %arg4: memref<2x2560x128xi32, #tpu.memory_space<hbm>>, %arg5: memref<1x327680x128xf32, #tpu.memory_space<hbm>>, %arg6: memref<10240x128xf32, #tpu.memory_space<hbm>>, %arg7: memref<80x128xi32, #tpu.memory_space<vmem>>, %arg8: memref<80x128xi32, #tpu.memory_space<vmem>>, %arg9: memref<128x128xf32, #tpu.memory_space<vmem>>, %arg10: memref<128x128xf32, #tpu.memory_space<vmem>>, %arg11: memref<128x128xf32, #tpu.memory_space<vmem>>, %arg12: memref<128x128xf32, #tpu.memory_space<vmem>>, %arg13: memref<5120x128xf32, #tpu.memory_space<vmem_shared>>, %arg14: memref<!tpu.dma_semaphore, #tpu.memory_space<semaphore_mem>>, %arg15: memref<!tpu.dma_semaphore, #tpu.memory_space<semaphore_mem>>) attributes {dimension_semantics = [#tpu.dimension_semantics<core_parallel>, #tpu.dimension_semantics<subcore_parallel>], iteration_bounds = array<i64: 2, 16>, scalar_prefetch = 0 : i64, scratch_operands = 9 : i64, tpu.core_type = #tpu.core_type<sc_vector_subcore>, window_params = [{transform_indices = #map}, {transform_indices = #map1}, {transform_indices = #map1}, {transform_indices = #map1}, {transform_indices = #map}]} {
    %broadcast_in_dim3A = arith.constant 0.000000e+00 : f32
    %broadcast_in_dim3A_0 = vector.broadcast %broadcast_in_dim3A : f32 to vector<16xf32>
    %scan3A = arith.constant 0 : i32
    %scan3A_1 = arith.constant 0 : i32
    %scan3A_2 = arith.constant 128 : i32
    %scan3A_3 = arith.addi %scan3A_1, %scan3A_2 : i32
    %scan3A_4 = arith.constant 1 : i32
    %scan3A_5 = scf.for %scan3A_47 = %scan3A_1 to %scan3A_3 step %scan3A_4 iter_args(%scan3A_48 = %scan3A) -> (i32)  : i32 {
      %swap3A = arith.index_cast %scan3A_47 : i32 to index
      %swap3A_49 = arith.constant 0 : index
      %swap3A_50 = tpu.vector_load %arg11[%swap3A, %swap3A_49] {strides = array<i32>} : memref<128x128xf32, #tpu.memory_space<vmem>>, vector<1x16xf32>,
      %swap3A_51 = vector.shape_cast %swap3A_50 : vector<1x16xf32> to vector<16xf32>
      %swap3A_52 = vector.shape_cast %broadcast_in_dim3A_0 : vector<16xf32> to vector<1x16xf32>
      tpu.vector_store %arg11[%swap3A, %swap3A_49], %swap3A_52 {strides = array<i32>} : memref<128x128xf32, #tpu.memory_space<vmem>>, vector<1x16xf32>,
      %swap3A_53 = arith.index_cast %scan3A_47 : i32 to index
      %swap3A_54 = arith.constant 16 : index
      %swap3A_55 = tpu.vector_load %arg11[%swap3A_53, %swap3A_54] {strides = array<i32>} : memref<128x128xf32, #tpu.memory_space<vmem>>, vector<1x16xf32>,
      %swap3A_56 = vector.shape_cast %swap3A_55 : vector<1x16xf32> to vector<16xf32>
      %swap3A_57 = vector.shape_cast %broadcast_in_dim3A_0 : vector<16xf32> to vector<1x16xf32>
      tpu.vector_store %arg11[%swap3A_53, %swap3A_54], %swap3A_57 {strides = array<i32>} : memref<128x128xf32, #tpu.memory_space<vmem>>, vector<1x16xf32>,
      %swap3A_58 = arith.index_cast %scan3A_47 : i32 to index
      %swap3A_59 = arith.constant 32 : index
      %swap3A_60 = tpu.vector_load %arg11[%swap3A_58, %swap3A_59] {strides = array<i32>} : memref<128x128xf32, #tpu.memory_space<vmem>>, vector<1x16xf32>,
      %swap3A_61 = vector.shape_cast %swap3A_60 : vector<1x16xf32> to vector<16xf32>
      %swap3A_62 = vector.shape_cast %broadcast_in_dim3A_0 : vector<16xf32> to vector<1x16xf32>
      tpu.vector_store %arg11[%swap3A_58, %swap3A_59], %swap3A_62 {strides = array<i32>} : memref<128x128xf32, #tpu.memory_space<vmem>>, vector<1x16xf32>,
      %swap3A_63 = arith.index_cast %scan3A_47 : i32 to index
      %swap3A_64 = arith.constant 48 : index
      %swap3A_65 = tpu.vector_load %arg11[%swap3A_63, %swap3A_64] {strides = array<i32>} : memref<128x128xf32, #tpu.memory_space<vmem>>, vector<1x16xf32>,
      %swap3A_66 = vector.shape_cast %swap3A_65 : vector<1x16xf32> to vector<16xf32>
      %swap3A_67 = vector.shape_cast %broadcast_in_dim3A_0 : vector<16xf32> to vector<1x16xf32>
      tpu.vector_store %arg11[%swap3A_63, %swap3A_64], %swap3A_67 {strides = array<i32>} : memref<128x128xf32, #tpu.memory_space<vmem>>, vector<1x16xf32>,
      %swap3A_68 = arith.index_cast %scan3A_47 : i32 to index
      %swap3A_69 = arith.constant 64 : index
      %swap3A_70 = tpu.vector_load %arg11[%swap3A_68, %swap3A_69] {strides = array<i32>} : memref<128x128xf32, #tpu.memory_space<vmem>>, vector<1x16xf32>,
      %swap3A_71 = vector.shape_cast %swap3A_70 : vector<1x16xf32> to vector<16xf32>
      %swap3A_72 = vector.shape_cast %broadcast_in_dim3A_0 : vector<16xf32> to vector<1x16xf32>
      tpu.vector_store %arg11[%swap3A_68, %swap3A_69], %swap3A_72 {strides = array<i32>} : memref<128x128xf32, #tpu.memory_space<vmem>>, vector<1x16xf32>,
      %swap3A_73 = arith.index_cast %scan3A_47 : i32 to index
      %swap3A_74 = arith.constant 80 : index
      %swap3A_75 = tpu.vector_load %arg11[%swap3A_73, %swap3A_74] {strides = array<i32>} : memref<128x128xf32, #tpu.memory_space<vmem>>, vector<1x16xf32>,
      %swap3A_76 = vector.shape_cast %swap3A_75 : vector<1x16xf32> to vector<16xf32>
      %swap3A_77 = vector.shape_cast %broadcast_in_dim3A_0 : vector<16xf32> to vector<1x16xf32>
      tpu.vector_store %arg11[%swap3A_73, %swap3A_74], %swap3A_77 {strides = array<i32>} : memref<128x128xf32, #tpu.memory_space<vmem>>, vector<1x16xf32>,
      %swap3A_78 = arith.index_cast %scan3A_47 : i32 to index
      %swap3A_79 = arith.constant 96 : index
      %swap3A_80 = tpu.vector_load %arg11[%swap3A_78, %swap3A_79] {strides = array<i32>} : memref<128x128xf32, #tpu.memory_space<vmem>>, vector<1x16xf32>,
      %swap3A_81 = vector.shape_cast %swap3A_80 : vector<1x16xf32> to vector<16xf32>
      %swap3A_82 = vector.shape_cast %broadcast_in_dim3A_0 : vector<16xf32> to vector<1x16xf32>
      tpu.vector_store %arg11[%swap3A_78, %swap3A_79], %swap3A_82 {strides = array<i32>} : memref<128x128xf32, #tpu.memory_space<vmem>>, vector<1x16xf32>,
      %swap3A_83 = arith.index_cast %scan3A_47 : i32 to index
      %swap3A_84 = arith.constant 112 : index
      %swap3A_85 = tpu.vector_load %arg11[%swap3A_83, %swap3A_84] {strides = array<i32>} : memref<128x128xf32, #tpu.memory_space<vmem>>, vector<1x16xf32>,
      %swap3A_86 = vector.shape_cast %swap3A_85 : vector<1x16xf32> to vector<16xf32>
      %swap3A_87 = vector.shape_cast %broadcast_in_dim3A_0 : vector<16xf32> to vector<1x16xf32>
      tpu.vector_store %arg11[%swap3A_83, %swap3A_84], %swap3A_87 {strides = array<i32>} : memref<128x128xf32, #tpu.memory_space<vmem>>, vector<1x16xf32>,
      %scan3A_88 = arith.constant 0 : i32
      scf.yield %scan3A_88 : i32
    }
    %scan3A_6 = arith.constant 128 : i32
    %mul3A = arith.constant 320 : i32
    %mul3A_7 = arith.muli %arg1, %mul3A : i32
    "tpu.region"() ({
      %run_scoped3A = tpu.sem_alloc : memref<!tpu.dma_semaphore, #tpu.memory_space<semaphore_mem>>
      %dma_start3A_47 = arith.constant 0 : i32
      %dma_start3A_48 = tpu.memref_slice %arg13[%mul3A_7, %dma_start3A_47] : memref<5120x128xf32, #tpu.memory_space<vmem_shared>> -> memref<128x128xf32, #tpu.memory_space<vmem_shared>>
      %dma_start3A_49 = arith.constant 0 : i32
      %dma_start3A_50 = tpu.memref_slice %arg13[%mul3A_7, %dma_start3A_49] : memref<5120x128xf32, #tpu.memory_space<vmem_shared>> -> memref<128x128xf32, #tpu.memory_space<vmem_shared>>
      tpu.enqueue_dma source(%arg11 : memref<128x128xf32, #tpu.memory_space<vmem>>) target(%dma_start3A_50 : memref<128x128xf32, #tpu.memory_space<vmem_shared>>) target_semaphore(%run_scoped3A : memref<!tpu.dma_semaphore, #tpu.memory_space<semaphore_mem>>)
      %dma_wait3A = arith.constant 0 : i32
      %dma_wait3A_51 = tpu.memref_slice %arg13[%mul3A_7, %dma_wait3A] : memref<5120x128xf32, #tpu.memory_space<vmem_shared>> -> memref<128x128xf32, #tpu.memory_space<vmem_shared>>
      %dma_wait3A_52 = arith.constant 0 : i32
      %dma_wait3A_53 = tpu.memref_slice %arg13[%mul3A_7, %dma_wait3A_52] : memref<5120x128xf32, #tpu.memory_space<vmem_shared>> -> memref<128x128xf32, #tpu.memory_space<vmem_shared>>
      tpu.wait_dma2 semaphore(%run_scoped3A : memref<!tpu.dma_semaphore, #tpu.memory_space<semaphore_mem>>) src(%arg11 : memref<128x128xf32, #tpu.memory_space<vmem>>) dst(%dma_wait3A_53 : memref<128x128xf32, #tpu.memory_space<vmem_shared>>)
      tpu.yield
    }) : () -> ()
    %add3A = arith.constant 128 : i32
    %add3A_8 = arith.addi %mul3A_7, %add3A : i32
    "tpu.region"() ({
      %run_scoped3A = tpu.sem_alloc : memref<!tpu.dma_semaphore, #tpu.memory_space<semaphore_mem>>
      %dma_start3A_47 = arith.constant 0 : i32
      %dma_start3A_48 = tpu.memref_slice %arg13[%add3A_8, %dma_start3A_47] : memref<5120x128xf32, #tpu.memory_space<vmem_shared>> -> memref<128x128xf32, #tpu.memory_space<vmem_shared>>
      %dma_start3A_49 = arith.constant 0 : i32
      %dma_start3A_50 = tpu.memref_slice %arg13[%add3A_8, %dma_start3A_49] : memref<5120x128xf32, #tpu.memory_space<vmem_shared>> -> memref<128x128xf32, #tpu.memory_space<vmem_shared>>
      tpu.enqueue_dma source(%arg11 : memref<128x128xf32, #tpu.memory_space<vmem>>) target(%dma_start3A_50 : memref<128x128xf32, #tpu.memory_space<vmem_shared>>) target_semaphore(%run_scoped3A : memref<!tpu.dma_semaphore, #tpu.memory_space<semaphore_mem>>)
      %dma_wait3A = arith.constant 0 : i32
      %dma_wait3A_51 = tpu.memref_slice %arg13[%add3A_8, %dma_wait3A] : memref<5120x128xf32, #tpu.memory_space<vmem_shared>> -> memref<128x128xf32, #tpu.memory_space<vmem_shared>>
      %dma_wait3A_52 = arith.constant 0 : i32
      %dma_wait3A_53 = tpu.memref_slice %arg13[%add3A_8, %dma_wait3A_52] : memref<5120x128xf32, #tpu.memory_space<vmem_shared>> -> memref<128x128xf32, #tpu.memory_space<vmem_shared>>
      tpu.wait_dma2 semaphore(%run_scoped3A : memref<!tpu.dma_semaphore, #tpu.memory_space<semaphore_mem>>) src(%arg11 : memref<128x128xf32, #tpu.memory_space<vmem>>) dst(%dma_wait3A_53 : memref<128x128xf32, #tpu.memory_space<vmem_shared>>)
      tpu.yield
    }) : () -> ()
    %add3A_9 = arith.constant 256 : i32
    %add3A_10 = arith.addi %mul3A_7, %add3A_9 : i32
    "tpu.region"() ({
      %run_scoped3A = tpu.sem_alloc : memref<!tpu.dma_semaphore, #tpu.memory_space<semaphore_mem>>
      %dma_start3A_47 = arith.constant 0 : i32
      %dma_start3A_48 = arith.constant 0 : i32
      %dma_start3A_49 = tpu.memref_slice %arg11[%dma_start3A_47, %dma_start3A_48] : memref<128x128xf32, #tpu.memory_space<vmem>> -> memref<64x128xf32, #tpu.memory_space<vmem>>
      %dma_start3A_50 = arith.constant 0 : i32
      %dma_start3A_51 = tpu.memref_slice %arg13[%add3A_10, %dma_start3A_50] : memref<5120x128xf32, #tpu.memory_space<vmem_shared>> -> memref<64x128xf32, #tpu.memory_space<vmem_shared>>
      %dma_start3A_52 = arith.constant 0 : i32
      %dma_start3A_53 = tpu.memref_slice %arg13[%add3A_10, %dma_start3A_52] : memref<5120x128xf32, #tpu.memory_space<vmem_shared>> -> memref<64x128xf32, #tpu.memory_space<vmem_shared>>
      %dma_start3A_54 = arith.constant 0 : i32
      %dma_start3A_55 = arith.constant 0 : i32
      %dma_start3A_56 = tpu.memref_slice %arg11[%dma_start3A_54, %dma_start3A_55] : memref<128x128xf32, #tpu.memory_space<vmem>> -> memref<64x128xf32, #tpu.memory_space<vmem>>
      tpu.enqueue_dma source(%dma_start3A_56 : memref<64x128xf32, #tpu.memory_space<vmem>>) target(%dma_start3A_53 : memref<64x128xf32, #tpu.memory_space<vmem_shared>>) target_semaphore(%run_scoped3A : memref<!tpu.dma_semaphore, #tpu.memory_space<semaphore_mem>>)
      %dma_wait3A = arith.constant 0 : i32
      %dma_wait3A_57 = arith.constant 0 : i32
      %dma_wait3A_58 = tpu.memref_slice %arg11[%dma_wait3A, %dma_wait3A_57] : memref<128x128xf32, #tpu.memory_space<vmem>> -> memref<64x128xf32, #tpu.memory_space<vmem>>
      %dma_wait3A_59 = arith.constant 0 : i32
      %dma_wait3A_60 = tpu.memref_slice %arg13[%add3A_10, %dma_wait3A_59] : memref<5120x128xf32, #tpu.memory_space<vmem_shared>> -> memref<64x128xf32, #tpu.memory_space<vmem_shared>>
      %dma_wait3A_61 = arith.constant 0 : i32
      %dma_wait3A_62 = tpu.memref_slice %arg13[%add3A_10, %dma_wait3A_61] : memref<5120x128xf32, #tpu.memory_space<vmem_shared>> -> memref<64x128xf32, #tpu.memory_space<vmem_shared>>
      %dma_wait3A_63 = arith.constant 0 : i32
      %dma_wait3A_64 = arith.constant 0 : i32
      %dma_wait3A_65 = tpu.memref_slice %arg11[%dma_wait3A_63, %dma_wait3A_64] : memref<128x128xf32, #tpu.memory_space<vmem>> -> memref<64x128xf32, #tpu.memory_space<vmem>>
      tpu.wait_dma2 semaphore(%run_scoped3A : memref<!tpu.dma_semaphore, #tpu.memory_space<semaphore_mem>>) src(%dma_wait3A_65 : memref<64x128xf32, #tpu.memory_space<vmem>>) dst(%dma_wait3A_62 : memref<64x128xf32, #tpu.memory_space<vmem_shared>>)
      tpu.yield
    }) : () -> ()
    %barrier3A = arith.constant 0 : index
    tpu.barrier barrier_id(%barrier3A)
    %mul3A_11 = arith.constant 160 : i32
    %mul3A_12 = arith.muli %arg1, %mul3A_11 : i32
    %add3A_13 = arith.constant 0 : i32
    %add3A_14 = arith.addi %mul3A_12, %add3A_13 : i32
    %multiple_of3A = tpu.assume_multiple %add3A_14, 8 : i32
    "tpu.region"() ({
      %run_scoped3A = tpu.sem_alloc : memref<!tpu.dma_semaphore, #tpu.memory_space<semaphore_mem>>
      %dma_start3A_47 = arith.constant 0 : i32
      %dma_start3A_48 = tpu.memref_slice %arg3[%arg0, %multiple_of3A, %dma_start3A_47] : memref<2x2560x128xi32, #tpu.memory_space<hbm>> -> memref<1x80x128xi32, #tpu.memory_space<hbm>>
      %dma_start3A_49 = tpu.memref_squeeze %dma_start3A_48 : memref<1x80x128xi32, #tpu.memory_space<hbm>> -> memref<80x128xi32, #tpu.memory_space<hbm>>
      %dma_start3A_50 = arith.constant 0 : i32
      %dma_start3A_51 = tpu.memref_slice %arg3[%arg0, %multiple_of3A, %dma_start3A_50] : memref<2x2560x128xi32, #tpu.memory_space<hbm>> -> memref<1x80x128xi32, #tpu.memory_space<hbm>>
      %dma_start3A_52 = tpu.memref_squeeze %dma_start3A_51 : memref<1x80x128xi32, #tpu.memory_space<hbm>> -> memref<80x128xi32, #tpu.memory_space<hbm>>
      tpu.enqueue_dma source(%dma_start3A_52 : memref<80x128xi32, #tpu.memory_space<hbm>>) target(%arg7 : memref<80x128xi32, #tpu.memory_space<vmem>>) target_semaphore(%run_scoped3A : memref<!tpu.dma_semaphore, #tpu.memory_space<semaphore_mem>>)
      %dma_wait3A = arith.constant 0 : i32
      %dma_wait3A_53 = tpu.memref_slice %arg3[%arg0, %multiple_of3A, %dma_wait3A] : memref<2x2560x128xi32, #tpu.memory_space<hbm>> -> memref<1x80x128xi32, #tpu.memory_space<hbm>>
      %dma_wait3A_54 = tpu.memref_squeeze %dma_wait3A_53 : memref<1x80x128xi32, #tpu.memory_space<hbm>> -> memref<80x128xi32, #tpu.memory_space<hbm>>
      %dma_wait3A_55 = arith.constant 0 : i32
      %dma_wait3A_56 = tpu.memref_slice %arg3[%arg0, %multiple_of3A, %dma_wait3A_55] : memref<2x2560x128xi32, #tpu.memory_space<hbm>> -> memref<1x80x128xi32, #tpu.memory_space<hbm>>
      %dma_wait3A_57 = tpu.memref_squeeze %dma_wait3A_56 : memref<1x80x128xi32, #tpu.memory_space<hbm>> -> memref<80x128xi32, #tpu.memory_space<hbm>>
      tpu.wait_dma2 semaphore(%run_scoped3A : memref<!tpu.dma_semaphore, #tpu.memory_space<semaphore_mem>>) src(%dma_wait3A_57 : memref<80x128xi32, #tpu.memory_space<hbm>>) dst(%arg7 : memref<80x128xi32, #tpu.memory_space<vmem>>)
      tpu.yield
    }) : () -> ()
    "tpu.region"() ({
      %run_scoped3A = tpu.sem_alloc : memref<!tpu.dma_semaphore, #tpu.memory_space<semaphore_mem>>
      %dma_start3A_47 = arith.constant 0 : i32
      %dma_start3A_48 = tpu.memref_slice %arg4[%arg0, %multiple_of3A, %dma_start3A_47] : memref<2x2560x128xi32, #tpu.memory_space<hbm>> -> memref<1x80x128xi32, #tpu.memory_space<hbm>>
      %dma_start3A_49 = tpu.memref_squeeze %dma_start3A_48 : memref<1x80x128xi32, #tpu.memory_space<hbm>> -> memref<80x128xi32, #tpu.memory_space<hbm>>
      %dma_start3A_50 = arith.constant 0 : i32
      %dma_start3A_51 = tpu.memref_slice %arg4[%arg0, %multiple_of3A, %dma_start3A_50] : memref<2x2560x128xi32, #tpu.memory_space<hbm>> -> memref<1x80x128xi32, #tpu.memory_space<hbm>>
      %dma_start3A_52 = tpu.memref_squeeze %dma_start3A_51 : memref<1x80x128xi32, #tpu.memory_space<hbm>> -> memref<80x128xi32, #tpu.memory_space<hbm>>
      tpu.enqueue_dma source(%dma_start3A_52 : memref<80x128xi32, #tpu.memory_space<hbm>>) target(%arg8 : memref<80x128xi32, #tpu.memory_space<vmem>>) target_semaphore(%run_scoped3A : memref<!tpu.dma_semaphore, #tpu.memory_space<semaphore_mem>>)
      %dma_wait3A = arith.constant 0 : i32
      %dma_wait3A_53 = tpu.memref_slice %arg4[%arg0, %multiple_of3A, %dma_wait3A] : memref<2x2560x128xi32, #tpu.memory_space<hbm>> -> memref<1x80x128xi32, #tpu.memory_space<hbm>>
      %dma_wait3A_54 = tpu.memref_squeeze %dma_wait3A_53 : memref<1x80x128xi32, #tpu.memory_space<hbm>> -> memref<80x128xi32, #tpu.memory_space<hbm>>
      %dma_wait3A_55 = arith.constant 0 : i32
      %dma_wait3A_56 = tpu.memref_slice %arg4[%arg0, %multiple_of3A, %dma_wait3A_55] : memref<2x2560x128xi32, #tpu.memory_space<hbm>> -> memref<1x80x128xi32, #tpu.memory_space<hbm>>
      %dma_wait3A_57 = tpu.memref_squeeze %dma_wait3A_56 : memref<1x80x128xi32, #tpu.memory_space<hbm>> -> memref<80x128xi32, #tpu.memory_space<hbm>>
      tpu.wait_dma2 semaphore(%run_scoped3A : memref<!tpu.dma_semaphore, #tpu.memory_space<semaphore_mem>>) src(%dma_wait3A_57 : memref<80x128xi32, #tpu.memory_space<hbm>>) dst(%arg8 : memref<80x128xi32, #tpu.memory_space<vmem>>)
      tpu.yield
    }) : () -> ()
    %mul3A_15 = arith.constant 20480 : i32
    %mul3A_16 = arith.muli %arg1, %mul3A_15 : i32
    %add3A_17 = arith.constant 0 : i32
    %add3A_18 = arith.addi %mul3A_16, %add3A_17 : i32
    %dma_start3A = arith.constant 0 : i32
    %dma_start3A_19 = arith.constant 0 : i32
    %dma_start3A_20 = tpu.memref_slice %arg5[%dma_start3A, %add3A_18, %dma_start3A_19] : memref<1x327680x128xf32, #tpu.memory_space<hbm>> -> memref<1x128x128xf32, #tpu.memory_space<hbm>>
    %dma_start3A_21 = tpu.memref_squeeze %dma_start3A_20 : memref<1x128x128xf32, #tpu.memory_space<hbm>> -> memref<128x128xf32, #tpu.memory_space<hbm>>
    %dma_start3A_22 = arith.constant 0 : i32
    %dma_start3A_23 = tpu.memref_slice %arg5[%dma_start3A, %add3A_18, %dma_start3A_22] : memref<1x327680x128xf32, #tpu.memory_space<hbm>> -> memref<1x128x128xf32, #tpu.memory_space<hbm>>
    %dma_start3A_24 = tpu.memref_squeeze %dma_start3A_23 : memref<1x128x128xf32, #tpu.memory_space<hbm>> -> memref<128x128xf32, #tpu.memory_space<hbm>>
    tpu.enqueue_dma source(%dma_start3A_24 : memref<128x128xf32, #tpu.memory_space<hbm>>) target(%arg11 : memref<128x128xf32, #tpu.memory_space<vmem>>) target_semaphore(%arg14 : memref<!tpu.dma_semaphore, #tpu.memory_space<semaphore_mem>>)
    %dma_start3A_25 = arith.constant 0 : i32
    %dma_start3A_26 = arith.constant 0 : i32
    %dma_start3A_27 = tpu.memref_slice %arg7[%dma_start3A_25, %dma_start3A_26] : memref<80x128xi32, #tpu.memory_space<vmem>> -> memref<1x128xi32, #tpu.memory_space<vmem>>
    %dma_start3A_28 = tpu.memref_squeeze %dma_start3A_27 : memref<1x128xi32, #tpu.memory_space<vmem>> -> memref<128xi32, #tpu.memory_space<vmem>>
    %dma_start3A_29 = arith.constant 0 : i32
    %dma_start3A_30 = arith.constant 0 : i32
    %dma_start3A_31 = tpu.memref_slice %arg2[%dma_start3A_29, %dma_start3A_30] : memref<10240x128xf32, #tpu.memory_space<hbm>> -> memref<10240x128xf32, #tpu.memory_space<hbm>>
    tpu.enqueue_indirect_dma source(%dma_start3A_31 : memref<10240x128xf32, #tpu.memory_space<hbm>>) target(%arg9 : memref<128x128xf32, #tpu.memory_space<vmem>>) offsets(%dma_start3A_28 : memref<128xi32, #tpu.memory_space<vmem>>) semaphore(%arg14 : memref<!tpu.dma_semaphore, #tpu.memory_space<semaphore_mem>>)
    %scan3A_32 = arith.constant 0 : i32
    %scan3A_33 = arith.constant 0 : i32
    %scan3A_34 = arith.constant 80 : i32
    %scan3A_35 = arith.addi %scan3A_33, %scan3A_34 : i32
    %scan3A_36 = arith.constant 1 : i32
    %scan3A_37 = scf.for %scan3A_47 = %scan3A_33 to %scan3A_35 step %scan3A_36 iter_args(%scan3A_48 = %scan3A_32) -> (i32)  : i32 {
      %mul3A_49 = arith.constant 2 : i32
      %mul3A_50 = arith.muli %mul3A_49, %scan3A_47 : i32
      %add3A_51 = arith.constant 0 : i32
      %add3A_52 = arith.addi %mul3A_50, %add3A_51 : i32
      %jit3A = arith.constant 80 : i32
      %eq3A = arith.constant 0 : i32
      %eq3A_53 = arith.cmpi eq, %jit3A, %eq3A : i32
      %jit3A_54 = arith.constant 1 : i32
      %select_n3A = arith.select %eq3A_53, %jit3A_54, %jit3A : i32
      %rem3A = arith.remsi %add3A_52, %select_n3A : i32
      %ne3A = arith.constant 0 : i32
      %ne3A_55 = arith.cmpi ne, %rem3A, %ne3A : i32
      %lt3A = arith.constant 0 : i32
      %lt3A_56 = arith.cmpi slt, %rem3A, %lt3A : i32
      %lt3A_57 = arith.constant 0 : i32
      %lt3A_58 = arith.cmpi slt, %select_n3A, %lt3A_57 : i32
      %ne3A_59 = arith.xori %lt3A_56, %lt3A_58 : i1
      %and3A = arith.andi %ne3A_59, %ne3A_55 : i1
      %add3A_60 = arith.addi %rem3A, %select_n3A : i32
      %select_n3A_61 = arith.select %and3A, %add3A_60, %rem3A : i32
      %mul3A_62 = arith.constant 20480 : i32
      %mul3A_63 = arith.muli %arg1, %mul3A_62 : i32
      %mul3A_64 = arith.constant 128 : i32
      %mul3A_65 = arith.muli %add3A_52, %mul3A_64 : i32
      %add3A_66 = arith.addi %mul3A_63, %mul3A_65 : i32
      %dma_wait3A = arith.constant 0 : i32
      %dma_wait3A_67 = arith.constant 0 : i32
      %dma_wait3A_68 = tpu.memref_slice %arg5[%dma_wait3A, %add3A_66, %dma_wait3A_67] : memref<1x327680x128xf32, #tpu.memory_space<hbm>> -> memref<1x128x128xf32, #tpu.memory_space<hbm>>
      %dma_wait3A_69 = tpu.memref_squeeze %dma_wait3A_68 : memref<1x128x128xf32, #tpu.memory_space<hbm>> -> memref<128x128xf32, #tpu.memory_space<hbm>>
      %dma_wait3A_70 = arith.constant 0 : i32
      %dma_wait3A_71 = tpu.memref_slice %arg5[%dma_wait3A, %add3A_66, %dma_wait3A_70] : memref<1x327680x128xf32, #tpu.memory_space<hbm>> -> memref<1x128x128xf32, #tpu.memory_space<hbm>>
      %dma_wait3A_72 = tpu.memref_squeeze %dma_wait3A_71 : memref<1x128x128xf32, #tpu.memory_space<hbm>> -> memref<128x128xf32, #tpu.memory_space<hbm>>
      tpu.wait_dma2 semaphore(%arg14 : memref<!tpu.dma_semaphore, #tpu.memory_space<semaphore_mem>>) src(%dma_wait3A_72 : memref<128x128xf32, #tpu.memory_space<hbm>>) dst(%arg11 : memref<128x128xf32, #tpu.memory_space<vmem>>)
      %dma_wait3A_73 = arith.constant 0 : i32
      %dma_wait3A_74 = tpu.memref_slice %arg7[%select_n3A_61, %dma_wait3A_73] : memref<80x128xi32, #tpu.memory_space<vmem>> -> memref<1x128xi32, #tpu.memory_space<vmem>>
      %dma_wait3A_75 = tpu.memref_squeeze %dma_wait3A_74 : memref<1x128xi32, #tpu.memory_space<vmem>> -> memref<128xi32, #tpu.memory_space<vmem>>
      %dma_wait3A_76 = arith.constant 0 : i32
      %dma_wait3A_77 = arith.constant 0 : i32
      %dma_wait3A_78 = tpu.memref_slice %arg2[%dma_wait3A_76, %dma_wait3A_77] : memref<10240x128xf32, #tpu.memory_space<hbm>> -> memref<10240x128xf32, #tpu.memory_space<hbm>>
      tpu.wait_indirect_dma semaphore(%arg14 : memref<!tpu.dma_semaphore, #tpu.memory_space<semaphore_mem>>) src(%dma_wait3A_78 : memref<10240x128xf32, #tpu.memory_space<hbm>>) dst(%arg9 : memref<128x128xf32, #tpu.memory_space<vmem>>)
      %add3A_79 = arith.constant 1 : i32
      %add3A_80 = arith.addi %add3A_52, %add3A_79 : i32
      %jit3A_81 = arith.constant 80 : i32
      %eq3A_82 = arith.constant 0 : i32
      %eq3A_83 = arith.cmpi eq, %jit3A_81, %eq3A_82 : i32
      %jit3A_84 = arith.constant 1 : i32
      %select_n3A_85 = arith.select %eq3A_83, %jit3A_84, %jit3A_81 : i32
      %rem3A_86 = arith.remsi %add3A_80, %select_n3A_85 : i32
      %ne3A_87 = arith.constant 0 : i32
      %ne3A_88 = arith.cmpi ne, %rem3A_86, %ne3A_87 : i32
      %lt3A_89 = arith.constant 0 : i32
      %lt3A_90 = arith.cmpi slt, %rem3A_86, %lt3A_89 : i32
      %lt3A_91 = arith.constant 0 : i32
      %lt3A_92 = arith.cmpi slt, %select_n3A_85, %lt3A_91 : i32
      %ne3A_93 = arith.xori %lt3A_90, %lt3A_92 : i1
      %and3A_94 = arith.andi %ne3A_93, %ne3A_88 : i1
      %add3A_95 = arith.addi %rem3A_86, %select_n3A_85 : i32
      %select_n3A_96 = arith.select %and3A_94, %add3A_95, %rem3A_86 : i32
      %ne3A_97 = arith.constant 0 : i32
      %ne3A_98 = arith.cmpi ne, %select_n3A_96, %ne3A_97 : i32
      %convert_element_type3A = arith.extui %ne3A_98 : i1 to i32
      %cond3A = arith.constant 0 : i32
      %cond3A_99 = arith.cmpi ne, %convert_element_type3A, %cond3A : i32
      scf.if %cond3A_99 {
        %add3A_195 = arith.constant 1 : i32
        %add3A_196 = arith.addi %add3A_52, %add3A_195 : i32
        %jit3A_197 = arith.constant 80 : i32
        %eq3A_198 = arith.constant 0 : i32
        %eq3A_199 = arith.cmpi eq, %jit3A_197, %eq3A_198 : i32
        %jit3A_200 = arith.constant 1 : i32
        %select_n3A_201 = arith.select %eq3A_199, %jit3A_200, %jit3A_197 : i32
        %rem3A_202 = arith.remsi %add3A_196, %select_n3A_201 : i32
        %ne3A_203 = arith.constant 0 : i32
        %ne3A_204 = arith.cmpi ne, %rem3A_202, %ne3A_203 : i32
        %lt3A_205 = arith.constant 0 : i32
        %lt3A_206 = arith.cmpi slt, %rem3A_202, %lt3A_205 : i32
        %lt3A_207 = arith.constant 0 : i32
        %lt3A_208 = arith.cmpi slt, %select_n3A_201, %lt3A_207 : i32
        %ne3A_209 = arith.xori %lt3A_206, %lt3A_208 : i1
        %and3A_210 = arith.andi %ne3A_209, %ne3A_204 : i1
        %add3A_211 = arith.addi %rem3A_202, %select_n3A_201 : i32
        %select_n3A_212 = arith.select %and3A_210, %add3A_211, %rem3A_202 : i32
        %mul3A_213 = arith.constant 20480 : i32
        %mul3A_214 = arith.muli %arg1, %mul3A_213 : i32
        %mul3A_215 = arith.constant 128 : i32
        %mul3A_216 = arith.muli %add3A_196, %mul3A_215 : i32
        %add3A_217 = arith.addi %mul3A_214, %mul3A_216 : i32
        %dma_start3A_218 = arith.constant 0 : i32
        %dma_start3A_219 = arith.constant 0 : i32
        %dma_start3A_220 = tpu.memref_slice %arg5[%dma_start3A_218, %add3A_217, %dma_start3A_219] : memref<1x327680x128xf32, #tpu.memory_space<hbm>> -> memref<1x128x128xf32, #tpu.memory_space<hbm>>
        %dma_start3A_221 = tpu.memref_squeeze %dma_start3A_220 : memref<1x128x128xf32, #tpu.memory_space<hbm>> -> memref<128x128xf32, #tpu.memory_space<hbm>>
        %dma_start3A_222 = arith.constant 0 : i32
        %dma_start3A_223 = tpu.memref_slice %arg5[%dma_start3A_218, %add3A_217, %dma_start3A_222] : memref<1x327680x128xf32, #tpu.memory_space<hbm>> -> memref<1x128x128xf32, #tpu.memory_space<hbm>>
        %dma_start3A_224 = tpu.memref_squeeze %dma_start3A_223 : memref<1x128x128xf32, #tpu.memory_space<hbm>> -> memref<128x128xf32, #tpu.memory_space<hbm>>
        tpu.enqueue_dma source(%dma_start3A_224 : memref<128x128xf32, #tpu.memory_space<hbm>>) target(%arg12 : memref<128x128xf32, #tpu.memory_space<vmem>>) target_semaphore(%arg15 : memref<!tpu.dma_semaphore, #tpu.memory_space<semaphore_mem>>)
        %dma_start3A_225 = arith.constant 0 : i32
        %dma_start3A_226 = tpu.memref_slice %arg7[%select_n3A_212, %dma_start3A_225] : memref<80x128xi32, #tpu.memory_space<vmem>> -> memref<1x128xi32, #tpu.memory_space<vmem>>
        %dma_start3A_227 = tpu.memref_squeeze %dma_start3A_226 : memref<1x128xi32, #tpu.memory_space<vmem>> -> memref<128xi32, #tpu.memory_space<vmem>>
        %dma_start3A_228 = arith.constant 0 : i32
        %dma_start3A_229 = arith.constant 0 : i32
        %dma_start3A_230 = tpu.memref_slice %arg2[%dma_start3A_228, %dma_start3A_229] : memref<10240x128xf32, #tpu.memory_space<hbm>> -> memref<10240x128xf32, #tpu.memory_space<hbm>>
        tpu.enqueue_indirect_dma source(%dma_start3A_230 : memref<10240x128xf32, #tpu.memory_space<hbm>>) target(%arg10 : memref<128x128xf32, #tpu.memory_space<vmem>>) offsets(%dma_start3A_227 : memref<128xi32, #tpu.memory_space<vmem>>) semaphore(%arg15 : memref<!tpu.dma_semaphore, #tpu.memory_space<semaphore_mem>>)
      } else {
      }
      %scan3A_100 = arith.constant 0 : i32
      %scan3A_101 = arith.constant 0 : i32
      %scan3A_102 = arith.constant 64 : i32
      %scan3A_103 = arith.addi %scan3A_101, %scan3A_102 : i32
      %scan3A_104 = arith.constant 1 : i32
      %scan3A_105 = scf.for %scan3A_195 = %scan3A_101 to %scan3A_103 step %scan3A_104 iter_args(%scan3A_196 = %scan3A_100) -> (i32)  : i32 {
        %mul3A_197 = arith.constant 2 : i32
        %mul3A_198 = arith.muli %mul3A_197, %scan3A_195 : i32
        %add3A_199 = arith.constant 0 : i32
        %add3A_200 = arith.addi %mul3A_198, %add3A_199 : i32
        %get3A = arith.index_cast %add3A_200 : i32 to index
        %get3A_201 = arith.constant 0 : index
        %get3A_202 = tpu.vector_load %arg9[%get3A, %get3A_201] {strides = array<i32>} : memref<128x128xf32, #tpu.memory_space<vmem>>, vector<1x16xf32>,
        %get3A_203 = vector.shape_cast %get3A_202 : vector<1x16xf32> to vector<16xf32>
        %get3A_204 = arith.index_cast %add3A_200 : i32 to index
        %get3A_205 = arith.constant 0 : index
        %get3A_206 = tpu.vector_load %arg11[%get3A_204, %get3A_205] {strides = array<i32>} : memref<128x128xf32, #tpu.memory_space<vmem>>, vector<1x16xf32>,
        %get3A_207 = vector.shape_cast %get3A_206 : vector<1x16xf32> to vector<16xf32>
        %add3A_208 = arith.addf %get3A_203, %get3A_207 : vector<16xf32>
        %max3A = arith.constant 0.000000e+00 : f32
        %max3A_209 = vector.broadcast %max3A : f32 to vector<16xf32>
        %max3A_210 = arith.maximumf %add3A_208, %max3A_209 : vector<16xf32>
        %swap3A = arith.index_cast %add3A_200 : i32 to index
        %swap3A_211 = arith.constant 0 : index
        %swap3A_212 = tpu.vector_load %arg9[%swap3A, %swap3A_211] {strides = array<i32>} : memref<128x128xf32, #tpu.memory_space<vmem>>, vector<1x16xf32>,
        %swap3A_213 = vector.shape_cast %swap3A_212 : vector<1x16xf32> to vector<16xf32>
        %swap3A_214 = vector.shape_cast %max3A_210 : vector<16xf32> to vector<1x16xf32>
        tpu.vector_store %arg9[%swap3A, %swap3A_211], %swap3A_214 {strides = array<i32>} : memref<128x128xf32, #tpu.memory_space<vmem>>, vector<1x16xf32>,
        %get3A_215 = arith.index_cast %add3A_200 : i32 to index
        %get3A_216 = arith.constant 16 : index
        %get3A_217 = tpu.vector_load %arg9[%get3A_215, %get3A_216] {strides = array<i32>} : memref<128x128xf32, #tpu.memory_space<vmem>>, vector<1x16xf32>,
        %get3A_218 = vector.shape_cast %get3A_217 : vector<1x16xf32> to vector<16xf32>
        %get3A_219 = arith.index_cast %add3A_200 : i32 to index
        %get3A_220 = arith.constant 16 : index
        %get3A_221 = tpu.vector_load %arg11[%get3A_219, %get3A_220] {strides = array<i32>} : memref<128x128xf32, #tpu.memory_space<vmem>>, vector<1x16xf32>,
        %get3A_222 = vector.shape_cast %get3A_221 : vector<1x16xf32> to vector<16xf32>
        %add3A_223 = arith.addf %get3A_218, %get3A_222 : vector<16xf32>
        %max3A_224 = arith.constant 0.000000e+00 : f32
        %max3A_225 = vector.broadcast %max3A_224 : f32 to vector<16xf32>
        %max3A_226 = arith.maximumf %add3A_223, %max3A_225 : vector<16xf32>
        %swap3A_227 = arith.index_cast %add3A_200 : i32 to index
        %swap3A_228 = arith.constant 16 : index
        %swap3A_229 = tpu.vector_load %arg9[%swap3A_227, %swap3A_228] {strides = array<i32>} : memref<128x128xf32, #tpu.memory_space<vmem>>, vector<1x16xf32>,
        %swap3A_230 = vector.shape_cast %swap3A_229 : vector<1x16xf32> to vector<16xf32>
        %swap3A_231 = vector.shape_cast %max3A_226 : vector<16xf32> to vector<1x16xf32>
        tpu.vector_store %arg9[%swap3A_227, %swap3A_228], %swap3A_231 {strides = array<i32>} : memref<128x128xf32, #tpu.memory_space<vmem>>, vector<1x16xf32>,
        %get3A_232 = arith.index_cast %add3A_200 : i32 to index
        %get3A_233 = arith.constant 32 : index
        %get3A_234 = tpu.vector_load %arg9[%get3A_232, %get3A_233] {strides = array<i32>} : memref<128x128xf32, #tpu.memory_space<vmem>>, vector<1x16xf32>,
        %get3A_235 = vector.shape_cast %get3A_234 : vector<1x16xf32> to vector<16xf32>
        %get3A_236 = arith.index_cast %add3A_200 : i32 to index
        %get3A_237 = arith.constant 32 : index
        %get3A_238 = tpu.vector_load %arg11[%get3A_236, %get3A_237] {strides = array<i32>} : memref<128x128xf32, #tpu.memory_space<vmem>>, vector<1x16xf32>,
        %get3A_239 = vector.shape_cast %get3A_238 : vector<1x16xf32> to vector<16xf32>
        %add3A_240 = arith.addf %get3A_235, %get3A_239 : vector<16xf32>
        %max3A_241 = arith.constant 0.000000e+00 : f32
        %max3A_242 = vector.broadcast %max3A_241 : f32 to vector<16xf32>
        %max3A_243 = arith.maximumf %add3A_240, %max3A_242 : vector<16xf32>
        %swap3A_244 = arith.index_cast %add3A_200 : i32 to index
        %swap3A_245 = arith.constant 32 : index
        %swap3A_246 = tpu.vector_load %arg9[%swap3A_244, %swap3A_245] {strides = array<i32>} : memref<128x128xf32, #tpu.memory_space<vmem>>, vector<1x16xf32>,
        %swap3A_247 = vector.shape_cast %swap3A_246 : vector<1x16xf32> to vector<16xf32>
        %swap3A_248 = vector.shape_cast %max3A_243 : vector<16xf32> to vector<1x16xf32>
        tpu.vector_store %arg9[%swap3A_244, %swap3A_245], %swap3A_248 {strides = array<i32>} : memref<128x128xf32, #tpu.memory_space<vmem>>, vector<1x16xf32>,
        %get3A_249 = arith.index_cast %add3A_200 : i32 to index
        %get3A_250 = arith.constant 48 : index
        %get3A_251 = tpu.vector_load %arg9[%get3A_249, %get3A_250] {strides = array<i32>} : memref<128x128xf32, #tpu.memory_space<vmem>>, vector<1x16xf32>,
        %get3A_252 = vector.shape_cast %get3A_251 : vector<1x16xf32> to vector<16xf32>
        %get3A_253 = arith.index_cast %add3A_200 : i32 to index
        %get3A_254 = arith.constant 48 : index
        %get3A_255 = tpu.vector_load %arg11[%get3A_253, %get3A_254] {strides = array<i32>} : memref<128x128xf32, #tpu.memory_space<vmem>>, vector<1x16xf32>,
        %get3A_256 = vector.shape_cast %get3A_255 : vector<1x16xf32> to vector<16xf32>
        %add3A_257 = arith.addf %get3A_252, %get3A_256 : vector<16xf32>
        %max3A_258 = arith.constant 0.000000e+00 : f32
        %max3A_259 = vector.broadcast %max3A_258 : f32 to vector<16xf32>
        %max3A_260 = arith.maximumf %add3A_257, %max3A_259 : vector<16xf32>
        %swap3A_261 = arith.index_cast %add3A_200 : i32 to index
        %swap3A_262 = arith.constant 48 : index
        %swap3A_263 = tpu.vector_load %arg9[%swap3A_261, %swap3A_262] {strides = array<i32>} : memref<128x128xf32, #tpu.memory_space<vmem>>, vector<1x16xf32>,
        %swap3A_264 = vector.shape_cast %swap3A_263 : vector<1x16xf32> to vector<16xf32>
        %swap3A_265 = vector.shape_cast %max3A_260 : vector<16xf32> to vector<1x16xf32>
        tpu.vector_store %arg9[%swap3A_261, %swap3A_262], %swap3A_265 {strides = array<i32>} : memref<128x128xf32, #tpu.memory_space<vmem>>, vector<1x16xf32>,
        %get3A_266 = arith.index_cast %add3A_200 : i32 to index
        %get3A_267 = arith.constant 64 : index
        %get3A_268 = tpu.vector_load %arg9[%get3A_266, %get3A_267] {strides = array<i32>} : memref<128x128xf32, #tpu.memory_space<vmem>>, vector<1x16xf32>,
        %get3A_269 = vector.shape_cast %get3A_268 : vector<1x16xf32> to vector<16xf32>
        %get3A_270 = arith.index_cast %add3A_200 : i32 to index
        %get3A_271 = arith.constant 64 : index
        %get3A_272 = tpu.vector_load %arg11[%get3A_270, %get3A_271] {strides = array<i32>} : memref<128x128xf32, #tpu.memory_space<vmem>>, vector<1x16xf32>,
        %get3A_273 = vector.shape_cast %get3A_272 : vector<1x16xf32> to vector<16xf32>
        %add3A_274 = arith.addf %get3A_269, %get3A_273 : vector<16xf32>
        %max3A_275 = arith.constant 0.000000e+00 : f32
        %max3A_276 = vector.broadcast %max3A_275 : f32 to vector<16xf32>
        %max3A_277 = arith.maximumf %add3A_274, %max3A_276 : vector<16xf32>
        %swap3A_278 = arith.index_cast %add3A_200 : i32 to index
        %swap3A_279 = arith.constant 64 : index
        %swap3A_280 = tpu.vector_load %arg9[%swap3A_278, %swap3A_279] {strides = array<i32>} : memref<128x128xf32, #tpu.memory_space<vmem>>, vector<1x16xf32>,
        %swap3A_281 = vector.shape_cast %swap3A_280 : vector<1x16xf32> to vector<16xf32>
        %swap3A_282 = vector.shape_cast %max3A_277 : vector<16xf32> to vector<1x16xf32>
        tpu.vector_store %arg9[%swap3A_278, %swap3A_279], %swap3A_282 {strides = array<i32>} : memref<128x128xf32, #tpu.memory_space<vmem>>, vector<1x16xf32>,
        %get3A_283 = arith.index_cast %add3A_200 : i32 to index
        %get3A_284 = arith.constant 80 : index
        %get3A_285 = tpu.vector_load %arg9[%get3A_283, %get3A_284] {strides = array<i32>} : memref<128x128xf32, #tpu.memory_space<vmem>>, vector<1x16xf32>,
        %get3A_286 = vector.shape_cast %get3A_285 : vector<1x16xf32> to vector<16xf32>
        %get3A_287 = arith.index_cast %add3A_200 : i32 to index
        %get3A_288 = arith.constant 80 : index
        %get3A_289 = tpu.vector_load %arg11[%get3A_287, %get3A_288] {strides = array<i32>} : memref<128x128xf32, #tpu.memory_space<vmem>>, vector<1x16xf32>,
        %get3A_290 = vector.shape_cast %get3A_289 : vector<1x16xf32> to vector<16xf32>
        %add3A_291 = arith.addf %get3A_286, %get3A_290 : vector<16xf32>
        %max3A_292 = arith.constant 0.000000e+00 : f32
        %max3A_293 = vector.broadcast %max3A_292 : f32 to vector<16xf32>
        %max3A_294 = arith.maximumf %add3A_291, %max3A_293 : vector<16xf32>
        %swap3A_295 = arith.index_cast %add3A_200 : i32 to index
        %swap3A_296 = arith.constant 80 : index
        %swap3A_297 = tpu.vector_load %arg9[%swap3A_295, %swap3A_296] {strides = array<i32>} : memref<128x128xf32, #tpu.memory_space<vmem>>, vector<1x16xf32>,
        %swap3A_298 = vector.shape_cast %swap3A_297 : vector<1x16xf32> to vector<16xf32>
        %swap3A_299 = vector.shape_cast %max3A_294 : vector<16xf32> to vector<1x16xf32>
        tpu.vector_store %arg9[%swap3A_295, %swap3A_296], %swap3A_299 {strides = array<i32>} : memref<128x128xf32, #tpu.memory_space<vmem>>, vector<1x16xf32>,
        %get3A_300 = arith.index_cast %add3A_200 : i32 to index
        %get3A_301 = arith.constant 96 : index
        %get3A_302 = tpu.vector_load %arg9[%get3A_300, %get3A_301] {strides = array<i32>} : memref<128x128xf32, #tpu.memory_space<vmem>>, vector<1x16xf32>,
        %get3A_303 = vector.shape_cast %get3A_302 : vector<1x16xf32> to vector<16xf32>
        %get3A_304 = arith.index_cast %add3A_200 : i32 to index
        %get3A_305 = arith.constant 96 : index
        %get3A_306 = tpu.vector_load %arg11[%get3A_304, %get3A_305] {strides = array<i32>} : memref<128x128xf32, #tpu.memory_space<vmem>>, vector<1x16xf32>,
        %get3A_307 = vector.shape_cast %get3A_306 : vector<1x16xf32> to vector<16xf32>
        %add3A_308 = arith.addf %get3A_303, %get3A_307 : vector<16xf32>
        %max3A_309 = arith.constant 0.000000e+00 : f32
        %max3A_310 = vector.broadcast %max3A_309 : f32 to vector<16xf32>
        %max3A_311 = arith.maximumf %add3A_308, %max3A_310 : vector<16xf32>
        %swap3A_312 = arith.index_cast %add3A_200 : i32 to index
        %swap3A_313 = arith.constant 96 : index
        %swap3A_314 = tpu.vector_load %arg9[%swap3A_312, %swap3A_313] {strides = array<i32>} : memref<128x128xf32, #tpu.memory_space<vmem>>, vector<1x16xf32>,
        %swap3A_315 = vector.shape_cast %swap3A_314 : vector<1x16xf32> to vector<16xf32>
        %swap3A_316 = vector.shape_cast %max3A_311 : vector<16xf32> to vector<1x16xf32>
        tpu.vector_store %arg9[%swap3A_312, %swap3A_313], %swap3A_316 {strides = array<i32>} : memref<128x128xf32, #tpu.memory_space<vmem>>, vector<1x16xf32>,
        %get3A_317 = arith.index_cast %add3A_200 : i32 to index
        %get3A_318 = arith.constant 112 : index
        %get3A_319 = tpu.vector_load %arg9[%get3A_317, %get3A_318] {strides = array<i32>} : memref<128x128xf32, #tpu.memory_space<vmem>>, vector<1x16xf32>,
        %get3A_320 = vector.shape_cast %get3A_319 : vector<1x16xf32> to vector<16xf32>
        %get3A_321 = arith.index_cast %add3A_200 : i32 to index
        %get3A_322 = arith.constant 112 : index
        %get3A_323 = tpu.vector_load %arg11[%get3A_321, %get3A_322] {strides = array<i32>} : memref<128x128xf32, #tpu.memory_space<vmem>>, vector<1x16xf32>,
        %get3A_324 = vector.shape_cast %get3A_323 : vector<1x16xf32> to vector<16xf32>
        %add3A_325 = arith.addf %get3A_320, %get3A_324 : vector<16xf32>
        %max3A_326 = arith.constant 0.000000e+00 : f32
        %max3A_327 = vector.broadcast %max3A_326 : f32 to vector<16xf32>
        %max3A_328 = arith.maximumf %add3A_325, %max3A_327 : vector<16xf32>
        %swap3A_329 = arith.index_cast %add3A_200 : i32 to index
        %swap3A_330 = arith.constant 112 : index
        %swap3A_331 = tpu.vector_load %arg9[%swap3A_329, %swap3A_330] {strides = array<i32>} : memref<128x128xf32, #tpu.memory_space<vmem>>, vector<1x16xf32>,
        %swap3A_332 = vector.shape_cast %swap3A_331 : vector<1x16xf32> to vector<16xf32>
        %swap3A_333 = vector.shape_cast %max3A_328 : vector<16xf32> to vector<1x16xf32>
        tpu.vector_store %arg9[%swap3A_329, %swap3A_330], %swap3A_333 {strides = array<i32>} : memref<128x128xf32, #tpu.memory_space<vmem>>, vector<1x16xf32>,
        %mul3A_334 = arith.constant 2 : i32
        %mul3A_335 = arith.muli %mul3A_334, %scan3A_195 : i32
        %add3A_336 = arith.constant 1 : i32
        %add3A_337 = arith.addi %mul3A_335, %add3A_336 : i32
        %get3A_338 = arith.index_cast %add3A_337 : i32 to index
        %get3A_339 = arith.constant 0 : index
        %get3A_340 = tpu.vector_load %arg9[%get3A_338, %get3A_339] {strides = array<i32>} : memref<128x128xf32, #tpu.memory_space<vmem>>, vector<1x16xf32>,
        %get3A_341 = vector.shape_cast %get3A_340 : vector<1x16xf32> to vector<16xf32>
        %get3A_342 = arith.index_cast %add3A_337 : i32 to index
        %get3A_343 = arith.constant 0 : index
        %get3A_344 = tpu.vector_load %arg11[%get3A_342, %get3A_343] {strides = array<i32>} : memref<128x128xf32, #tpu.memory_space<vmem>>, vector<1x16xf32>,
        %get3A_345 = vector.shape_cast %get3A_344 : vector<1x16xf32> to vector<16xf32>
        %add3A_346 = arith.addf %get3A_341, %get3A_345 : vector<16xf32>
        %max3A_347 = arith.constant 0.000000e+00 : f32
        %max3A_348 = vector.broadcast %max3A_347 : f32 to vector<16xf32>
        %max3A_349 = arith.maximumf %add3A_346, %max3A_348 : vector<16xf32>
        %swap3A_350 = arith.index_cast %add3A_337 : i32 to index
        %swap3A_351 = arith.constant 0 : index
        %swap3A_352 = tpu.vector_load %arg9[%swap3A_350, %swap3A_351] {strides = array<i32>} : memref<128x128xf32, #tpu.memory_space<vmem>>, vector<1x16xf32>,
        %swap3A_353 = vector.shape_cast %swap3A_352 : vector<1x16xf32> to vector<16xf32>
        %swap3A_354 = vector.shape_cast %max3A_349 : vector<16xf32> to vector<1x16xf32>
        tpu.vector_store %arg9[%swap3A_350, %swap3A_351], %swap3A_354 {strides = array<i32>} : memref<128x128xf32, #tpu.memory_space<vmem>>, vector<1x16xf32>,
        %get3A_355 = arith.index_cast %add3A_337 : i32 to index
        %get3A_356 = arith.constant 16 : index
        %get3A_357 = tpu.vector_load %arg9[%get3A_355, %get3A_356] {strides = array<i32>} : memref<128x128xf32, #tpu.memory_space<vmem>>, vector<1x16xf32>,
        %get3A_358 = vector.shape_cast %get3A_357 : vector<1x16xf32> to vector<16xf32>
        %get3A_359 = arith.index_cast %add3A_337 : i32 to index
        %get3A_360 = arith.constant 16 : index
        %get3A_361 = tpu.vector_load %arg11[%get3A_359, %get3A_360] {strides = array<i32>} : memref<128x128xf32, #tpu.memory_space<vmem>>, vector<1x16xf32>,
        %get3A_362 = vector.shape_cast %get3A_361 : vector<1x16xf32> to vector<16xf32>
        %add3A_363 = arith.addf %get3A_358, %get3A_362 : vector<16xf32>
        %max3A_364 = arith.constant 0.000000e+00 : f32
        %max3A_365 = vector.broadcast %max3A_364 : f32 to vector<16xf32>
        %max3A_366 = arith.maximumf %add3A_363, %max3A_365 : vector<16xf32>
        %swap3A_367 = arith.index_cast %add3A_337 : i32 to index
        %swap3A_368 = arith.constant 16 : index
        %swap3A_369 = tpu.vector_load %arg9[%swap3A_367, %swap3A_368] {strides = array<i32>} : memref<128x128xf32, #tpu.memory_space<vmem>>, vector<1x16xf32>,
        %swap3A_370 = vector.shape_cast %swap3A_369 : vector<1x16xf32> to vector<16xf32>
        %swap3A_371 = vector.shape_cast %max3A_366 : vector<16xf32> to vector<1x16xf32>
        tpu.vector_store %arg9[%swap3A_367, %swap3A_368], %swap3A_371 {strides = array<i32>} : memref<128x128xf32, #tpu.memory_space<vmem>>, vector<1x16xf32>,
        %get3A_372 = arith.index_cast %add3A_337 : i32 to index
        %get3A_373 = arith.constant 32 : index
        %get3A_374 = tpu.vector_load %arg9[%get3A_372, %get3A_373] {strides = array<i32>} : memref<128x128xf32, #tpu.memory_space<vmem>>, vector<1x16xf32>,
        %get3A_375 = vector.shape_cast %get3A_374 : vector<1x16xf32> to vector<16xf32>
        %get3A_376 = arith.index_cast %add3A_337 : i32 to index
        %get3A_377 = arith.constant 32 : index
        %get3A_378 = tpu.vector_load %arg11[%get3A_376, %get3A_377] {strides = array<i32>} : memref<128x128xf32, #tpu.memory_space<vmem>>, vector<1x16xf32>,
        %get3A_379 = vector.shape_cast %get3A_378 : vector<1x16xf32> to vector<16xf32>
        %add3A_380 = arith.addf %get3A_375, %get3A_379 : vector<16xf32>
        %max3A_381 = arith.constant 0.000000e+00 : f32
        %max3A_382 = vector.broadcast %max3A_381 : f32 to vector<16xf32>
        %max3A_383 = arith.maximumf %add3A_380, %max3A_382 : vector<16xf32>
        %swap3A_384 = arith.index_cast %add3A_337 : i32 to index
        %swap3A_385 = arith.constant 32 : index
        %swap3A_386 = tpu.vector_load %arg9[%swap3A_384, %swap3A_385] {strides = array<i32>} : memref<128x128xf32, #tpu.memory_space<vmem>>, vector<1x16xf32>,
        %swap3A_387 = vector.shape_cast %swap3A_386 : vector<1x16xf32> to vector<16xf32>
        %swap3A_388 = vector.shape_cast %max3A_383 : vector<16xf32> to vector<1x16xf32>
        tpu.vector_store %arg9[%swap3A_384, %swap3A_385], %swap3A_388 {strides = array<i32>} : memref<128x128xf32, #tpu.memory_space<vmem>>, vector<1x16xf32>,
        %get3A_389 = arith.index_cast %add3A_337 : i32 to index
        %get3A_390 = arith.constant 48 : index
        %get3A_391 = tpu.vector_load %arg9[%get3A_389, %get3A_390] {strides = array<i32>} : memref<128x128xf32, #tpu.memory_space<vmem>>, vector<1x16xf32>,
        %get3A_392 = vector.shape_cast %get3A_391 : vector<1x16xf32> to vector<16xf32>
        %get3A_393 = arith.index_cast %add3A_337 : i32 to index
        %get3A_394 = arith.constant 48 : index
        %get3A_395 = tpu.vector_load %arg11[%get3A_393, %get3A_394] {strides = array<i32>} : memref<128x128xf32, #tpu.memory_space<vmem>>, vector<1x16xf32>,
        %get3A_396 = vector.shape_cast %get3A_395 : vector<1x16xf32> to vector<16xf32>
        %add3A_397 = arith.addf %get3A_392, %get3A_396 : vector<16xf32>
        %max3A_398 = arith.constant 0.000000e+00 : f32
        %max3A_399 = vector.broadcast %max3A_398 : f32 to vector<16xf32>
        %max3A_400 = arith.maximumf %add3A_397, %max3A_399 : vector<16xf32>
        %swap3A_401 = arith.index_cast %add3A_337 : i32 to index
        %swap3A_402 = arith.constant 48 : index
        %swap3A_403 = tpu.vector_load %arg9[%swap3A_401, %swap3A_402] {strides = array<i32>} : memref<128x128xf32, #tpu.memory_space<vmem>>, vector<1x16xf32>,
        %swap3A_404 = vector.shape_cast %swap3A_403 : vector<1x16xf32> to vector<16xf32>
        %swap3A_405 = vector.shape_cast %max3A_400 : vector<16xf32> to vector<1x16xf32>
        tpu.vector_store %arg9[%swap3A_401, %swap3A_402], %swap3A_405 {strides = array<i32>} : memref<128x128xf32, #tpu.memory_space<vmem>>, vector<1x16xf32>,
        %get3A_406 = arith.index_cast %add3A_337 : i32 to index
        %get3A_407 = arith.constant 64 : index
        %get3A_408 = tpu.vector_load %arg9[%get3A_406, %get3A_407] {strides = array<i32>} : memref<128x128xf32, #tpu.memory_space<vmem>>, vector<1x16xf32>,
        %get3A_409 = vector.shape_cast %get3A_408 : vector<1x16xf32> to vector<16xf32>
        %get3A_410 = arith.index_cast %add3A_337 : i32 to index
        %get3A_411 = arith.constant 64 : index
        %get3A_412 = tpu.vector_load %arg11[%get3A_410, %get3A_411] {strides = array<i32>} : memref<128x128xf32, #tpu.memory_space<vmem>>, vector<1x16xf32>,
        %get3A_413 = vector.shape_cast %get3A_412 : vector<1x16xf32> to vector<16xf32>
        %add3A_414 = arith.addf %get3A_409, %get3A_413 : vector<16xf32>
        %max3A_415 = arith.constant 0.000000e+00 : f32
        %max3A_416 = vector.broadcast %max3A_415 : f32 to vector<16xf32>
        %max3A_417 = arith.maximumf %add3A_414, %max3A_416 : vector<16xf32>
        %swap3A_418 = arith.index_cast %add3A_337 : i32 to index
        %swap3A_419 = arith.constant 64 : index
        %swap3A_420 = tpu.vector_load %arg9[%swap3A_418, %swap3A_419] {strides = array<i32>} : memref<128x128xf32, #tpu.memory_space<vmem>>, vector<1x16xf32>,
        %swap3A_421 = vector.shape_cast %swap3A_420 : vector<1x16xf32> to vector<16xf32>
        %swap3A_422 = vector.shape_cast %max3A_417 : vector<16xf32> to vector<1x16xf32>
        tpu.vector_store %arg9[%swap3A_418, %swap3A_419], %swap3A_422 {strides = array<i32>} : memref<128x128xf32, #tpu.memory_space<vmem>>, vector<1x16xf32>,
        %get3A_423 = arith.index_cast %add3A_337 : i32 to index
        %get3A_424 = arith.constant 80 : index
        %get3A_425 = tpu.vector_load %arg9[%get3A_423, %get3A_424] {strides = array<i32>} : memref<128x128xf32, #tpu.memory_space<vmem>>, vector<1x16xf32>,
        %get3A_426 = vector.shape_cast %get3A_425 : vector<1x16xf32> to vector<16xf32>
        %get3A_427 = arith.index_cast %add3A_337 : i32 to index
        %get3A_428 = arith.constant 80 : index
        %get3A_429 = tpu.vector_load %arg11[%get3A_427, %get3A_428] {strides = array<i32>} : memref<128x128xf32, #tpu.memory_space<vmem>>, vector<1x16xf32>,
        %get3A_430 = vector.shape_cast %get3A_429 : vector<1x16xf32> to vector<16xf32>
        %add3A_431 = arith.addf %get3A_426, %get3A_430 : vector<16xf32>
        %max3A_432 = arith.constant 0.000000e+00 : f32
        %max3A_433 = vector.broadcast %max3A_432 : f32 to vector<16xf32>
        %max3A_434 = arith.maximumf %add3A_431, %max3A_433 : vector<16xf32>
        %swap3A_435 = arith.index_cast %add3A_337 : i32 to index
        %swap3A_436 = arith.constant 80 : index
        %swap3A_437 = tpu.vector_load %arg9[%swap3A_435, %swap3A_436] {strides = array<i32>} : memref<128x128xf32, #tpu.memory_space<vmem>>, vector<1x16xf32>,
        %swap3A_438 = vector.shape_cast %swap3A_437 : vector<1x16xf32> to vector<16xf32>
        %swap3A_439 = vector.shape_cast %max3A_434 : vector<16xf32> to vector<1x16xf32>
        tpu.vector_store %arg9[%swap3A_435, %swap3A_436], %swap3A_439 {strides = array<i32>} : memref<128x128xf32, #tpu.memory_space<vmem>>, vector<1x16xf32>,
        %get3A_440 = arith.index_cast %add3A_337 : i32 to index
        %get3A_441 = arith.constant 96 : index
        %get3A_442 = tpu.vector_load %arg9[%get3A_440, %get3A_441] {strides = array<i32>} : memref<128x128xf32, #tpu.memory_space<vmem>>, vector<1x16xf32>,
        %get3A_443 = vector.shape_cast %get3A_442 : vector<1x16xf32> to vector<16xf32>
        %get3A_444 = arith.index_cast %add3A_337 : i32 to index
        %get3A_445 = arith.constant 96 : index
        %get3A_446 = tpu.vector_load %arg11[%get3A_444, %get3A_445] {strides = array<i32>} : memref<128x128xf32, #tpu.memory_space<vmem>>, vector<1x16xf32>,
        %get3A_447 = vector.shape_cast %get3A_446 : vector<1x16xf32> to vector<16xf32>
        %add3A_448 = arith.addf %get3A_443, %get3A_447 : vector<16xf32>
        %max3A_449 = arith.constant 0.000000e+00 : f32
        %max3A_450 = vector.broadcast %max3A_449 : f32 to vector<16xf32>
        %max3A_451 = arith.maximumf %add3A_448, %max3A_450 : vector<16xf32>
        %swap3A_452 = arith.index_cast %add3A_337 : i32 to index
        %swap3A_453 = arith.constant 96 : index
        %swap3A_454 = tpu.vector_load %arg9[%swap3A_452, %swap3A_453] {strides = array<i32>} : memref<128x128xf32, #tpu.memory_space<vmem>>, vector<1x16xf32>,
        %swap3A_455 = vector.shape_cast %swap3A_454 : vector<1x16xf32> to vector<16xf32>
        %swap3A_456 = vector.shape_cast %max3A_451 : vector<16xf32> to vector<1x16xf32>
        tpu.vector_store %arg9[%swap3A_452, %swap3A_453], %swap3A_456 {strides = array<i32>} : memref<128x128xf32, #tpu.memory_space<vmem>>, vector<1x16xf32>,
        %get3A_457 = arith.index_cast %add3A_337 : i32 to index
        %get3A_458 = arith.constant 112 : index
        %get3A_459 = tpu.vector_load %arg9[%get3A_457, %get3A_458] {strides = array<i32>} : memref<128x128xf32, #tpu.memory_space<vmem>>, vector<1x16xf32>,
        %get3A_460 = vector.shape_cast %get3A_459 : vector<1x16xf32> to vector<16xf32>
        %get3A_461 = arith.index_cast %add3A_337 : i32 to index
        %get3A_462 = arith.constant 112 : index
        %get3A_463 = tpu.vector_load %arg11[%get3A_461, %get3A_462] {strides = array<i32>} : memref<128x128xf32, #tpu.memory_space<vmem>>, vector<1x16xf32>,
        %get3A_464 = vector.shape_cast %get3A_463 : vector<1x16xf32> to vector<16xf32>
        %add3A_465 = arith.addf %get3A_460, %get3A_464 : vector<16xf32>
        %max3A_466 = arith.constant 0.000000e+00 : f32
        %max3A_467 = vector.broadcast %max3A_466 : f32 to vector<16xf32>
        %max3A_468 = arith.maximumf %add3A_465, %max3A_467 : vector<16xf32>
        %swap3A_469 = arith.index_cast %add3A_337 : i32 to index
        %swap3A_470 = arith.constant 112 : index
        %swap3A_471 = tpu.vector_load %arg9[%swap3A_469, %swap3A_470] {strides = array<i32>} : memref<128x128xf32, #tpu.memory_space<vmem>>, vector<1x16xf32>,
        %swap3A_472 = vector.shape_cast %swap3A_471 : vector<1x16xf32> to vector<16xf32>
        %swap3A_473 = vector.shape_cast %max3A_468 : vector<16xf32> to vector<1x16xf32>
        tpu.vector_store %arg9[%swap3A_469, %swap3A_470], %swap3A_473 {strides = array<i32>} : memref<128x128xf32, #tpu.memory_space<vmem>>, vector<1x16xf32>,
        %scan3A_474 = arith.constant 0 : i32
        scf.yield %scan3A_474 : i32
      }
      %scan3A_106 = arith.constant 64 : i32
      "tpu.region"() ({
        %run_scoped3A = tpu.sem_alloc : memref<!tpu.dma_semaphore, #tpu.memory_space<semaphore_mem>>
        %dma_start3A_195 = arith.constant 0 : i32
        %dma_start3A_196 = tpu.memref_slice %arg8[%select_n3A_61, %dma_start3A_195] : memref<80x128xi32, #tpu.memory_space<vmem>> -> memref<1x128xi32, #tpu.memory_space<vmem>>
        %dma_start3A_197 = tpu.memref_squeeze %dma_start3A_196 : memref<1x128xi32, #tpu.memory_space<vmem>> -> memref<128xi32, #tpu.memory_space<vmem>>
        %dma_start3A_198 = arith.constant 0 : i32
        %dma_start3A_199 = arith.constant 0 : i32
        %dma_start3A_200 = tpu.memref_slice %arg13[%dma_start3A_198, %dma_start3A_199] : memref<5120x128xf32, #tpu.memory_space<vmem_shared>> -> memref<5120x128xf32, #tpu.memory_space<vmem_shared>>
        tpu.enqueue_indirect_dma source(%arg9 : memref<128x128xf32, #tpu.memory_space<vmem>>) target(%dma_start3A_200 : memref<5120x128xf32, #tpu.memory_space<vmem_shared>>) offsets(%dma_start3A_197 : memref<128xi32, #tpu.memory_space<vmem>>) semaphore(%run_scoped3A : memref<!tpu.dma_semaphore, #tpu.memory_space<semaphore_mem>>) {add = true}
        %dma_wait3A_201 = arith.constant 0 : i32
        %dma_wait3A_202 = tpu.memref_slice %arg8[%select_n3A_61, %dma_wait3A_201] : memref<80x128xi32, #tpu.memory_space<vmem>> -> memref<1x128xi32, #tpu.memory_space<vmem>>
        %dma_wait3A_203 = tpu.memref_squeeze %dma_wait3A_202 : memref<1x128xi32, #tpu.memory_space<vmem>> -> memref<128xi32, #tpu.memory_space<vmem>>
        %dma_wait3A_204 = arith.constant 0 : i32
        %dma_wait3A_205 = arith.constant 0 : i32
        %dma_wait3A_206 = tpu.memref_slice %arg13[%dma_wait3A_204, %dma_wait3A_205] : memref<5120x128xf32, #tpu.memory_space<vmem_shared>> -> memref<5120x128xf32, #tpu.memory_space<vmem_shared>>
        tpu.wait_indirect_dma semaphore(%run_scoped3A : memref<!tpu.dma_semaphore, #tpu.memory_space<semaphore_mem>>) src(%arg9 : memref<128x128xf32, #tpu.memory_space<vmem>>) dst(%dma_wait3A_206 : memref<5120x128xf32, #tpu.memory_space<vmem_shared>>)
        tpu.yield
      }) : () -> ()
      %not3A = arith.constant true
      %not3A_107 = arith.xori %ne3A_98, %not3A : i1
      %add3A_108 = arith.constant 1 : i32
      %add3A_109 = arith.addi %add3A_52, %add3A_108 : i32
      %lt3A_110 = arith.constant 160 : i32
      %lt3A_111 = arith.cmpi slt, %add3A_109, %lt3A_110 : i32
      %and3A_112 = arith.andi %not3A_107, %lt3A_111 : i1
      %convert_element_type3A_113 = arith.extui %and3A_112 : i1 to i32
      %cond3A_114 = arith.constant 0 : i32
      %cond3A_115 = arith.cmpi ne, %convert_element_type3A_113, %cond3A_114 : i32
      scf.if %cond3A_115 {
        %add3A_195 = arith.constant 1 : i32
        %add3A_196 = arith.addi %add3A_52, %add3A_195 : i32
        %mul3A_197 = arith.constant 160 : i32
        %mul3A_198 = arith.muli %arg1, %mul3A_197 : i32
        %add3A_199 = arith.addi %mul3A_198, %add3A_196 : i32
        %multiple_of3A_200 = tpu.assume_multiple %add3A_199, 8 : i32
        "tpu.region"() ({
          %run_scoped3A = tpu.sem_alloc : memref<!tpu.dma_semaphore, #tpu.memory_space<semaphore_mem>>
          %dma_start3A_237 = arith.constant 0 : i32
          %dma_start3A_238 = tpu.memref_slice %arg3[%arg0, %multiple_of3A_200, %dma_start3A_237] : memref<2x2560x128xi32, #tpu.memory_space<hbm>> -> memref<1x80x128xi32, #tpu.memory_space<hbm>>
          %dma_start3A_239 = tpu.memref_squeeze %dma_start3A_238 : memref<1x80x128xi32, #tpu.memory_space<hbm>> -> memref<80x128xi32, #tpu.memory_space<hbm>>
          %dma_start3A_240 = arith.constant 0 : i32
          %dma_start3A_241 = tpu.memref_slice %arg3[%arg0, %multiple_of3A_200, %dma_start3A_240] : memref<2x2560x128xi32, #tpu.memory_space<hbm>> -> memref<1x80x128xi32, #tpu.memory_space<hbm>>
          %dma_start3A_242 = tpu.memref_squeeze %dma_start3A_241 : memref<1x80x128xi32, #tpu.memory_space<hbm>> -> memref<80x128xi32, #tpu.memory_space<hbm>>
          tpu.enqueue_dma source(%dma_start3A_242 : memref<80x128xi32, #tpu.memory_space<hbm>>) target(%arg7 : memref<80x128xi32, #tpu.memory_space<vmem>>) target_semaphore(%run_scoped3A : memref<!tpu.dma_semaphore, #tpu.memory_space<semaphore_mem>>)
          %dma_wait3A_243 = arith.constant 0 : i32
          %dma_wait3A_244 = tpu.memref_slice %arg3[%arg0, %multiple_of3A_200, %dma_wait3A_243] : memref<2x2560x128xi32, #tpu.memory_space<hbm>> -> memref<1x80x128xi32, #tpu.memory_space<hbm>>
          %dma_wait3A_245 = tpu.memref_squeeze %dma_wait3A_244 : memref<1x80x128xi32, #tpu.memory_space<hbm>> -> memref<80x128xi32, #tpu.memory_space<hbm>>
          %dma_wait3A_246 = arith.constant 0 : i32
          %dma_wait3A_247 = tpu.memref_slice %arg3[%arg0, %multiple_of3A_200, %dma_wait3A_246] : memref<2x2560x128xi32, #tpu.memory_space<hbm>> -> memref<1x80x128xi32, #tpu.memory_space<hbm>>
          %dma_wait3A_248 = tpu.memref_squeeze %dma_wait3A_247 : memref<1x80x128xi32, #tpu.memory_space<hbm>> -> memref<80x128xi32, #tpu.memory_space<hbm>>
          tpu.wait_dma2 semaphore(%run_scoped3A : memref<!tpu.dma_semaphore, #tpu.memory_space<semaphore_mem>>) src(%dma_wait3A_248 : memref<80x128xi32, #tpu.memory_space<hbm>>) dst(%arg7 : memref<80x128xi32, #tpu.memory_space<vmem>>)
          tpu.yield
        }) : () -> ()
        "tpu.region"() ({
          %run_scoped3A = tpu.sem_alloc : memref<!tpu.dma_semaphore, #tpu.memory_space<semaphore_mem>>
          %dma_start3A_237 = arith.constant 0 : i32
          %dma_start3A_238 = tpu.memref_slice %arg4[%arg0, %multiple_of3A_200, %dma_start3A_237] : memref<2x2560x128xi32, #tpu.memory_space<hbm>> -> memref<1x80x128xi32, #tpu.memory_space<hbm>>
          %dma_start3A_239 = tpu.memref_squeeze %dma_start3A_238 : memref<1x80x128xi32, #tpu.memory_space<hbm>> -> memref<80x128xi32, #tpu.memory_space<hbm>>
          %dma_start3A_240 = arith.constant 0 : i32
          %dma_start3A_241 = tpu.memref_slice %arg4[%arg0, %multiple_of3A_200, %dma_start3A_240] : memref<2x2560x128xi32, #tpu.memory_space<hbm>> -> memref<1x80x128xi32, #tpu.memory_space<hbm>>
          %dma_start3A_242 = tpu.memref_squeeze %dma_start3A_241 : memref<1x80x128xi32, #tpu.memory_space<hbm>> -> memref<80x128xi32, #tpu.memory_space<hbm>>
          tpu.enqueue_dma source(%dma_start3A_242 : memref<80x128xi32, #tpu.memory_space<hbm>>) target(%arg8 : memref<80x128xi32, #tpu.memory_space<vmem>>) target_semaphore(%run_scoped3A : memref<!tpu.dma_semaphore, #tpu.memory_space<semaphore_mem>>)
          %dma_wait3A_243 = arith.constant 0 : i32
          %dma_wait3A_244 = tpu.memref_slice %arg4[%arg0, %multiple_of3A_200, %dma_wait3A_243] : memref<2x2560x128xi32, #tpu.memory_space<hbm>> -> memref<1x80x128xi32, #tpu.memory_space<hbm>>
          %dma_wait3A_245 = tpu.memref_squeeze %dma_wait3A_244 : memref<1x80x128xi32, #tpu.memory_space<hbm>> -> memref<80x128xi32, #tpu.memory_space<hbm>>
          %dma_wait3A_246 = arith.constant 0 : i32
          %dma_wait3A_247 = tpu.memref_slice %arg4[%arg0, %multiple_of3A_200, %dma_wait3A_246] : memref<2x2560x128xi32, #tpu.memory_space<hbm>> -> memref<1x80x128xi32, #tpu.memory_space<hbm>>
          %dma_wait3A_248 = tpu.memref_squeeze %dma_wait3A_247 : memref<1x80x128xi32, #tpu.memory_space<hbm>> -> memref<80x128xi32, #tpu.memory_space<hbm>>
          tpu.wait_dma2 semaphore(%run_scoped3A : memref<!tpu.dma_semaphore, #tpu.memory_space<semaphore_mem>>) src(%dma_wait3A_248 : memref<80x128xi32, #tpu.memory_space<hbm>>) dst(%arg8 : memref<80x128xi32, #tpu.memory_space<vmem>>)
          tpu.yield
        }) : () -> ()
        %add3A_201 = arith.constant 1 : i32
        %add3A_202 = arith.addi %add3A_52, %add3A_201 : i32
        %jit3A_203 = arith.constant 80 : i32
        %eq3A_204 = arith.constant 0 : i32
        %eq3A_205 = arith.cmpi eq, %jit3A_203, %eq3A_204 : i32
        %jit3A_206 = arith.constant 1 : i32
        %select_n3A_207 = arith.select %eq3A_205, %jit3A_206, %jit3A_203 : i32
        %rem3A_208 = arith.remsi %add3A_202, %select_n3A_207 : i32
        %ne3A_209 = arith.constant 0 : i32
        %ne3A_210 = arith.cmpi ne, %rem3A_208, %ne3A_209 : i32
        %lt3A_211 = arith.constant 0 : i32
        %lt3A_212 = arith.cmpi slt, %rem3A_208, %lt3A_211 : i32
        %lt3A_213 = arith.constant 0 : i32
        %lt3A_214 = arith.cmpi slt, %select_n3A_207, %lt3A_213 : i32
        %ne3A_215 = arith.xori %lt3A_212, %lt3A_214 : i1
        %and3A_216 = arith.andi %ne3A_215, %ne3A_210 : i1
        %add3A_217 = arith.addi %rem3A_208, %select_n3A_207 : i32
        %select_n3A_218 = arith.select %and3A_216, %add3A_217, %rem3A_208 : i32
        %mul3A_219 = arith.constant 20480 : i32
        %mul3A_220 = arith.muli %arg1, %mul3A_219 : i32
        %mul3A_221 = arith.constant 128 : i32
        %mul3A_222 = arith.muli %add3A_202, %mul3A_221 : i32
        %add3A_223 = arith.addi %mul3A_220, %mul3A_222 : i32
        %dma_start3A_224 = arith.constant 0 : i32
        %dma_start3A_225 = arith.constant 0 : i32
        %dma_start3A_226 = tpu.memref_slice %arg5[%dma_start3A_224, %add3A_223, %dma_start3A_225] : memref<1x327680x128xf32, #tpu.memory_space<hbm>> -> memref<1x128x128xf32, #tpu.memory_space<hbm>>
        %dma_start3A_227 = tpu.memref_squeeze %dma_start3A_226 : memref<1x128x128xf32, #tpu.memory_space<hbm>> -> memref<128x128xf32, #tpu.memory_space<hbm>>
        %dma_start3A_228 = arith.constant 0 : i32
        %dma_start3A_229 = tpu.memref_slice %arg5[%dma_start3A_224, %add3A_223, %dma_start3A_228] : memref<1x327680x128xf32, #tpu.memory_space<hbm>> -> memref<1x128x128xf32, #tpu.memory_space<hbm>>
        %dma_start3A_230 = tpu.memref_squeeze %dma_start3A_229 : memref<1x128x128xf32, #tpu.memory_space<hbm>> -> memref<128x128xf32, #tpu.memory_space<hbm>>
        tpu.enqueue_dma source(%dma_start3A_230 : memref<128x128xf32, #tpu.memory_space<hbm>>) target(%arg12 : memref<128x128xf32, #tpu.memory_space<vmem>>) target_semaphore(%arg15 : memref<!tpu.dma_semaphore, #tpu.memory_space<semaphore_mem>>)
        %dma_start3A_231 = arith.constant 0 : i32
        %dma_start3A_232 = tpu.memref_slice %arg7[%select_n3A_218, %dma_start3A_231] : memref<80x128xi32, #tpu.memory_space<vmem>> -> memref<1x128xi32, #tpu.memory_space<vmem>>
        %dma_start3A_233 = tpu.memref_squeeze %dma_start3A_232 : memref<1x128xi32, #tpu.memory_space<vmem>> -> memref<128xi32, #tpu.memory_space<vmem>>
        %dma_start3A_234 = arith.constant 0 : i32
        %dma_start3A_235 = arith.constant 0 : i32
        %dma_start3A_236 = tpu.memref_slice %arg2[%dma_start3A_234, %dma_start3A_235] : memref<10240x128xf32, #tpu.memory_space<hbm>> -> memref<10240x128xf32, #tpu.memory_space<hbm>>
        tpu.enqueue_indirect_dma source(%dma_start3A_236 : memref<10240x128xf32, #tpu.memory_space<hbm>>) target(%arg10 : memref<128x128xf32, #tpu.memory_space<vmem>>) offsets(%dma_start3A_233 : memref<128xi32, #tpu.memory_space<vmem>>) semaphore(%arg15 : memref<!tpu.dma_semaphore, #tpu.memory_space<semaphore_mem>>)
      } else {
      }
      %mul3A_116 = arith.constant 2 : i32
      %mul3A_117 = arith.muli %mul3A_116, %scan3A_47 : i32
      %add3A_118 = arith.constant 1 : i32
      %add3A_119 = arith.addi %mul3A_117, %add3A_118 : i32
      %jit3A_120 = arith.constant 80 : i32
      %eq3A_121 = arith.constant 0 : i32
      %eq3A_122 = arith.cmpi eq, %jit3A_120, %eq3A_121 : i32
      %jit3A_123 = arith.constant 1 : i32
      %select_n3A_124 = arith.select %eq3A_122, %jit3A_123, %jit3A_120 : i32
      %rem3A_125 = arith.remsi %add3A_119, %select_n3A_124 : i32
      %ne3A_126 = arith.constant 0 : i32
      %ne3A_127 = arith.cmpi ne, %rem3A_125, %ne3A_126 : i32
      %lt3A_128 = arith.constant 0 : i32
      %lt3A_129 = arith.cmpi slt, %rem3A_125, %lt3A_128 : i32
      %lt3A_130 = arith.constant 0 : i32
      %lt3A_131 = arith.cmpi slt, %select_n3A_124, %lt3A_130 : i32
      %ne3A_132 = arith.xori %lt3A_129, %lt3A_131 : i1
      %and3A_133 = arith.andi %ne3A_132, %ne3A_127 : i1
      %add3A_134 = arith.addi %rem3A_125, %select_n3A_124 : i32
      %select_n3A_135 = arith.select %and3A_133, %add3A_134, %rem3A_125 : i32
      %mul3A_136 = arith.constant 20480 : i32
      %mul3A_137 = arith.muli %arg1, %mul3A_136 : i32
      %mul3A_138 = arith.constant 128 : i32
      %mul3A_139 = arith.muli %add3A_119, %mul3A_138 : i32
      %add3A_140 = arith.addi %mul3A_137, %mul3A_139 : i32
      %dma_wait3A_141 = arith.constant 0 : i32
      %dma_wait3A_142 = arith.constant 0 : i32
      %dma_wait3A_143 = tpu.memref_slice %arg5[%dma_wait3A_141, %add3A_140, %dma_wait3A_142] : memref<1x327680x128xf32, #tpu.memory_space<hbm>> -> memref<1x128x128xf32, #tpu.memory_space<hbm>>
      %dma_wait3A_144 = tpu.memref_squeeze %dma_wait3A_143 : memref<1x128x128xf32, #tpu.memory_space<hbm>> -> memref<128x128xf32, #tpu.memory_space<hbm>>
      %dma_wait3A_145 = arith.constant 0 : i32
      %dma_wait3A_146 = tpu.memref_slice %arg5[%dma_wait3A_141, %add3A_140, %dma_wait3A_145] : memref<1x327680x128xf32, #tpu.memory_space<hbm>> -> memref<1x128x128xf32, #tpu.memory_space<hbm>>
      %dma_wait3A_147 = tpu.memref_squeeze %dma_wait3A_146 : memref<1x128x128xf32, #tpu.memory_space<hbm>> -> memref<128x128xf32, #tpu.memory_space<hbm>>
      tpu.wait_dma2 semaphore(%arg15 : memref<!tpu.dma_semaphore, #tpu.memory_space<semaphore_mem>>) src(%dma_wait3A_147 : memref<128x128xf32, #tpu.memory_space<hbm>>) dst(%arg12 : memref<128x128xf32, #tpu.memory_space<vmem>>)
      %dma_wait3A_148 = arith.constant 0 : i32
      %dma_wait3A_149 = tpu.memref_slice %arg7[%select_n3A_135, %dma_wait3A_148] : memref<80x128xi32, #tpu.memory_space<vmem>> -> memref<1x128xi32, #tpu.memory_space<vmem>>
      %dma_wait3A_150 = tpu.memref_squeeze %dma_wait3A_149 : memref<1x128xi32, #tpu.memory_space<vmem>> -> memref<128xi32, #tpu.memory_space<vmem>>
      %dma_wait3A_151 = arith.constant 0 : i32
      %dma_wait3A_152 = arith.constant 0 : i32
      %dma_wait3A_153 = tpu.memref_slice %arg2[%dma_wait3A_151, %dma_wait3A_152] : memref<10240x128xf32, #tpu.memory_space<hbm>> -> memref<10240x128xf32, #tpu.memory_space<hbm>>
      tpu.wait_indirect_dma semaphore(%arg15 : memref<!tpu.dma_semaphore, #tpu.memory_space<semaphore_mem>>) src(%dma_wait3A_153 : memref<10240x128xf32, #tpu.memory_space<hbm>>) dst(%arg10 : memref<128x128xf32, #tpu.memory_space<vmem>>)
      %add3A_154 = arith.constant 1 : i32
      %add3A_155 = arith.addi %add3A_119, %add3A_154 : i32
      %jit3A_156 = arith.constant 80 : i32
      %eq3A_157 = arith.constant 0 : i32
      %eq3A_158 = arith.cmpi eq, %jit3A_156, %eq3A_157 : i32
      %jit3A_159 = arith.constant 1 : i32
      %select_n3A_160 = arith.select %eq3A_158, %jit3A_159, %jit3A_156 : i32
      %rem3A_161 = arith.remsi %add3A_155, %select_n3A_160 : i32
      %ne3A_162 = arith.constant 0 : i32
      %ne3A_163 = arith.cmpi ne, %rem3A_161, %ne3A_162 : i32
      %lt3A_164 = arith.constant 0 : i32
      %lt3A_165 = arith.cmpi slt, %rem3A_161, %lt3A_164 : i32
      %lt3A_166 = arith.constant 0 : i32
      %lt3A_167 = arith.cmpi slt, %select_n3A_160, %lt3A_166 : i32
      %ne3A_168 = arith.xori %lt3A_165, %lt3A_167 : i1
      %and3A_169 = arith.andi %ne3A_168, %ne3A_163 : i1
      %add3A_170 = arith.addi %rem3A_161, %select_n3A_160 : i32
      %select_n3A_171 = arith.select %and3A_169, %add3A_170, %rem3A_161 : i32
      %ne3A_172 = arith.constant 0 : i32
      %ne3A_173 = arith.cmpi ne, %select_n3A_171, %ne3A_172 : i32
      %convert_element_type3A_174 = arith.extui %ne3A_173 : i1 to i32
      %cond3A_175 = arith.constant 0 : i32
      %cond3A_176 = arith.cmpi ne, %convert_element_type3A_174, %cond3A_175 : i32
      scf.if %cond3A_176 {
        %add3A_195 = arith.constant 1 : i32
        %add3A_196 = arith.addi %add3A_119, %add3A_195 : i32
        %jit3A_197 = arith.constant 80 : i32
        %eq3A_198 = arith.constant 0 : i32
        %eq3A_199 = arith.cmpi eq, %jit3A_197, %eq3A_198 : i32
        %jit3A_200 = arith.constant 1 : i32
        %select_n3A_201 = arith.select %eq3A_199, %jit3A_200, %jit3A_197 : i32
        %rem3A_202 = arith.remsi %add3A_196, %select_n3A_201 : i32
        %ne3A_203 = arith.constant 0 : i32
        %ne3A_204 = arith.cmpi ne, %rem3A_202, %ne3A_203 : i32
        %lt3A_205 = arith.constant 0 : i32
        %lt3A_206 = arith.cmpi slt, %rem3A_202, %lt3A_205 : i32
        %lt3A_207 = arith.constant 0 : i32
        %lt3A_208 = arith.cmpi slt, %select_n3A_201, %lt3A_207 : i32
        %ne3A_209 = arith.xori %lt3A_206, %lt3A_208 : i1
        %and3A_210 = arith.andi %ne3A_209, %ne3A_204 : i1
        %add3A_211 = arith.addi %rem3A_202, %select_n3A_201 : i32
        %select_n3A_212 = arith.select %and3A_210, %add3A_211, %rem3A_202 : i32
        %mul3A_213 = arith.constant 20480 : i32
        %mul3A_214 = arith.muli %arg1, %mul3A_213 : i32
        %mul3A_215 = arith.constant 128 : i32
        %mul3A_216 = arith.muli %add3A_196, %mul3A_215 : i32
        %add3A_217 = arith.addi %mul3A_214, %mul3A_216 : i32
        %dma_start3A_218 = arith.constant 0 : i32
        %dma_start3A_219 = arith.constant 0 : i32
        %dma_start3A_220 = tpu.memref_slice %arg5[%dma_start3A_218, %add3A_217, %dma_start3A_219] : memref<1x327680x128xf32, #tpu.memory_space<hbm>> -> memref<1x128x128xf32, #tpu.memory_space<hbm>>
        %dma_start3A_221 = tpu.memref_squeeze %dma_start3A_220 : memref<1x128x128xf32, #tpu.memory_space<hbm>> -> memref<128x128xf32, #tpu.memory_space<hbm>>
        %dma_start3A_222 = arith.constant 0 : i32
        %dma_start3A_223 = tpu.memref_slice %arg5[%dma_start3A_218, %add3A_217, %dma_start3A_222] : memref<1x327680x128xf32, #tpu.memory_space<hbm>> -> memref<1x128x128xf32, #tpu.memory_space<hbm>>
        %dma_start3A_224 = tpu.memref_squeeze %dma_start3A_223 : memref<1x128x128xf32, #tpu.memory_space<hbm>> -> memref<128x128xf32, #tpu.memory_space<hbm>>
        tpu.enqueue_dma source(%dma_start3A_224 : memref<128x128xf32, #tpu.memory_space<hbm>>) target(%arg11 : memref<128x128xf32, #tpu.memory_space<vmem>>) target_semaphore(%arg14 : memref<!tpu.dma_semaphore, #tpu.memory_space<semaphore_mem>>)
        %dma_start3A_225 = arith.constant 0 : i32
        %dma_start3A_226 = tpu.memref_slice %arg7[%select_n3A_212, %dma_start3A_225] : memref<80x128xi32, #tpu.memory_space<vmem>> -> memref<1x128xi32, #tpu.memory_space<vmem>>
        %dma_start3A_227 = tpu.memref_squeeze %dma_start3A_226 : memref<1x128xi32, #tpu.memory_space<vmem>> -> memref<128xi32, #tpu.memory_space<vmem>>
        %dma_start3A_228 = arith.constant 0 : i32
        %dma_start3A_229 = arith.constant 0 : i32
        %dma_start3A_230 = tpu.memref_slice %arg2[%dma_start3A_228, %dma_start3A_229] : memref<10240x128xf32, #tpu.memory_space<hbm>> -> memref<10240x128xf32, #tpu.memory_space<hbm>>
        tpu.enqueue_indirect_dma source(%dma_start3A_230 : memref<10240x128xf32, #tpu.memory_space<hbm>>) target(%arg9 : memref<128x128xf32, #tpu.memory_space<vmem>>) offsets(%dma_start3A_227 : memref<128xi32, #tpu.memory_space<vmem>>) semaphore(%arg14 : memref<!tpu.dma_semaphore, #tpu.memory_space<semaphore_mem>>)
      } else {
      }
      %scan3A_177 = arith.constant 0 : i32
      %scan3A_178 = arith.constant 0 : i32
      %scan3A_179 = arith.constant 64 : i32
      %scan3A_180 = arith.addi %scan3A_178, %scan3A_179 : i32
      %scan3A_181 = arith.constant 1 : i32
      %scan3A_182 = scf.for %scan3A_195 = %scan3A_178 to %scan3A_180 step %scan3A_181 iter_args(%scan3A_196 = %scan3A_177) -> (i32)  : i32 {
        %mul3A_197 = arith.constant 2 : i32
        %mul3A_198 = arith.muli %mul3A_197, %scan3A_195 : i32
        %add3A_199 = arith.constant 0 : i32
        %add3A_200 = arith.addi %mul3A_198, %add3A_199 : i32
        %get3A = arith.index_cast %add3A_200 : i32 to index
        %get3A_201 = arith.constant 0 : index
        %get3A_202 = tpu.vector_load %arg10[%get3A, %get3A_201] {strides = array<i32>} : memref<128x128xf32, #tpu.memory_space<vmem>>, vector<1x16xf32>,
        %get3A_203 = vector.shape_cast %get3A_202 : vector<1x16xf32> to vector<16xf32>
        %get3A_204 = arith.index_cast %add3A_200 : i32 to index
        %get3A_205 = arith.constant 0 : index
        %get3A_206 = tpu.vector_load %arg12[%get3A_204, %get3A_205] {strides = array<i32>} : memref<128x128xf32, #tpu.memory_space<vmem>>, vector<1x16xf32>,
        %get3A_207 = vector.shape_cast %get3A_206 : vector<1x16xf32> to vector<16xf32>
        %add3A_208 = arith.addf %get3A_203, %get3A_207 : vector<16xf32>
        %max3A = arith.constant 0.000000e+00 : f32
        %max3A_209 = vector.broadcast %max3A : f32 to vector<16xf32>
        %max3A_210 = arith.maximumf %add3A_208, %max3A_209 : vector<16xf32>
        %swap3A = arith.index_cast %add3A_200 : i32 to index
        %swap3A_211 = arith.constant 0 : index
        %swap3A_212 = tpu.vector_load %arg10[%swap3A, %swap3A_211] {strides = array<i32>} : memref<128x128xf32, #tpu.memory_space<vmem>>, vector<1x16xf32>,
        %swap3A_213 = vector.shape_cast %swap3A_212 : vector<1x16xf32> to vector<16xf32>
        %swap3A_214 = vector.shape_cast %max3A_210 : vector<16xf32> to vector<1x16xf32>
        tpu.vector_store %arg10[%swap3A, %swap3A_211], %swap3A_214 {strides = array<i32>} : memref<128x128xf32, #tpu.memory_space<vmem>>, vector<1x16xf32>,
        %get3A_215 = arith.index_cast %add3A_200 : i32 to index
        %get3A_216 = arith.constant 16 : index
        %get3A_217 = tpu.vector_load %arg10[%get3A_215, %get3A_216] {strides = array<i32>} : memref<128x128xf32, #tpu.memory_space<vmem>>, vector<1x16xf32>,
        %get3A_218 = vector.shape_cast %get3A_217 : vector<1x16xf32> to vector<16xf32>
        %get3A_219 = arith.index_cast %add3A_200 : i32 to index
        %get3A_220 = arith.constant 16 : index
        %get3A_221 = tpu.vector_load %arg12[%get3A_219, %get3A_220] {strides = array<i32>} : memref<128x128xf32, #tpu.memory_space<vmem>>, vector<1x16xf32>,
        %get3A_222 = vector.shape_cast %get3A_221 : vector<1x16xf32> to vector<16xf32>
        %add3A_223 = arith.addf %get3A_218, %get3A_222 : vector<16xf32>
        %max3A_224 = arith.constant 0.000000e+00 : f32
        %max3A_225 = vector.broadcast %max3A_224 : f32 to vector<16xf32>
        %max3A_226 = arith.maximumf %add3A_223, %max3A_225 : vector<16xf32>
        %swap3A_227 = arith.index_cast %add3A_200 : i32 to index
        %swap3A_228 = arith.constant 16 : index
        %swap3A_229 = tpu.vector_load %arg10[%swap3A_227, %swap3A_228] {strides = array<i32>} : memref<128x128xf32, #tpu.memory_space<vmem>>, vector<1x16xf32>,
        %swap3A_230 = vector.shape_cast %swap3A_229 : vector<1x16xf32> to vector<16xf32>
        %swap3A_231 = vector.shape_cast %max3A_226 : vector<16xf32> to vector<1x16xf32>
        tpu.vector_store %arg10[%swap3A_227, %swap3A_228], %swap3A_231 {strides = array<i32>} : memref<128x128xf32, #tpu.memory_space<vmem>>, vector<1x16xf32>,
        %get3A_232 = arith.index_cast %add3A_200 : i32 to index
        %get3A_233 = arith.constant 32 : index
        %get3A_234 = tpu.vector_load %arg10[%get3A_232, %get3A_233] {strides = array<i32>} : memref<128x128xf32, #tpu.memory_space<vmem>>, vector<1x16xf32>,
        %get3A_235 = vector.shape_cast %get3A_234 : vector<1x16xf32> to vector<16xf32>
        %get3A_236 = arith.index_cast %add3A_200 : i32 to index
        %get3A_237 = arith.constant 32 : index
        %get3A_238 = tpu.vector_load %arg12[%get3A_236, %get3A_237] {strides = array<i32>} : memref<128x128xf32, #tpu.memory_space<vmem>>, vector<1x16xf32>,
        %get3A_239 = vector.shape_cast %get3A_238 : vector<1x16xf32> to vector<16xf32>
        %add3A_240 = arith.addf %get3A_235, %get3A_239 : vector<16xf32>
        %max3A_241 = arith.constant 0.000000e+00 : f32
        %max3A_242 = vector.broadcast %max3A_241 : f32 to vector<16xf32>
        %max3A_243 = arith.maximumf %add3A_240, %max3A_242 : vector<16xf32>
        %swap3A_244 = arith.index_cast %add3A_200 : i32 to index
        %swap3A_245 = arith.constant 32 : index
        %swap3A_246 = tpu.vector_load %arg10[%swap3A_244, %swap3A_245] {strides = array<i32>} : memref<128x128xf32, #tpu.memory_space<vmem>>, vector<1x16xf32>,
        %swap3A_247 = vector.shape_cast %swap3A_246 : vector<1x16xf32> to vector<16xf32>
        %swap3A_248 = vector.shape_cast %max3A_243 : vector<16xf32> to vector<1x16xf32>
        tpu.vector_store %arg10[%swap3A_244, %swap3A_245], %swap3A_248 {strides = array<i32>} : memref<128x128xf32, #tpu.memory_space<vmem>>, vector<1x16xf32>,
        %get3A_249 = arith.index_cast %add3A_200 : i32 to index
        %get3A_250 = arith.constant 48 : index
        %get3A_251 = tpu.vector_load %arg10[%get3A_249, %get3A_250] {strides = array<i32>} : memref<128x128xf32, #tpu.memory_space<vmem>>, vector<1x16xf32>,
        %get3A_252 = vector.shape_cast %get3A_251 : vector<1x16xf32> to vector<16xf32>
        %get3A_253 = arith.index_cast %add3A_200 : i32 to index
        %get3A_254 = arith.constant 48 : index
        %get3A_255 = tpu.vector_load %arg12[%get3A_253, %get3A_254] {strides = array<i32>} : memref<128x128xf32, #tpu.memory_space<vmem>>, vector<1x16xf32>,
        %get3A_256 = vector.shape_cast %get3A_255 : vector<1x16xf32> to vector<16xf32>
        %add3A_257 = arith.addf %get3A_252, %get3A_256 : vector<16xf32>
        %max3A_258 = arith.constant 0.000000e+00 : f32
        %max3A_259 = vector.broadcast %max3A_258 : f32 to vector<16xf32>
        %max3A_260 = arith.maximumf %add3A_257, %max3A_259 : vector<16xf32>
        %swap3A_261 = arith.index_cast %add3A_200 : i32 to index
        %swap3A_262 = arith.constant 48 : index
        %swap3A_263 = tpu.vector_load %arg10[%swap3A_261, %swap3A_262] {strides = array<i32>} : memref<128x128xf32, #tpu.memory_space<vmem>>, vector<1x16xf32>,
        %swap3A_264 = vector.shape_cast %swap3A_263 : vector<1x16xf32> to vector<16xf32>
        %swap3A_265 = vector.shape_cast %max3A_260 : vector<16xf32> to vector<1x16xf32>
        tpu.vector_store %arg10[%swap3A_261, %swap3A_262], %swap3A_265 {strides = array<i32>} : memref<128x128xf32, #tpu.memory_space<vmem>>, vector<1x16xf32>,
        %get3A_266 = arith.index_cast %add3A_200 : i32 to index
        %get3A_267 = arith.constant 64 : index
        %get3A_268 = tpu.vector_load %arg10[%get3A_266, %get3A_267] {strides = array<i32>} : memref<128x128xf32, #tpu.memory_space<vmem>>, vector<1x16xf32>,
        %get3A_269 = vector.shape_cast %get3A_268 : vector<1x16xf32> to vector<16xf32>
        %get3A_270 = arith.index_cast %add3A_200 : i32 to index
        %get3A_271 = arith.constant 64 : index
        %get3A_272 = tpu.vector_load %arg12[%get3A_270, %get3A_271] {strides = array<i32>} : memref<128x128xf32, #tpu.memory_space<vmem>>, vector<1x16xf32>,
        %get3A_273 = vector.shape_cast %get3A_272 : vector<1x16xf32> to vector<16xf32>
        %add3A_274 = arith.addf %get3A_269, %get3A_273 : vector<16xf32>
        %max3A_275 = arith.constant 0.000000e+00 : f32
        %max3A_276 = vector.broadcast %max3A_275 : f32 to vector<16xf32>
        %max3A_277 = arith.maximumf %add3A_274, %max3A_276 : vector<16xf32>
        %swap3A_278 = arith.index_cast %add3A_200 : i32 to index
        %swap3A_279 = arith.constant 64 : index
        %swap3A_280 = tpu.vector_load %arg10[%swap3A_278, %swap3A_279] {strides = array<i32>} : memref<128x128xf32, #tpu.memory_space<vmem>>, vector<1x16xf32>,
        %swap3A_281 = vector.shape_cast %swap3A_280 : vector<1x16xf32> to vector<16xf32>
        %swap3A_282 = vector.shape_cast %max3A_277 : vector<16xf32> to vector<1x16xf32>
        tpu.vector_store %arg10[%swap3A_278, %swap3A_279], %swap3A_282 {strides = array<i32>} : memref<128x128xf32, #tpu.memory_space<vmem>>, vector<1x16xf32>,
        %get3A_283 = arith.index_cast %add3A_200 : i32 to index
        %get3A_284 = arith.constant 80 : index
        %get3A_285 = tpu.vector_load %arg10[%get3A_283, %get3A_284] {strides = array<i32>} : memref<128x128xf32, #tpu.memory_space<vmem>>, vector<1x16xf32>,
        %get3A_286 = vector.shape_cast %get3A_285 : vector<1x16xf32> to vector<16xf32>
        %get3A_287 = arith.index_cast %add3A_200 : i32 to index
        %get3A_288 = arith.constant 80 : index
        %get3A_289 = tpu.vector_load %arg12[%get3A_287, %get3A_288] {strides = array<i32>} : memref<128x128xf32, #tpu.memory_space<vmem>>, vector<1x16xf32>,
        %get3A_290 = vector.shape_cast %get3A_289 : vector<1x16xf32> to vector<16xf32>
        %add3A_291 = arith.addf %get3A_286, %get3A_290 : vector<16xf32>
        %max3A_292 = arith.constant 0.000000e+00 : f32
        %max3A_293 = vector.broadcast %max3A_292 : f32 to vector<16xf32>
        %max3A_294 = arith.maximumf %add3A_291, %max3A_293 : vector<16xf32>
        %swap3A_295 = arith.index_cast %add3A_200 : i32 to index
        %swap3A_296 = arith.constant 80 : index
        %swap3A_297 = tpu.vector_load %arg10[%swap3A_295, %swap3A_296] {strides = array<i32>} : memref<128x128xf32, #tpu.memory_space<vmem>>, vector<1x16xf32>,
        %swap3A_298 = vector.shape_cast %swap3A_297 : vector<1x16xf32> to vector<16xf32>
        %swap3A_299 = vector.shape_cast %max3A_294 : vector<16xf32> to vector<1x16xf32>
        tpu.vector_store %arg10[%swap3A_295, %swap3A_296], %swap3A_299 {strides = array<i32>} : memref<128x128xf32, #tpu.memory_space<vmem>>, vector<1x16xf32>,
        %get3A_300 = arith.index_cast %add3A_200 : i32 to index
        %get3A_301 = arith.constant 96 : index
        %get3A_302 = tpu.vector_load %arg10[%get3A_300, %get3A_301] {strides = array<i32>} : memref<128x128xf32, #tpu.memory_space<vmem>>, vector<1x16xf32>,
        %get3A_303 = vector.shape_cast %get3A_302 : vector<1x16xf32> to vector<16xf32>
        %get3A_304 = arith.index_cast %add3A_200 : i32 to index
        %get3A_305 = arith.constant 96 : index
        %get3A_306 = tpu.vector_load %arg12[%get3A_304, %get3A_305] {strides = array<i32>} : memref<128x128xf32, #tpu.memory_space<vmem>>, vector<1x16xf32>,
        %get3A_307 = vector.shape_cast %get3A_306 : vector<1x16xf32> to vector<16xf32>
        %add3A_308 = arith.addf %get3A_303, %get3A_307 : vector<16xf32>
        %max3A_309 = arith.constant 0.000000e+00 : f32
        %max3A_310 = vector.broadcast %max3A_309 : f32 to vector<16xf32>
        %max3A_311 = arith.maximumf %add3A_308, %max3A_310 : vector<16xf32>
        %swap3A_312 = arith.index_cast %add3A_200 : i32 to index
        %swap3A_313 = arith.constant 96 : index
        %swap3A_314 = tpu.vector_load %arg10[%swap3A_312, %swap3A_313] {strides = array<i32>} : memref<128x128xf32, #tpu.memory_space<vmem>>, vector<1x16xf32>,
        %swap3A_315 = vector.shape_cast %swap3A_314 : vector<1x16xf32> to vector<16xf32>
        %swap3A_316 = vector.shape_cast %max3A_311 : vector<16xf32> to vector<1x16xf32>
        tpu.vector_store %arg10[%swap3A_312, %swap3A_313], %swap3A_316 {strides = array<i32>} : memref<128x128xf32, #tpu.memory_space<vmem>>, vector<1x16xf32>,
        %get3A_317 = arith.index_cast %add3A_200 : i32 to index
        %get3A_318 = arith.constant 112 : index
        %get3A_319 = tpu.vector_load %arg10[%get3A_317, %get3A_318] {strides = array<i32>} : memref<128x128xf32, #tpu.memory_space<vmem>>, vector<1x16xf32>,
        %get3A_320 = vector.shape_cast %get3A_319 : vector<1x16xf32> to vector<16xf32>
        %get3A_321 = arith.index_cast %add3A_200 : i32 to index
        %get3A_322 = arith.constant 112 : index
        %get3A_323 = tpu.vector_load %arg12[%get3A_321, %get3A_322] {strides = array<i32>} : memref<128x128xf32, #tpu.memory_space<vmem>>, vector<1x16xf32>,
        %get3A_324 = vector.shape_cast %get3A_323 : vector<1x16xf32> to vector<16xf32>
        %add3A_325 = arith.addf %get3A_320, %get3A_324 : vector<16xf32>
        %max3A_326 = arith.constant 0.000000e+00 : f32
        %max3A_327 = vector.broadcast %max3A_326 : f32 to vector<16xf32>
        %max3A_328 = arith.maximumf %add3A_325, %max3A_327 : vector<16xf32>
        %swap3A_329 = arith.index_cast %add3A_200 : i32 to index
        %swap3A_330 = arith.constant 112 : index
        %swap3A_331 = tpu.vector_load %arg10[%swap3A_329, %swap3A_330] {strides = array<i32>} : memref<128x128xf32, #tpu.memory_space<vmem>>, vector<1x16xf32>,
        %swap3A_332 = vector.shape_cast %swap3A_331 : vector<1x16xf32> to vector<16xf32>
        %swap3A_333 = vector.shape_cast %max3A_328 : vector<16xf32> to vector<1x16xf32>
        tpu.vector_store %arg10[%swap3A_329, %swap3A_330], %swap3A_333 {strides = array<i32>} : memref<128x128xf32, #tpu.memory_space<vmem>>, vector<1x16xf32>,
        %mul3A_334 = arith.constant 2 : i32
        %mul3A_335 = arith.muli %mul3A_334, %scan3A_195 : i32
        %add3A_336 = arith.constant 1 : i32
        %add3A_337 = arith.addi %mul3A_335, %add3A_336 : i32
        %get3A_338 = arith.index_cast %add3A_337 : i32 to index
        %get3A_339 = arith.constant 0 : index
        %get3A_340 = tpu.vector_load %arg10[%get3A_338, %get3A_339] {strides = array<i32>} : memref<128x128xf32, #tpu.memory_space<vmem>>, vector<1x16xf32>,
        %get3A_341 = vector.shape_cast %get3A_340 : vector<1x16xf32> to vector<16xf32>
        %get3A_342 = arith.index_cast %add3A_337 : i32 to index
        %get3A_343 = arith.constant 0 : index
        %get3A_344 = tpu.vector_load %arg12[%get3A_342, %get3A_343] {strides = array<i32>} : memref<128x128xf32, #tpu.memory_space<vmem>>, vector<1x16xf32>,
        %get3A_345 = vector.shape_cast %get3A_344 : vector<1x16xf32> to vector<16xf32>
        %add3A_346 = arith.addf %get3A_341, %get3A_345 : vector<16xf32>
        %max3A_347 = arith.constant 0.000000e+00 : f32
        %max3A_348 = vector.broadcast %max3A_347 : f32 to vector<16xf32>
        %max3A_349 = arith.maximumf %add3A_346, %max3A_348 : vector<16xf32>
        %swap3A_350 = arith.index_cast %add3A_337 : i32 to index
        %swap3A_351 = arith.constant 0 : index
        %swap3A_352 = tpu.vector_load %arg10[%swap3A_350, %swap3A_351] {strides = array<i32>} : memref<128x128xf32, #tpu.memory_space<vmem>>, vector<1x16xf32>,
        %swap3A_353 = vector.shape_cast %swap3A_352 : vector<1x16xf32> to vector<16xf32>
        %swap3A_354 = vector.shape_cast %max3A_349 : vector<16xf32> to vector<1x16xf32>
        tpu.vector_store %arg10[%swap3A_350, %swap3A_351], %swap3A_354 {strides = array<i32>} : memref<128x128xf32, #tpu.memory_space<vmem>>, vector<1x16xf32>,
        %get3A_355 = arith.index_cast %add3A_337 : i32 to index
        %get3A_356 = arith.constant 16 : index
        %get3A_357 = tpu.vector_load %arg10[%get3A_355, %get3A_356] {strides = array<i32>} : memref<128x128xf32, #tpu.memory_space<vmem>>, vector<1x16xf32>,
        %get3A_358 = vector.shape_cast %get3A_357 : vector<1x16xf32> to vector<16xf32>
        %get3A_359 = arith.index_cast %add3A_337 : i32 to index
        %get3A_360 = arith.constant 16 : index
        %get3A_361 = tpu.vector_load %arg12[%get3A_359, %get3A_360] {strides = array<i32>} : memref<128x128xf32, #tpu.memory_space<vmem>>, vector<1x16xf32>,
        %get3A_362 = vector.shape_cast %get3A_361 : vector<1x16xf32> to vector<16xf32>
        %add3A_363 = arith.addf %get3A_358, %get3A_362 : vector<16xf32>
        %max3A_364 = arith.constant 0.000000e+00 : f32
        %max3A_365 = vector.broadcast %max3A_364 : f32 to vector<16xf32>
        %max3A_366 = arith.maximumf %add3A_363, %max3A_365 : vector<16xf32>
        %swap3A_367 = arith.index_cast %add3A_337 : i32 to index
        %swap3A_368 = arith.constant 16 : index
        %swap3A_369 = tpu.vector_load %arg10[%swap3A_367, %swap3A_368] {strides = array<i32>} : memref<128x128xf32, #tpu.memory_space<vmem>>, vector<1x16xf32>,
        %swap3A_370 = vector.shape_cast %swap3A_369 : vector<1x16xf32> to vector<16xf32>
        %swap3A_371 = vector.shape_cast %max3A_366 : vector<16xf32> to vector<1x16xf32>
        tpu.vector_store %arg10[%swap3A_367, %swap3A_368], %swap3A_371 {strides = array<i32>} : memref<128x128xf32, #tpu.memory_space<vmem>>, vector<1x16xf32>,
        %get3A_372 = arith.index_cast %add3A_337 : i32 to index
        %get3A_373 = arith.constant 32 : index
        %get3A_374 = tpu.vector_load %arg10[%get3A_372, %get3A_373] {strides = array<i32>} : memref<128x128xf32, #tpu.memory_space<vmem>>, vector<1x16xf32>,
        %get3A_375 = vector.shape_cast %get3A_374 : vector<1x16xf32> to vector<16xf32>
        %get3A_376 = arith.index_cast %add3A_337 : i32 to index
        %get3A_377 = arith.constant 32 : index
        %get3A_378 = tpu.vector_load %arg12[%get3A_376, %get3A_377] {strides = array<i32>} : memref<128x128xf32, #tpu.memory_space<vmem>>, vector<1x16xf32>,
        %get3A_379 = vector.shape_cast %get3A_378 : vector<1x16xf32> to vector<16xf32>
        %add3A_380 = arith.addf %get3A_375, %get3A_379 : vector<16xf32>
        %max3A_381 = arith.constant 0.000000e+00 : f32
        %max3A_382 = vector.broadcast %max3A_381 : f32 to vector<16xf32>
        %max3A_383 = arith.maximumf %add3A_380, %max3A_382 : vector<16xf32>
        %swap3A_384 = arith.index_cast %add3A_337 : i32 to index
        %swap3A_385 = arith.constant 32 : index
        %swap3A_386 = tpu.vector_load %arg10[%swap3A_384, %swap3A_385] {strides = array<i32>} : memref<128x128xf32, #tpu.memory_space<vmem>>, vector<1x16xf32>,
        %swap3A_387 = vector.shape_cast %swap3A_386 : vector<1x16xf32> to vector<16xf32>
        %swap3A_388 = vector.shape_cast %max3A_383 : vector<16xf32> to vector<1x16xf32>
        tpu.vector_store %arg10[%swap3A_384, %swap3A_385], %swap3A_388 {strides = array<i32>} : memref<128x128xf32, #tpu.memory_space<vmem>>, vector<1x16xf32>,
        %get3A_389 = arith.index_cast %add3A_337 : i32 to index
        %get3A_390 = arith.constant 48 : index
        %get3A_391 = tpu.vector_load %arg10[%get3A_389, %get3A_390] {strides = array<i32>} : memref<128x128xf32, #tpu.memory_space<vmem>>, vector<1x16xf32>,
        %get3A_392 = vector.shape_cast %get3A_391 : vector<1x16xf32> to vector<16xf32>
        %get3A_393 = arith.index_cast %add3A_337 : i32 to index
        %get3A_394 = arith.constant 48 : index
        %get3A_395 = tpu.vector_load %arg12[%get3A_393, %get3A_394] {strides = array<i32>} : memref<128x128xf32, #tpu.memory_space<vmem>>, vector<1x16xf32>,
        %get3A_396 = vector.shape_cast %get3A_395 : vector<1x16xf32> to vector<16xf32>
        %add3A_397 = arith.addf %get3A_392, %get3A_396 : vector<16xf32>
        %max3A_398 = arith.constant 0.000000e+00 : f32
        %max3A_399 = vector.broadcast %max3A_398 : f32 to vector<16xf32>
        %max3A_400 = arith.maximumf %add3A_397, %max3A_399 : vector<16xf32>
        %swap3A_401 = arith.index_cast %add3A_337 : i32 to index
        %swap3A_402 = arith.constant 48 : index
        %swap3A_403 = tpu.vector_load %arg10[%swap3A_401, %swap3A_402] {strides = array<i32>} : memref<128x128xf32, #tpu.memory_space<vmem>>, vector<1x16xf32>,
        %swap3A_404 = vector.shape_cast %swap3A_403 : vector<1x16xf32> to vector<16xf32>
        %swap3A_405 = vector.shape_cast %max3A_400 : vector<16xf32> to vector<1x16xf32>
        tpu.vector_store %arg10[%swap3A_401, %swap3A_402], %swap3A_405 {strides = array<i32>} : memref<128x128xf32, #tpu.memory_space<vmem>>, vector<1x16xf32>,
        %get3A_406 = arith.index_cast %add3A_337 : i32 to index
        %get3A_407 = arith.constant 64 : index
        %get3A_408 = tpu.vector_load %arg10[%get3A_406, %get3A_407] {strides = array<i32>} : memref<128x128xf32, #tpu.memory_space<vmem>>, vector<1x16xf32>,
        %get3A_409 = vector.shape_cast %get3A_408 : vector<1x16xf32> to vector<16xf32>
        %get3A_410 = arith.index_cast %add3A_337 : i32 to index
        %get3A_411 = arith.constant 64 : index
        %get3A_412 = tpu.vector_load %arg12[%get3A_410, %get3A_411] {strides = array<i32>} : memref<128x128xf32, #tpu.memory_space<vmem>>, vector<1x16xf32>,
        %get3A_413 = vector.shape_cast %get3A_412 : vector<1x16xf32> to vector<16xf32>
        %add3A_414 = arith.addf %get3A_409, %get3A_413 : vector<16xf32>
        %max3A_415 = arith.constant 0.000000e+00 : f32
        %max3A_416 = vector.broadcast %max3A_415 : f32 to vector<16xf32>
        %max3A_417 = arith.maximumf %add3A_414, %max3A_416 : vector<16xf32>
        %swap3A_418 = arith.index_cast %add3A_337 : i32 to index
        %swap3A_419 = arith.constant 64 : index
        %swap3A_420 = tpu.vector_load %arg10[%swap3A_418, %swap3A_419] {strides = array<i32>} : memref<128x128xf32, #tpu.memory_space<vmem>>, vector<1x16xf32>,
        %swap3A_421 = vector.shape_cast %swap3A_420 : vector<1x16xf32> to vector<16xf32>
        %swap3A_422 = vector.shape_cast %max3A_417 : vector<16xf32> to vector<1x16xf32>
        tpu.vector_store %arg10[%swap3A_418, %swap3A_419], %swap3A_422 {strides = array<i32>} : memref<128x128xf32, #tpu.memory_space<vmem>>, vector<1x16xf32>,
        %get3A_423 = arith.index_cast %add3A_337 : i32 to index
        %get3A_424 = arith.constant 80 : index
        %get3A_425 = tpu.vector_load %arg10[%get3A_423, %get3A_424] {strides = array<i32>} : memref<128x128xf32, #tpu.memory_space<vmem>>, vector<1x16xf32>,
        %get3A_426 = vector.shape_cast %get3A_425 : vector<1x16xf32> to vector<16xf32>
        %get3A_427 = arith.index_cast %add3A_337 : i32 to index
        %get3A_428 = arith.constant 80 : index
        %get3A_429 = tpu.vector_load %arg12[%get3A_427, %get3A_428] {strides = array<i32>} : memref<128x128xf32, #tpu.memory_space<vmem>>, vector<1x16xf32>,
        %get3A_430 = vector.shape_cast %get3A_429 : vector<1x16xf32> to vector<16xf32>
        %add3A_431 = arith.addf %get3A_426, %get3A_430 : vector<16xf32>
        %max3A_432 = arith.constant 0.000000e+00 : f32
        %max3A_433 = vector.broadcast %max3A_432 : f32 to vector<16xf32>
        %max3A_434 = arith.maximumf %add3A_431, %max3A_433 : vector<16xf32>
        %swap3A_435 = arith.index_cast %add3A_337 : i32 to index
        %swap3A_436 = arith.constant 80 : index
        %swap3A_437 = tpu.vector_load %arg10[%swap3A_435, %swap3A_436] {strides = array<i32>} : memref<128x128xf32, #tpu.memory_space<vmem>>, vector<1x16xf32>,
        %swap3A_438 = vector.shape_cast %swap3A_437 : vector<1x16xf32> to vector<16xf32>
        %swap3A_439 = vector.shape_cast %max3A_434 : vector<16xf32> to vector<1x16xf32>
        tpu.vector_store %arg10[%swap3A_435, %swap3A_436], %swap3A_439 {strides = array<i32>} : memref<128x128xf32, #tpu.memory_space<vmem>>, vector<1x16xf32>,
        %get3A_440 = arith.index_cast %add3A_337 : i32 to index
        %get3A_441 = arith.constant 96 : index
        %get3A_442 = tpu.vector_load %arg10[%get3A_440, %get3A_441] {strides = array<i32>} : memref<128x128xf32, #tpu.memory_space<vmem>>, vector<1x16xf32>,
        %get3A_443 = vector.shape_cast %get3A_442 : vector<1x16xf32> to vector<16xf32>
        %get3A_444 = arith.index_cast %add3A_337 : i32 to index
        %get3A_445 = arith.constant 96 : index
        %get3A_446 = tpu.vector_load %arg12[%get3A_444, %get3A_445] {strides = array<i32>} : memref<128x128xf32, #tpu.memory_space<vmem>>, vector<1x16xf32>,
        %get3A_447 = vector.shape_cast %get3A_446 : vector<1x16xf32> to vector<16xf32>
        %add3A_448 = arith.addf %get3A_443, %get3A_447 : vector<16xf32>
        %max3A_449 = arith.constant 0.000000e+00 : f32
        %max3A_450 = vector.broadcast %max3A_449 : f32 to vector<16xf32>
        %max3A_451 = arith.maximumf %add3A_448, %max3A_450 : vector<16xf32>
        %swap3A_452 = arith.index_cast %add3A_337 : i32 to index
        %swap3A_453 = arith.constant 96 : index
        %swap3A_454 = tpu.vector_load %arg10[%swap3A_452, %swap3A_453] {strides = array<i32>} : memref<128x128xf32, #tpu.memory_space<vmem>>, vector<1x16xf32>,
        %swap3A_455 = vector.shape_cast %swap3A_454 : vector<1x16xf32> to vector<16xf32>
        %swap3A_456 = vector.shape_cast %max3A_451 : vector<16xf32> to vector<1x16xf32>
        tpu.vector_store %arg10[%swap3A_452, %swap3A_453], %swap3A_456 {strides = array<i32>} : memref<128x128xf32, #tpu.memory_space<vmem>>, vector<1x16xf32>,
        %get3A_457 = arith.index_cast %add3A_337 : i32 to index
        %get3A_458 = arith.constant 112 : index
        %get3A_459 = tpu.vector_load %arg10[%get3A_457, %get3A_458] {strides = array<i32>} : memref<128x128xf32, #tpu.memory_space<vmem>>, vector<1x16xf32>,
        %get3A_460 = vector.shape_cast %get3A_459 : vector<1x16xf32> to vector<16xf32>
        %get3A_461 = arith.index_cast %add3A_337 : i32 to index
        %get3A_462 = arith.constant 112 : index
        %get3A_463 = tpu.vector_load %arg12[%get3A_461, %get3A_462] {strides = array<i32>} : memref<128x128xf32, #tpu.memory_space<vmem>>, vector<1x16xf32>,
        %get3A_464 = vector.shape_cast %get3A_463 : vector<1x16xf32> to vector<16xf32>
        %add3A_465 = arith.addf %get3A_460, %get3A_464 : vector<16xf32>
        %max3A_466 = arith.constant 0.000000e+00 : f32
        %max3A_467 = vector.broadcast %max3A_466 : f32 to vector<16xf32>
        %max3A_468 = arith.maximumf %add3A_465, %max3A_467 : vector<16xf32>
        %swap3A_469 = arith.index_cast %add3A_337 : i32 to index
        %swap3A_470 = arith.constant 112 : index
        %swap3A_471 = tpu.vector_load %arg10[%swap3A_469, %swap3A_470] {strides = array<i32>} : memref<128x128xf32, #tpu.memory_space<vmem>>, vector<1x16xf32>,
        %swap3A_472 = vector.shape_cast %swap3A_471 : vector<1x16xf32> to vector<16xf32>
        %swap3A_473 = vector.shape_cast %max3A_468 : vector<16xf32> to vector<1x16xf32>
        tpu.vector_store %arg10[%swap3A_469, %swap3A_470], %swap3A_473 {strides = array<i32>} : memref<128x128xf32, #tpu.memory_space<vmem>>, vector<1x16xf32>,
        %scan3A_474 = arith.constant 0 : i32
        scf.yield %scan3A_474 : i32
      }
      %scan3A_183 = arith.constant 64 : i32
      "tpu.region"() ({
        %run_scoped3A = tpu.sem_alloc : memref<!tpu.dma_semaphore, #tpu.memory_space<semaphore_mem>>
        %dma_start3A_195 = arith.constant 0 : i32
        %dma_start3A_196 = tpu.memref_slice %arg8[%select_n3A_135, %dma_start3A_195] : memref<80x128xi32, #tpu.memory_space<vmem>> -> memref<1x128xi32, #tpu.memory_space<vmem>>
        %dma_start3A_197 = tpu.memref_squeeze %dma_start3A_196 : memref<1x128xi32, #tpu.memory_space<vmem>> -> memref<128xi32, #tpu.memory_space<vmem>>
        %dma_start3A_198 = arith.constant 0 : i32
        %dma_start3A_199 = arith.constant 0 : i32
        %dma_start3A_200 = tpu.memref_slice %arg13[%dma_start3A_198, %dma_start3A_199] : memref<5120x128xf32, #tpu.memory_space<vmem_shared>> -> memref<5120x128xf32, #tpu.memory_space<vmem_shared>>
        tpu.enqueue_indirect_dma source(%arg10 : memref<128x128xf32, #tpu.memory_space<vmem>>) target(%dma_start3A_200 : memref<5120x128xf32, #tpu.memory_space<vmem_shared>>) offsets(%dma_start3A_197 : memref<128xi32, #tpu.memory_space<vmem>>) semaphore(%run_scoped3A : memref<!tpu.dma_semaphore, #tpu.memory_space<semaphore_mem>>) {add = true}
        %dma_wait3A_201 = arith.constant 0 : i32
        %dma_wait3A_202 = tpu.memref_slice %arg8[%select_n3A_135, %dma_wait3A_201] : memref<80x128xi32, #tpu.memory_space<vmem>> -> memref<1x128xi32, #tpu.memory_space<vmem>>
        %dma_wait3A_203 = tpu.memref_squeeze %dma_wait3A_202 : memref<1x128xi32, #tpu.memory_space<vmem>> -> memref<128xi32, #tpu.memory_space<vmem>>
        %dma_wait3A_204 = arith.constant 0 : i32
        %dma_wait3A_205 = arith.constant 0 : i32
        %dma_wait3A_206 = tpu.memref_slice %arg13[%dma_wait3A_204, %dma_wait3A_205] : memref<5120x128xf32, #tpu.memory_space<vmem_shared>> -> memref<5120x128xf32, #tpu.memory_space<vmem_shared>>
        tpu.wait_indirect_dma semaphore(%run_scoped3A : memref<!tpu.dma_semaphore, #tpu.memory_space<semaphore_mem>>) src(%arg10 : memref<128x128xf32, #tpu.memory_space<vmem>>) dst(%dma_wait3A_206 : memref<5120x128xf32, #tpu.memory_space<vmem_shared>>)
        tpu.yield
      }) : () -> ()
      %not3A_184 = arith.constant true
      %not3A_185 = arith.xori %ne3A_173, %not3A_184 : i1
      %add3A_186 = arith.constant 1 : i32
      %add3A_187 = arith.addi %add3A_119, %add3A_186 : i32
      %lt3A_188 = arith.constant 160 : i32
      %lt3A_189 = arith.cmpi slt, %add3A_187, %lt3A_188 : i32
      %and3A_190 = arith.andi %not3A_185, %lt3A_189 : i1
      %convert_element_type3A_191 = arith.extui %and3A_190 : i1 to i32
      %cond3A_192 = arith.constant 0 : i32
      %cond3A_193 = arith.cmpi ne, %convert_element_type3A_191, %cond3A_192 : i32
      scf.if %cond3A_193 {
        %add3A_195 = arith.constant 1 : i32
        %add3A_196 = arith.addi %add3A_119, %add3A_195 : i32
        %mul3A_197 = arith.constant 160 : i32
        %mul3A_198 = arith.muli %arg1, %mul3A_197 : i32
        %add3A_199 = arith.addi %mul3A_198, %add3A_196 : i32
        %multiple_of3A_200 = tpu.assume_multiple %add3A_199, 8 : i32
        "tpu.region"() ({
          %run_scoped3A = tpu.sem_alloc : memref<!tpu.dma_semaphore, #tpu.memory_space<semaphore_mem>>
          %dma_start3A_237 = arith.constant 0 : i32
          %dma_start3A_238 = tpu.memref_slice %arg3[%arg0, %multiple_of3A_200, %dma_start3A_237] : memref<2x2560x128xi32, #tpu.memory_space<hbm>> -> memref<1x80x128xi32, #tpu.memory_space<hbm>>
          %dma_start3A_239 = tpu.memref_squeeze %dma_start3A_238 : memref<1x80x128xi32, #tpu.memory_space<hbm>> -> memref<80x128xi32, #tpu.memory_space<hbm>>
          %dma_start3A_240 = arith.constant 0 : i32
          %dma_start3A_241 = tpu.memref_slice %arg3[%arg0, %multiple_of3A_200, %dma_start3A_240] : memref<2x2560x128xi32, #tpu.memory_space<hbm>> -> memref<1x80x128xi32, #tpu.memory_space<hbm>>
          %dma_start3A_242 = tpu.memref_squeeze %dma_start3A_241 : memref<1x80x128xi32, #tpu.memory_space<hbm>> -> memref<80x128xi32, #tpu.memory_space<hbm>>
          tpu.enqueue_dma source(%dma_start3A_242 : memref<80x128xi32, #tpu.memory_space<hbm>>) target(%arg7 : memref<80x128xi32, #tpu.memory_space<vmem>>) target_semaphore(%run_scoped3A : memref<!tpu.dma_semaphore, #tpu.memory_space<semaphore_mem>>)
          %dma_wait3A_243 = arith.constant 0 : i32
          %dma_wait3A_244 = tpu.memref_slice %arg3[%arg0, %multiple_of3A_200, %dma_wait3A_243] : memref<2x2560x128xi32, #tpu.memory_space<hbm>> -> memref<1x80x128xi32, #tpu.memory_space<hbm>>
          %dma_wait3A_245 = tpu.memref_squeeze %dma_wait3A_244 : memref<1x80x128xi32, #tpu.memory_space<hbm>> -> memref<80x128xi32, #tpu.memory_space<hbm>>
          %dma_wait3A_246 = arith.constant 0 : i32
          %dma_wait3A_247 = tpu.memref_slice %arg3[%arg0, %multiple_of3A_200, %dma_wait3A_246] : memref<2x2560x128xi32, #tpu.memory_space<hbm>> -> memref<1x80x128xi32, #tpu.memory_space<hbm>>
          %dma_wait3A_248 = tpu.memref_squeeze %dma_wait3A_247 : memref<1x80x128xi32, #tpu.memory_space<hbm>> -> memref<80x128xi32, #tpu.memory_space<hbm>>
          tpu.wait_dma2 semaphore(%run_scoped3A : memref<!tpu.dma_semaphore, #tpu.memory_space<semaphore_mem>>) src(%dma_wait3A_248 : memref<80x128xi32, #tpu.memory_space<hbm>>) dst(%arg7 : memref<80x128xi32, #tpu.memory_space<vmem>>)
          tpu.yield
        }) : () -> ()
        "tpu.region"() ({
          %run_scoped3A = tpu.sem_alloc : memref<!tpu.dma_semaphore, #tpu.memory_space<semaphore_mem>>
          %dma_start3A_237 = arith.constant 0 : i32
          %dma_start3A_238 = tpu.memref_slice %arg4[%arg0, %multiple_of3A_200, %dma_start3A_237] : memref<2x2560x128xi32, #tpu.memory_space<hbm>> -> memref<1x80x128xi32, #tpu.memory_space<hbm>>
          %dma_start3A_239 = tpu.memref_squeeze %dma_start3A_238 : memref<1x80x128xi32, #tpu.memory_space<hbm>> -> memref<80x128xi32, #tpu.memory_space<hbm>>
          %dma_start3A_240 = arith.constant 0 : i32
          %dma_start3A_241 = tpu.memref_slice %arg4[%arg0, %multiple_of3A_200, %dma_start3A_240] : memref<2x2560x128xi32, #tpu.memory_space<hbm>> -> memref<1x80x128xi32, #tpu.memory_space<hbm>>
          %dma_start3A_242 = tpu.memref_squeeze %dma_start3A_241 : memref<1x80x128xi32, #tpu.memory_space<hbm>> -> memref<80x128xi32, #tpu.memory_space<hbm>>
          tpu.enqueue_dma source(%dma_start3A_242 : memref<80x128xi32, #tpu.memory_space<hbm>>) target(%arg8 : memref<80x128xi32, #tpu.memory_space<vmem>>) target_semaphore(%run_scoped3A : memref<!tpu.dma_semaphore, #tpu.memory_space<semaphore_mem>>)
          %dma_wait3A_243 = arith.constant 0 : i32
          %dma_wait3A_244 = tpu.memref_slice %arg4[%arg0, %multiple_of3A_200, %dma_wait3A_243] : memref<2x2560x128xi32, #tpu.memory_space<hbm>> -> memref<1x80x128xi32, #tpu.memory_space<hbm>>
          %dma_wait3A_245 = tpu.memref_squeeze %dma_wait3A_244 : memref<1x80x128xi32, #tpu.memory_space<hbm>> -> memref<80x128xi32, #tpu.memory_space<hbm>>
          %dma_wait3A_246 = arith.constant 0 : i32
          %dma_wait3A_247 = tpu.memref_slice %arg4[%arg0, %multiple_of3A_200, %dma_wait3A_246] : memref<2x2560x128xi32, #tpu.memory_space<hbm>> -> memref<1x80x128xi32, #tpu.memory_space<hbm>>
          %dma_wait3A_248 = tpu.memref_squeeze %dma_wait3A_247 : memref<1x80x128xi32, #tpu.memory_space<hbm>> -> memref<80x128xi32, #tpu.memory_space<hbm>>
          tpu.wait_dma2 semaphore(%run_scoped3A : memref<!tpu.dma_semaphore, #tpu.memory_space<semaphore_mem>>) src(%dma_wait3A_248 : memref<80x128xi32, #tpu.memory_space<hbm>>) dst(%arg8 : memref<80x128xi32, #tpu.memory_space<vmem>>)
          tpu.yield
        }) : () -> ()
        %add3A_201 = arith.constant 1 : i32
        %add3A_202 = arith.addi %add3A_119, %add3A_201 : i32
        %jit3A_203 = arith.constant 80 : i32
        %eq3A_204 = arith.constant 0 : i32
        %eq3A_205 = arith.cmpi eq, %jit3A_203, %eq3A_204 : i32
        %jit3A_206 = arith.constant 1 : i32
        %select_n3A_207 = arith.select %eq3A_205, %jit3A_206, %jit3A_203 : i32
        %rem3A_208 = arith.remsi %add3A_202, %select_n3A_207 : i32
        %ne3A_209 = arith.constant 0 : i32
        %ne3A_210 = arith.cmpi ne, %rem3A_208, %ne3A_209 : i32
        %lt3A_211 = arith.constant 0 : i32
        %lt3A_212 = arith.cmpi slt, %rem3A_208, %lt3A_211 : i32
        %lt3A_213 = arith.constant 0 : i32
        %lt3A_214 = arith.cmpi slt, %select_n3A_207, %lt3A_213 : i32
        %ne3A_215 = arith.xori %lt3A_212, %lt3A_214 : i1
        %and3A_216 = arith.andi %ne3A_215, %ne3A_210 : i1
        %add3A_217 = arith.addi %rem3A_208, %select_n3A_207 : i32
        %select_n3A_218 = arith.select %and3A_216, %add3A_217, %rem3A_208 : i32
        %mul3A_219 = arith.constant 20480 : i32
        %mul3A_220 = arith.muli %arg1, %mul3A_219 : i32
        %mul3A_221 = arith.constant 128 : i32
        %mul3A_222 = arith.muli %add3A_202, %mul3A_221 : i32
        %add3A_223 = arith.addi %mul3A_220, %mul3A_222 : i32
        %dma_start3A_224 = arith.constant 0 : i32
        %dma_start3A_225 = arith.constant 0 : i32
        %dma_start3A_226 = tpu.memref_slice %arg5[%dma_start3A_224, %add3A_223, %dma_start3A_225] : memref<1x327680x128xf32, #tpu.memory_space<hbm>> -> memref<1x128x128xf32, #tpu.memory_space<hbm>>
        %dma_start3A_227 = tpu.memref_squeeze %dma_start3A_226 : memref<1x128x128xf32, #tpu.memory_space<hbm>> -> memref<128x128xf32, #tpu.memory_space<hbm>>
        %dma_start3A_228 = arith.constant 0 : i32
        %dma_start3A_229 = tpu.memref_slice %arg5[%dma_start3A_224, %add3A_223, %dma_start3A_228] : memref<1x327680x128xf32, #tpu.memory_space<hbm>> -> memref<1x128x128xf32, #tpu.memory_space<hbm>>
        %dma_start3A_230 = tpu.memref_squeeze %dma_start3A_229 : memref<1x128x128xf32, #tpu.memory_space<hbm>> -> memref<128x128xf32, #tpu.memory_space<hbm>>
        tpu.enqueue_dma source(%dma_start3A_230 : memref<128x128xf32, #tpu.memory_space<hbm>>) target(%arg11 : memref<128x128xf32, #tpu.memory_space<vmem>>) target_semaphore(%arg14 : memref<!tpu.dma_semaphore, #tpu.memory_space<semaphore_mem>>)
        %dma_start3A_231 = arith.constant 0 : i32
        %dma_start3A_232 = tpu.memref_slice %arg7[%select_n3A_218, %dma_start3A_231] : memref<80x128xi32, #tpu.memory_space<vmem>> -> memref<1x128xi32, #tpu.memory_space<vmem>>
        %dma_start3A_233 = tpu.memref_squeeze %dma_start3A_232 : memref<1x128xi32, #tpu.memory_space<vmem>> -> memref<128xi32, #tpu.memory_space<vmem>>
        %dma_start3A_234 = arith.constant 0 : i32
        %dma_start3A_235 = arith.constant 0 : i32
        %dma_start3A_236 = tpu.memref_slice %arg2[%dma_start3A_234, %dma_start3A_235] : memref<10240x128xf32, #tpu.memory_space<hbm>> -> memref<10240x128xf32, #tpu.memory_space<hbm>>
        tpu.enqueue_indirect_dma source(%dma_start3A_236 : memref<10240x128xf32, #tpu.memory_space<hbm>>) target(%arg9 : memref<128x128xf32, #tpu.memory_space<vmem>>) offsets(%dma_start3A_233 : memref<128xi32, #tpu.memory_space<vmem>>) semaphore(%arg14 : memref<!tpu.dma_semaphore, #tpu.memory_space<semaphore_mem>>)
      } else {
      }
      %scan3A_194 = arith.constant 0 : i32
      scf.yield %scan3A_194 : i32
    }
    %scan3A_38 = arith.constant 80 : i32
    %barrier3A_39 = arith.constant 0 : index
    tpu.barrier barrier_id(%barrier3A_39)
    %mul3A_40 = arith.constant 320 : i32
    %mul3A_41 = arith.muli %arg1, %mul3A_40 : i32
    %mul3A_42 = arith.constant 5120 : i32
    %mul3A_43 = arith.muli %arg0, %mul3A_42 : i32
    %mul3A_44 = arith.constant 320 : i32
    %mul3A_45 = arith.muli %arg1, %mul3A_44 : i32
    %add3A_46 = arith.addi %mul3A_43, %mul3A_45 : i32
    "tpu.region"() ({
      %run_scoped3A = tpu.sem_alloc : memref<!tpu.dma_semaphore, #tpu.memory_space<semaphore_mem>>
      %dma_start3A_47 = arith.constant 0 : i32
      %dma_start3A_48 = tpu.memref_slice %arg6[%add3A_46, %dma_start3A_47] : memref<10240x128xf32, #tpu.memory_space<hbm>> -> memref<320x128xf32, #tpu.memory_space<hbm>>
      %dma_start3A_49 = arith.constant 0 : i32
      %dma_start3A_50 = tpu.memref_slice %arg13[%mul3A_41, %dma_start3A_49] : memref<5120x128xf32, #tpu.memory_space<vmem_shared>> -> memref<320x128xf32, #tpu.memory_space<vmem_shared>>
      tpu.enqueue_dma source(%dma_start3A_50 : memref<320x128xf32, #tpu.memory_space<vmem_shared>>) target(%dma_start3A_48 : memref<320x128xf32, #tpu.memory_space<hbm>>) target_semaphore(%run_scoped3A : memref<!tpu.dma_semaphore, #tpu.memory_space<semaphore_mem>>)
      %dma_wait3A = arith.constant 0 : i32
      %dma_wait3A_51 = tpu.memref_slice %arg6[%add3A_46, %dma_wait3A] : memref<10240x128xf32, #tpu.memory_space<hbm>> -> memref<320x128xf32, #tpu.memory_space<hbm>>
      %dma_wait3A_52 = arith.constant 0 : i32
      %dma_wait3A_53 = tpu.memref_slice %arg13[%mul3A_41, %dma_wait3A_52] : memref<5120x128xf32, #tpu.memory_space<vmem_shared>> -> memref<320x128xf32, #tpu.memory_space<vmem_shared>>
      tpu.wait_dma2 semaphore(%run_scoped3A : memref<!tpu.dma_semaphore, #tpu.memory_space<semaphore_mem>>) src(%dma_wait3A_53 : memref<320x128xf32, #tpu.memory_space<vmem_shared>>) dst(%dma_wait3A_51 : memref<320x128xf32, #tpu.memory_space<hbm>>)
      tpu.yield
    }) : () -> ()
    return
  }
}

#map = affine_map<(d0, d1) -> (0, 0)>
#map1 = affine_map<(d0, d1) -> (0, 0, 0)>
module attributes {stable_mosaic.version = 14 : i64} {
  func.func @edge_k(%arg0: i32, %arg1: i32, %arg2: memref<10240x128xf32, #tpu.memory_space<hbm>>, %arg3: memref<2x2560x128xi32, #tpu.memory_space<hbm>>, %arg4: memref<2x2560x128xi32, #tpu.memory_space<hbm>>, %arg5: memref<1x327680x128xf32, #tpu.memory_space<hbm>>, %arg6: memref<10240x128xf32, #tpu.memory_space<hbm>>, %arg7: memref<80x128xi32, #tpu.memory_space<vmem>>, %arg8: memref<80x128xi32, #tpu.memory_space<vmem>>, %arg9: memref<128x128xf32, #tpu.memory_space<vmem>>, %arg10: memref<128x128xf32, #tpu.memory_space<vmem>>, %arg11: memref<128x128xf32, #tpu.memory_space<vmem>>, %arg12: memref<128x128xf32, #tpu.memory_space<vmem>>, %arg13: memref<5120x128xf32, #tpu.memory_space<vmem_shared>>, %arg14: memref<!tpu.dma_semaphore, #tpu.memory_space<semaphore_mem>>, %arg15: memref<!tpu.dma_semaphore, #tpu.memory_space<semaphore_mem>>) attributes {dimension_semantics = [#tpu.dimension_semantics<core_parallel>, #tpu.dimension_semantics<subcore_parallel>], iteration_bounds = array<i64: 2, 16>, scalar_prefetch = 0 : i64, scratch_operands = 9 : i64, tpu.core_type = #tpu.core_type<sc_vector_subcore>, window_params = [{transform_indices = #map}, {transform_indices = #map1}, {transform_indices = #map1}, {transform_indices = #map1}, {transform_indices = #map}]} {
    %broadcast_in_dim3A = arith.constant 0.000000e+00 : f32
    %broadcast_in_dim3A_0 = vector.broadcast %broadcast_in_dim3A : f32 to vector<16xf32>
    %scan3A = arith.constant 0 : i32
    %scan3A_1 = arith.constant 0 : i32
    %scan3A_2 = arith.constant 128 : i32
    %scan3A_3 = arith.addi %scan3A_1, %scan3A_2 : i32
    %scan3A_4 = arith.constant 1 : i32
    %scan3A_5 = scf.for %scan3A_47 = %scan3A_1 to %scan3A_3 step %scan3A_4 iter_args(%scan3A_48 = %scan3A) -> (i32)  : i32 {
      %swap3A = arith.index_cast %scan3A_47 : i32 to index
      %swap3A_49 = arith.constant 0 : index
      %swap3A_50 = tpu.vector_load %arg11[%swap3A, %swap3A_49] {strides = array<i32>} : memref<128x128xf32, #tpu.memory_space<vmem>>, vector<1x16xf32>,
      %swap3A_51 = vector.shape_cast %swap3A_50 : vector<1x16xf32> to vector<16xf32>
      %swap3A_52 = vector.shape_cast %broadcast_in_dim3A_0 : vector<16xf32> to vector<1x16xf32>
      tpu.vector_store %arg11[%swap3A, %swap3A_49], %swap3A_52 {strides = array<i32>} : memref<128x128xf32, #tpu.memory_space<vmem>>, vector<1x16xf32>,
      %swap3A_53 = arith.index_cast %scan3A_47 : i32 to index
      %swap3A_54 = arith.constant 16 : index
      %swap3A_55 = tpu.vector_load %arg11[%swap3A_53, %swap3A_54] {strides = array<i32>} : memref<128x128xf32, #tpu.memory_space<vmem>>, vector<1x16xf32>,
      %swap3A_56 = vector.shape_cast %swap3A_55 : vector<1x16xf32> to vector<16xf32>
      %swap3A_57 = vector.shape_cast %broadcast_in_dim3A_0 : vector<16xf32> to vector<1x16xf32>
      tpu.vector_store %arg11[%swap3A_53, %swap3A_54], %swap3A_57 {strides = array<i32>} : memref<128x128xf32, #tpu.memory_space<vmem>>, vector<1x16xf32>,
      %swap3A_58 = arith.index_cast %scan3A_47 : i32 to index
      %swap3A_59 = arith.constant 32 : index
      %swap3A_60 = tpu.vector_load %arg11[%swap3A_58, %swap3A_59] {strides = array<i32>} : memref<128x128xf32, #tpu.memory_space<vmem>>, vector<1x16xf32>,
      %swap3A_61 = vector.shape_cast %swap3A_60 : vector<1x16xf32> to vector<16xf32>
      %swap3A_62 = vector.shape_cast %broadcast_in_dim3A_0 : vector<16xf32> to vector<1x16xf32>
      tpu.vector_store %arg11[%swap3A_58, %swap3A_59], %swap3A_62 {strides = array<i32>} : memref<128x128xf32, #tpu.memory_space<vmem>>, vector<1x16xf32>,
      %swap3A_63 = arith.index_cast %scan3A_47 : i32 to index
      %swap3A_64 = arith.constant 48 : index
      %swap3A_65 = tpu.vector_load %arg11[%swap3A_63, %swap3A_64] {strides = array<i32>} : memref<128x128xf32, #tpu.memory_space<vmem>>, vector<1x16xf32>,
      %swap3A_66 = vector.shape_cast %swap3A_65 : vector<1x16xf32> to vector<16xf32>
      %swap3A_67 = vector.shape_cast %broadcast_in_dim3A_0 : vector<16xf32> to vector<1x16xf32>
      tpu.vector_store %arg11[%swap3A_63, %swap3A_64], %swap3A_67 {strides = array<i32>} : memref<128x128xf32, #tpu.memory_space<vmem>>, vector<1x16xf32>,
      %swap3A_68 = arith.index_cast %scan3A_47 : i32 to index
      %swap3A_69 = arith.constant 64 : index
      %swap3A_70 = tpu.vector_load %arg11[%swap3A_68, %swap3A_69] {strides = array<i32>} : memref<128x128xf32, #tpu.memory_space<vmem>>, vector<1x16xf32>,
      %swap3A_71 = vector.shape_cast %swap3A_70 : vector<1x16xf32> to vector<16xf32>
      %swap3A_72 = vector.shape_cast %broadcast_in_dim3A_0 : vector<16xf32> to vector<1x16xf32>
      tpu.vector_store %arg11[%swap3A_68, %swap3A_69], %swap3A_72 {strides = array<i32>} : memref<128x128xf32, #tpu.memory_space<vmem>>, vector<1x16xf32>,
      %swap3A_73 = arith.index_cast %scan3A_47 : i32 to index
      %swap3A_74 = arith.constant 80 : index
      %swap3A_75 = tpu.vector_load %arg11[%swap3A_73, %swap3A_74] {strides = array<i32>} : memref<128x128xf32, #tpu.memory_space<vmem>>, vector<1x16xf32>,
      %swap3A_76 = vector.shape_cast %swap3A_75 : vector<1x16xf32> to vector<16xf32>
      %swap3A_77 = vector.shape_cast %broadcast_in_dim3A_0 : vector<16xf32> to vector<1x16xf32>
      tpu.vector_store %arg11[%swap3A_73, %swap3A_74], %swap3A_77 {strides = array<i32>} : memref<128x128xf32, #tpu.memory_space<vmem>>, vector<1x16xf32>,
      %swap3A_78 = arith.index_cast %scan3A_47 : i32 to index
      %swap3A_79 = arith.constant 96 : index
      %swap3A_80 = tpu.vector_load %arg11[%swap3A_78, %swap3A_79] {strides = array<i32>} : memref<128x128xf32, #tpu.memory_space<vmem>>, vector<1x16xf32>,
      %swap3A_81 = vector.shape_cast %swap3A_80 : vector<1x16xf32> to vector<16xf32>
      %swap3A_82 = vector.shape_cast %broadcast_in_dim3A_0 : vector<16xf32> to vector<1x16xf32>
      tpu.vector_store %arg11[%swap3A_78, %swap3A_79], %swap3A_82 {strides = array<i32>} : memref<128x128xf32, #tpu.memory_space<vmem>>, vector<1x16xf32>,
      %swap3A_83 = arith.index_cast %scan3A_47 : i32 to index
      %swap3A_84 = arith.constant 112 : index
      %swap3A_85 = tpu.vector_load %arg11[%swap3A_83, %swap3A_84] {strides = array<i32>} : memref<128x128xf32, #tpu.memory_space<vmem>>, vector<1x16xf32>,
      %swap3A_86 = vector.shape_cast %swap3A_85 : vector<1x16xf32> to vector<16xf32>
      %swap3A_87 = vector.shape_cast %broadcast_in_dim3A_0 : vector<16xf32> to vector<1x16xf32>
      tpu.vector_store %arg11[%swap3A_83, %swap3A_84], %swap3A_87 {strides = array<i32>} : memref<128x128xf32, #tpu.memory_space<vmem>>, vector<1x16xf32>,
      %scan3A_88 = arith.constant 0 : i32
      scf.yield %scan3A_88 : i32
    }
    %scan3A_6 = arith.constant 128 : i32
    %mul3A = arith.constant 320 : i32
    %mul3A_7 = arith.muli %arg1, %mul3A : i32
    "tpu.region"() ({
      %run_scoped3A = tpu.sem_alloc : memref<!tpu.dma_semaphore, #tpu.memory_space<semaphore_mem>>
      %dma_start3A_47 = arith.constant 0 : i32
      %dma_start3A_48 = tpu.memref_slice %arg13[%mul3A_7, %dma_start3A_47] : memref<5120x128xf32, #tpu.memory_space<vmem_shared>> -> memref<128x128xf32, #tpu.memory_space<vmem_shared>>
      %dma_start3A_49 = arith.constant 0 : i32
      %dma_start3A_50 = tpu.memref_slice %arg13[%mul3A_7, %dma_start3A_49] : memref<5120x128xf32, #tpu.memory_space<vmem_shared>> -> memref<128x128xf32, #tpu.memory_space<vmem_shared>>
      tpu.enqueue_dma source(%arg11 : memref<128x128xf32, #tpu.memory_space<vmem>>) target(%dma_start3A_50 : memref<128x128xf32, #tpu.memory_space<vmem_shared>>) target_semaphore(%run_scoped3A : memref<!tpu.dma_semaphore, #tpu.memory_space<semaphore_mem>>)
      %dma_wait3A = arith.constant 0 : i32
      %dma_wait3A_51 = tpu.memref_slice %arg13[%mul3A_7, %dma_wait3A] : memref<5120x128xf32, #tpu.memory_space<vmem_shared>> -> memref<128x128xf32, #tpu.memory_space<vmem_shared>>
      %dma_wait3A_52 = arith.constant 0 : i32
      %dma_wait3A_53 = tpu.memref_slice %arg13[%mul3A_7, %dma_wait3A_52] : memref<5120x128xf32, #tpu.memory_space<vmem_shared>> -> memref<128x128xf32, #tpu.memory_space<vmem_shared>>
      tpu.wait_dma2 semaphore(%run_scoped3A : memref<!tpu.dma_semaphore, #tpu.memory_space<semaphore_mem>>) src(%arg11 : memref<128x128xf32, #tpu.memory_space<vmem>>) dst(%dma_wait3A_53 : memref<128x128xf32, #tpu.memory_space<vmem_shared>>)
      tpu.yield
    }) : () -> ()
    %add3A = arith.constant 128 : i32
    %add3A_8 = arith.addi %mul3A_7, %add3A : i32
    "tpu.region"() ({
      %run_scoped3A = tpu.sem_alloc : memref<!tpu.dma_semaphore, #tpu.memory_space<semaphore_mem>>
      %dma_start3A_47 = arith.constant 0 : i32
      %dma_start3A_48 = tpu.memref_slice %arg13[%add3A_8, %dma_start3A_47] : memref<5120x128xf32, #tpu.memory_space<vmem_shared>> -> memref<128x128xf32, #tpu.memory_space<vmem_shared>>
      %dma_start3A_49 = arith.constant 0 : i32
      %dma_start3A_50 = tpu.memref_slice %arg13[%add3A_8, %dma_start3A_49] : memref<5120x128xf32, #tpu.memory_space<vmem_shared>> -> memref<128x128xf32, #tpu.memory_space<vmem_shared>>
      tpu.enqueue_dma source(%arg11 : memref<128x128xf32, #tpu.memory_space<vmem>>) target(%dma_start3A_50 : memref<128x128xf32, #tpu.memory_space<vmem_shared>>) target_semaphore(%run_scoped3A : memref<!tpu.dma_semaphore, #tpu.memory_space<semaphore_mem>>)
      %dma_wait3A = arith.constant 0 : i32
      %dma_wait3A_51 = tpu.memref_slice %arg13[%add3A_8, %dma_wait3A] : memref<5120x128xf32, #tpu.memory_space<vmem_shared>> -> memref<128x128xf32, #tpu.memory_space<vmem_shared>>
      %dma_wait3A_52 = arith.constant 0 : i32
      %dma_wait3A_53 = tpu.memref_slice %arg13[%add3A_8, %dma_wait3A_52] : memref<5120x128xf32, #tpu.memory_space<vmem_shared>> -> memref<128x128xf32, #tpu.memory_space<vmem_shared>>
      tpu.wait_dma2 semaphore(%run_scoped3A : memref<!tpu.dma_semaphore, #tpu.memory_space<semaphore_mem>>) src(%arg11 : memref<128x128xf32, #tpu.memory_space<vmem>>) dst(%dma_wait3A_53 : memref<128x128xf32, #tpu.memory_space<vmem_shared>>)
      tpu.yield
    }) : () -> ()
    %add3A_9 = arith.constant 256 : i32
    %add3A_10 = arith.addi %mul3A_7, %add3A_9 : i32
    "tpu.region"() ({
      %run_scoped3A = tpu.sem_alloc : memref<!tpu.dma_semaphore, #tpu.memory_space<semaphore_mem>>
      %dma_start3A_47 = arith.constant 0 : i32
      %dma_start3A_48 = arith.constant 0 : i32
      %dma_start3A_49 = tpu.memref_slice %arg11[%dma_start3A_47, %dma_start3A_48] : memref<128x128xf32, #tpu.memory_space<vmem>> -> memref<64x128xf32, #tpu.memory_space<vmem>>
      %dma_start3A_50 = arith.constant 0 : i32
      %dma_start3A_51 = tpu.memref_slice %arg13[%add3A_10, %dma_start3A_50] : memref<5120x128xf32, #tpu.memory_space<vmem_shared>> -> memref<64x128xf32, #tpu.memory_space<vmem_shared>>
      %dma_start3A_52 = arith.constant 0 : i32
      %dma_start3A_53 = tpu.memref_slice %arg13[%add3A_10, %dma_start3A_52] : memref<5120x128xf32, #tpu.memory_space<vmem_shared>> -> memref<64x128xf32, #tpu.memory_space<vmem_shared>>
      %dma_start3A_54 = arith.constant 0 : i32
      %dma_start3A_55 = arith.constant 0 : i32
      %dma_start3A_56 = tpu.memref_slice %arg11[%dma_start3A_54, %dma_start3A_55] : memref<128x128xf32, #tpu.memory_space<vmem>> -> memref<64x128xf32, #tpu.memory_space<vmem>>
      tpu.enqueue_dma source(%dma_start3A_56 : memref<64x128xf32, #tpu.memory_space<vmem>>) target(%dma_start3A_53 : memref<64x128xf32, #tpu.memory_space<vmem_shared>>) target_semaphore(%run_scoped3A : memref<!tpu.dma_semaphore, #tpu.memory_space<semaphore_mem>>)
      %dma_wait3A = arith.constant 0 : i32
      %dma_wait3A_57 = arith.constant 0 : i32
      %dma_wait3A_58 = tpu.memref_slice %arg11[%dma_wait3A, %dma_wait3A_57] : memref<128x128xf32, #tpu.memory_space<vmem>> -> memref<64x128xf32, #tpu.memory_space<vmem>>
      %dma_wait3A_59 = arith.constant 0 : i32
      %dma_wait3A_60 = tpu.memref_slice %arg13[%add3A_10, %dma_wait3A_59] : memref<5120x128xf32, #tpu.memory_space<vmem_shared>> -> memref<64x128xf32, #tpu.memory_space<vmem_shared>>
      %dma_wait3A_61 = arith.constant 0 : i32
      %dma_wait3A_62 = tpu.memref_slice %arg13[%add3A_10, %dma_wait3A_61] : memref<5120x128xf32, #tpu.memory_space<vmem_shared>> -> memref<64x128xf32, #tpu.memory_space<vmem_shared>>
      %dma_wait3A_63 = arith.constant 0 : i32
      %dma_wait3A_64 = arith.constant 0 : i32
      %dma_wait3A_65 = tpu.memref_slice %arg11[%dma_wait3A_63, %dma_wait3A_64] : memref<128x128xf32, #tpu.memory_space<vmem>> -> memref<64x128xf32, #tpu.memory_space<vmem>>
      tpu.wait_dma2 semaphore(%run_scoped3A : memref<!tpu.dma_semaphore, #tpu.memory_space<semaphore_mem>>) src(%dma_wait3A_65 : memref<64x128xf32, #tpu.memory_space<vmem>>) dst(%dma_wait3A_62 : memref<64x128xf32, #tpu.memory_space<vmem_shared>>)
      tpu.yield
    }) : () -> ()
    %barrier3A = arith.constant 0 : index
    tpu.barrier barrier_id(%barrier3A)
    %mul3A_11 = arith.constant 160 : i32
    %mul3A_12 = arith.muli %arg1, %mul3A_11 : i32
    %add3A_13 = arith.constant 0 : i32
    %add3A_14 = arith.addi %mul3A_12, %add3A_13 : i32
    %multiple_of3A = tpu.assume_multiple %add3A_14, 8 : i32
    "tpu.region"() ({
      %run_scoped3A = tpu.sem_alloc : memref<!tpu.dma_semaphore, #tpu.memory_space<semaphore_mem>>
      %dma_start3A_47 = arith.constant 0 : i32
      %dma_start3A_48 = tpu.memref_slice %arg3[%arg0, %multiple_of3A, %dma_start3A_47] : memref<2x2560x128xi32, #tpu.memory_space<hbm>> -> memref<1x80x128xi32, #tpu.memory_space<hbm>>
      %dma_start3A_49 = tpu.memref_squeeze %dma_start3A_48 : memref<1x80x128xi32, #tpu.memory_space<hbm>> -> memref<80x128xi32, #tpu.memory_space<hbm>>
      %dma_start3A_50 = arith.constant 0 : i32
      %dma_start3A_51 = tpu.memref_slice %arg3[%arg0, %multiple_of3A, %dma_start3A_50] : memref<2x2560x128xi32, #tpu.memory_space<hbm>> -> memref<1x80x128xi32, #tpu.memory_space<hbm>>
      %dma_start3A_52 = tpu.memref_squeeze %dma_start3A_51 : memref<1x80x128xi32, #tpu.memory_space<hbm>> -> memref<80x128xi32, #tpu.memory_space<hbm>>
      tpu.enqueue_dma source(%dma_start3A_52 : memref<80x128xi32, #tpu.memory_space<hbm>>) target(%arg7 : memref<80x128xi32, #tpu.memory_space<vmem>>) target_semaphore(%run_scoped3A : memref<!tpu.dma_semaphore, #tpu.memory_space<semaphore_mem>>)
      %dma_wait3A = arith.constant 0 : i32
      %dma_wait3A_53 = tpu.memref_slice %arg3[%arg0, %multiple_of3A, %dma_wait3A] : memref<2x2560x128xi32, #tpu.memory_space<hbm>> -> memref<1x80x128xi32, #tpu.memory_space<hbm>>
      %dma_wait3A_54 = tpu.memref_squeeze %dma_wait3A_53 : memref<1x80x128xi32, #tpu.memory_space<hbm>> -> memref<80x128xi32, #tpu.memory_space<hbm>>
      %dma_wait3A_55 = arith.constant 0 : i32
      %dma_wait3A_56 = tpu.memref_slice %arg3[%arg0, %multiple_of3A, %dma_wait3A_55] : memref<2x2560x128xi32, #tpu.memory_space<hbm>> -> memref<1x80x128xi32, #tpu.memory_space<hbm>>
      %dma_wait3A_57 = tpu.memref_squeeze %dma_wait3A_56 : memref<1x80x128xi32, #tpu.memory_space<hbm>> -> memref<80x128xi32, #tpu.memory_space<hbm>>
      tpu.wait_dma2 semaphore(%run_scoped3A : memref<!tpu.dma_semaphore, #tpu.memory_space<semaphore_mem>>) src(%dma_wait3A_57 : memref<80x128xi32, #tpu.memory_space<hbm>>) dst(%arg7 : memref<80x128xi32, #tpu.memory_space<vmem>>)
      tpu.yield
    }) : () -> ()
    "tpu.region"() ({
      %run_scoped3A = tpu.sem_alloc : memref<!tpu.dma_semaphore, #tpu.memory_space<semaphore_mem>>
      %dma_start3A_47 = arith.constant 0 : i32
      %dma_start3A_48 = tpu.memref_slice %arg4[%arg0, %multiple_of3A, %dma_start3A_47] : memref<2x2560x128xi32, #tpu.memory_space<hbm>> -> memref<1x80x128xi32, #tpu.memory_space<hbm>>
      %dma_start3A_49 = tpu.memref_squeeze %dma_start3A_48 : memref<1x80x128xi32, #tpu.memory_space<hbm>> -> memref<80x128xi32, #tpu.memory_space<hbm>>
      %dma_start3A_50 = arith.constant 0 : i32
      %dma_start3A_51 = tpu.memref_slice %arg4[%arg0, %multiple_of3A, %dma_start3A_50] : memref<2x2560x128xi32, #tpu.memory_space<hbm>> -> memref<1x80x128xi32, #tpu.memory_space<hbm>>
      %dma_start3A_52 = tpu.memref_squeeze %dma_start3A_51 : memref<1x80x128xi32, #tpu.memory_space<hbm>> -> memref<80x128xi32, #tpu.memory_space<hbm>>
      tpu.enqueue_dma source(%dma_start3A_52 : memref<80x128xi32, #tpu.memory_space<hbm>>) target(%arg8 : memref<80x128xi32, #tpu.memory_space<vmem>>) target_semaphore(%run_scoped3A : memref<!tpu.dma_semaphore, #tpu.memory_space<semaphore_mem>>)
      %dma_wait3A = arith.constant 0 : i32
      %dma_wait3A_53 = tpu.memref_slice %arg4[%arg0, %multiple_of3A, %dma_wait3A] : memref<2x2560x128xi32, #tpu.memory_space<hbm>> -> memref<1x80x128xi32, #tpu.memory_space<hbm>>
      %dma_wait3A_54 = tpu.memref_squeeze %dma_wait3A_53 : memref<1x80x128xi32, #tpu.memory_space<hbm>> -> memref<80x128xi32, #tpu.memory_space<hbm>>
      %dma_wait3A_55 = arith.constant 0 : i32
      %dma_wait3A_56 = tpu.memref_slice %arg4[%arg0, %multiple_of3A, %dma_wait3A_55] : memref<2x2560x128xi32, #tpu.memory_space<hbm>> -> memref<1x80x128xi32, #tpu.memory_space<hbm>>
      %dma_wait3A_57 = tpu.memref_squeeze %dma_wait3A_56 : memref<1x80x128xi32, #tpu.memory_space<hbm>> -> memref<80x128xi32, #tpu.memory_space<hbm>>
      tpu.wait_dma2 semaphore(%run_scoped3A : memref<!tpu.dma_semaphore, #tpu.memory_space<semaphore_mem>>) src(%dma_wait3A_57 : memref<80x128xi32, #tpu.memory_space<hbm>>) dst(%arg8 : memref<80x128xi32, #tpu.memory_space<vmem>>)
      tpu.yield
    }) : () -> ()
    %mul3A_15 = arith.constant 20480 : i32
    %mul3A_16 = arith.muli %arg1, %mul3A_15 : i32
    %add3A_17 = arith.constant 0 : i32
    %add3A_18 = arith.addi %mul3A_16, %add3A_17 : i32
    %dma_start3A = arith.constant 0 : i32
    %dma_start3A_19 = arith.constant 0 : i32
    %dma_start3A_20 = tpu.memref_slice %arg5[%dma_start3A, %add3A_18, %dma_start3A_19] : memref<1x327680x128xf32, #tpu.memory_space<hbm>> -> memref<1x128x128xf32, #tpu.memory_space<hbm>>
    %dma_start3A_21 = tpu.memref_squeeze %dma_start3A_20 : memref<1x128x128xf32, #tpu.memory_space<hbm>> -> memref<128x128xf32, #tpu.memory_space<hbm>>
    %dma_start3A_22 = arith.constant 0 : i32
    %dma_start3A_23 = tpu.memref_slice %arg5[%dma_start3A, %add3A_18, %dma_start3A_22] : memref<1x327680x128xf32, #tpu.memory_space<hbm>> -> memref<1x128x128xf32, #tpu.memory_space<hbm>>
    %dma_start3A_24 = tpu.memref_squeeze %dma_start3A_23 : memref<1x128x128xf32, #tpu.memory_space<hbm>> -> memref<128x128xf32, #tpu.memory_space<hbm>>
    tpu.enqueue_dma source(%dma_start3A_24 : memref<128x128xf32, #tpu.memory_space<hbm>>) target(%arg11 : memref<128x128xf32, #tpu.memory_space<vmem>>) target_semaphore(%arg14 : memref<!tpu.dma_semaphore, #tpu.memory_space<semaphore_mem>>)
    %dma_start3A_25 = arith.constant 0 : i32
    %dma_start3A_26 = arith.constant 0 : i32
    %dma_start3A_27 = tpu.memref_slice %arg7[%dma_start3A_25, %dma_start3A_26] : memref<80x128xi32, #tpu.memory_space<vmem>> -> memref<1x128xi32, #tpu.memory_space<vmem>>
    %dma_start3A_28 = tpu.memref_squeeze %dma_start3A_27 : memref<1x128xi32, #tpu.memory_space<vmem>> -> memref<128xi32, #tpu.memory_space<vmem>>
    %dma_start3A_29 = arith.constant 0 : i32
    %dma_start3A_30 = arith.constant 0 : i32
    %dma_start3A_31 = tpu.memref_slice %arg2[%dma_start3A_29, %dma_start3A_30] : memref<10240x128xf32, #tpu.memory_space<hbm>> -> memref<10240x128xf32, #tpu.memory_space<hbm>>
    tpu.enqueue_indirect_dma source(%dma_start3A_31 : memref<10240x128xf32, #tpu.memory_space<hbm>>) target(%arg9 : memref<128x128xf32, #tpu.memory_space<vmem>>) offsets(%dma_start3A_28 : memref<128xi32, #tpu.memory_space<vmem>>) semaphore(%arg14 : memref<!tpu.dma_semaphore, #tpu.memory_space<semaphore_mem>>)
    %scan3A_32 = arith.constant 0 : i32
    %scan3A_33 = arith.constant 0 : i32
    %scan3A_34 = arith.constant 80 : i32
    %scan3A_35 = arith.addi %scan3A_33, %scan3A_34 : i32
    %scan3A_36 = arith.constant 1 : i32
    %scan3A_37 = scf.for %scan3A_47 = %scan3A_33 to %scan3A_35 step %scan3A_36 iter_args(%scan3A_48 = %scan3A_32) -> (i32)  : i32 {
      %mul3A_49 = arith.constant 2 : i32
      %mul3A_50 = arith.muli %mul3A_49, %scan3A_47 : i32
      %add3A_51 = arith.constant 0 : i32
      %add3A_52 = arith.addi %mul3A_50, %add3A_51 : i32
      %jit3A = arith.constant 80 : i32
      %eq3A = arith.constant 0 : i32
      %eq3A_53 = arith.cmpi eq, %jit3A, %eq3A : i32
      %jit3A_54 = arith.constant 1 : i32
      %select_n3A = arith.select %eq3A_53, %jit3A_54, %jit3A : i32
      %rem3A = arith.remsi %add3A_52, %select_n3A : i32
      %ne3A = arith.constant 0 : i32
      %ne3A_55 = arith.cmpi ne, %rem3A, %ne3A : i32
      %lt3A = arith.constant 0 : i32
      %lt3A_56 = arith.cmpi slt, %rem3A, %lt3A : i32
      %lt3A_57 = arith.constant 0 : i32
      %lt3A_58 = arith.cmpi slt, %select_n3A, %lt3A_57 : i32
      %ne3A_59 = arith.xori %lt3A_56, %lt3A_58 : i1
      %and3A = arith.andi %ne3A_59, %ne3A_55 : i1
      %add3A_60 = arith.addi %rem3A, %select_n3A : i32
      %select_n3A_61 = arith.select %and3A, %add3A_60, %rem3A : i32
      %mul3A_62 = arith.constant 20480 : i32
      %mul3A_63 = arith.muli %arg1, %mul3A_62 : i32
      %mul3A_64 = arith.constant 128 : i32
      %mul3A_65 = arith.muli %add3A_52, %mul3A_64 : i32
      %add3A_66 = arith.addi %mul3A_63, %mul3A_65 : i32
      %dma_wait3A = arith.constant 0 : i32
      %dma_wait3A_67 = arith.constant 0 : i32
      %dma_wait3A_68 = tpu.memref_slice %arg5[%dma_wait3A, %add3A_66, %dma_wait3A_67] : memref<1x327680x128xf32, #tpu.memory_space<hbm>> -> memref<1x128x128xf32, #tpu.memory_space<hbm>>
      %dma_wait3A_69 = tpu.memref_squeeze %dma_wait3A_68 : memref<1x128x128xf32, #tpu.memory_space<hbm>> -> memref<128x128xf32, #tpu.memory_space<hbm>>
      %dma_wait3A_70 = arith.constant 0 : i32
      %dma_wait3A_71 = tpu.memref_slice %arg5[%dma_wait3A, %add3A_66, %dma_wait3A_70] : memref<1x327680x128xf32, #tpu.memory_space<hbm>> -> memref<1x128x128xf32, #tpu.memory_space<hbm>>
      %dma_wait3A_72 = tpu.memref_squeeze %dma_wait3A_71 : memref<1x128x128xf32, #tpu.memory_space<hbm>> -> memref<128x128xf32, #tpu.memory_space<hbm>>
      tpu.wait_dma2 semaphore(%arg14 : memref<!tpu.dma_semaphore, #tpu.memory_space<semaphore_mem>>) src(%dma_wait3A_72 : memref<128x128xf32, #tpu.memory_space<hbm>>) dst(%arg11 : memref<128x128xf32, #tpu.memory_space<vmem>>)
      %dma_wait3A_73 = arith.constant 0 : i32
      %dma_wait3A_74 = tpu.memref_slice %arg7[%select_n3A_61, %dma_wait3A_73] : memref<80x128xi32, #tpu.memory_space<vmem>> -> memref<1x128xi32, #tpu.memory_space<vmem>>
      %dma_wait3A_75 = tpu.memref_squeeze %dma_wait3A_74 : memref<1x128xi32, #tpu.memory_space<vmem>> -> memref<128xi32, #tpu.memory_space<vmem>>
      %dma_wait3A_76 = arith.constant 0 : i32
      %dma_wait3A_77 = arith.constant 0 : i32
      %dma_wait3A_78 = tpu.memref_slice %arg2[%dma_wait3A_76, %dma_wait3A_77] : memref<10240x128xf32, #tpu.memory_space<hbm>> -> memref<10240x128xf32, #tpu.memory_space<hbm>>
      tpu.wait_indirect_dma semaphore(%arg14 : memref<!tpu.dma_semaphore, #tpu.memory_space<semaphore_mem>>) src(%dma_wait3A_78 : memref<10240x128xf32, #tpu.memory_space<hbm>>) dst(%arg9 : memref<128x128xf32, #tpu.memory_space<vmem>>)
      %add3A_79 = arith.constant 1 : i32
      %add3A_80 = arith.addi %add3A_52, %add3A_79 : i32
      %jit3A_81 = arith.constant 80 : i32
      %eq3A_82 = arith.constant 0 : i32
      %eq3A_83 = arith.cmpi eq, %jit3A_81, %eq3A_82 : i32
      %jit3A_84 = arith.constant 1 : i32
      %select_n3A_85 = arith.select %eq3A_83, %jit3A_84, %jit3A_81 : i32
      %rem3A_86 = arith.remsi %add3A_80, %select_n3A_85 : i32
      %ne3A_87 = arith.constant 0 : i32
      %ne3A_88 = arith.cmpi ne, %rem3A_86, %ne3A_87 : i32
      %lt3A_89 = arith.constant 0 : i32
      %lt3A_90 = arith.cmpi slt, %rem3A_86, %lt3A_89 : i32
      %lt3A_91 = arith.constant 0 : i32
      %lt3A_92 = arith.cmpi slt, %select_n3A_85, %lt3A_91 : i32
      %ne3A_93 = arith.xori %lt3A_90, %lt3A_92 : i1
      %and3A_94 = arith.andi %ne3A_93, %ne3A_88 : i1
      %add3A_95 = arith.addi %rem3A_86, %select_n3A_85 : i32
      %select_n3A_96 = arith.select %and3A_94, %add3A_95, %rem3A_86 : i32
      %ne3A_97 = arith.constant 0 : i32
      %ne3A_98 = arith.cmpi ne, %select_n3A_96, %ne3A_97 : i32
      %convert_element_type3A = arith.extui %ne3A_98 : i1 to i32
      %cond3A = arith.constant 0 : i32
      %cond3A_99 = arith.cmpi ne, %convert_element_type3A, %cond3A : i32
      scf.if %cond3A_99 {
        %add3A_195 = arith.constant 1 : i32
        %add3A_196 = arith.addi %add3A_52, %add3A_195 : i32
        %jit3A_197 = arith.constant 80 : i32
        %eq3A_198 = arith.constant 0 : i32
        %eq3A_199 = arith.cmpi eq, %jit3A_197, %eq3A_198 : i32
        %jit3A_200 = arith.constant 1 : i32
        %select_n3A_201 = arith.select %eq3A_199, %jit3A_200, %jit3A_197 : i32
        %rem3A_202 = arith.remsi %add3A_196, %select_n3A_201 : i32
        %ne3A_203 = arith.constant 0 : i32
        %ne3A_204 = arith.cmpi ne, %rem3A_202, %ne3A_203 : i32
        %lt3A_205 = arith.constant 0 : i32
        %lt3A_206 = arith.cmpi slt, %rem3A_202, %lt3A_205 : i32
        %lt3A_207 = arith.constant 0 : i32
        %lt3A_208 = arith.cmpi slt, %select_n3A_201, %lt3A_207 : i32
        %ne3A_209 = arith.xori %lt3A_206, %lt3A_208 : i1
        %and3A_210 = arith.andi %ne3A_209, %ne3A_204 : i1
        %add3A_211 = arith.addi %rem3A_202, %select_n3A_201 : i32
        %select_n3A_212 = arith.select %and3A_210, %add3A_211, %rem3A_202 : i32
        %mul3A_213 = arith.constant 20480 : i32
        %mul3A_214 = arith.muli %arg1, %mul3A_213 : i32
        %mul3A_215 = arith.constant 128 : i32
        %mul3A_216 = arith.muli %add3A_196, %mul3A_215 : i32
        %add3A_217 = arith.addi %mul3A_214, %mul3A_216 : i32
        %dma_start3A_218 = arith.constant 0 : i32
        %dma_start3A_219 = arith.constant 0 : i32
        %dma_start3A_220 = tpu.memref_slice %arg5[%dma_start3A_218, %add3A_217, %dma_start3A_219] : memref<1x327680x128xf32, #tpu.memory_space<hbm>> -> memref<1x128x128xf32, #tpu.memory_space<hbm>>
        %dma_start3A_221 = tpu.memref_squeeze %dma_start3A_220 : memref<1x128x128xf32, #tpu.memory_space<hbm>> -> memref<128x128xf32, #tpu.memory_space<hbm>>
        %dma_start3A_222 = arith.constant 0 : i32
        %dma_start3A_223 = tpu.memref_slice %arg5[%dma_start3A_218, %add3A_217, %dma_start3A_222] : memref<1x327680x128xf32, #tpu.memory_space<hbm>> -> memref<1x128x128xf32, #tpu.memory_space<hbm>>
        %dma_start3A_224 = tpu.memref_squeeze %dma_start3A_223 : memref<1x128x128xf32, #tpu.memory_space<hbm>> -> memref<128x128xf32, #tpu.memory_space<hbm>>
        tpu.enqueue_dma source(%dma_start3A_224 : memref<128x128xf32, #tpu.memory_space<hbm>>) target(%arg12 : memref<128x128xf32, #tpu.memory_space<vmem>>) target_semaphore(%arg15 : memref<!tpu.dma_semaphore, #tpu.memory_space<semaphore_mem>>)
        %dma_start3A_225 = arith.constant 0 : i32
        %dma_start3A_226 = tpu.memref_slice %arg7[%select_n3A_212, %dma_start3A_225] : memref<80x128xi32, #tpu.memory_space<vmem>> -> memref<1x128xi32, #tpu.memory_space<vmem>>
        %dma_start3A_227 = tpu.memref_squeeze %dma_start3A_226 : memref<1x128xi32, #tpu.memory_space<vmem>> -> memref<128xi32, #tpu.memory_space<vmem>>
        %dma_start3A_228 = arith.constant 0 : i32
        %dma_start3A_229 = arith.constant 0 : i32
        %dma_start3A_230 = tpu.memref_slice %arg2[%dma_start3A_228, %dma_start3A_229] : memref<10240x128xf32, #tpu.memory_space<hbm>> -> memref<10240x128xf32, #tpu.memory_space<hbm>>
        tpu.enqueue_indirect_dma source(%dma_start3A_230 : memref<10240x128xf32, #tpu.memory_space<hbm>>) target(%arg10 : memref<128x128xf32, #tpu.memory_space<vmem>>) offsets(%dma_start3A_227 : memref<128xi32, #tpu.memory_space<vmem>>) semaphore(%arg15 : memref<!tpu.dma_semaphore, #tpu.memory_space<semaphore_mem>>)
      } else {
      }
      %scan3A_100 = arith.constant 0 : i32
      %scan3A_101 = arith.constant 0 : i32
      %scan3A_102 = arith.constant 64 : i32
      %scan3A_103 = arith.addi %scan3A_101, %scan3A_102 : i32
      %scan3A_104 = arith.constant 1 : i32
      %scan3A_105 = scf.for %scan3A_195 = %scan3A_101 to %scan3A_103 step %scan3A_104 iter_args(%scan3A_196 = %scan3A_100) -> (i32)  : i32 {
        %mul3A_197 = arith.constant 2 : i32
        %mul3A_198 = arith.muli %mul3A_197, %scan3A_195 : i32
        %add3A_199 = arith.constant 0 : i32
        %add3A_200 = arith.addi %mul3A_198, %add3A_199 : i32
        %get3A = arith.index_cast %add3A_200 : i32 to index
        %get3A_201 = arith.constant 0 : index
        %get3A_202 = tpu.vector_load %arg9[%get3A, %get3A_201] {strides = array<i32>} : memref<128x128xf32, #tpu.memory_space<vmem>>, vector<1x16xf32>,
        %get3A_203 = vector.shape_cast %get3A_202 : vector<1x16xf32> to vector<16xf32>
        %get3A_204 = arith.index_cast %add3A_200 : i32 to index
        %get3A_205 = arith.constant 0 : index
        %get3A_206 = tpu.vector_load %arg11[%get3A_204, %get3A_205] {strides = array<i32>} : memref<128x128xf32, #tpu.memory_space<vmem>>, vector<1x16xf32>,
        %get3A_207 = vector.shape_cast %get3A_206 : vector<1x16xf32> to vector<16xf32>
        %add3A_208 = arith.addf %get3A_203, %get3A_207 : vector<16xf32>
        %max3A = arith.constant 0.000000e+00 : f32
        %max3A_209 = vector.broadcast %max3A : f32 to vector<16xf32>
        %max3A_210 = arith.maximumf %add3A_208, %max3A_209 : vector<16xf32>
        %swap3A = arith.index_cast %add3A_200 : i32 to index
        %swap3A_211 = arith.constant 0 : index
        %swap3A_212 = tpu.vector_load %arg9[%swap3A, %swap3A_211] {strides = array<i32>} : memref<128x128xf32, #tpu.memory_space<vmem>>, vector<1x16xf32>,
        %swap3A_213 = vector.shape_cast %swap3A_212 : vector<1x16xf32> to vector<16xf32>
        %swap3A_214 = vector.shape_cast %max3A_210 : vector<16xf32> to vector<1x16xf32>
        tpu.vector_store %arg9[%swap3A, %swap3A_211], %swap3A_214 {strides = array<i32>} : memref<128x128xf32, #tpu.memory_space<vmem>>, vector<1x16xf32>,
        %get3A_215 = arith.index_cast %add3A_200 : i32 to index
        %get3A_216 = arith.constant 16 : index
        %get3A_217 = tpu.vector_load %arg9[%get3A_215, %get3A_216] {strides = array<i32>} : memref<128x128xf32, #tpu.memory_space<vmem>>, vector<1x16xf32>,
        %get3A_218 = vector.shape_cast %get3A_217 : vector<1x16xf32> to vector<16xf32>
        %get3A_219 = arith.index_cast %add3A_200 : i32 to index
        %get3A_220 = arith.constant 16 : index
        %get3A_221 = tpu.vector_load %arg11[%get3A_219, %get3A_220] {strides = array<i32>} : memref<128x128xf32, #tpu.memory_space<vmem>>, vector<1x16xf32>,
        %get3A_222 = vector.shape_cast %get3A_221 : vector<1x16xf32> to vector<16xf32>
        %add3A_223 = arith.addf %get3A_218, %get3A_222 : vector<16xf32>
        %max3A_224 = arith.constant 0.000000e+00 : f32
        %max3A_225 = vector.broadcast %max3A_224 : f32 to vector<16xf32>
        %max3A_226 = arith.maximumf %add3A_223, %max3A_225 : vector<16xf32>
        %swap3A_227 = arith.index_cast %add3A_200 : i32 to index
        %swap3A_228 = arith.constant 16 : index
        %swap3A_229 = tpu.vector_load %arg9[%swap3A_227, %swap3A_228] {strides = array<i32>} : memref<128x128xf32, #tpu.memory_space<vmem>>, vector<1x16xf32>,
        %swap3A_230 = vector.shape_cast %swap3A_229 : vector<1x16xf32> to vector<16xf32>
        %swap3A_231 = vector.shape_cast %max3A_226 : vector<16xf32> to vector<1x16xf32>
        tpu.vector_store %arg9[%swap3A_227, %swap3A_228], %swap3A_231 {strides = array<i32>} : memref<128x128xf32, #tpu.memory_space<vmem>>, vector<1x16xf32>,
        %get3A_232 = arith.index_cast %add3A_200 : i32 to index
        %get3A_233 = arith.constant 32 : index
        %get3A_234 = tpu.vector_load %arg9[%get3A_232, %get3A_233] {strides = array<i32>} : memref<128x128xf32, #tpu.memory_space<vmem>>, vector<1x16xf32>,
        %get3A_235 = vector.shape_cast %get3A_234 : vector<1x16xf32> to vector<16xf32>
        %get3A_236 = arith.index_cast %add3A_200 : i32 to index
        %get3A_237 = arith.constant 32 : index
        %get3A_238 = tpu.vector_load %arg11[%get3A_236, %get3A_237] {strides = array<i32>} : memref<128x128xf32, #tpu.memory_space<vmem>>, vector<1x16xf32>,
        %get3A_239 = vector.shape_cast %get3A_238 : vector<1x16xf32> to vector<16xf32>
        %add3A_240 = arith.addf %get3A_235, %get3A_239 : vector<16xf32>
        %max3A_241 = arith.constant 0.000000e+00 : f32
        %max3A_242 = vector.broadcast %max3A_241 : f32 to vector<16xf32>
        %max3A_243 = arith.maximumf %add3A_240, %max3A_242 : vector<16xf32>
        %swap3A_244 = arith.index_cast %add3A_200 : i32 to index
        %swap3A_245 = arith.constant 32 : index
        %swap3A_246 = tpu.vector_load %arg9[%swap3A_244, %swap3A_245] {strides = array<i32>} : memref<128x128xf32, #tpu.memory_space<vmem>>, vector<1x16xf32>,
        %swap3A_247 = vector.shape_cast %swap3A_246 : vector<1x16xf32> to vector<16xf32>
        %swap3A_248 = vector.shape_cast %max3A_243 : vector<16xf32> to vector<1x16xf32>
        tpu.vector_store %arg9[%swap3A_244, %swap3A_245], %swap3A_248 {strides = array<i32>} : memref<128x128xf32, #tpu.memory_space<vmem>>, vector<1x16xf32>,
        %get3A_249 = arith.index_cast %add3A_200 : i32 to index
        %get3A_250 = arith.constant 48 : index
        %get3A_251 = tpu.vector_load %arg9[%get3A_249, %get3A_250] {strides = array<i32>} : memref<128x128xf32, #tpu.memory_space<vmem>>, vector<1x16xf32>,
        %get3A_252 = vector.shape_cast %get3A_251 : vector<1x16xf32> to vector<16xf32>
        %get3A_253 = arith.index_cast %add3A_200 : i32 to index
        %get3A_254 = arith.constant 48 : index
        %get3A_255 = tpu.vector_load %arg11[%get3A_253, %get3A_254] {strides = array<i32>} : memref<128x128xf32, #tpu.memory_space<vmem>>, vector<1x16xf32>,
        %get3A_256 = vector.shape_cast %get3A_255 : vector<1x16xf32> to vector<16xf32>
        %add3A_257 = arith.addf %get3A_252, %get3A_256 : vector<16xf32>
        %max3A_258 = arith.constant 0.000000e+00 : f32
        %max3A_259 = vector.broadcast %max3A_258 : f32 to vector<16xf32>
        %max3A_260 = arith.maximumf %add3A_257, %max3A_259 : vector<16xf32>
        %swap3A_261 = arith.index_cast %add3A_200 : i32 to index
        %swap3A_262 = arith.constant 48 : index
        %swap3A_263 = tpu.vector_load %arg9[%swap3A_261, %swap3A_262] {strides = array<i32>} : memref<128x128xf32, #tpu.memory_space<vmem>>, vector<1x16xf32>,
        %swap3A_264 = vector.shape_cast %swap3A_263 : vector<1x16xf32> to vector<16xf32>
        %swap3A_265 = vector.shape_cast %max3A_260 : vector<16xf32> to vector<1x16xf32>
        tpu.vector_store %arg9[%swap3A_261, %swap3A_262], %swap3A_265 {strides = array<i32>} : memref<128x128xf32, #tpu.memory_space<vmem>>, vector<1x16xf32>,
        %get3A_266 = arith.index_cast %add3A_200 : i32 to index
        %get3A_267 = arith.constant 64 : index
        %get3A_268 = tpu.vector_load %arg9[%get3A_266, %get3A_267] {strides = array<i32>} : memref<128x128xf32, #tpu.memory_space<vmem>>, vector<1x16xf32>,
        %get3A_269 = vector.shape_cast %get3A_268 : vector<1x16xf32> to vector<16xf32>
        %get3A_270 = arith.index_cast %add3A_200 : i32 to index
        %get3A_271 = arith.constant 64 : index
        %get3A_272 = tpu.vector_load %arg11[%get3A_270, %get3A_271] {strides = array<i32>} : memref<128x128xf32, #tpu.memory_space<vmem>>, vector<1x16xf32>,
        %get3A_273 = vector.shape_cast %get3A_272 : vector<1x16xf32> to vector<16xf32>
        %add3A_274 = arith.addf %get3A_269, %get3A_273 : vector<16xf32>
        %max3A_275 = arith.constant 0.000000e+00 : f32
        %max3A_276 = vector.broadcast %max3A_275 : f32 to vector<16xf32>
        %max3A_277 = arith.maximumf %add3A_274, %max3A_276 : vector<16xf32>
        %swap3A_278 = arith.index_cast %add3A_200 : i32 to index
        %swap3A_279 = arith.constant 64 : index
        %swap3A_280 = tpu.vector_load %arg9[%swap3A_278, %swap3A_279] {strides = array<i32>} : memref<128x128xf32, #tpu.memory_space<vmem>>, vector<1x16xf32>,
        %swap3A_281 = vector.shape_cast %swap3A_280 : vector<1x16xf32> to vector<16xf32>
        %swap3A_282 = vector.shape_cast %max3A_277 : vector<16xf32> to vector<1x16xf32>
        tpu.vector_store %arg9[%swap3A_278, %swap3A_279], %swap3A_282 {strides = array<i32>} : memref<128x128xf32, #tpu.memory_space<vmem>>, vector<1x16xf32>,
        %get3A_283 = arith.index_cast %add3A_200 : i32 to index
        %get3A_284 = arith.constant 80 : index
        %get3A_285 = tpu.vector_load %arg9[%get3A_283, %get3A_284] {strides = array<i32>} : memref<128x128xf32, #tpu.memory_space<vmem>>, vector<1x16xf32>,
        %get3A_286 = vector.shape_cast %get3A_285 : vector<1x16xf32> to vector<16xf32>
        %get3A_287 = arith.index_cast %add3A_200 : i32 to index
        %get3A_288 = arith.constant 80 : index
        %get3A_289 = tpu.vector_load %arg11[%get3A_287, %get3A_288] {strides = array<i32>} : memref<128x128xf32, #tpu.memory_space<vmem>>, vector<1x16xf32>,
        %get3A_290 = vector.shape_cast %get3A_289 : vector<1x16xf32> to vector<16xf32>
        %add3A_291 = arith.addf %get3A_286, %get3A_290 : vector<16xf32>
        %max3A_292 = arith.constant 0.000000e+00 : f32
        %max3A_293 = vector.broadcast %max3A_292 : f32 to vector<16xf32>
        %max3A_294 = arith.maximumf %add3A_291, %max3A_293 : vector<16xf32>
        %swap3A_295 = arith.index_cast %add3A_200 : i32 to index
        %swap3A_296 = arith.constant 80 : index
        %swap3A_297 = tpu.vector_load %arg9[%swap3A_295, %swap3A_296] {strides = array<i32>} : memref<128x128xf32, #tpu.memory_space<vmem>>, vector<1x16xf32>,
        %swap3A_298 = vector.shape_cast %swap3A_297 : vector<1x16xf32> to vector<16xf32>
        %swap3A_299 = vector.shape_cast %max3A_294 : vector<16xf32> to vector<1x16xf32>
        tpu.vector_store %arg9[%swap3A_295, %swap3A_296], %swap3A_299 {strides = array<i32>} : memref<128x128xf32, #tpu.memory_space<vmem>>, vector<1x16xf32>,
        %get3A_300 = arith.index_cast %add3A_200 : i32 to index
        %get3A_301 = arith.constant 96 : index
        %get3A_302 = tpu.vector_load %arg9[%get3A_300, %get3A_301] {strides = array<i32>} : memref<128x128xf32, #tpu.memory_space<vmem>>, vector<1x16xf32>,
        %get3A_303 = vector.shape_cast %get3A_302 : vector<1x16xf32> to vector<16xf32>
        %get3A_304 = arith.index_cast %add3A_200 : i32 to index
        %get3A_305 = arith.constant 96 : index
        %get3A_306 = tpu.vector_load %arg11[%get3A_304, %get3A_305] {strides = array<i32>} : memref<128x128xf32, #tpu.memory_space<vmem>>, vector<1x16xf32>,
        %get3A_307 = vector.shape_cast %get3A_306 : vector<1x16xf32> to vector<16xf32>
        %add3A_308 = arith.addf %get3A_303, %get3A_307 : vector<16xf32>
        %max3A_309 = arith.constant 0.000000e+00 : f32
        %max3A_310 = vector.broadcast %max3A_309 : f32 to vector<16xf32>
        %max3A_311 = arith.maximumf %add3A_308, %max3A_310 : vector<16xf32>
        %swap3A_312 = arith.index_cast %add3A_200 : i32 to index
        %swap3A_313 = arith.constant 96 : index
        %swap3A_314 = tpu.vector_load %arg9[%swap3A_312, %swap3A_313] {strides = array<i32>} : memref<128x128xf32, #tpu.memory_space<vmem>>, vector<1x16xf32>,
        %swap3A_315 = vector.shape_cast %swap3A_314 : vector<1x16xf32> to vector<16xf32>
        %swap3A_316 = vector.shape_cast %max3A_311 : vector<16xf32> to vector<1x16xf32>
        tpu.vector_store %arg9[%swap3A_312, %swap3A_313], %swap3A_316 {strides = array<i32>} : memref<128x128xf32, #tpu.memory_space<vmem>>, vector<1x16xf32>,
        %get3A_317 = arith.index_cast %add3A_200 : i32 to index
        %get3A_318 = arith.constant 112 : index
        %get3A_319 = tpu.vector_load %arg9[%get3A_317, %get3A_318] {strides = array<i32>} : memref<128x128xf32, #tpu.memory_space<vmem>>, vector<1x16xf32>,
        %get3A_320 = vector.shape_cast %get3A_319 : vector<1x16xf32> to vector<16xf32>
        %get3A_321 = arith.index_cast %add3A_200 : i32 to index
        %get3A_322 = arith.constant 112 : index
        %get3A_323 = tpu.vector_load %arg11[%get3A_321, %get3A_322] {strides = array<i32>} : memref<128x128xf32, #tpu.memory_space<vmem>>, vector<1x16xf32>,
        %get3A_324 = vector.shape_cast %get3A_323 : vector<1x16xf32> to vector<16xf32>
        %add3A_325 = arith.addf %get3A_320, %get3A_324 : vector<16xf32>
        %max3A_326 = arith.constant 0.000000e+00 : f32
        %max3A_327 = vector.broadcast %max3A_326 : f32 to vector<16xf32>
        %max3A_328 = arith.maximumf %add3A_325, %max3A_327 : vector<16xf32>
        %swap3A_329 = arith.index_cast %add3A_200 : i32 to index
        %swap3A_330 = arith.constant 112 : index
        %swap3A_331 = tpu.vector_load %arg9[%swap3A_329, %swap3A_330] {strides = array<i32>} : memref<128x128xf32, #tpu.memory_space<vmem>>, vector<1x16xf32>,
        %swap3A_332 = vector.shape_cast %swap3A_331 : vector<1x16xf32> to vector<16xf32>
        %swap3A_333 = vector.shape_cast %max3A_328 : vector<16xf32> to vector<1x16xf32>
        tpu.vector_store %arg9[%swap3A_329, %swap3A_330], %swap3A_333 {strides = array<i32>} : memref<128x128xf32, #tpu.memory_space<vmem>>, vector<1x16xf32>,
        %mul3A_334 = arith.constant 2 : i32
        %mul3A_335 = arith.muli %mul3A_334, %scan3A_195 : i32
        %add3A_336 = arith.constant 1 : i32
        %add3A_337 = arith.addi %mul3A_335, %add3A_336 : i32
        %get3A_338 = arith.index_cast %add3A_337 : i32 to index
        %get3A_339 = arith.constant 0 : index
        %get3A_340 = tpu.vector_load %arg9[%get3A_338, %get3A_339] {strides = array<i32>} : memref<128x128xf32, #tpu.memory_space<vmem>>, vector<1x16xf32>,
        %get3A_341 = vector.shape_cast %get3A_340 : vector<1x16xf32> to vector<16xf32>
        %get3A_342 = arith.index_cast %add3A_337 : i32 to index
        %get3A_343 = arith.constant 0 : index
        %get3A_344 = tpu.vector_load %arg11[%get3A_342, %get3A_343] {strides = array<i32>} : memref<128x128xf32, #tpu.memory_space<vmem>>, vector<1x16xf32>,
        %get3A_345 = vector.shape_cast %get3A_344 : vector<1x16xf32> to vector<16xf32>
        %add3A_346 = arith.addf %get3A_341, %get3A_345 : vector<16xf32>
        %max3A_347 = arith.constant 0.000000e+00 : f32
        %max3A_348 = vector.broadcast %max3A_347 : f32 to vector<16xf32>
        %max3A_349 = arith.maximumf %add3A_346, %max3A_348 : vector<16xf32>
        %swap3A_350 = arith.index_cast %add3A_337 : i32 to index
        %swap3A_351 = arith.constant 0 : index
        %swap3A_352 = tpu.vector_load %arg9[%swap3A_350, %swap3A_351] {strides = array<i32>} : memref<128x128xf32, #tpu.memory_space<vmem>>, vector<1x16xf32>,
        %swap3A_353 = vector.shape_cast %swap3A_352 : vector<1x16xf32> to vector<16xf32>
        %swap3A_354 = vector.shape_cast %max3A_349 : vector<16xf32> to vector<1x16xf32>
        tpu.vector_store %arg9[%swap3A_350, %swap3A_351], %swap3A_354 {strides = array<i32>} : memref<128x128xf32, #tpu.memory_space<vmem>>, vector<1x16xf32>,
        %get3A_355 = arith.index_cast %add3A_337 : i32 to index
        %get3A_356 = arith.constant 16 : index
        %get3A_357 = tpu.vector_load %arg9[%get3A_355, %get3A_356] {strides = array<i32>} : memref<128x128xf32, #tpu.memory_space<vmem>>, vector<1x16xf32>,
        %get3A_358 = vector.shape_cast %get3A_357 : vector<1x16xf32> to vector<16xf32>
        %get3A_359 = arith.index_cast %add3A_337 : i32 to index
        %get3A_360 = arith.constant 16 : index
        %get3A_361 = tpu.vector_load %arg11[%get3A_359, %get3A_360] {strides = array<i32>} : memref<128x128xf32, #tpu.memory_space<vmem>>, vector<1x16xf32>,
        %get3A_362 = vector.shape_cast %get3A_361 : vector<1x16xf32> to vector<16xf32>
        %add3A_363 = arith.addf %get3A_358, %get3A_362 : vector<16xf32>
        %max3A_364 = arith.constant 0.000000e+00 : f32
        %max3A_365 = vector.broadcast %max3A_364 : f32 to vector<16xf32>
        %max3A_366 = arith.maximumf %add3A_363, %max3A_365 : vector<16xf32>
        %swap3A_367 = arith.index_cast %add3A_337 : i32 to index
        %swap3A_368 = arith.constant 16 : index
        %swap3A_369 = tpu.vector_load %arg9[%swap3A_367, %swap3A_368] {strides = array<i32>} : memref<128x128xf32, #tpu.memory_space<vmem>>, vector<1x16xf32>,
        %swap3A_370 = vector.shape_cast %swap3A_369 : vector<1x16xf32> to vector<16xf32>
        %swap3A_371 = vector.shape_cast %max3A_366 : vector<16xf32> to vector<1x16xf32>
        tpu.vector_store %arg9[%swap3A_367, %swap3A_368], %swap3A_371 {strides = array<i32>} : memref<128x128xf32, #tpu.memory_space<vmem>>, vector<1x16xf32>,
        %get3A_372 = arith.index_cast %add3A_337 : i32 to index
        %get3A_373 = arith.constant 32 : index
        %get3A_374 = tpu.vector_load %arg9[%get3A_372, %get3A_373] {strides = array<i32>} : memref<128x128xf32, #tpu.memory_space<vmem>>, vector<1x16xf32>,
        %get3A_375 = vector.shape_cast %get3A_374 : vector<1x16xf32> to vector<16xf32>
        %get3A_376 = arith.index_cast %add3A_337 : i32 to index
        %get3A_377 = arith.constant 32 : index
        %get3A_378 = tpu.vector_load %arg11[%get3A_376, %get3A_377] {strides = array<i32>} : memref<128x128xf32, #tpu.memory_space<vmem>>, vector<1x16xf32>,
        %get3A_379 = vector.shape_cast %get3A_378 : vector<1x16xf32> to vector<16xf32>
        %add3A_380 = arith.addf %get3A_375, %get3A_379 : vector<16xf32>
        %max3A_381 = arith.constant 0.000000e+00 : f32
        %max3A_382 = vector.broadcast %max3A_381 : f32 to vector<16xf32>
        %max3A_383 = arith.maximumf %add3A_380, %max3A_382 : vector<16xf32>
        %swap3A_384 = arith.index_cast %add3A_337 : i32 to index
        %swap3A_385 = arith.constant 32 : index
        %swap3A_386 = tpu.vector_load %arg9[%swap3A_384, %swap3A_385] {strides = array<i32>} : memref<128x128xf32, #tpu.memory_space<vmem>>, vector<1x16xf32>,
        %swap3A_387 = vector.shape_cast %swap3A_386 : vector<1x16xf32> to vector<16xf32>
        %swap3A_388 = vector.shape_cast %max3A_383 : vector<16xf32> to vector<1x16xf32>
        tpu.vector_store %arg9[%swap3A_384, %swap3A_385], %swap3A_388 {strides = array<i32>} : memref<128x128xf32, #tpu.memory_space<vmem>>, vector<1x16xf32>,
        %get3A_389 = arith.index_cast %add3A_337 : i32 to index
        %get3A_390 = arith.constant 48 : index
        %get3A_391 = tpu.vector_load %arg9[%get3A_389, %get3A_390] {strides = array<i32>} : memref<128x128xf32, #tpu.memory_space<vmem>>, vector<1x16xf32>,
        %get3A_392 = vector.shape_cast %get3A_391 : vector<1x16xf32> to vector<16xf32>
        %get3A_393 = arith.index_cast %add3A_337 : i32 to index
        %get3A_394 = arith.constant 48 : index
        %get3A_395 = tpu.vector_load %arg11[%get3A_393, %get3A_394] {strides = array<i32>} : memref<128x128xf32, #tpu.memory_space<vmem>>, vector<1x16xf32>,
        %get3A_396 = vector.shape_cast %get3A_395 : vector<1x16xf32> to vector<16xf32>
        %add3A_397 = arith.addf %get3A_392, %get3A_396 : vector<16xf32>
        %max3A_398 = arith.constant 0.000000e+00 : f32
        %max3A_399 = vector.broadcast %max3A_398 : f32 to vector<16xf32>
        %max3A_400 = arith.maximumf %add3A_397, %max3A_399 : vector<16xf32>
        %swap3A_401 = arith.index_cast %add3A_337 : i32 to index
        %swap3A_402 = arith.constant 48 : index
        %swap3A_403 = tpu.vector_load %arg9[%swap3A_401, %swap3A_402] {strides = array<i32>} : memref<128x128xf32, #tpu.memory_space<vmem>>, vector<1x16xf32>,
        %swap3A_404 = vector.shape_cast %swap3A_403 : vector<1x16xf32> to vector<16xf32>
        %swap3A_405 = vector.shape_cast %max3A_400 : vector<16xf32> to vector<1x16xf32>
        tpu.vector_store %arg9[%swap3A_401, %swap3A_402], %swap3A_405 {strides = array<i32>} : memref<128x128xf32, #tpu.memory_space<vmem>>, vector<1x16xf32>,
        %get3A_406 = arith.index_cast %add3A_337 : i32 to index
        %get3A_407 = arith.constant 64 : index
        %get3A_408 = tpu.vector_load %arg9[%get3A_406, %get3A_407] {strides = array<i32>} : memref<128x128xf32, #tpu.memory_space<vmem>>, vector<1x16xf32>,
        %get3A_409 = vector.shape_cast %get3A_408 : vector<1x16xf32> to vector<16xf32>
        %get3A_410 = arith.index_cast %add3A_337 : i32 to index
        %get3A_411 = arith.constant 64 : index
        %get3A_412 = tpu.vector_load %arg11[%get3A_410, %get3A_411] {strides = array<i32>} : memref<128x128xf32, #tpu.memory_space<vmem>>, vector<1x16xf32>,
        %get3A_413 = vector.shape_cast %get3A_412 : vector<1x16xf32> to vector<16xf32>
        %add3A_414 = arith.addf %get3A_409, %get3A_413 : vector<16xf32>
        %max3A_415 = arith.constant 0.000000e+00 : f32
        %max3A_416 = vector.broadcast %max3A_415 : f32 to vector<16xf32>
        %max3A_417 = arith.maximumf %add3A_414, %max3A_416 : vector<16xf32>
        %swap3A_418 = arith.index_cast %add3A_337 : i32 to index
        %swap3A_419 = arith.constant 64 : index
        %swap3A_420 = tpu.vector_load %arg9[%swap3A_418, %swap3A_419] {strides = array<i32>} : memref<128x128xf32, #tpu.memory_space<vmem>>, vector<1x16xf32>,
        %swap3A_421 = vector.shape_cast %swap3A_420 : vector<1x16xf32> to vector<16xf32>
        %swap3A_422 = vector.shape_cast %max3A_417 : vector<16xf32> to vector<1x16xf32>
        tpu.vector_store %arg9[%swap3A_418, %swap3A_419], %swap3A_422 {strides = array<i32>} : memref<128x128xf32, #tpu.memory_space<vmem>>, vector<1x16xf32>,
        %get3A_423 = arith.index_cast %add3A_337 : i32 to index
        %get3A_424 = arith.constant 80 : index
        %get3A_425 = tpu.vector_load %arg9[%get3A_423, %get3A_424] {strides = array<i32>} : memref<128x128xf32, #tpu.memory_space<vmem>>, vector<1x16xf32>,
        %get3A_426 = vector.shape_cast %get3A_425 : vector<1x16xf32> to vector<16xf32>
        %get3A_427 = arith.index_cast %add3A_337 : i32 to index
        %get3A_428 = arith.constant 80 : index
        %get3A_429 = tpu.vector_load %arg11[%get3A_427, %get3A_428] {strides = array<i32>} : memref<128x128xf32, #tpu.memory_space<vmem>>, vector<1x16xf32>,
        %get3A_430 = vector.shape_cast %get3A_429 : vector<1x16xf32> to vector<16xf32>
        %add3A_431 = arith.addf %get3A_426, %get3A_430 : vector<16xf32>
        %max3A_432 = arith.constant 0.000000e+00 : f32
        %max3A_433 = vector.broadcast %max3A_432 : f32 to vector<16xf32>
        %max3A_434 = arith.maximumf %add3A_431, %max3A_433 : vector<16xf32>
        %swap3A_435 = arith.index_cast %add3A_337 : i32 to index
        %swap3A_436 = arith.constant 80 : index
        %swap3A_437 = tpu.vector_load %arg9[%swap3A_435, %swap3A_436] {strides = array<i32>} : memref<128x128xf32, #tpu.memory_space<vmem>>, vector<1x16xf32>,
        %swap3A_438 = vector.shape_cast %swap3A_437 : vector<1x16xf32> to vector<16xf32>
        %swap3A_439 = vector.shape_cast %max3A_434 : vector<16xf32> to vector<1x16xf32>
        tpu.vector_store %arg9[%swap3A_435, %swap3A_436], %swap3A_439 {strides = array<i32>} : memref<128x128xf32, #tpu.memory_space<vmem>>, vector<1x16xf32>,
        %get3A_440 = arith.index_cast %add3A_337 : i32 to index
        %get3A_441 = arith.constant 96 : index
        %get3A_442 = tpu.vector_load %arg9[%get3A_440, %get3A_441] {strides = array<i32>} : memref<128x128xf32, #tpu.memory_space<vmem>>, vector<1x16xf32>,
        %get3A_443 = vector.shape_cast %get3A_442 : vector<1x16xf32> to vector<16xf32>
        %get3A_444 = arith.index_cast %add3A_337 : i32 to index
        %get3A_445 = arith.constant 96 : index
        %get3A_446 = tpu.vector_load %arg11[%get3A_444, %get3A_445] {strides = array<i32>} : memref<128x128xf32, #tpu.memory_space<vmem>>, vector<1x16xf32>,
        %get3A_447 = vector.shape_cast %get3A_446 : vector<1x16xf32> to vector<16xf32>
        %add3A_448 = arith.addf %get3A_443, %get3A_447 : vector<16xf32>
        %max3A_449 = arith.constant 0.000000e+00 : f32
        %max3A_450 = vector.broadcast %max3A_449 : f32 to vector<16xf32>
        %max3A_451 = arith.maximumf %add3A_448, %max3A_450 : vector<16xf32>
        %swap3A_452 = arith.index_cast %add3A_337 : i32 to index
        %swap3A_453 = arith.constant 96 : index
        %swap3A_454 = tpu.vector_load %arg9[%swap3A_452, %swap3A_453] {strides = array<i32>} : memref<128x128xf32, #tpu.memory_space<vmem>>, vector<1x16xf32>,
        %swap3A_455 = vector.shape_cast %swap3A_454 : vector<1x16xf32> to vector<16xf32>
        %swap3A_456 = vector.shape_cast %max3A_451 : vector<16xf32> to vector<1x16xf32>
        tpu.vector_store %arg9[%swap3A_452, %swap3A_453], %swap3A_456 {strides = array<i32>} : memref<128x128xf32, #tpu.memory_space<vmem>>, vector<1x16xf32>,
        %get3A_457 = arith.index_cast %add3A_337 : i32 to index
        %get3A_458 = arith.constant 112 : index
        %get3A_459 = tpu.vector_load %arg9[%get3A_457, %get3A_458] {strides = array<i32>} : memref<128x128xf32, #tpu.memory_space<vmem>>, vector<1x16xf32>,
        %get3A_460 = vector.shape_cast %get3A_459 : vector<1x16xf32> to vector<16xf32>
        %get3A_461 = arith.index_cast %add3A_337 : i32 to index
        %get3A_462 = arith.constant 112 : index
        %get3A_463 = tpu.vector_load %arg11[%get3A_461, %get3A_462] {strides = array<i32>} : memref<128x128xf32, #tpu.memory_space<vmem>>, vector<1x16xf32>,
        %get3A_464 = vector.shape_cast %get3A_463 : vector<1x16xf32> to vector<16xf32>
        %add3A_465 = arith.addf %get3A_460, %get3A_464 : vector<16xf32>
        %max3A_466 = arith.constant 0.000000e+00 : f32
        %max3A_467 = vector.broadcast %max3A_466 : f32 to vector<16xf32>
        %max3A_468 = arith.maximumf %add3A_465, %max3A_467 : vector<16xf32>
        %swap3A_469 = arith.index_cast %add3A_337 : i32 to index
        %swap3A_470 = arith.constant 112 : index
        %swap3A_471 = tpu.vector_load %arg9[%swap3A_469, %swap3A_470] {strides = array<i32>} : memref<128x128xf32, #tpu.memory_space<vmem>>, vector<1x16xf32>,
        %swap3A_472 = vector.shape_cast %swap3A_471 : vector<1x16xf32> to vector<16xf32>
        %swap3A_473 = vector.shape_cast %max3A_468 : vector<16xf32> to vector<1x16xf32>
        tpu.vector_store %arg9[%swap3A_469, %swap3A_470], %swap3A_473 {strides = array<i32>} : memref<128x128xf32, #tpu.memory_space<vmem>>, vector<1x16xf32>,
        %scan3A_474 = arith.constant 0 : i32
        scf.yield %scan3A_474 : i32
      }
      %scan3A_106 = arith.constant 64 : i32
      "tpu.region"() ({
        %run_scoped3A = tpu.sem_alloc : memref<!tpu.dma_semaphore, #tpu.memory_space<semaphore_mem>>
        %dma_start3A_195 = arith.constant 0 : i32
        %dma_start3A_196 = tpu.memref_slice %arg8[%select_n3A_61, %dma_start3A_195] : memref<80x128xi32, #tpu.memory_space<vmem>> -> memref<1x128xi32, #tpu.memory_space<vmem>>
        %dma_start3A_197 = tpu.memref_squeeze %dma_start3A_196 : memref<1x128xi32, #tpu.memory_space<vmem>> -> memref<128xi32, #tpu.memory_space<vmem>>
        %dma_start3A_198 = arith.constant 0 : i32
        %dma_start3A_199 = arith.constant 0 : i32
        %dma_start3A_200 = tpu.memref_slice %arg13[%dma_start3A_198, %dma_start3A_199] : memref<5120x128xf32, #tpu.memory_space<vmem_shared>> -> memref<5120x128xf32, #tpu.memory_space<vmem_shared>>
        tpu.enqueue_indirect_dma source(%arg9 : memref<128x128xf32, #tpu.memory_space<vmem>>) target(%dma_start3A_200 : memref<5120x128xf32, #tpu.memory_space<vmem_shared>>) offsets(%dma_start3A_197 : memref<128xi32, #tpu.memory_space<vmem>>) semaphore(%run_scoped3A : memref<!tpu.dma_semaphore, #tpu.memory_space<semaphore_mem>>) {add = true}
        %dma_wait3A_201 = arith.constant 0 : i32
        %dma_wait3A_202 = tpu.memref_slice %arg8[%select_n3A_61, %dma_wait3A_201] : memref<80x128xi32, #tpu.memory_space<vmem>> -> memref<1x128xi32, #tpu.memory_space<vmem>>
        %dma_wait3A_203 = tpu.memref_squeeze %dma_wait3A_202 : memref<1x128xi32, #tpu.memory_space<vmem>> -> memref<128xi32, #tpu.memory_space<vmem>>
        %dma_wait3A_204 = arith.constant 0 : i32
        %dma_wait3A_205 = arith.constant 0 : i32
        %dma_wait3A_206 = tpu.memref_slice %arg13[%dma_wait3A_204, %dma_wait3A_205] : memref<5120x128xf32, #tpu.memory_space<vmem_shared>> -> memref<5120x128xf32, #tpu.memory_space<vmem_shared>>
        tpu.wait_indirect_dma semaphore(%run_scoped3A : memref<!tpu.dma_semaphore, #tpu.memory_space<semaphore_mem>>) src(%arg9 : memref<128x128xf32, #tpu.memory_space<vmem>>) dst(%dma_wait3A_206 : memref<5120x128xf32, #tpu.memory_space<vmem_shared>>)
        tpu.yield
      }) : () -> ()
      %not3A = arith.constant true
      %not3A_107 = arith.xori %ne3A_98, %not3A : i1
      %add3A_108 = arith.constant 1 : i32
      %add3A_109 = arith.addi %add3A_52, %add3A_108 : i32
      %lt3A_110 = arith.constant 160 : i32
      %lt3A_111 = arith.cmpi slt, %add3A_109, %lt3A_110 : i32
      %and3A_112 = arith.andi %not3A_107, %lt3A_111 : i1
      %convert_element_type3A_113 = arith.extui %and3A_112 : i1 to i32
      %cond3A_114 = arith.constant 0 : i32
      %cond3A_115 = arith.cmpi ne, %convert_element_type3A_113, %cond3A_114 : i32
      scf.if %cond3A_115 {
        %add3A_195 = arith.constant 1 : i32
        %add3A_196 = arith.addi %add3A_52, %add3A_195 : i32
        %mul3A_197 = arith.constant 160 : i32
        %mul3A_198 = arith.muli %arg1, %mul3A_197 : i32
        %add3A_199 = arith.addi %mul3A_198, %add3A_196 : i32
        %multiple_of3A_200 = tpu.assume_multiple %add3A_199, 8 : i32
        "tpu.region"() ({
          %run_scoped3A = tpu.sem_alloc : memref<!tpu.dma_semaphore, #tpu.memory_space<semaphore_mem>>
          %dma_start3A_237 = arith.constant 0 : i32
          %dma_start3A_238 = tpu.memref_slice %arg3[%arg0, %multiple_of3A_200, %dma_start3A_237] : memref<2x2560x128xi32, #tpu.memory_space<hbm>> -> memref<1x80x128xi32, #tpu.memory_space<hbm>>
          %dma_start3A_239 = tpu.memref_squeeze %dma_start3A_238 : memref<1x80x128xi32, #tpu.memory_space<hbm>> -> memref<80x128xi32, #tpu.memory_space<hbm>>
          %dma_start3A_240 = arith.constant 0 : i32
          %dma_start3A_241 = tpu.memref_slice %arg3[%arg0, %multiple_of3A_200, %dma_start3A_240] : memref<2x2560x128xi32, #tpu.memory_space<hbm>> -> memref<1x80x128xi32, #tpu.memory_space<hbm>>
          %dma_start3A_242 = tpu.memref_squeeze %dma_start3A_241 : memref<1x80x128xi32, #tpu.memory_space<hbm>> -> memref<80x128xi32, #tpu.memory_space<hbm>>
          tpu.enqueue_dma source(%dma_start3A_242 : memref<80x128xi32, #tpu.memory_space<hbm>>) target(%arg7 : memref<80x128xi32, #tpu.memory_space<vmem>>) target_semaphore(%run_scoped3A : memref<!tpu.dma_semaphore, #tpu.memory_space<semaphore_mem>>)
          %dma_wait3A_243 = arith.constant 0 : i32
          %dma_wait3A_244 = tpu.memref_slice %arg3[%arg0, %multiple_of3A_200, %dma_wait3A_243] : memref<2x2560x128xi32, #tpu.memory_space<hbm>> -> memref<1x80x128xi32, #tpu.memory_space<hbm>>
          %dma_wait3A_245 = tpu.memref_squeeze %dma_wait3A_244 : memref<1x80x128xi32, #tpu.memory_space<hbm>> -> memref<80x128xi32, #tpu.memory_space<hbm>>
          %dma_wait3A_246 = arith.constant 0 : i32
          %dma_wait3A_247 = tpu.memref_slice %arg3[%arg0, %multiple_of3A_200, %dma_wait3A_246] : memref<2x2560x128xi32, #tpu.memory_space<hbm>> -> memref<1x80x128xi32, #tpu.memory_space<hbm>>
          %dma_wait3A_248 = tpu.memref_squeeze %dma_wait3A_247 : memref<1x80x128xi32, #tpu.memory_space<hbm>> -> memref<80x128xi32, #tpu.memory_space<hbm>>
          tpu.wait_dma2 semaphore(%run_scoped3A : memref<!tpu.dma_semaphore, #tpu.memory_space<semaphore_mem>>) src(%dma_wait3A_248 : memref<80x128xi32, #tpu.memory_space<hbm>>) dst(%arg7 : memref<80x128xi32, #tpu.memory_space<vmem>>)
          tpu.yield
        }) : () -> ()
        "tpu.region"() ({
          %run_scoped3A = tpu.sem_alloc : memref<!tpu.dma_semaphore, #tpu.memory_space<semaphore_mem>>
          %dma_start3A_237 = arith.constant 0 : i32
          %dma_start3A_238 = tpu.memref_slice %arg4[%arg0, %multiple_of3A_200, %dma_start3A_237] : memref<2x2560x128xi32, #tpu.memory_space<hbm>> -> memref<1x80x128xi32, #tpu.memory_space<hbm>>
          %dma_start3A_239 = tpu.memref_squeeze %dma_start3A_238 : memref<1x80x128xi32, #tpu.memory_space<hbm>> -> memref<80x128xi32, #tpu.memory_space<hbm>>
          %dma_start3A_240 = arith.constant 0 : i32
          %dma_start3A_241 = tpu.memref_slice %arg4[%arg0, %multiple_of3A_200, %dma_start3A_240] : memref<2x2560x128xi32, #tpu.memory_space<hbm>> -> memref<1x80x128xi32, #tpu.memory_space<hbm>>
          %dma_start3A_242 = tpu.memref_squeeze %dma_start3A_241 : memref<1x80x128xi32, #tpu.memory_space<hbm>> -> memref<80x128xi32, #tpu.memory_space<hbm>>
          tpu.enqueue_dma source(%dma_start3A_242 : memref<80x128xi32, #tpu.memory_space<hbm>>) target(%arg8 : memref<80x128xi32, #tpu.memory_space<vmem>>) target_semaphore(%run_scoped3A : memref<!tpu.dma_semaphore, #tpu.memory_space<semaphore_mem>>)
          %dma_wait3A_243 = arith.constant 0 : i32
          %dma_wait3A_244 = tpu.memref_slice %arg4[%arg0, %multiple_of3A_200, %dma_wait3A_243] : memref<2x2560x128xi32, #tpu.memory_space<hbm>> -> memref<1x80x128xi32, #tpu.memory_space<hbm>>
          %dma_wait3A_245 = tpu.memref_squeeze %dma_wait3A_244 : memref<1x80x128xi32, #tpu.memory_space<hbm>> -> memref<80x128xi32, #tpu.memory_space<hbm>>
          %dma_wait3A_246 = arith.constant 0 : i32
          %dma_wait3A_247 = tpu.memref_slice %arg4[%arg0, %multiple_of3A_200, %dma_wait3A_246] : memref<2x2560x128xi32, #tpu.memory_space<hbm>> -> memref<1x80x128xi32, #tpu.memory_space<hbm>>
          %dma_wait3A_248 = tpu.memref_squeeze %dma_wait3A_247 : memref<1x80x128xi32, #tpu.memory_space<hbm>> -> memref<80x128xi32, #tpu.memory_space<hbm>>
          tpu.wait_dma2 semaphore(%run_scoped3A : memref<!tpu.dma_semaphore, #tpu.memory_space<semaphore_mem>>) src(%dma_wait3A_248 : memref<80x128xi32, #tpu.memory_space<hbm>>) dst(%arg8 : memref<80x128xi32, #tpu.memory_space<vmem>>)
          tpu.yield
        }) : () -> ()
        %add3A_201 = arith.constant 1 : i32
        %add3A_202 = arith.addi %add3A_52, %add3A_201 : i32
        %jit3A_203 = arith.constant 80 : i32
        %eq3A_204 = arith.constant 0 : i32
        %eq3A_205 = arith.cmpi eq, %jit3A_203, %eq3A_204 : i32
        %jit3A_206 = arith.constant 1 : i32
        %select_n3A_207 = arith.select %eq3A_205, %jit3A_206, %jit3A_203 : i32
        %rem3A_208 = arith.remsi %add3A_202, %select_n3A_207 : i32
        %ne3A_209 = arith.constant 0 : i32
        %ne3A_210 = arith.cmpi ne, %rem3A_208, %ne3A_209 : i32
        %lt3A_211 = arith.constant 0 : i32
        %lt3A_212 = arith.cmpi slt, %rem3A_208, %lt3A_211 : i32
        %lt3A_213 = arith.constant 0 : i32
        %lt3A_214 = arith.cmpi slt, %select_n3A_207, %lt3A_213 : i32
        %ne3A_215 = arith.xori %lt3A_212, %lt3A_214 : i1
        %and3A_216 = arith.andi %ne3A_215, %ne3A_210 : i1
        %add3A_217 = arith.addi %rem3A_208, %select_n3A_207 : i32
        %select_n3A_218 = arith.select %and3A_216, %add3A_217, %rem3A_208 : i32
        %mul3A_219 = arith.constant 20480 : i32
        %mul3A_220 = arith.muli %arg1, %mul3A_219 : i32
        %mul3A_221 = arith.constant 128 : i32
        %mul3A_222 = arith.muli %add3A_202, %mul3A_221 : i32
        %add3A_223 = arith.addi %mul3A_220, %mul3A_222 : i32
        %dma_start3A_224 = arith.constant 0 : i32
        %dma_start3A_225 = arith.constant 0 : i32
        %dma_start3A_226 = tpu.memref_slice %arg5[%dma_start3A_224, %add3A_223, %dma_start3A_225] : memref<1x327680x128xf32, #tpu.memory_space<hbm>> -> memref<1x128x128xf32, #tpu.memory_space<hbm>>
        %dma_start3A_227 = tpu.memref_squeeze %dma_start3A_226 : memref<1x128x128xf32, #tpu.memory_space<hbm>> -> memref<128x128xf32, #tpu.memory_space<hbm>>
        %dma_start3A_228 = arith.constant 0 : i32
        %dma_start3A_229 = tpu.memref_slice %arg5[%dma_start3A_224, %add3A_223, %dma_start3A_228] : memref<1x327680x128xf32, #tpu.memory_space<hbm>> -> memref<1x128x128xf32, #tpu.memory_space<hbm>>
        %dma_start3A_230 = tpu.memref_squeeze %dma_start3A_229 : memref<1x128x128xf32, #tpu.memory_space<hbm>> -> memref<128x128xf32, #tpu.memory_space<hbm>>
        tpu.enqueue_dma source(%dma_start3A_230 : memref<128x128xf32, #tpu.memory_space<hbm>>) target(%arg12 : memref<128x128xf32, #tpu.memory_space<vmem>>) target_semaphore(%arg15 : memref<!tpu.dma_semaphore, #tpu.memory_space<semaphore_mem>>)
        %dma_start3A_231 = arith.constant 0 : i32
        %dma_start3A_232 = tpu.memref_slice %arg7[%select_n3A_218, %dma_start3A_231] : memref<80x128xi32, #tpu.memory_space<vmem>> -> memref<1x128xi32, #tpu.memory_space<vmem>>
        %dma_start3A_233 = tpu.memref_squeeze %dma_start3A_232 : memref<1x128xi32, #tpu.memory_space<vmem>> -> memref<128xi32, #tpu.memory_space<vmem>>
        %dma_start3A_234 = arith.constant 0 : i32
        %dma_start3A_235 = arith.constant 0 : i32
        %dma_start3A_236 = tpu.memref_slice %arg2[%dma_start3A_234, %dma_start3A_235] : memref<10240x128xf32, #tpu.memory_space<hbm>> -> memref<10240x128xf32, #tpu.memory_space<hbm>>
        tpu.enqueue_indirect_dma source(%dma_start3A_236 : memref<10240x128xf32, #tpu.memory_space<hbm>>) target(%arg10 : memref<128x128xf32, #tpu.memory_space<vmem>>) offsets(%dma_start3A_233 : memref<128xi32, #tpu.memory_space<vmem>>) semaphore(%arg15 : memref<!tpu.dma_semaphore, #tpu.memory_space<semaphore_mem>>)
      } else {
      }
      %mul3A_116 = arith.constant 2 : i32
      %mul3A_117 = arith.muli %mul3A_116, %scan3A_47 : i32
      %add3A_118 = arith.constant 1 : i32
      %add3A_119 = arith.addi %mul3A_117, %add3A_118 : i32
      %jit3A_120 = arith.constant 80 : i32
      %eq3A_121 = arith.constant 0 : i32
      %eq3A_122 = arith.cmpi eq, %jit3A_120, %eq3A_121 : i32
      %jit3A_123 = arith.constant 1 : i32
      %select_n3A_124 = arith.select %eq3A_122, %jit3A_123, %jit3A_120 : i32
      %rem3A_125 = arith.remsi %add3A_119, %select_n3A_124 : i32
      %ne3A_126 = arith.constant 0 : i32
      %ne3A_127 = arith.cmpi ne, %rem3A_125, %ne3A_126 : i32
      %lt3A_128 = arith.constant 0 : i32
      %lt3A_129 = arith.cmpi slt, %rem3A_125, %lt3A_128 : i32
      %lt3A_130 = arith.constant 0 : i32
      %lt3A_131 = arith.cmpi slt, %select_n3A_124, %lt3A_130 : i32
      %ne3A_132 = arith.xori %lt3A_129, %lt3A_131 : i1
      %and3A_133 = arith.andi %ne3A_132, %ne3A_127 : i1
      %add3A_134 = arith.addi %rem3A_125, %select_n3A_124 : i32
      %select_n3A_135 = arith.select %and3A_133, %add3A_134, %rem3A_125 : i32
      %mul3A_136 = arith.constant 20480 : i32
      %mul3A_137 = arith.muli %arg1, %mul3A_136 : i32
      %mul3A_138 = arith.constant 128 : i32
      %mul3A_139 = arith.muli %add3A_119, %mul3A_138 : i32
      %add3A_140 = arith.addi %mul3A_137, %mul3A_139 : i32
      %dma_wait3A_141 = arith.constant 0 : i32
      %dma_wait3A_142 = arith.constant 0 : i32
      %dma_wait3A_143 = tpu.memref_slice %arg5[%dma_wait3A_141, %add3A_140, %dma_wait3A_142] : memref<1x327680x128xf32, #tpu.memory_space<hbm>> -> memref<1x128x128xf32, #tpu.memory_space<hbm>>
      %dma_wait3A_144 = tpu.memref_squeeze %dma_wait3A_143 : memref<1x128x128xf32, #tpu.memory_space<hbm>> -> memref<128x128xf32, #tpu.memory_space<hbm>>
      %dma_wait3A_145 = arith.constant 0 : i32
      %dma_wait3A_146 = tpu.memref_slice %arg5[%dma_wait3A_141, %add3A_140, %dma_wait3A_145] : memref<1x327680x128xf32, #tpu.memory_space<hbm>> -> memref<1x128x128xf32, #tpu.memory_space<hbm>>
      %dma_wait3A_147 = tpu.memref_squeeze %dma_wait3A_146 : memref<1x128x128xf32, #tpu.memory_space<hbm>> -> memref<128x128xf32, #tpu.memory_space<hbm>>
      tpu.wait_dma2 semaphore(%arg15 : memref<!tpu.dma_semaphore, #tpu.memory_space<semaphore_mem>>) src(%dma_wait3A_147 : memref<128x128xf32, #tpu.memory_space<hbm>>) dst(%arg12 : memref<128x128xf32, #tpu.memory_space<vmem>>)
      %dma_wait3A_148 = arith.constant 0 : i32
      %dma_wait3A_149 = tpu.memref_slice %arg7[%select_n3A_135, %dma_wait3A_148] : memref<80x128xi32, #tpu.memory_space<vmem>> -> memref<1x128xi32, #tpu.memory_space<vmem>>
      %dma_wait3A_150 = tpu.memref_squeeze %dma_wait3A_149 : memref<1x128xi32, #tpu.memory_space<vmem>> -> memref<128xi32, #tpu.memory_space<vmem>>
      %dma_wait3A_151 = arith.constant 0 : i32
      %dma_wait3A_152 = arith.constant 0 : i32
      %dma_wait3A_153 = tpu.memref_slice %arg2[%dma_wait3A_151, %dma_wait3A_152] : memref<10240x128xf32, #tpu.memory_space<hbm>> -> memref<10240x128xf32, #tpu.memory_space<hbm>>
      tpu.wait_indirect_dma semaphore(%arg15 : memref<!tpu.dma_semaphore, #tpu.memory_space<semaphore_mem>>) src(%dma_wait3A_153 : memref<10240x128xf32, #tpu.memory_space<hbm>>) dst(%arg10 : memref<128x128xf32, #tpu.memory_space<vmem>>)
      %add3A_154 = arith.constant 1 : i32
      %add3A_155 = arith.addi %add3A_119, %add3A_154 : i32
      %jit3A_156 = arith.constant 80 : i32
      %eq3A_157 = arith.constant 0 : i32
      %eq3A_158 = arith.cmpi eq, %jit3A_156, %eq3A_157 : i32
      %jit3A_159 = arith.constant 1 : i32
      %select_n3A_160 = arith.select %eq3A_158, %jit3A_159, %jit3A_156 : i32
      %rem3A_161 = arith.remsi %add3A_155, %select_n3A_160 : i32
      %ne3A_162 = arith.constant 0 : i32
      %ne3A_163 = arith.cmpi ne, %rem3A_161, %ne3A_162 : i32
      %lt3A_164 = arith.constant 0 : i32
      %lt3A_165 = arith.cmpi slt, %rem3A_161, %lt3A_164 : i32
      %lt3A_166 = arith.constant 0 : i32
      %lt3A_167 = arith.cmpi slt, %select_n3A_160, %lt3A_166 : i32
      %ne3A_168 = arith.xori %lt3A_165, %lt3A_167 : i1
      %and3A_169 = arith.andi %ne3A_168, %ne3A_163 : i1
      %add3A_170 = arith.addi %rem3A_161, %select_n3A_160 : i32
      %select_n3A_171 = arith.select %and3A_169, %add3A_170, %rem3A_161 : i32
      %ne3A_172 = arith.constant 0 : i32
      %ne3A_173 = arith.cmpi ne, %select_n3A_171, %ne3A_172 : i32
      %convert_element_type3A_174 = arith.extui %ne3A_173 : i1 to i32
      %cond3A_175 = arith.constant 0 : i32
      %cond3A_176 = arith.cmpi ne, %convert_element_type3A_174, %cond3A_175 : i32
      scf.if %cond3A_176 {
        %add3A_195 = arith.constant 1 : i32
        %add3A_196 = arith.addi %add3A_119, %add3A_195 : i32
        %jit3A_197 = arith.constant 80 : i32
        %eq3A_198 = arith.constant 0 : i32
        %eq3A_199 = arith.cmpi eq, %jit3A_197, %eq3A_198 : i32
        %jit3A_200 = arith.constant 1 : i32
        %select_n3A_201 = arith.select %eq3A_199, %jit3A_200, %jit3A_197 : i32
        %rem3A_202 = arith.remsi %add3A_196, %select_n3A_201 : i32
        %ne3A_203 = arith.constant 0 : i32
        %ne3A_204 = arith.cmpi ne, %rem3A_202, %ne3A_203 : i32
        %lt3A_205 = arith.constant 0 : i32
        %lt3A_206 = arith.cmpi slt, %rem3A_202, %lt3A_205 : i32
        %lt3A_207 = arith.constant 0 : i32
        %lt3A_208 = arith.cmpi slt, %select_n3A_201, %lt3A_207 : i32
        %ne3A_209 = arith.xori %lt3A_206, %lt3A_208 : i1
        %and3A_210 = arith.andi %ne3A_209, %ne3A_204 : i1
        %add3A_211 = arith.addi %rem3A_202, %select_n3A_201 : i32
        %select_n3A_212 = arith.select %and3A_210, %add3A_211, %rem3A_202 : i32
        %mul3A_213 = arith.constant 20480 : i32
        %mul3A_214 = arith.muli %arg1, %mul3A_213 : i32
        %mul3A_215 = arith.constant 128 : i32
        %mul3A_216 = arith.muli %add3A_196, %mul3A_215 : i32
        %add3A_217 = arith.addi %mul3A_214, %mul3A_216 : i32
        %dma_start3A_218 = arith.constant 0 : i32
        %dma_start3A_219 = arith.constant 0 : i32
        %dma_start3A_220 = tpu.memref_slice %arg5[%dma_start3A_218, %add3A_217, %dma_start3A_219] : memref<1x327680x128xf32, #tpu.memory_space<hbm>> -> memref<1x128x128xf32, #tpu.memory_space<hbm>>
        %dma_start3A_221 = tpu.memref_squeeze %dma_start3A_220 : memref<1x128x128xf32, #tpu.memory_space<hbm>> -> memref<128x128xf32, #tpu.memory_space<hbm>>
        %dma_start3A_222 = arith.constant 0 : i32
        %dma_start3A_223 = tpu.memref_slice %arg5[%dma_start3A_218, %add3A_217, %dma_start3A_222] : memref<1x327680x128xf32, #tpu.memory_space<hbm>> -> memref<1x128x128xf32, #tpu.memory_space<hbm>>
        %dma_start3A_224 = tpu.memref_squeeze %dma_start3A_223 : memref<1x128x128xf32, #tpu.memory_space<hbm>> -> memref<128x128xf32, #tpu.memory_space<hbm>>
        tpu.enqueue_dma source(%dma_start3A_224 : memref<128x128xf32, #tpu.memory_space<hbm>>) target(%arg11 : memref<128x128xf32, #tpu.memory_space<vmem>>) target_semaphore(%arg14 : memref<!tpu.dma_semaphore, #tpu.memory_space<semaphore_mem>>)
        %dma_start3A_225 = arith.constant 0 : i32
        %dma_start3A_226 = tpu.memref_slice %arg7[%select_n3A_212, %dma_start3A_225] : memref<80x128xi32, #tpu.memory_space<vmem>> -> memref<1x128xi32, #tpu.memory_space<vmem>>
        %dma_start3A_227 = tpu.memref_squeeze %dma_start3A_226 : memref<1x128xi32, #tpu.memory_space<vmem>> -> memref<128xi32, #tpu.memory_space<vmem>>
        %dma_start3A_228 = arith.constant 0 : i32
        %dma_start3A_229 = arith.constant 0 : i32
        %dma_start3A_230 = tpu.memref_slice %arg2[%dma_start3A_228, %dma_start3A_229] : memref<10240x128xf32, #tpu.memory_space<hbm>> -> memref<10240x128xf32, #tpu.memory_space<hbm>>
        tpu.enqueue_indirect_dma source(%dma_start3A_230 : memref<10240x128xf32, #tpu.memory_space<hbm>>) target(%arg9 : memref<128x128xf32, #tpu.memory_space<vmem>>) offsets(%dma_start3A_227 : memref<128xi32, #tpu.memory_space<vmem>>) semaphore(%arg14 : memref<!tpu.dma_semaphore, #tpu.memory_space<semaphore_mem>>)
      } else {
      }
      %scan3A_177 = arith.constant 0 : i32
      %scan3A_178 = arith.constant 0 : i32
      %scan3A_179 = arith.constant 64 : i32
      %scan3A_180 = arith.addi %scan3A_178, %scan3A_179 : i32
      %scan3A_181 = arith.constant 1 : i32
      %scan3A_182 = scf.for %scan3A_195 = %scan3A_178 to %scan3A_180 step %scan3A_181 iter_args(%scan3A_196 = %scan3A_177) -> (i32)  : i32 {
        %mul3A_197 = arith.constant 2 : i32
        %mul3A_198 = arith.muli %mul3A_197, %scan3A_195 : i32
        %add3A_199 = arith.constant 0 : i32
        %add3A_200 = arith.addi %mul3A_198, %add3A_199 : i32
        %get3A = arith.index_cast %add3A_200 : i32 to index
        %get3A_201 = arith.constant 0 : index
        %get3A_202 = tpu.vector_load %arg10[%get3A, %get3A_201] {strides = array<i32>} : memref<128x128xf32, #tpu.memory_space<vmem>>, vector<1x16xf32>,
        %get3A_203 = vector.shape_cast %get3A_202 : vector<1x16xf32> to vector<16xf32>
        %get3A_204 = arith.index_cast %add3A_200 : i32 to index
        %get3A_205 = arith.constant 0 : index
        %get3A_206 = tpu.vector_load %arg12[%get3A_204, %get3A_205] {strides = array<i32>} : memref<128x128xf32, #tpu.memory_space<vmem>>, vector<1x16xf32>,
        %get3A_207 = vector.shape_cast %get3A_206 : vector<1x16xf32> to vector<16xf32>
        %add3A_208 = arith.addf %get3A_203, %get3A_207 : vector<16xf32>
        %max3A = arith.constant 0.000000e+00 : f32
        %max3A_209 = vector.broadcast %max3A : f32 to vector<16xf32>
        %max3A_210 = arith.maximumf %add3A_208, %max3A_209 : vector<16xf32>
        %swap3A = arith.index_cast %add3A_200 : i32 to index
        %swap3A_211 = arith.constant 0 : index
        %swap3A_212 = tpu.vector_load %arg10[%swap3A, %swap3A_211] {strides = array<i32>} : memref<128x128xf32, #tpu.memory_space<vmem>>, vector<1x16xf32>,
        %swap3A_213 = vector.shape_cast %swap3A_212 : vector<1x16xf32> to vector<16xf32>
        %swap3A_214 = vector.shape_cast %max3A_210 : vector<16xf32> to vector<1x16xf32>
        tpu.vector_store %arg10[%swap3A, %swap3A_211], %swap3A_214 {strides = array<i32>} : memref<128x128xf32, #tpu.memory_space<vmem>>, vector<1x16xf32>,
        %get3A_215 = arith.index_cast %add3A_200 : i32 to index
        %get3A_216 = arith.constant 16 : index
        %get3A_217 = tpu.vector_load %arg10[%get3A_215, %get3A_216] {strides = array<i32>} : memref<128x128xf32, #tpu.memory_space<vmem>>, vector<1x16xf32>,
        %get3A_218 = vector.shape_cast %get3A_217 : vector<1x16xf32> to vector<16xf32>
        %get3A_219 = arith.index_cast %add3A_200 : i32 to index
        %get3A_220 = arith.constant 16 : index
        %get3A_221 = tpu.vector_load %arg12[%get3A_219, %get3A_220] {strides = array<i32>} : memref<128x128xf32, #tpu.memory_space<vmem>>, vector<1x16xf32>,
        %get3A_222 = vector.shape_cast %get3A_221 : vector<1x16xf32> to vector<16xf32>
        %add3A_223 = arith.addf %get3A_218, %get3A_222 : vector<16xf32>
        %max3A_224 = arith.constant 0.000000e+00 : f32
        %max3A_225 = vector.broadcast %max3A_224 : f32 to vector<16xf32>
        %max3A_226 = arith.maximumf %add3A_223, %max3A_225 : vector<16xf32>
        %swap3A_227 = arith.index_cast %add3A_200 : i32 to index
        %swap3A_228 = arith.constant 16 : index
        %swap3A_229 = tpu.vector_load %arg10[%swap3A_227, %swap3A_228] {strides = array<i32>} : memref<128x128xf32, #tpu.memory_space<vmem>>, vector<1x16xf32>,
        %swap3A_230 = vector.shape_cast %swap3A_229 : vector<1x16xf32> to vector<16xf32>
        %swap3A_231 = vector.shape_cast %max3A_226 : vector<16xf32> to vector<1x16xf32>
        tpu.vector_store %arg10[%swap3A_227, %swap3A_228], %swap3A_231 {strides = array<i32>} : memref<128x128xf32, #tpu.memory_space<vmem>>, vector<1x16xf32>,
        %get3A_232 = arith.index_cast %add3A_200 : i32 to index
        %get3A_233 = arith.constant 32 : index
        %get3A_234 = tpu.vector_load %arg10[%get3A_232, %get3A_233] {strides = array<i32>} : memref<128x128xf32, #tpu.memory_space<vmem>>, vector<1x16xf32>,
        %get3A_235 = vector.shape_cast %get3A_234 : vector<1x16xf32> to vector<16xf32>
        %get3A_236 = arith.index_cast %add3A_200 : i32 to index
        %get3A_237 = arith.constant 32 : index
        %get3A_238 = tpu.vector_load %arg12[%get3A_236, %get3A_237] {strides = array<i32>} : memref<128x128xf32, #tpu.memory_space<vmem>>, vector<1x16xf32>,
        %get3A_239 = vector.shape_cast %get3A_238 : vector<1x16xf32> to vector<16xf32>
        %add3A_240 = arith.addf %get3A_235, %get3A_239 : vector<16xf32>
        %max3A_241 = arith.constant 0.000000e+00 : f32
        %max3A_242 = vector.broadcast %max3A_241 : f32 to vector<16xf32>
        %max3A_243 = arith.maximumf %add3A_240, %max3A_242 : vector<16xf32>
        %swap3A_244 = arith.index_cast %add3A_200 : i32 to index
        %swap3A_245 = arith.constant 32 : index
        %swap3A_246 = tpu.vector_load %arg10[%swap3A_244, %swap3A_245] {strides = array<i32>} : memref<128x128xf32, #tpu.memory_space<vmem>>, vector<1x16xf32>,
        %swap3A_247 = vector.shape_cast %swap3A_246 : vector<1x16xf32> to vector<16xf32>
        %swap3A_248 = vector.shape_cast %max3A_243 : vector<16xf32> to vector<1x16xf32>
        tpu.vector_store %arg10[%swap3A_244, %swap3A_245], %swap3A_248 {strides = array<i32>} : memref<128x128xf32, #tpu.memory_space<vmem>>, vector<1x16xf32>,
        %get3A_249 = arith.index_cast %add3A_200 : i32 to index
        %get3A_250 = arith.constant 48 : index
        %get3A_251 = tpu.vector_load %arg10[%get3A_249, %get3A_250] {strides = array<i32>} : memref<128x128xf32, #tpu.memory_space<vmem>>, vector<1x16xf32>,
        %get3A_252 = vector.shape_cast %get3A_251 : vector<1x16xf32> to vector<16xf32>
        %get3A_253 = arith.index_cast %add3A_200 : i32 to index
        %get3A_254 = arith.constant 48 : index
        %get3A_255 = tpu.vector_load %arg12[%get3A_253, %get3A_254] {strides = array<i32>} : memref<128x128xf32, #tpu.memory_space<vmem>>, vector<1x16xf32>,
        %get3A_256 = vector.shape_cast %get3A_255 : vector<1x16xf32> to vector<16xf32>
        %add3A_257 = arith.addf %get3A_252, %get3A_256 : vector<16xf32>
        %max3A_258 = arith.constant 0.000000e+00 : f32
        %max3A_259 = vector.broadcast %max3A_258 : f32 to vector<16xf32>
        %max3A_260 = arith.maximumf %add3A_257, %max3A_259 : vector<16xf32>
        %swap3A_261 = arith.index_cast %add3A_200 : i32 to index
        %swap3A_262 = arith.constant 48 : index
        %swap3A_263 = tpu.vector_load %arg10[%swap3A_261, %swap3A_262] {strides = array<i32>} : memref<128x128xf32, #tpu.memory_space<vmem>>, vector<1x16xf32>,
        %swap3A_264 = vector.shape_cast %swap3A_263 : vector<1x16xf32> to vector<16xf32>
        %swap3A_265 = vector.shape_cast %max3A_260 : vector<16xf32> to vector<1x16xf32>
        tpu.vector_store %arg10[%swap3A_261, %swap3A_262], %swap3A_265 {strides = array<i32>} : memref<128x128xf32, #tpu.memory_space<vmem>>, vector<1x16xf32>,
        %get3A_266 = arith.index_cast %add3A_200 : i32 to index
        %get3A_267 = arith.constant 64 : index
        %get3A_268 = tpu.vector_load %arg10[%get3A_266, %get3A_267] {strides = array<i32>} : memref<128x128xf32, #tpu.memory_space<vmem>>, vector<1x16xf32>,
        %get3A_269 = vector.shape_cast %get3A_268 : vector<1x16xf32> to vector<16xf32>
        %get3A_270 = arith.index_cast %add3A_200 : i32 to index
        %get3A_271 = arith.constant 64 : index
        %get3A_272 = tpu.vector_load %arg12[%get3A_270, %get3A_271] {strides = array<i32>} : memref<128x128xf32, #tpu.memory_space<vmem>>, vector<1x16xf32>,
        %get3A_273 = vector.shape_cast %get3A_272 : vector<1x16xf32> to vector<16xf32>
        %add3A_274 = arith.addf %get3A_269, %get3A_273 : vector<16xf32>
        %max3A_275 = arith.constant 0.000000e+00 : f32
        %max3A_276 = vector.broadcast %max3A_275 : f32 to vector<16xf32>
        %max3A_277 = arith.maximumf %add3A_274, %max3A_276 : vector<16xf32>
        %swap3A_278 = arith.index_cast %add3A_200 : i32 to index
        %swap3A_279 = arith.constant 64 : index
        %swap3A_280 = tpu.vector_load %arg10[%swap3A_278, %swap3A_279] {strides = array<i32>} : memref<128x128xf32, #tpu.memory_space<vmem>>, vector<1x16xf32>,
        %swap3A_281 = vector.shape_cast %swap3A_280 : vector<1x16xf32> to vector<16xf32>
        %swap3A_282 = vector.shape_cast %max3A_277 : vector<16xf32> to vector<1x16xf32>
        tpu.vector_store %arg10[%swap3A_278, %swap3A_279], %swap3A_282 {strides = array<i32>} : memref<128x128xf32, #tpu.memory_space<vmem>>, vector<1x16xf32>,
        %get3A_283 = arith.index_cast %add3A_200 : i32 to index
        %get3A_284 = arith.constant 80 : index
        %get3A_285 = tpu.vector_load %arg10[%get3A_283, %get3A_284] {strides = array<i32>} : memref<128x128xf32, #tpu.memory_space<vmem>>, vector<1x16xf32>,
        %get3A_286 = vector.shape_cast %get3A_285 : vector<1x16xf32> to vector<16xf32>
        %get3A_287 = arith.index_cast %add3A_200 : i32 to index
        %get3A_288 = arith.constant 80 : index
        %get3A_289 = tpu.vector_load %arg12[%get3A_287, %get3A_288] {strides = array<i32>} : memref<128x128xf32, #tpu.memory_space<vmem>>, vector<1x16xf32>,
        %get3A_290 = vector.shape_cast %get3A_289 : vector<1x16xf32> to vector<16xf32>
        %add3A_291 = arith.addf %get3A_286, %get3A_290 : vector<16xf32>
        %max3A_292 = arith.constant 0.000000e+00 : f32
        %max3A_293 = vector.broadcast %max3A_292 : f32 to vector<16xf32>
        %max3A_294 = arith.maximumf %add3A_291, %max3A_293 : vector<16xf32>
        %swap3A_295 = arith.index_cast %add3A_200 : i32 to index
        %swap3A_296 = arith.constant 80 : index
        %swap3A_297 = tpu.vector_load %arg10[%swap3A_295, %swap3A_296] {strides = array<i32>} : memref<128x128xf32, #tpu.memory_space<vmem>>, vector<1x16xf32>,
        %swap3A_298 = vector.shape_cast %swap3A_297 : vector<1x16xf32> to vector<16xf32>
        %swap3A_299 = vector.shape_cast %max3A_294 : vector<16xf32> to vector<1x16xf32>
        tpu.vector_store %arg10[%swap3A_295, %swap3A_296], %swap3A_299 {strides = array<i32>} : memref<128x128xf32, #tpu.memory_space<vmem>>, vector<1x16xf32>,
        %get3A_300 = arith.index_cast %add3A_200 : i32 to index
        %get3A_301 = arith.constant 96 : index
        %get3A_302 = tpu.vector_load %arg10[%get3A_300, %get3A_301] {strides = array<i32>} : memref<128x128xf32, #tpu.memory_space<vmem>>, vector<1x16xf32>,
        %get3A_303 = vector.shape_cast %get3A_302 : vector<1x16xf32> to vector<16xf32>
        %get3A_304 = arith.index_cast %add3A_200 : i32 to index
        %get3A_305 = arith.constant 96 : index
        %get3A_306 = tpu.vector_load %arg12[%get3A_304, %get3A_305] {strides = array<i32>} : memref<128x128xf32, #tpu.memory_space<vmem>>, vector<1x16xf32>,
        %get3A_307 = vector.shape_cast %get3A_306 : vector<1x16xf32> to vector<16xf32>
        %add3A_308 = arith.addf %get3A_303, %get3A_307 : vector<16xf32>
        %max3A_309 = arith.constant 0.000000e+00 : f32
        %max3A_310 = vector.broadcast %max3A_309 : f32 to vector<16xf32>
        %max3A_311 = arith.maximumf %add3A_308, %max3A_310 : vector<16xf32>
        %swap3A_312 = arith.index_cast %add3A_200 : i32 to index
        %swap3A_313 = arith.constant 96 : index
        %swap3A_314 = tpu.vector_load %arg10[%swap3A_312, %swap3A_313] {strides = array<i32>} : memref<128x128xf32, #tpu.memory_space<vmem>>, vector<1x16xf32>,
        %swap3A_315 = vector.shape_cast %swap3A_314 : vector<1x16xf32> to vector<16xf32>
        %swap3A_316 = vector.shape_cast %max3A_311 : vector<16xf32> to vector<1x16xf32>
        tpu.vector_store %arg10[%swap3A_312, %swap3A_313], %swap3A_316 {strides = array<i32>} : memref<128x128xf32, #tpu.memory_space<vmem>>, vector<1x16xf32>,
        %get3A_317 = arith.index_cast %add3A_200 : i32 to index
        %get3A_318 = arith.constant 112 : index
        %get3A_319 = tpu.vector_load %arg10[%get3A_317, %get3A_318] {strides = array<i32>} : memref<128x128xf32, #tpu.memory_space<vmem>>, vector<1x16xf32>,
        %get3A_320 = vector.shape_cast %get3A_319 : vector<1x16xf32> to vector<16xf32>
        %get3A_321 = arith.index_cast %add3A_200 : i32 to index
        %get3A_322 = arith.constant 112 : index
        %get3A_323 = tpu.vector_load %arg12[%get3A_321, %get3A_322] {strides = array<i32>} : memref<128x128xf32, #tpu.memory_space<vmem>>, vector<1x16xf32>,
        %get3A_324 = vector.shape_cast %get3A_323 : vector<1x16xf32> to vector<16xf32>
        %add3A_325 = arith.addf %get3A_320, %get3A_324 : vector<16xf32>
        %max3A_326 = arith.constant 0.000000e+00 : f32
        %max3A_327 = vector.broadcast %max3A_326 : f32 to vector<16xf32>
        %max3A_328 = arith.maximumf %add3A_325, %max3A_327 : vector<16xf32>
        %swap3A_329 = arith.index_cast %add3A_200 : i32 to index
        %swap3A_330 = arith.constant 112 : index
        %swap3A_331 = tpu.vector_load %arg10[%swap3A_329, %swap3A_330] {strides = array<i32>} : memref<128x128xf32, #tpu.memory_space<vmem>>, vector<1x16xf32>,
        %swap3A_332 = vector.shape_cast %swap3A_331 : vector<1x16xf32> to vector<16xf32>
        %swap3A_333 = vector.shape_cast %max3A_328 : vector<16xf32> to vector<1x16xf32>
        tpu.vector_store %arg10[%swap3A_329, %swap3A_330], %swap3A_333 {strides = array<i32>} : memref<128x128xf32, #tpu.memory_space<vmem>>, vector<1x16xf32>,
        %mul3A_334 = arith.constant 2 : i32
        %mul3A_335 = arith.muli %mul3A_334, %scan3A_195 : i32
        %add3A_336 = arith.constant 1 : i32
        %add3A_337 = arith.addi %mul3A_335, %add3A_336 : i32
        %get3A_338 = arith.index_cast %add3A_337 : i32 to index
        %get3A_339 = arith.constant 0 : index
        %get3A_340 = tpu.vector_load %arg10[%get3A_338, %get3A_339] {strides = array<i32>} : memref<128x128xf32, #tpu.memory_space<vmem>>, vector<1x16xf32>,
        %get3A_341 = vector.shape_cast %get3A_340 : vector<1x16xf32> to vector<16xf32>
        %get3A_342 = arith.index_cast %add3A_337 : i32 to index
        %get3A_343 = arith.constant 0 : index
        %get3A_344 = tpu.vector_load %arg12[%get3A_342, %get3A_343] {strides = array<i32>} : memref<128x128xf32, #tpu.memory_space<vmem>>, vector<1x16xf32>,
        %get3A_345 = vector.shape_cast %get3A_344 : vector<1x16xf32> to vector<16xf32>
        %add3A_346 = arith.addf %get3A_341, %get3A_345 : vector<16xf32>
        %max3A_347 = arith.constant 0.000000e+00 : f32
        %max3A_348 = vector.broadcast %max3A_347 : f32 to vector<16xf32>
        %max3A_349 = arith.maximumf %add3A_346, %max3A_348 : vector<16xf32>
        %swap3A_350 = arith.index_cast %add3A_337 : i32 to index
        %swap3A_351 = arith.constant 0 : index
        %swap3A_352 = tpu.vector_load %arg10[%swap3A_350, %swap3A_351] {strides = array<i32>} : memref<128x128xf32, #tpu.memory_space<vmem>>, vector<1x16xf32>,
        %swap3A_353 = vector.shape_cast %swap3A_352 : vector<1x16xf32> to vector<16xf32>
        %swap3A_354 = vector.shape_cast %max3A_349 : vector<16xf32> to vector<1x16xf32>
        tpu.vector_store %arg10[%swap3A_350, %swap3A_351], %swap3A_354 {strides = array<i32>} : memref<128x128xf32, #tpu.memory_space<vmem>>, vector<1x16xf32>,
        %get3A_355 = arith.index_cast %add3A_337 : i32 to index
        %get3A_356 = arith.constant 16 : index
        %get3A_357 = tpu.vector_load %arg10[%get3A_355, %get3A_356] {strides = array<i32>} : memref<128x128xf32, #tpu.memory_space<vmem>>, vector<1x16xf32>,
        %get3A_358 = vector.shape_cast %get3A_357 : vector<1x16xf32> to vector<16xf32>
        %get3A_359 = arith.index_cast %add3A_337 : i32 to index
        %get3A_360 = arith.constant 16 : index
        %get3A_361 = tpu.vector_load %arg12[%get3A_359, %get3A_360] {strides = array<i32>} : memref<128x128xf32, #tpu.memory_space<vmem>>, vector<1x16xf32>,
        %get3A_362 = vector.shape_cast %get3A_361 : vector<1x16xf32> to vector<16xf32>
        %add3A_363 = arith.addf %get3A_358, %get3A_362 : vector<16xf32>
        %max3A_364 = arith.constant 0.000000e+00 : f32
        %max3A_365 = vector.broadcast %max3A_364 : f32 to vector<16xf32>
        %max3A_366 = arith.maximumf %add3A_363, %max3A_365 : vector<16xf32>
        %swap3A_367 = arith.index_cast %add3A_337 : i32 to index
        %swap3A_368 = arith.constant 16 : index
        %swap3A_369 = tpu.vector_load %arg10[%swap3A_367, %swap3A_368] {strides = array<i32>} : memref<128x128xf32, #tpu.memory_space<vmem>>, vector<1x16xf32>,
        %swap3A_370 = vector.shape_cast %swap3A_369 : vector<1x16xf32> to vector<16xf32>
        %swap3A_371 = vector.shape_cast %max3A_366 : vector<16xf32> to vector<1x16xf32>
        tpu.vector_store %arg10[%swap3A_367, %swap3A_368], %swap3A_371 {strides = array<i32>} : memref<128x128xf32, #tpu.memory_space<vmem>>, vector<1x16xf32>,
        %get3A_372 = arith.index_cast %add3A_337 : i32 to index
        %get3A_373 = arith.constant 32 : index
        %get3A_374 = tpu.vector_load %arg10[%get3A_372, %get3A_373] {strides = array<i32>} : memref<128x128xf32, #tpu.memory_space<vmem>>, vector<1x16xf32>,
        %get3A_375 = vector.shape_cast %get3A_374 : vector<1x16xf32> to vector<16xf32>
        %get3A_376 = arith.index_cast %add3A_337 : i32 to index
        %get3A_377 = arith.constant 32 : index
        %get3A_378 = tpu.vector_load %arg12[%get3A_376, %get3A_377] {strides = array<i32>} : memref<128x128xf32, #tpu.memory_space<vmem>>, vector<1x16xf32>,
        %get3A_379 = vector.shape_cast %get3A_378 : vector<1x16xf32> to vector<16xf32>
        %add3A_380 = arith.addf %get3A_375, %get3A_379 : vector<16xf32>
        %max3A_381 = arith.constant 0.000000e+00 : f32
        %max3A_382 = vector.broadcast %max3A_381 : f32 to vector<16xf32>
        %max3A_383 = arith.maximumf %add3A_380, %max3A_382 : vector<16xf32>
        %swap3A_384 = arith.index_cast %add3A_337 : i32 to index
        %swap3A_385 = arith.constant 32 : index
        %swap3A_386 = tpu.vector_load %arg10[%swap3A_384, %swap3A_385] {strides = array<i32>} : memref<128x128xf32, #tpu.memory_space<vmem>>, vector<1x16xf32>,
        %swap3A_387 = vector.shape_cast %swap3A_386 : vector<1x16xf32> to vector<16xf32>
        %swap3A_388 = vector.shape_cast %max3A_383 : vector<16xf32> to vector<1x16xf32>
        tpu.vector_store %arg10[%swap3A_384, %swap3A_385], %swap3A_388 {strides = array<i32>} : memref<128x128xf32, #tpu.memory_space<vmem>>, vector<1x16xf32>,
        %get3A_389 = arith.index_cast %add3A_337 : i32 to index
        %get3A_390 = arith.constant 48 : index
        %get3A_391 = tpu.vector_load %arg10[%get3A_389, %get3A_390] {strides = array<i32>} : memref<128x128xf32, #tpu.memory_space<vmem>>, vector<1x16xf32>,
        %get3A_392 = vector.shape_cast %get3A_391 : vector<1x16xf32> to vector<16xf32>
        %get3A_393 = arith.index_cast %add3A_337 : i32 to index
        %get3A_394 = arith.constant 48 : index
        %get3A_395 = tpu.vector_load %arg12[%get3A_393, %get3A_394] {strides = array<i32>} : memref<128x128xf32, #tpu.memory_space<vmem>>, vector<1x16xf32>,
        %get3A_396 = vector.shape_cast %get3A_395 : vector<1x16xf32> to vector<16xf32>
        %add3A_397 = arith.addf %get3A_392, %get3A_396 : vector<16xf32>
        %max3A_398 = arith.constant 0.000000e+00 : f32
        %max3A_399 = vector.broadcast %max3A_398 : f32 to vector<16xf32>
        %max3A_400 = arith.maximumf %add3A_397, %max3A_399 : vector<16xf32>
        %swap3A_401 = arith.index_cast %add3A_337 : i32 to index
        %swap3A_402 = arith.constant 48 : index
        %swap3A_403 = tpu.vector_load %arg10[%swap3A_401, %swap3A_402] {strides = array<i32>} : memref<128x128xf32, #tpu.memory_space<vmem>>, vector<1x16xf32>,
        %swap3A_404 = vector.shape_cast %swap3A_403 : vector<1x16xf32> to vector<16xf32>
        %swap3A_405 = vector.shape_cast %max3A_400 : vector<16xf32> to vector<1x16xf32>
        tpu.vector_store %arg10[%swap3A_401, %swap3A_402], %swap3A_405 {strides = array<i32>} : memref<128x128xf32, #tpu.memory_space<vmem>>, vector<1x16xf32>,
        %get3A_406 = arith.index_cast %add3A_337 : i32 to index
        %get3A_407 = arith.constant 64 : index
        %get3A_408 = tpu.vector_load %arg10[%get3A_406, %get3A_407] {strides = array<i32>} : memref<128x128xf32, #tpu.memory_space<vmem>>, vector<1x16xf32>,
        %get3A_409 = vector.shape_cast %get3A_408 : vector<1x16xf32> to vector<16xf32>
        %get3A_410 = arith.index_cast %add3A_337 : i32 to index
        %get3A_411 = arith.constant 64 : index
        %get3A_412 = tpu.vector_load %arg12[%get3A_410, %get3A_411] {strides = array<i32>} : memref<128x128xf32, #tpu.memory_space<vmem>>, vector<1x16xf32>,
        %get3A_413 = vector.shape_cast %get3A_412 : vector<1x16xf32> to vector<16xf32>
        %add3A_414 = arith.addf %get3A_409, %get3A_413 : vector<16xf32>
        %max3A_415 = arith.constant 0.000000e+00 : f32
        %max3A_416 = vector.broadcast %max3A_415 : f32 to vector<16xf32>
        %max3A_417 = arith.maximumf %add3A_414, %max3A_416 : vector<16xf32>
        %swap3A_418 = arith.index_cast %add3A_337 : i32 to index
        %swap3A_419 = arith.constant 64 : index
        %swap3A_420 = tpu.vector_load %arg10[%swap3A_418, %swap3A_419] {strides = array<i32>} : memref<128x128xf32, #tpu.memory_space<vmem>>, vector<1x16xf32>,
        %swap3A_421 = vector.shape_cast %swap3A_420 : vector<1x16xf32> to vector<16xf32>
        %swap3A_422 = vector.shape_cast %max3A_417 : vector<16xf32> to vector<1x16xf32>
        tpu.vector_store %arg10[%swap3A_418, %swap3A_419], %swap3A_422 {strides = array<i32>} : memref<128x128xf32, #tpu.memory_space<vmem>>, vector<1x16xf32>,
        %get3A_423 = arith.index_cast %add3A_337 : i32 to index
        %get3A_424 = arith.constant 80 : index
        %get3A_425 = tpu.vector_load %arg10[%get3A_423, %get3A_424] {strides = array<i32>} : memref<128x128xf32, #tpu.memory_space<vmem>>, vector<1x16xf32>,
        %get3A_426 = vector.shape_cast %get3A_425 : vector<1x16xf32> to vector<16xf32>
        %get3A_427 = arith.index_cast %add3A_337 : i32 to index
        %get3A_428 = arith.constant 80 : index
        %get3A_429 = tpu.vector_load %arg12[%get3A_427, %get3A_428] {strides = array<i32>} : memref<128x128xf32, #tpu.memory_space<vmem>>, vector<1x16xf32>,
        %get3A_430 = vector.shape_cast %get3A_429 : vector<1x16xf32> to vector<16xf32>
        %add3A_431 = arith.addf %get3A_426, %get3A_430 : vector<16xf32>
        %max3A_432 = arith.constant 0.000000e+00 : f32
        %max3A_433 = vector.broadcast %max3A_432 : f32 to vector<16xf32>
        %max3A_434 = arith.maximumf %add3A_431, %max3A_433 : vector<16xf32>
        %swap3A_435 = arith.index_cast %add3A_337 : i32 to index
        %swap3A_436 = arith.constant 80 : index
        %swap3A_437 = tpu.vector_load %arg10[%swap3A_435, %swap3A_436] {strides = array<i32>} : memref<128x128xf32, #tpu.memory_space<vmem>>, vector<1x16xf32>,
        %swap3A_438 = vector.shape_cast %swap3A_437 : vector<1x16xf32> to vector<16xf32>
        %swap3A_439 = vector.shape_cast %max3A_434 : vector<16xf32> to vector<1x16xf32>
        tpu.vector_store %arg10[%swap3A_435, %swap3A_436], %swap3A_439 {strides = array<i32>} : memref<128x128xf32, #tpu.memory_space<vmem>>, vector<1x16xf32>,
        %get3A_440 = arith.index_cast %add3A_337 : i32 to index
        %get3A_441 = arith.constant 96 : index
        %get3A_442 = tpu.vector_load %arg10[%get3A_440, %get3A_441] {strides = array<i32>} : memref<128x128xf32, #tpu.memory_space<vmem>>, vector<1x16xf32>,
        %get3A_443 = vector.shape_cast %get3A_442 : vector<1x16xf32> to vector<16xf32>
        %get3A_444 = arith.index_cast %add3A_337 : i32 to index
        %get3A_445 = arith.constant 96 : index
        %get3A_446 = tpu.vector_load %arg12[%get3A_444, %get3A_445] {strides = array<i32>} : memref<128x128xf32, #tpu.memory_space<vmem>>, vector<1x16xf32>,
        %get3A_447 = vector.shape_cast %get3A_446 : vector<1x16xf32> to vector<16xf32>
        %add3A_448 = arith.addf %get3A_443, %get3A_447 : vector<16xf32>
        %max3A_449 = arith.constant 0.000000e+00 : f32
        %max3A_450 = vector.broadcast %max3A_449 : f32 to vector<16xf32>
        %max3A_451 = arith.maximumf %add3A_448, %max3A_450 : vector<16xf32>
        %swap3A_452 = arith.index_cast %add3A_337 : i32 to index
        %swap3A_453 = arith.constant 96 : index
        %swap3A_454 = tpu.vector_load %arg10[%swap3A_452, %swap3A_453] {strides = array<i32>} : memref<128x128xf32, #tpu.memory_space<vmem>>, vector<1x16xf32>,
        %swap3A_455 = vector.shape_cast %swap3A_454 : vector<1x16xf32> to vector<16xf32>
        %swap3A_456 = vector.shape_cast %max3A_451 : vector<16xf32> to vector<1x16xf32>
        tpu.vector_store %arg10[%swap3A_452, %swap3A_453], %swap3A_456 {strides = array<i32>} : memref<128x128xf32, #tpu.memory_space<vmem>>, vector<1x16xf32>,
        %get3A_457 = arith.index_cast %add3A_337 : i32 to index
        %get3A_458 = arith.constant 112 : index
        %get3A_459 = tpu.vector_load %arg10[%get3A_457, %get3A_458] {strides = array<i32>} : memref<128x128xf32, #tpu.memory_space<vmem>>, vector<1x16xf32>,
        %get3A_460 = vector.shape_cast %get3A_459 : vector<1x16xf32> to vector<16xf32>
        %get3A_461 = arith.index_cast %add3A_337 : i32 to index
        %get3A_462 = arith.constant 112 : index
        %get3A_463 = tpu.vector_load %arg12[%get3A_461, %get3A_462] {strides = array<i32>} : memref<128x128xf32, #tpu.memory_space<vmem>>, vector<1x16xf32>,
        %get3A_464 = vector.shape_cast %get3A_463 : vector<1x16xf32> to vector<16xf32>
        %add3A_465 = arith.addf %get3A_460, %get3A_464 : vector<16xf32>
        %max3A_466 = arith.constant 0.000000e+00 : f32
        %max3A_467 = vector.broadcast %max3A_466 : f32 to vector<16xf32>
        %max3A_468 = arith.maximumf %add3A_465, %max3A_467 : vector<16xf32>
        %swap3A_469 = arith.index_cast %add3A_337 : i32 to index
        %swap3A_470 = arith.constant 112 : index
        %swap3A_471 = tpu.vector_load %arg10[%swap3A_469, %swap3A_470] {strides = array<i32>} : memref<128x128xf32, #tpu.memory_space<vmem>>, vector<1x16xf32>,
        %swap3A_472 = vector.shape_cast %swap3A_471 : vector<1x16xf32> to vector<16xf32>
        %swap3A_473 = vector.shape_cast %max3A_468 : vector<16xf32> to vector<1x16xf32>
        tpu.vector_store %arg10[%swap3A_469, %swap3A_470], %swap3A_473 {strides = array<i32>} : memref<128x128xf32, #tpu.memory_space<vmem>>, vector<1x16xf32>,
        %scan3A_474 = arith.constant 0 : i32
        scf.yield %scan3A_474 : i32
      }
      %scan3A_183 = arith.constant 64 : i32
      "tpu.region"() ({
        %run_scoped3A = tpu.sem_alloc : memref<!tpu.dma_semaphore, #tpu.memory_space<semaphore_mem>>
        %dma_start3A_195 = arith.constant 0 : i32
        %dma_start3A_196 = tpu.memref_slice %arg8[%select_n3A_135, %dma_start3A_195] : memref<80x128xi32, #tpu.memory_space<vmem>> -> memref<1x128xi32, #tpu.memory_space<vmem>>
        %dma_start3A_197 = tpu.memref_squeeze %dma_start3A_196 : memref<1x128xi32, #tpu.memory_space<vmem>> -> memref<128xi32, #tpu.memory_space<vmem>>
        %dma_start3A_198 = arith.constant 0 : i32
        %dma_start3A_199 = arith.constant 0 : i32
        %dma_start3A_200 = tpu.memref_slice %arg13[%dma_start3A_198, %dma_start3A_199] : memref<5120x128xf32, #tpu.memory_space<vmem_shared>> -> memref<5120x128xf32, #tpu.memory_space<vmem_shared>>
        tpu.enqueue_indirect_dma source(%arg10 : memref<128x128xf32, #tpu.memory_space<vmem>>) target(%dma_start3A_200 : memref<5120x128xf32, #tpu.memory_space<vmem_shared>>) offsets(%dma_start3A_197 : memref<128xi32, #tpu.memory_space<vmem>>) semaphore(%run_scoped3A : memref<!tpu.dma_semaphore, #tpu.memory_space<semaphore_mem>>) {add = true}
        %dma_wait3A_201 = arith.constant 0 : i32
        %dma_wait3A_202 = tpu.memref_slice %arg8[%select_n3A_135, %dma_wait3A_201] : memref<80x128xi32, #tpu.memory_space<vmem>> -> memref<1x128xi32, #tpu.memory_space<vmem>>
        %dma_wait3A_203 = tpu.memref_squeeze %dma_wait3A_202 : memref<1x128xi32, #tpu.memory_space<vmem>> -> memref<128xi32, #tpu.memory_space<vmem>>
        %dma_wait3A_204 = arith.constant 0 : i32
        %dma_wait3A_205 = arith.constant 0 : i32
        %dma_wait3A_206 = tpu.memref_slice %arg13[%dma_wait3A_204, %dma_wait3A_205] : memref<5120x128xf32, #tpu.memory_space<vmem_shared>> -> memref<5120x128xf32, #tpu.memory_space<vmem_shared>>
        tpu.wait_indirect_dma semaphore(%run_scoped3A : memref<!tpu.dma_semaphore, #tpu.memory_space<semaphore_mem>>) src(%arg10 : memref<128x128xf32, #tpu.memory_space<vmem>>) dst(%dma_wait3A_206 : memref<5120x128xf32, #tpu.memory_space<vmem_shared>>)
        tpu.yield
      }) : () -> ()
      %not3A_184 = arith.constant true
      %not3A_185 = arith.xori %ne3A_173, %not3A_184 : i1
      %add3A_186 = arith.constant 1 : i32
      %add3A_187 = arith.addi %add3A_119, %add3A_186 : i32
      %lt3A_188 = arith.constant 160 : i32
      %lt3A_189 = arith.cmpi slt, %add3A_187, %lt3A_188 : i32
      %and3A_190 = arith.andi %not3A_185, %lt3A_189 : i1
      %convert_element_type3A_191 = arith.extui %and3A_190 : i1 to i32
      %cond3A_192 = arith.constant 0 : i32
      %cond3A_193 = arith.cmpi ne, %convert_element_type3A_191, %cond3A_192 : i32
      scf.if %cond3A_193 {
        %add3A_195 = arith.constant 1 : i32
        %add3A_196 = arith.addi %add3A_119, %add3A_195 : i32
        %mul3A_197 = arith.constant 160 : i32
        %mul3A_198 = arith.muli %arg1, %mul3A_197 : i32
        %add3A_199 = arith.addi %mul3A_198, %add3A_196 : i32
        %multiple_of3A_200 = tpu.assume_multiple %add3A_199, 8 : i32
        "tpu.region"() ({
          %run_scoped3A = tpu.sem_alloc : memref<!tpu.dma_semaphore, #tpu.memory_space<semaphore_mem>>
          %dma_start3A_237 = arith.constant 0 : i32
          %dma_start3A_238 = tpu.memref_slice %arg3[%arg0, %multiple_of3A_200, %dma_start3A_237] : memref<2x2560x128xi32, #tpu.memory_space<hbm>> -> memref<1x80x128xi32, #tpu.memory_space<hbm>>
          %dma_start3A_239 = tpu.memref_squeeze %dma_start3A_238 : memref<1x80x128xi32, #tpu.memory_space<hbm>> -> memref<80x128xi32, #tpu.memory_space<hbm>>
          %dma_start3A_240 = arith.constant 0 : i32
          %dma_start3A_241 = tpu.memref_slice %arg3[%arg0, %multiple_of3A_200, %dma_start3A_240] : memref<2x2560x128xi32, #tpu.memory_space<hbm>> -> memref<1x80x128xi32, #tpu.memory_space<hbm>>
          %dma_start3A_242 = tpu.memref_squeeze %dma_start3A_241 : memref<1x80x128xi32, #tpu.memory_space<hbm>> -> memref<80x128xi32, #tpu.memory_space<hbm>>
          tpu.enqueue_dma source(%dma_start3A_242 : memref<80x128xi32, #tpu.memory_space<hbm>>) target(%arg7 : memref<80x128xi32, #tpu.memory_space<vmem>>) target_semaphore(%run_scoped3A : memref<!tpu.dma_semaphore, #tpu.memory_space<semaphore_mem>>)
          %dma_wait3A_243 = arith.constant 0 : i32
          %dma_wait3A_244 = tpu.memref_slice %arg3[%arg0, %multiple_of3A_200, %dma_wait3A_243] : memref<2x2560x128xi32, #tpu.memory_space<hbm>> -> memref<1x80x128xi32, #tpu.memory_space<hbm>>
          %dma_wait3A_245 = tpu.memref_squeeze %dma_wait3A_244 : memref<1x80x128xi32, #tpu.memory_space<hbm>> -> memref<80x128xi32, #tpu.memory_space<hbm>>
          %dma_wait3A_246 = arith.constant 0 : i32
          %dma_wait3A_247 = tpu.memref_slice %arg3[%arg0, %multiple_of3A_200, %dma_wait3A_246] : memref<2x2560x128xi32, #tpu.memory_space<hbm>> -> memref<1x80x128xi32, #tpu.memory_space<hbm>>
          %dma_wait3A_248 = tpu.memref_squeeze %dma_wait3A_247 : memref<1x80x128xi32, #tpu.memory_space<hbm>> -> memref<80x128xi32, #tpu.memory_space<hbm>>
          tpu.wait_dma2 semaphore(%run_scoped3A : memref<!tpu.dma_semaphore, #tpu.memory_space<semaphore_mem>>) src(%dma_wait3A_248 : memref<80x128xi32, #tpu.memory_space<hbm>>) dst(%arg7 : memref<80x128xi32, #tpu.memory_space<vmem>>)
          tpu.yield
        }) : () -> ()
        "tpu.region"() ({
          %run_scoped3A = tpu.sem_alloc : memref<!tpu.dma_semaphore, #tpu.memory_space<semaphore_mem>>
          %dma_start3A_237 = arith.constant 0 : i32
          %dma_start3A_238 = tpu.memref_slice %arg4[%arg0, %multiple_of3A_200, %dma_start3A_237] : memref<2x2560x128xi32, #tpu.memory_space<hbm>> -> memref<1x80x128xi32, #tpu.memory_space<hbm>>
          %dma_start3A_239 = tpu.memref_squeeze %dma_start3A_238 : memref<1x80x128xi32, #tpu.memory_space<hbm>> -> memref<80x128xi32, #tpu.memory_space<hbm>>
          %dma_start3A_240 = arith.constant 0 : i32
          %dma_start3A_241 = tpu.memref_slice %arg4[%arg0, %multiple_of3A_200, %dma_start3A_240] : memref<2x2560x128xi32, #tpu.memory_space<hbm>> -> memref<1x80x128xi32, #tpu.memory_space<hbm>>
          %dma_start3A_242 = tpu.memref_squeeze %dma_start3A_241 : memref<1x80x128xi32, #tpu.memory_space<hbm>> -> memref<80x128xi32, #tpu.memory_space<hbm>>
          tpu.enqueue_dma source(%dma_start3A_242 : memref<80x128xi32, #tpu.memory_space<hbm>>) target(%arg8 : memref<80x128xi32, #tpu.memory_space<vmem>>) target_semaphore(%run_scoped3A : memref<!tpu.dma_semaphore, #tpu.memory_space<semaphore_mem>>)
          %dma_wait3A_243 = arith.constant 0 : i32
          %dma_wait3A_244 = tpu.memref_slice %arg4[%arg0, %multiple_of3A_200, %dma_wait3A_243] : memref<2x2560x128xi32, #tpu.memory_space<hbm>> -> memref<1x80x128xi32, #tpu.memory_space<hbm>>
          %dma_wait3A_245 = tpu.memref_squeeze %dma_wait3A_244 : memref<1x80x128xi32, #tpu.memory_space<hbm>> -> memref<80x128xi32, #tpu.memory_space<hbm>>
          %dma_wait3A_246 = arith.constant 0 : i32
          %dma_wait3A_247 = tpu.memref_slice %arg4[%arg0, %multiple_of3A_200, %dma_wait3A_246] : memref<2x2560x128xi32, #tpu.memory_space<hbm>> -> memref<1x80x128xi32, #tpu.memory_space<hbm>>
          %dma_wait3A_248 = tpu.memref_squeeze %dma_wait3A_247 : memref<1x80x128xi32, #tpu.memory_space<hbm>> -> memref<80x128xi32, #tpu.memory_space<hbm>>
          tpu.wait_dma2 semaphore(%run_scoped3A : memref<!tpu.dma_semaphore, #tpu.memory_space<semaphore_mem>>) src(%dma_wait3A_248 : memref<80x128xi32, #tpu.memory_space<hbm>>) dst(%arg8 : memref<80x128xi32, #tpu.memory_space<vmem>>)
          tpu.yield
        }) : () -> ()
        %add3A_201 = arith.constant 1 : i32
        %add3A_202 = arith.addi %add3A_119, %add3A_201 : i32
        %jit3A_203 = arith.constant 80 : i32
        %eq3A_204 = arith.constant 0 : i32
        %eq3A_205 = arith.cmpi eq, %jit3A_203, %eq3A_204 : i32
        %jit3A_206 = arith.constant 1 : i32
        %select_n3A_207 = arith.select %eq3A_205, %jit3A_206, %jit3A_203 : i32
        %rem3A_208 = arith.remsi %add3A_202, %select_n3A_207 : i32
        %ne3A_209 = arith.constant 0 : i32
        %ne3A_210 = arith.cmpi ne, %rem3A_208, %ne3A_209 : i32
        %lt3A_211 = arith.constant 0 : i32
        %lt3A_212 = arith.cmpi slt, %rem3A_208, %lt3A_211 : i32
        %lt3A_213 = arith.constant 0 : i32
        %lt3A_214 = arith.cmpi slt, %select_n3A_207, %lt3A_213 : i32
        %ne3A_215 = arith.xori %lt3A_212, %lt3A_214 : i1
        %and3A_216 = arith.andi %ne3A_215, %ne3A_210 : i1
        %add3A_217 = arith.addi %rem3A_208, %select_n3A_207 : i32
        %select_n3A_218 = arith.select %and3A_216, %add3A_217, %rem3A_208 : i32
        %mul3A_219 = arith.constant 20480 : i32
        %mul3A_220 = arith.muli %arg1, %mul3A_219 : i32
        %mul3A_221 = arith.constant 128 : i32
        %mul3A_222 = arith.muli %add3A_202, %mul3A_221 : i32
        %add3A_223 = arith.addi %mul3A_220, %mul3A_222 : i32
        %dma_start3A_224 = arith.constant 0 : i32
        %dma_start3A_225 = arith.constant 0 : i32
        %dma_start3A_226 = tpu.memref_slice %arg5[%dma_start3A_224, %add3A_223, %dma_start3A_225] : memref<1x327680x128xf32, #tpu.memory_space<hbm>> -> memref<1x128x128xf32, #tpu.memory_space<hbm>>
        %dma_start3A_227 = tpu.memref_squeeze %dma_start3A_226 : memref<1x128x128xf32, #tpu.memory_space<hbm>> -> memref<128x128xf32, #tpu.memory_space<hbm>>
        %dma_start3A_228 = arith.constant 0 : i32
        %dma_start3A_229 = tpu.memref_slice %arg5[%dma_start3A_224, %add3A_223, %dma_start3A_228] : memref<1x327680x128xf32, #tpu.memory_space<hbm>> -> memref<1x128x128xf32, #tpu.memory_space<hbm>>
        %dma_start3A_230 = tpu.memref_squeeze %dma_start3A_229 : memref<1x128x128xf32, #tpu.memory_space<hbm>> -> memref<128x128xf32, #tpu.memory_space<hbm>>
        tpu.enqueue_dma source(%dma_start3A_230 : memref<128x128xf32, #tpu.memory_space<hbm>>) target(%arg11 : memref<128x128xf32, #tpu.memory_space<vmem>>) target_semaphore(%arg14 : memref<!tpu.dma_semaphore, #tpu.memory_space<semaphore_mem>>)
        %dma_start3A_231 = arith.constant 0 : i32
        %dma_start3A_232 = tpu.memref_slice %arg7[%select_n3A_218, %dma_start3A_231] : memref<80x128xi32, #tpu.memory_space<vmem>> -> memref<1x128xi32, #tpu.memory_space<vmem>>
        %dma_start3A_233 = tpu.memref_squeeze %dma_start3A_232 : memref<1x128xi32, #tpu.memory_space<vmem>> -> memref<128xi32, #tpu.memory_space<vmem>>
        %dma_start3A_234 = arith.constant 0 : i32
        %dma_start3A_235 = arith.constant 0 : i32
        %dma_start3A_236 = tpu.memref_slice %arg2[%dma_start3A_234, %dma_start3A_235] : memref<10240x128xf32, #tpu.memory_space<hbm>> -> memref<10240x128xf32, #tpu.memory_space<hbm>>
        tpu.enqueue_indirect_dma source(%dma_start3A_236 : memref<10240x128xf32, #tpu.memory_space<hbm>>) target(%arg9 : memref<128x128xf32, #tpu.memory_space<vmem>>) offsets(%dma_start3A_233 : memref<128xi32, #tpu.memory_space<vmem>>) semaphore(%arg14 : memref<!tpu.dma_semaphore, #tpu.memory_space<semaphore_mem>>)
      } else {
      }
      %scan3A_194 = arith.constant 0 : i32
      scf.yield %scan3A_194 : i32
    }
    %scan3A_38 = arith.constant 80 : i32
    %barrier3A_39 = arith.constant 0 : index
    tpu.barrier barrier_id(%barrier3A_39)
    %mul3A_40 = arith.constant 320 : i32
    %mul3A_41 = arith.muli %arg1, %mul3A_40 : i32
    %mul3A_42 = arith.constant 5120 : i32
    %mul3A_43 = arith.muli %arg0, %mul3A_42 : i32
    %mul3A_44 = arith.constant 320 : i32
    %mul3A_45 = arith.muli %arg1, %mul3A_44 : i32
    %add3A_46 = arith.addi %mul3A_43, %mul3A_45 : i32
    "tpu.region"() ({
      %run_scoped3A = tpu.sem_alloc : memref<!tpu.dma_semaphore, #tpu.memory_space<semaphore_mem>>
      %dma_start3A_47 = arith.constant 0 : i32
      %dma_start3A_48 = tpu.memref_slice %arg6[%add3A_46, %dma_start3A_47] : memref<10240x128xf32, #tpu.memory_space<hbm>> -> memref<320x128xf32, #tpu.memory_space<hbm>>
      %dma_start3A_49 = arith.constant 0 : i32
      %dma_start3A_50 = tpu.memref_slice %arg13[%mul3A_41, %dma_start3A_49] : memref<5120x128xf32, #tpu.memory_space<vmem_shared>> -> memref<320x128xf32, #tpu.memory_space<vmem_shared>>
      tpu.enqueue_dma source(%dma_start3A_50 : memref<320x128xf32, #tpu.memory_space<vmem_shared>>) target(%dma_start3A_48 : memref<320x128xf32, #tpu.memory_space<hbm>>) target_semaphore(%run_scoped3A : memref<!tpu.dma_semaphore, #tpu.memory_space<semaphore_mem>>)
      %dma_wait3A = arith.constant 0 : i32
      %dma_wait3A_51 = tpu.memref_slice %arg6[%add3A_46, %dma_wait3A] : memref<10240x128xf32, #tpu.memory_space<hbm>> -> memref<320x128xf32, #tpu.memory_space<hbm>>
      %dma_wait3A_52 = arith.constant 0 : i32
      %dma_wait3A_53 = tpu.memref_slice %arg13[%mul3A_41, %dma_wait3A_52] : memref<5120x128xf32, #tpu.memory_space<vmem_shared>> -> memref<320x128xf32, #tpu.memory_space<vmem_shared>>
      tpu.wait_dma2 semaphore(%run_scoped3A : memref<!tpu.dma_semaphore, #tpu.memory_space<semaphore_mem>>) src(%dma_wait3A_53 : memref<320x128xf32, #tpu.memory_space<vmem_shared>>) dst(%dma_wait3A_51 : memref<320x128xf32, #tpu.memory_space<hbm>>)
      tpu.yield
    }) : () -> ()
    return
  }
}

#map = affine_map<(d0, d1) -> (0, 0)>
#map1 = affine_map<(d0, d1) -> (0, 0, 0)>
module attributes {stable_mosaic.version = 14 : i64} {
  func.func @edge_k(%arg0: i32, %arg1: i32, %arg2: memref<10240x128xf32, #tpu.memory_space<hbm>>, %arg3: memref<2x2560x128xi32, #tpu.memory_space<hbm>>, %arg4: memref<2x2560x128xi32, #tpu.memory_space<hbm>>, %arg5: memref<1x327680x128xf32, #tpu.memory_space<hbm>>, %arg6: memref<10240x128xf32, #tpu.memory_space<hbm>>, %arg7: memref<80x128xi32, #tpu.memory_space<vmem>>, %arg8: memref<80x128xi32, #tpu.memory_space<vmem>>, %arg9: memref<128x128xf32, #tpu.memory_space<vmem>>, %arg10: memref<128x128xf32, #tpu.memory_space<vmem>>, %arg11: memref<128x128xf32, #tpu.memory_space<vmem>>, %arg12: memref<128x128xf32, #tpu.memory_space<vmem>>, %arg13: memref<5120x128xf32, #tpu.memory_space<vmem_shared>>, %arg14: memref<!tpu.dma_semaphore, #tpu.memory_space<semaphore_mem>>, %arg15: memref<!tpu.dma_semaphore, #tpu.memory_space<semaphore_mem>>) attributes {dimension_semantics = [#tpu.dimension_semantics<core_parallel>, #tpu.dimension_semantics<subcore_parallel>], iteration_bounds = array<i64: 2, 16>, scalar_prefetch = 0 : i64, scratch_operands = 9 : i64, tpu.core_type = #tpu.core_type<sc_vector_subcore>, window_params = [{transform_indices = #map}, {transform_indices = #map1}, {transform_indices = #map1}, {transform_indices = #map1}, {transform_indices = #map}]} {
    %broadcast_in_dim3A = arith.constant 0.000000e+00 : f32
    %broadcast_in_dim3A_0 = vector.broadcast %broadcast_in_dim3A : f32 to vector<16xf32>
    %scan3A = arith.constant 0 : i32
    %scan3A_1 = arith.constant 0 : i32
    %scan3A_2 = arith.constant 128 : i32
    %scan3A_3 = arith.addi %scan3A_1, %scan3A_2 : i32
    %scan3A_4 = arith.constant 1 : i32
    %scan3A_5 = scf.for %scan3A_47 = %scan3A_1 to %scan3A_3 step %scan3A_4 iter_args(%scan3A_48 = %scan3A) -> (i32)  : i32 {
      %swap3A = arith.index_cast %scan3A_47 : i32 to index
      %swap3A_49 = arith.constant 0 : index
      %swap3A_50 = tpu.vector_load %arg11[%swap3A, %swap3A_49] {strides = array<i32>} : memref<128x128xf32, #tpu.memory_space<vmem>>, vector<1x16xf32>,
      %swap3A_51 = vector.shape_cast %swap3A_50 : vector<1x16xf32> to vector<16xf32>
      %swap3A_52 = vector.shape_cast %broadcast_in_dim3A_0 : vector<16xf32> to vector<1x16xf32>
      tpu.vector_store %arg11[%swap3A, %swap3A_49], %swap3A_52 {strides = array<i32>} : memref<128x128xf32, #tpu.memory_space<vmem>>, vector<1x16xf32>,
      %swap3A_53 = arith.index_cast %scan3A_47 : i32 to index
      %swap3A_54 = arith.constant 16 : index
      %swap3A_55 = tpu.vector_load %arg11[%swap3A_53, %swap3A_54] {strides = array<i32>} : memref<128x128xf32, #tpu.memory_space<vmem>>, vector<1x16xf32>,
      %swap3A_56 = vector.shape_cast %swap3A_55 : vector<1x16xf32> to vector<16xf32>
      %swap3A_57 = vector.shape_cast %broadcast_in_dim3A_0 : vector<16xf32> to vector<1x16xf32>
      tpu.vector_store %arg11[%swap3A_53, %swap3A_54], %swap3A_57 {strides = array<i32>} : memref<128x128xf32, #tpu.memory_space<vmem>>, vector<1x16xf32>,
      %swap3A_58 = arith.index_cast %scan3A_47 : i32 to index
      %swap3A_59 = arith.constant 32 : index
      %swap3A_60 = tpu.vector_load %arg11[%swap3A_58, %swap3A_59] {strides = array<i32>} : memref<128x128xf32, #tpu.memory_space<vmem>>, vector<1x16xf32>,
      %swap3A_61 = vector.shape_cast %swap3A_60 : vector<1x16xf32> to vector<16xf32>
      %swap3A_62 = vector.shape_cast %broadcast_in_dim3A_0 : vector<16xf32> to vector<1x16xf32>
      tpu.vector_store %arg11[%swap3A_58, %swap3A_59], %swap3A_62 {strides = array<i32>} : memref<128x128xf32, #tpu.memory_space<vmem>>, vector<1x16xf32>,
      %swap3A_63 = arith.index_cast %scan3A_47 : i32 to index
      %swap3A_64 = arith.constant 48 : index
      %swap3A_65 = tpu.vector_load %arg11[%swap3A_63, %swap3A_64] {strides = array<i32>} : memref<128x128xf32, #tpu.memory_space<vmem>>, vector<1x16xf32>,
      %swap3A_66 = vector.shape_cast %swap3A_65 : vector<1x16xf32> to vector<16xf32>
      %swap3A_67 = vector.shape_cast %broadcast_in_dim3A_0 : vector<16xf32> to vector<1x16xf32>
      tpu.vector_store %arg11[%swap3A_63, %swap3A_64], %swap3A_67 {strides = array<i32>} : memref<128x128xf32, #tpu.memory_space<vmem>>, vector<1x16xf32>,
      %swap3A_68 = arith.index_cast %scan3A_47 : i32 to index
      %swap3A_69 = arith.constant 64 : index
      %swap3A_70 = tpu.vector_load %arg11[%swap3A_68, %swap3A_69] {strides = array<i32>} : memref<128x128xf32, #tpu.memory_space<vmem>>, vector<1x16xf32>,
      %swap3A_71 = vector.shape_cast %swap3A_70 : vector<1x16xf32> to vector<16xf32>
      %swap3A_72 = vector.shape_cast %broadcast_in_dim3A_0 : vector<16xf32> to vector<1x16xf32>
      tpu.vector_store %arg11[%swap3A_68, %swap3A_69], %swap3A_72 {strides = array<i32>} : memref<128x128xf32, #tpu.memory_space<vmem>>, vector<1x16xf32>,
      %swap3A_73 = arith.index_cast %scan3A_47 : i32 to index
      %swap3A_74 = arith.constant 80 : index
      %swap3A_75 = tpu.vector_load %arg11[%swap3A_73, %swap3A_74] {strides = array<i32>} : memref<128x128xf32, #tpu.memory_space<vmem>>, vector<1x16xf32>,
      %swap3A_76 = vector.shape_cast %swap3A_75 : vector<1x16xf32> to vector<16xf32>
      %swap3A_77 = vector.shape_cast %broadcast_in_dim3A_0 : vector<16xf32> to vector<1x16xf32>
      tpu.vector_store %arg11[%swap3A_73, %swap3A_74], %swap3A_77 {strides = array<i32>} : memref<128x128xf32, #tpu.memory_space<vmem>>, vector<1x16xf32>,
      %swap3A_78 = arith.index_cast %scan3A_47 : i32 to index
      %swap3A_79 = arith.constant 96 : index
      %swap3A_80 = tpu.vector_load %arg11[%swap3A_78, %swap3A_79] {strides = array<i32>} : memref<128x128xf32, #tpu.memory_space<vmem>>, vector<1x16xf32>,
      %swap3A_81 = vector.shape_cast %swap3A_80 : vector<1x16xf32> to vector<16xf32>
      %swap3A_82 = vector.shape_cast %broadcast_in_dim3A_0 : vector<16xf32> to vector<1x16xf32>
      tpu.vector_store %arg11[%swap3A_78, %swap3A_79], %swap3A_82 {strides = array<i32>} : memref<128x128xf32, #tpu.memory_space<vmem>>, vector<1x16xf32>,
      %swap3A_83 = arith.index_cast %scan3A_47 : i32 to index
      %swap3A_84 = arith.constant 112 : index
      %swap3A_85 = tpu.vector_load %arg11[%swap3A_83, %swap3A_84] {strides = array<i32>} : memref<128x128xf32, #tpu.memory_space<vmem>>, vector<1x16xf32>,
      %swap3A_86 = vector.shape_cast %swap3A_85 : vector<1x16xf32> to vector<16xf32>
      %swap3A_87 = vector.shape_cast %broadcast_in_dim3A_0 : vector<16xf32> to vector<1x16xf32>
      tpu.vector_store %arg11[%swap3A_83, %swap3A_84], %swap3A_87 {strides = array<i32>} : memref<128x128xf32, #tpu.memory_space<vmem>>, vector<1x16xf32>,
      %scan3A_88 = arith.constant 0 : i32
      scf.yield %scan3A_88 : i32
    }
    %scan3A_6 = arith.constant 128 : i32
    %mul3A = arith.constant 320 : i32
    %mul3A_7 = arith.muli %arg1, %mul3A : i32
    "tpu.region"() ({
      %run_scoped3A = tpu.sem_alloc : memref<!tpu.dma_semaphore, #tpu.memory_space<semaphore_mem>>
      %dma_start3A_47 = arith.constant 0 : i32
      %dma_start3A_48 = tpu.memref_slice %arg13[%mul3A_7, %dma_start3A_47] : memref<5120x128xf32, #tpu.memory_space<vmem_shared>> -> memref<128x128xf32, #tpu.memory_space<vmem_shared>>
      %dma_start3A_49 = arith.constant 0 : i32
      %dma_start3A_50 = tpu.memref_slice %arg13[%mul3A_7, %dma_start3A_49] : memref<5120x128xf32, #tpu.memory_space<vmem_shared>> -> memref<128x128xf32, #tpu.memory_space<vmem_shared>>
      tpu.enqueue_dma source(%arg11 : memref<128x128xf32, #tpu.memory_space<vmem>>) target(%dma_start3A_50 : memref<128x128xf32, #tpu.memory_space<vmem_shared>>) target_semaphore(%run_scoped3A : memref<!tpu.dma_semaphore, #tpu.memory_space<semaphore_mem>>)
      %dma_wait3A = arith.constant 0 : i32
      %dma_wait3A_51 = tpu.memref_slice %arg13[%mul3A_7, %dma_wait3A] : memref<5120x128xf32, #tpu.memory_space<vmem_shared>> -> memref<128x128xf32, #tpu.memory_space<vmem_shared>>
      %dma_wait3A_52 = arith.constant 0 : i32
      %dma_wait3A_53 = tpu.memref_slice %arg13[%mul3A_7, %dma_wait3A_52] : memref<5120x128xf32, #tpu.memory_space<vmem_shared>> -> memref<128x128xf32, #tpu.memory_space<vmem_shared>>
      tpu.wait_dma2 semaphore(%run_scoped3A : memref<!tpu.dma_semaphore, #tpu.memory_space<semaphore_mem>>) src(%arg11 : memref<128x128xf32, #tpu.memory_space<vmem>>) dst(%dma_wait3A_53 : memref<128x128xf32, #tpu.memory_space<vmem_shared>>)
      tpu.yield
    }) : () -> ()
    %add3A = arith.constant 128 : i32
    %add3A_8 = arith.addi %mul3A_7, %add3A : i32
    "tpu.region"() ({
      %run_scoped3A = tpu.sem_alloc : memref<!tpu.dma_semaphore, #tpu.memory_space<semaphore_mem>>
      %dma_start3A_47 = arith.constant 0 : i32
      %dma_start3A_48 = tpu.memref_slice %arg13[%add3A_8, %dma_start3A_47] : memref<5120x128xf32, #tpu.memory_space<vmem_shared>> -> memref<128x128xf32, #tpu.memory_space<vmem_shared>>
      %dma_start3A_49 = arith.constant 0 : i32
      %dma_start3A_50 = tpu.memref_slice %arg13[%add3A_8, %dma_start3A_49] : memref<5120x128xf32, #tpu.memory_space<vmem_shared>> -> memref<128x128xf32, #tpu.memory_space<vmem_shared>>
      tpu.enqueue_dma source(%arg11 : memref<128x128xf32, #tpu.memory_space<vmem>>) target(%dma_start3A_50 : memref<128x128xf32, #tpu.memory_space<vmem_shared>>) target_semaphore(%run_scoped3A : memref<!tpu.dma_semaphore, #tpu.memory_space<semaphore_mem>>)
      %dma_wait3A = arith.constant 0 : i32
      %dma_wait3A_51 = tpu.memref_slice %arg13[%add3A_8, %dma_wait3A] : memref<5120x128xf32, #tpu.memory_space<vmem_shared>> -> memref<128x128xf32, #tpu.memory_space<vmem_shared>>
      %dma_wait3A_52 = arith.constant 0 : i32
      %dma_wait3A_53 = tpu.memref_slice %arg13[%add3A_8, %dma_wait3A_52] : memref<5120x128xf32, #tpu.memory_space<vmem_shared>> -> memref<128x128xf32, #tpu.memory_space<vmem_shared>>
      tpu.wait_dma2 semaphore(%run_scoped3A : memref<!tpu.dma_semaphore, #tpu.memory_space<semaphore_mem>>) src(%arg11 : memref<128x128xf32, #tpu.memory_space<vmem>>) dst(%dma_wait3A_53 : memref<128x128xf32, #tpu.memory_space<vmem_shared>>)
      tpu.yield
    }) : () -> ()
    %add3A_9 = arith.constant 256 : i32
    %add3A_10 = arith.addi %mul3A_7, %add3A_9 : i32
    "tpu.region"() ({
      %run_scoped3A = tpu.sem_alloc : memref<!tpu.dma_semaphore, #tpu.memory_space<semaphore_mem>>
      %dma_start3A_47 = arith.constant 0 : i32
      %dma_start3A_48 = arith.constant 0 : i32
      %dma_start3A_49 = tpu.memref_slice %arg11[%dma_start3A_47, %dma_start3A_48] : memref<128x128xf32, #tpu.memory_space<vmem>> -> memref<64x128xf32, #tpu.memory_space<vmem>>
      %dma_start3A_50 = arith.constant 0 : i32
      %dma_start3A_51 = tpu.memref_slice %arg13[%add3A_10, %dma_start3A_50] : memref<5120x128xf32, #tpu.memory_space<vmem_shared>> -> memref<64x128xf32, #tpu.memory_space<vmem_shared>>
      %dma_start3A_52 = arith.constant 0 : i32
      %dma_start3A_53 = tpu.memref_slice %arg13[%add3A_10, %dma_start3A_52] : memref<5120x128xf32, #tpu.memory_space<vmem_shared>> -> memref<64x128xf32, #tpu.memory_space<vmem_shared>>
      %dma_start3A_54 = arith.constant 0 : i32
      %dma_start3A_55 = arith.constant 0 : i32
      %dma_start3A_56 = tpu.memref_slice %arg11[%dma_start3A_54, %dma_start3A_55] : memref<128x128xf32, #tpu.memory_space<vmem>> -> memref<64x128xf32, #tpu.memory_space<vmem>>
      tpu.enqueue_dma source(%dma_start3A_56 : memref<64x128xf32, #tpu.memory_space<vmem>>) target(%dma_start3A_53 : memref<64x128xf32, #tpu.memory_space<vmem_shared>>) target_semaphore(%run_scoped3A : memref<!tpu.dma_semaphore, #tpu.memory_space<semaphore_mem>>)
      %dma_wait3A = arith.constant 0 : i32
      %dma_wait3A_57 = arith.constant 0 : i32
      %dma_wait3A_58 = tpu.memref_slice %arg11[%dma_wait3A, %dma_wait3A_57] : memref<128x128xf32, #tpu.memory_space<vmem>> -> memref<64x128xf32, #tpu.memory_space<vmem>>
      %dma_wait3A_59 = arith.constant 0 : i32
      %dma_wait3A_60 = tpu.memref_slice %arg13[%add3A_10, %dma_wait3A_59] : memref<5120x128xf32, #tpu.memory_space<vmem_shared>> -> memref<64x128xf32, #tpu.memory_space<vmem_shared>>
      %dma_wait3A_61 = arith.constant 0 : i32
      %dma_wait3A_62 = tpu.memref_slice %arg13[%add3A_10, %dma_wait3A_61] : memref<5120x128xf32, #tpu.memory_space<vmem_shared>> -> memref<64x128xf32, #tpu.memory_space<vmem_shared>>
      %dma_wait3A_63 = arith.constant 0 : i32
      %dma_wait3A_64 = arith.constant 0 : i32
      %dma_wait3A_65 = tpu.memref_slice %arg11[%dma_wait3A_63, %dma_wait3A_64] : memref<128x128xf32, #tpu.memory_space<vmem>> -> memref<64x128xf32, #tpu.memory_space<vmem>>
      tpu.wait_dma2 semaphore(%run_scoped3A : memref<!tpu.dma_semaphore, #tpu.memory_space<semaphore_mem>>) src(%dma_wait3A_65 : memref<64x128xf32, #tpu.memory_space<vmem>>) dst(%dma_wait3A_62 : memref<64x128xf32, #tpu.memory_space<vmem_shared>>)
      tpu.yield
    }) : () -> ()
    %barrier3A = arith.constant 0 : index
    tpu.barrier barrier_id(%barrier3A)
    %mul3A_11 = arith.constant 160 : i32
    %mul3A_12 = arith.muli %arg1, %mul3A_11 : i32
    %add3A_13 = arith.constant 0 : i32
    %add3A_14 = arith.addi %mul3A_12, %add3A_13 : i32
    %multiple_of3A = tpu.assume_multiple %add3A_14, 8 : i32
    "tpu.region"() ({
      %run_scoped3A = tpu.sem_alloc : memref<!tpu.dma_semaphore, #tpu.memory_space<semaphore_mem>>
      %dma_start3A_47 = arith.constant 0 : i32
      %dma_start3A_48 = tpu.memref_slice %arg3[%arg0, %multiple_of3A, %dma_start3A_47] : memref<2x2560x128xi32, #tpu.memory_space<hbm>> -> memref<1x80x128xi32, #tpu.memory_space<hbm>>
      %dma_start3A_49 = tpu.memref_squeeze %dma_start3A_48 : memref<1x80x128xi32, #tpu.memory_space<hbm>> -> memref<80x128xi32, #tpu.memory_space<hbm>>
      %dma_start3A_50 = arith.constant 0 : i32
      %dma_start3A_51 = tpu.memref_slice %arg3[%arg0, %multiple_of3A, %dma_start3A_50] : memref<2x2560x128xi32, #tpu.memory_space<hbm>> -> memref<1x80x128xi32, #tpu.memory_space<hbm>>
      %dma_start3A_52 = tpu.memref_squeeze %dma_start3A_51 : memref<1x80x128xi32, #tpu.memory_space<hbm>> -> memref<80x128xi32, #tpu.memory_space<hbm>>
      tpu.enqueue_dma source(%dma_start3A_52 : memref<80x128xi32, #tpu.memory_space<hbm>>) target(%arg7 : memref<80x128xi32, #tpu.memory_space<vmem>>) target_semaphore(%run_scoped3A : memref<!tpu.dma_semaphore, #tpu.memory_space<semaphore_mem>>)
      %dma_wait3A = arith.constant 0 : i32
      %dma_wait3A_53 = tpu.memref_slice %arg3[%arg0, %multiple_of3A, %dma_wait3A] : memref<2x2560x128xi32, #tpu.memory_space<hbm>> -> memref<1x80x128xi32, #tpu.memory_space<hbm>>
      %dma_wait3A_54 = tpu.memref_squeeze %dma_wait3A_53 : memref<1x80x128xi32, #tpu.memory_space<hbm>> -> memref<80x128xi32, #tpu.memory_space<hbm>>
      %dma_wait3A_55 = arith.constant 0 : i32
      %dma_wait3A_56 = tpu.memref_slice %arg3[%arg0, %multiple_of3A, %dma_wait3A_55] : memref<2x2560x128xi32, #tpu.memory_space<hbm>> -> memref<1x80x128xi32, #tpu.memory_space<hbm>>
      %dma_wait3A_57 = tpu.memref_squeeze %dma_wait3A_56 : memref<1x80x128xi32, #tpu.memory_space<hbm>> -> memref<80x128xi32, #tpu.memory_space<hbm>>
      tpu.wait_dma2 semaphore(%run_scoped3A : memref<!tpu.dma_semaphore, #tpu.memory_space<semaphore_mem>>) src(%dma_wait3A_57 : memref<80x128xi32, #tpu.memory_space<hbm>>) dst(%arg7 : memref<80x128xi32, #tpu.memory_space<vmem>>)
      tpu.yield
    }) : () -> ()
    "tpu.region"() ({
      %run_scoped3A = tpu.sem_alloc : memref<!tpu.dma_semaphore, #tpu.memory_space<semaphore_mem>>
      %dma_start3A_47 = arith.constant 0 : i32
      %dma_start3A_48 = tpu.memref_slice %arg4[%arg0, %multiple_of3A, %dma_start3A_47] : memref<2x2560x128xi32, #tpu.memory_space<hbm>> -> memref<1x80x128xi32, #tpu.memory_space<hbm>>
      %dma_start3A_49 = tpu.memref_squeeze %dma_start3A_48 : memref<1x80x128xi32, #tpu.memory_space<hbm>> -> memref<80x128xi32, #tpu.memory_space<hbm>>
      %dma_start3A_50 = arith.constant 0 : i32
      %dma_start3A_51 = tpu.memref_slice %arg4[%arg0, %multiple_of3A, %dma_start3A_50] : memref<2x2560x128xi32, #tpu.memory_space<hbm>> -> memref<1x80x128xi32, #tpu.memory_space<hbm>>
      %dma_start3A_52 = tpu.memref_squeeze %dma_start3A_51 : memref<1x80x128xi32, #tpu.memory_space<hbm>> -> memref<80x128xi32, #tpu.memory_space<hbm>>
      tpu.enqueue_dma source(%dma_start3A_52 : memref<80x128xi32, #tpu.memory_space<hbm>>) target(%arg8 : memref<80x128xi32, #tpu.memory_space<vmem>>) target_semaphore(%run_scoped3A : memref<!tpu.dma_semaphore, #tpu.memory_space<semaphore_mem>>)
      %dma_wait3A = arith.constant 0 : i32
      %dma_wait3A_53 = tpu.memref_slice %arg4[%arg0, %multiple_of3A, %dma_wait3A] : memref<2x2560x128xi32, #tpu.memory_space<hbm>> -> memref<1x80x128xi32, #tpu.memory_space<hbm>>
      %dma_wait3A_54 = tpu.memref_squeeze %dma_wait3A_53 : memref<1x80x128xi32, #tpu.memory_space<hbm>> -> memref<80x128xi32, #tpu.memory_space<hbm>>
      %dma_wait3A_55 = arith.constant 0 : i32
      %dma_wait3A_56 = tpu.memref_slice %arg4[%arg0, %multiple_of3A, %dma_wait3A_55] : memref<2x2560x128xi32, #tpu.memory_space<hbm>> -> memref<1x80x128xi32, #tpu.memory_space<hbm>>
      %dma_wait3A_57 = tpu.memref_squeeze %dma_wait3A_56 : memref<1x80x128xi32, #tpu.memory_space<hbm>> -> memref<80x128xi32, #tpu.memory_space<hbm>>
      tpu.wait_dma2 semaphore(%run_scoped3A : memref<!tpu.dma_semaphore, #tpu.memory_space<semaphore_mem>>) src(%dma_wait3A_57 : memref<80x128xi32, #tpu.memory_space<hbm>>) dst(%arg8 : memref<80x128xi32, #tpu.memory_space<vmem>>)
      tpu.yield
    }) : () -> ()
    %mul3A_15 = arith.constant 20480 : i32
    %mul3A_16 = arith.muli %arg1, %mul3A_15 : i32
    %add3A_17 = arith.constant 0 : i32
    %add3A_18 = arith.addi %mul3A_16, %add3A_17 : i32
    %dma_start3A = arith.constant 0 : i32
    %dma_start3A_19 = arith.constant 0 : i32
    %dma_start3A_20 = tpu.memref_slice %arg5[%dma_start3A, %add3A_18, %dma_start3A_19] : memref<1x327680x128xf32, #tpu.memory_space<hbm>> -> memref<1x128x128xf32, #tpu.memory_space<hbm>>
    %dma_start3A_21 = tpu.memref_squeeze %dma_start3A_20 : memref<1x128x128xf32, #tpu.memory_space<hbm>> -> memref<128x128xf32, #tpu.memory_space<hbm>>
    %dma_start3A_22 = arith.constant 0 : i32
    %dma_start3A_23 = tpu.memref_slice %arg5[%dma_start3A, %add3A_18, %dma_start3A_22] : memref<1x327680x128xf32, #tpu.memory_space<hbm>> -> memref<1x128x128xf32, #tpu.memory_space<hbm>>
    %dma_start3A_24 = tpu.memref_squeeze %dma_start3A_23 : memref<1x128x128xf32, #tpu.memory_space<hbm>> -> memref<128x128xf32, #tpu.memory_space<hbm>>
    tpu.enqueue_dma source(%dma_start3A_24 : memref<128x128xf32, #tpu.memory_space<hbm>>) target(%arg11 : memref<128x128xf32, #tpu.memory_space<vmem>>) target_semaphore(%arg14 : memref<!tpu.dma_semaphore, #tpu.memory_space<semaphore_mem>>)
    %dma_start3A_25 = arith.constant 0 : i32
    %dma_start3A_26 = arith.constant 0 : i32
    %dma_start3A_27 = tpu.memref_slice %arg7[%dma_start3A_25, %dma_start3A_26] : memref<80x128xi32, #tpu.memory_space<vmem>> -> memref<1x128xi32, #tpu.memory_space<vmem>>
    %dma_start3A_28 = tpu.memref_squeeze %dma_start3A_27 : memref<1x128xi32, #tpu.memory_space<vmem>> -> memref<128xi32, #tpu.memory_space<vmem>>
    %dma_start3A_29 = arith.constant 0 : i32
    %dma_start3A_30 = arith.constant 0 : i32
    %dma_start3A_31 = tpu.memref_slice %arg2[%dma_start3A_29, %dma_start3A_30] : memref<10240x128xf32, #tpu.memory_space<hbm>> -> memref<10240x128xf32, #tpu.memory_space<hbm>>
    tpu.enqueue_indirect_dma source(%dma_start3A_31 : memref<10240x128xf32, #tpu.memory_space<hbm>>) target(%arg9 : memref<128x128xf32, #tpu.memory_space<vmem>>) offsets(%dma_start3A_28 : memref<128xi32, #tpu.memory_space<vmem>>) semaphore(%arg14 : memref<!tpu.dma_semaphore, #tpu.memory_space<semaphore_mem>>)
    %scan3A_32 = arith.constant 0 : i32
    %scan3A_33 = arith.constant 0 : i32
    %scan3A_34 = arith.constant 80 : i32
    %scan3A_35 = arith.addi %scan3A_33, %scan3A_34 : i32
    %scan3A_36 = arith.constant 1 : i32
    %scan3A_37 = scf.for %scan3A_47 = %scan3A_33 to %scan3A_35 step %scan3A_36 iter_args(%scan3A_48 = %scan3A_32) -> (i32)  : i32 {
      %mul3A_49 = arith.constant 2 : i32
      %mul3A_50 = arith.muli %mul3A_49, %scan3A_47 : i32
      %add3A_51 = arith.constant 0 : i32
      %add3A_52 = arith.addi %mul3A_50, %add3A_51 : i32
      %jit3A = arith.constant 80 : i32
      %eq3A = arith.constant 0 : i32
      %eq3A_53 = arith.cmpi eq, %jit3A, %eq3A : i32
      %jit3A_54 = arith.constant 1 : i32
      %select_n3A = arith.select %eq3A_53, %jit3A_54, %jit3A : i32
      %rem3A = arith.remsi %add3A_52, %select_n3A : i32
      %ne3A = arith.constant 0 : i32
      %ne3A_55 = arith.cmpi ne, %rem3A, %ne3A : i32
      %lt3A = arith.constant 0 : i32
      %lt3A_56 = arith.cmpi slt, %rem3A, %lt3A : i32
      %lt3A_57 = arith.constant 0 : i32
      %lt3A_58 = arith.cmpi slt, %select_n3A, %lt3A_57 : i32
      %ne3A_59 = arith.xori %lt3A_56, %lt3A_58 : i1
      %and3A = arith.andi %ne3A_59, %ne3A_55 : i1
      %add3A_60 = arith.addi %rem3A, %select_n3A : i32
      %select_n3A_61 = arith.select %and3A, %add3A_60, %rem3A : i32
      %mul3A_62 = arith.constant 20480 : i32
      %mul3A_63 = arith.muli %arg1, %mul3A_62 : i32
      %mul3A_64 = arith.constant 128 : i32
      %mul3A_65 = arith.muli %add3A_52, %mul3A_64 : i32
      %add3A_66 = arith.addi %mul3A_63, %mul3A_65 : i32
      %dma_wait3A = arith.constant 0 : i32
      %dma_wait3A_67 = arith.constant 0 : i32
      %dma_wait3A_68 = tpu.memref_slice %arg5[%dma_wait3A, %add3A_66, %dma_wait3A_67] : memref<1x327680x128xf32, #tpu.memory_space<hbm>> -> memref<1x128x128xf32, #tpu.memory_space<hbm>>
      %dma_wait3A_69 = tpu.memref_squeeze %dma_wait3A_68 : memref<1x128x128xf32, #tpu.memory_space<hbm>> -> memref<128x128xf32, #tpu.memory_space<hbm>>
      %dma_wait3A_70 = arith.constant 0 : i32
      %dma_wait3A_71 = tpu.memref_slice %arg5[%dma_wait3A, %add3A_66, %dma_wait3A_70] : memref<1x327680x128xf32, #tpu.memory_space<hbm>> -> memref<1x128x128xf32, #tpu.memory_space<hbm>>
      %dma_wait3A_72 = tpu.memref_squeeze %dma_wait3A_71 : memref<1x128x128xf32, #tpu.memory_space<hbm>> -> memref<128x128xf32, #tpu.memory_space<hbm>>
      tpu.wait_dma2 semaphore(%arg14 : memref<!tpu.dma_semaphore, #tpu.memory_space<semaphore_mem>>) src(%dma_wait3A_72 : memref<128x128xf32, #tpu.memory_space<hbm>>) dst(%arg11 : memref<128x128xf32, #tpu.memory_space<vmem>>)
      %dma_wait3A_73 = arith.constant 0 : i32
      %dma_wait3A_74 = tpu.memref_slice %arg7[%select_n3A_61, %dma_wait3A_73] : memref<80x128xi32, #tpu.memory_space<vmem>> -> memref<1x128xi32, #tpu.memory_space<vmem>>
      %dma_wait3A_75 = tpu.memref_squeeze %dma_wait3A_74 : memref<1x128xi32, #tpu.memory_space<vmem>> -> memref<128xi32, #tpu.memory_space<vmem>>
      %dma_wait3A_76 = arith.constant 0 : i32
      %dma_wait3A_77 = arith.constant 0 : i32
      %dma_wait3A_78 = tpu.memref_slice %arg2[%dma_wait3A_76, %dma_wait3A_77] : memref<10240x128xf32, #tpu.memory_space<hbm>> -> memref<10240x128xf32, #tpu.memory_space<hbm>>
      tpu.wait_indirect_dma semaphore(%arg14 : memref<!tpu.dma_semaphore, #tpu.memory_space<semaphore_mem>>) src(%dma_wait3A_78 : memref<10240x128xf32, #tpu.memory_space<hbm>>) dst(%arg9 : memref<128x128xf32, #tpu.memory_space<vmem>>)
      %add3A_79 = arith.constant 1 : i32
      %add3A_80 = arith.addi %add3A_52, %add3A_79 : i32
      %jit3A_81 = arith.constant 80 : i32
      %eq3A_82 = arith.constant 0 : i32
      %eq3A_83 = arith.cmpi eq, %jit3A_81, %eq3A_82 : i32
      %jit3A_84 = arith.constant 1 : i32
      %select_n3A_85 = arith.select %eq3A_83, %jit3A_84, %jit3A_81 : i32
      %rem3A_86 = arith.remsi %add3A_80, %select_n3A_85 : i32
      %ne3A_87 = arith.constant 0 : i32
      %ne3A_88 = arith.cmpi ne, %rem3A_86, %ne3A_87 : i32
      %lt3A_89 = arith.constant 0 : i32
      %lt3A_90 = arith.cmpi slt, %rem3A_86, %lt3A_89 : i32
      %lt3A_91 = arith.constant 0 : i32
      %lt3A_92 = arith.cmpi slt, %select_n3A_85, %lt3A_91 : i32
      %ne3A_93 = arith.xori %lt3A_90, %lt3A_92 : i1
      %and3A_94 = arith.andi %ne3A_93, %ne3A_88 : i1
      %add3A_95 = arith.addi %rem3A_86, %select_n3A_85 : i32
      %select_n3A_96 = arith.select %and3A_94, %add3A_95, %rem3A_86 : i32
      %ne3A_97 = arith.constant 0 : i32
      %ne3A_98 = arith.cmpi ne, %select_n3A_96, %ne3A_97 : i32
      %convert_element_type3A = arith.extui %ne3A_98 : i1 to i32
      %cond3A = arith.constant 0 : i32
      %cond3A_99 = arith.cmpi ne, %convert_element_type3A, %cond3A : i32
      scf.if %cond3A_99 {
        %add3A_195 = arith.constant 1 : i32
        %add3A_196 = arith.addi %add3A_52, %add3A_195 : i32
        %jit3A_197 = arith.constant 80 : i32
        %eq3A_198 = arith.constant 0 : i32
        %eq3A_199 = arith.cmpi eq, %jit3A_197, %eq3A_198 : i32
        %jit3A_200 = arith.constant 1 : i32
        %select_n3A_201 = arith.select %eq3A_199, %jit3A_200, %jit3A_197 : i32
        %rem3A_202 = arith.remsi %add3A_196, %select_n3A_201 : i32
        %ne3A_203 = arith.constant 0 : i32
        %ne3A_204 = arith.cmpi ne, %rem3A_202, %ne3A_203 : i32
        %lt3A_205 = arith.constant 0 : i32
        %lt3A_206 = arith.cmpi slt, %rem3A_202, %lt3A_205 : i32
        %lt3A_207 = arith.constant 0 : i32
        %lt3A_208 = arith.cmpi slt, %select_n3A_201, %lt3A_207 : i32
        %ne3A_209 = arith.xori %lt3A_206, %lt3A_208 : i1
        %and3A_210 = arith.andi %ne3A_209, %ne3A_204 : i1
        %add3A_211 = arith.addi %rem3A_202, %select_n3A_201 : i32
        %select_n3A_212 = arith.select %and3A_210, %add3A_211, %rem3A_202 : i32
        %mul3A_213 = arith.constant 20480 : i32
        %mul3A_214 = arith.muli %arg1, %mul3A_213 : i32
        %mul3A_215 = arith.constant 128 : i32
        %mul3A_216 = arith.muli %add3A_196, %mul3A_215 : i32
        %add3A_217 = arith.addi %mul3A_214, %mul3A_216 : i32
        %dma_start3A_218 = arith.constant 0 : i32
        %dma_start3A_219 = arith.constant 0 : i32
        %dma_start3A_220 = tpu.memref_slice %arg5[%dma_start3A_218, %add3A_217, %dma_start3A_219] : memref<1x327680x128xf32, #tpu.memory_space<hbm>> -> memref<1x128x128xf32, #tpu.memory_space<hbm>>
        %dma_start3A_221 = tpu.memref_squeeze %dma_start3A_220 : memref<1x128x128xf32, #tpu.memory_space<hbm>> -> memref<128x128xf32, #tpu.memory_space<hbm>>
        %dma_start3A_222 = arith.constant 0 : i32
        %dma_start3A_223 = tpu.memref_slice %arg5[%dma_start3A_218, %add3A_217, %dma_start3A_222] : memref<1x327680x128xf32, #tpu.memory_space<hbm>> -> memref<1x128x128xf32, #tpu.memory_space<hbm>>
        %dma_start3A_224 = tpu.memref_squeeze %dma_start3A_223 : memref<1x128x128xf32, #tpu.memory_space<hbm>> -> memref<128x128xf32, #tpu.memory_space<hbm>>
        tpu.enqueue_dma source(%dma_start3A_224 : memref<128x128xf32, #tpu.memory_space<hbm>>) target(%arg12 : memref<128x128xf32, #tpu.memory_space<vmem>>) target_semaphore(%arg15 : memref<!tpu.dma_semaphore, #tpu.memory_space<semaphore_mem>>)
        %dma_start3A_225 = arith.constant 0 : i32
        %dma_start3A_226 = tpu.memref_slice %arg7[%select_n3A_212, %dma_start3A_225] : memref<80x128xi32, #tpu.memory_space<vmem>> -> memref<1x128xi32, #tpu.memory_space<vmem>>
        %dma_start3A_227 = tpu.memref_squeeze %dma_start3A_226 : memref<1x128xi32, #tpu.memory_space<vmem>> -> memref<128xi32, #tpu.memory_space<vmem>>
        %dma_start3A_228 = arith.constant 0 : i32
        %dma_start3A_229 = arith.constant 0 : i32
        %dma_start3A_230 = tpu.memref_slice %arg2[%dma_start3A_228, %dma_start3A_229] : memref<10240x128xf32, #tpu.memory_space<hbm>> -> memref<10240x128xf32, #tpu.memory_space<hbm>>
        tpu.enqueue_indirect_dma source(%dma_start3A_230 : memref<10240x128xf32, #tpu.memory_space<hbm>>) target(%arg10 : memref<128x128xf32, #tpu.memory_space<vmem>>) offsets(%dma_start3A_227 : memref<128xi32, #tpu.memory_space<vmem>>) semaphore(%arg15 : memref<!tpu.dma_semaphore, #tpu.memory_space<semaphore_mem>>)
      } else {
      }
      %scan3A_100 = arith.constant 0 : i32
      %scan3A_101 = arith.constant 0 : i32
      %scan3A_102 = arith.constant 64 : i32
      %scan3A_103 = arith.addi %scan3A_101, %scan3A_102 : i32
      %scan3A_104 = arith.constant 1 : i32
      %scan3A_105 = scf.for %scan3A_195 = %scan3A_101 to %scan3A_103 step %scan3A_104 iter_args(%scan3A_196 = %scan3A_100) -> (i32)  : i32 {
        %mul3A_197 = arith.constant 2 : i32
        %mul3A_198 = arith.muli %mul3A_197, %scan3A_195 : i32
        %add3A_199 = arith.constant 0 : i32
        %add3A_200 = arith.addi %mul3A_198, %add3A_199 : i32
        %get3A = arith.index_cast %add3A_200 : i32 to index
        %get3A_201 = arith.constant 0 : index
        %get3A_202 = tpu.vector_load %arg9[%get3A, %get3A_201] {strides = array<i32>} : memref<128x128xf32, #tpu.memory_space<vmem>>, vector<1x16xf32>,
        %get3A_203 = vector.shape_cast %get3A_202 : vector<1x16xf32> to vector<16xf32>
        %get3A_204 = arith.index_cast %add3A_200 : i32 to index
        %get3A_205 = arith.constant 0 : index
        %get3A_206 = tpu.vector_load %arg11[%get3A_204, %get3A_205] {strides = array<i32>} : memref<128x128xf32, #tpu.memory_space<vmem>>, vector<1x16xf32>,
        %get3A_207 = vector.shape_cast %get3A_206 : vector<1x16xf32> to vector<16xf32>
        %add3A_208 = arith.addf %get3A_203, %get3A_207 : vector<16xf32>
        %max3A = arith.constant 0.000000e+00 : f32
        %max3A_209 = vector.broadcast %max3A : f32 to vector<16xf32>
        %max3A_210 = arith.maximumf %add3A_208, %max3A_209 : vector<16xf32>
        %swap3A = arith.index_cast %add3A_200 : i32 to index
        %swap3A_211 = arith.constant 0 : index
        %swap3A_212 = tpu.vector_load %arg9[%swap3A, %swap3A_211] {strides = array<i32>} : memref<128x128xf32, #tpu.memory_space<vmem>>, vector<1x16xf32>,
        %swap3A_213 = vector.shape_cast %swap3A_212 : vector<1x16xf32> to vector<16xf32>
        %swap3A_214 = vector.shape_cast %max3A_210 : vector<16xf32> to vector<1x16xf32>
        tpu.vector_store %arg9[%swap3A, %swap3A_211], %swap3A_214 {strides = array<i32>} : memref<128x128xf32, #tpu.memory_space<vmem>>, vector<1x16xf32>,
        %get3A_215 = arith.index_cast %add3A_200 : i32 to index
        %get3A_216 = arith.constant 16 : index
        %get3A_217 = tpu.vector_load %arg9[%get3A_215, %get3A_216] {strides = array<i32>} : memref<128x128xf32, #tpu.memory_space<vmem>>, vector<1x16xf32>,
        %get3A_218 = vector.shape_cast %get3A_217 : vector<1x16xf32> to vector<16xf32>
        %get3A_219 = arith.index_cast %add3A_200 : i32 to index
        %get3A_220 = arith.constant 16 : index
        %get3A_221 = tpu.vector_load %arg11[%get3A_219, %get3A_220] {strides = array<i32>} : memref<128x128xf32, #tpu.memory_space<vmem>>, vector<1x16xf32>,
        %get3A_222 = vector.shape_cast %get3A_221 : vector<1x16xf32> to vector<16xf32>
        %add3A_223 = arith.addf %get3A_218, %get3A_222 : vector<16xf32>
        %max3A_224 = arith.constant 0.000000e+00 : f32
        %max3A_225 = vector.broadcast %max3A_224 : f32 to vector<16xf32>
        %max3A_226 = arith.maximumf %add3A_223, %max3A_225 : vector<16xf32>
        %swap3A_227 = arith.index_cast %add3A_200 : i32 to index
        %swap3A_228 = arith.constant 16 : index
        %swap3A_229 = tpu.vector_load %arg9[%swap3A_227, %swap3A_228] {strides = array<i32>} : memref<128x128xf32, #tpu.memory_space<vmem>>, vector<1x16xf32>,
        %swap3A_230 = vector.shape_cast %swap3A_229 : vector<1x16xf32> to vector<16xf32>
        %swap3A_231 = vector.shape_cast %max3A_226 : vector<16xf32> to vector<1x16xf32>
        tpu.vector_store %arg9[%swap3A_227, %swap3A_228], %swap3A_231 {strides = array<i32>} : memref<128x128xf32, #tpu.memory_space<vmem>>, vector<1x16xf32>,
        %get3A_232 = arith.index_cast %add3A_200 : i32 to index
        %get3A_233 = arith.constant 32 : index
        %get3A_234 = tpu.vector_load %arg9[%get3A_232, %get3A_233] {strides = array<i32>} : memref<128x128xf32, #tpu.memory_space<vmem>>, vector<1x16xf32>,
        %get3A_235 = vector.shape_cast %get3A_234 : vector<1x16xf32> to vector<16xf32>
        %get3A_236 = arith.index_cast %add3A_200 : i32 to index
        %get3A_237 = arith.constant 32 : index
        %get3A_238 = tpu.vector_load %arg11[%get3A_236, %get3A_237] {strides = array<i32>} : memref<128x128xf32, #tpu.memory_space<vmem>>, vector<1x16xf32>,
        %get3A_239 = vector.shape_cast %get3A_238 : vector<1x16xf32> to vector<16xf32>
        %add3A_240 = arith.addf %get3A_235, %get3A_239 : vector<16xf32>
        %max3A_241 = arith.constant 0.000000e+00 : f32
        %max3A_242 = vector.broadcast %max3A_241 : f32 to vector<16xf32>
        %max3A_243 = arith.maximumf %add3A_240, %max3A_242 : vector<16xf32>
        %swap3A_244 = arith.index_cast %add3A_200 : i32 to index
        %swap3A_245 = arith.constant 32 : index
        %swap3A_246 = tpu.vector_load %arg9[%swap3A_244, %swap3A_245] {strides = array<i32>} : memref<128x128xf32, #tpu.memory_space<vmem>>, vector<1x16xf32>,
        %swap3A_247 = vector.shape_cast %swap3A_246 : vector<1x16xf32> to vector<16xf32>
        %swap3A_248 = vector.shape_cast %max3A_243 : vector<16xf32> to vector<1x16xf32>
        tpu.vector_store %arg9[%swap3A_244, %swap3A_245], %swap3A_248 {strides = array<i32>} : memref<128x128xf32, #tpu.memory_space<vmem>>, vector<1x16xf32>,
        %get3A_249 = arith.index_cast %add3A_200 : i32 to index
        %get3A_250 = arith.constant 48 : index
        %get3A_251 = tpu.vector_load %arg9[%get3A_249, %get3A_250] {strides = array<i32>} : memref<128x128xf32, #tpu.memory_space<vmem>>, vector<1x16xf32>,
        %get3A_252 = vector.shape_cast %get3A_251 : vector<1x16xf32> to vector<16xf32>
        %get3A_253 = arith.index_cast %add3A_200 : i32 to index
        %get3A_254 = arith.constant 48 : index
        %get3A_255 = tpu.vector_load %arg11[%get3A_253, %get3A_254] {strides = array<i32>} : memref<128x128xf32, #tpu.memory_space<vmem>>, vector<1x16xf32>,
        %get3A_256 = vector.shape_cast %get3A_255 : vector<1x16xf32> to vector<16xf32>
        %add3A_257 = arith.addf %get3A_252, %get3A_256 : vector<16xf32>
        %max3A_258 = arith.constant 0.000000e+00 : f32
        %max3A_259 = vector.broadcast %max3A_258 : f32 to vector<16xf32>
        %max3A_260 = arith.maximumf %add3A_257, %max3A_259 : vector<16xf32>
        %swap3A_261 = arith.index_cast %add3A_200 : i32 to index
        %swap3A_262 = arith.constant 48 : index
        %swap3A_263 = tpu.vector_load %arg9[%swap3A_261, %swap3A_262] {strides = array<i32>} : memref<128x128xf32, #tpu.memory_space<vmem>>, vector<1x16xf32>,
        %swap3A_264 = vector.shape_cast %swap3A_263 : vector<1x16xf32> to vector<16xf32>
        %swap3A_265 = vector.shape_cast %max3A_260 : vector<16xf32> to vector<1x16xf32>
        tpu.vector_store %arg9[%swap3A_261, %swap3A_262], %swap3A_265 {strides = array<i32>} : memref<128x128xf32, #tpu.memory_space<vmem>>, vector<1x16xf32>,
        %get3A_266 = arith.index_cast %add3A_200 : i32 to index
        %get3A_267 = arith.constant 64 : index
        %get3A_268 = tpu.vector_load %arg9[%get3A_266, %get3A_267] {strides = array<i32>} : memref<128x128xf32, #tpu.memory_space<vmem>>, vector<1x16xf32>,
        %get3A_269 = vector.shape_cast %get3A_268 : vector<1x16xf32> to vector<16xf32>
        %get3A_270 = arith.index_cast %add3A_200 : i32 to index
        %get3A_271 = arith.constant 64 : index
        %get3A_272 = tpu.vector_load %arg11[%get3A_270, %get3A_271] {strides = array<i32>} : memref<128x128xf32, #tpu.memory_space<vmem>>, vector<1x16xf32>,
        %get3A_273 = vector.shape_cast %get3A_272 : vector<1x16xf32> to vector<16xf32>
        %add3A_274 = arith.addf %get3A_269, %get3A_273 : vector<16xf32>
        %max3A_275 = arith.constant 0.000000e+00 : f32
        %max3A_276 = vector.broadcast %max3A_275 : f32 to vector<16xf32>
        %max3A_277 = arith.maximumf %add3A_274, %max3A_276 : vector<16xf32>
        %swap3A_278 = arith.index_cast %add3A_200 : i32 to index
        %swap3A_279 = arith.constant 64 : index
        %swap3A_280 = tpu.vector_load %arg9[%swap3A_278, %swap3A_279] {strides = array<i32>} : memref<128x128xf32, #tpu.memory_space<vmem>>, vector<1x16xf32>,
        %swap3A_281 = vector.shape_cast %swap3A_280 : vector<1x16xf32> to vector<16xf32>
        %swap3A_282 = vector.shape_cast %max3A_277 : vector<16xf32> to vector<1x16xf32>
        tpu.vector_store %arg9[%swap3A_278, %swap3A_279], %swap3A_282 {strides = array<i32>} : memref<128x128xf32, #tpu.memory_space<vmem>>, vector<1x16xf32>,
        %get3A_283 = arith.index_cast %add3A_200 : i32 to index
        %get3A_284 = arith.constant 80 : index
        %get3A_285 = tpu.vector_load %arg9[%get3A_283, %get3A_284] {strides = array<i32>} : memref<128x128xf32, #tpu.memory_space<vmem>>, vector<1x16xf32>,
        %get3A_286 = vector.shape_cast %get3A_285 : vector<1x16xf32> to vector<16xf32>
        %get3A_287 = arith.index_cast %add3A_200 : i32 to index
        %get3A_288 = arith.constant 80 : index
        %get3A_289 = tpu.vector_load %arg11[%get3A_287, %get3A_288] {strides = array<i32>} : memref<128x128xf32, #tpu.memory_space<vmem>>, vector<1x16xf32>,
        %get3A_290 = vector.shape_cast %get3A_289 : vector<1x16xf32> to vector<16xf32>
        %add3A_291 = arith.addf %get3A_286, %get3A_290 : vector<16xf32>
        %max3A_292 = arith.constant 0.000000e+00 : f32
        %max3A_293 = vector.broadcast %max3A_292 : f32 to vector<16xf32>
        %max3A_294 = arith.maximumf %add3A_291, %max3A_293 : vector<16xf32>
        %swap3A_295 = arith.index_cast %add3A_200 : i32 to index
        %swap3A_296 = arith.constant 80 : index
        %swap3A_297 = tpu.vector_load %arg9[%swap3A_295, %swap3A_296] {strides = array<i32>} : memref<128x128xf32, #tpu.memory_space<vmem>>, vector<1x16xf32>,
        %swap3A_298 = vector.shape_cast %swap3A_297 : vector<1x16xf32> to vector<16xf32>
        %swap3A_299 = vector.shape_cast %max3A_294 : vector<16xf32> to vector<1x16xf32>
        tpu.vector_store %arg9[%swap3A_295, %swap3A_296], %swap3A_299 {strides = array<i32>} : memref<128x128xf32, #tpu.memory_space<vmem>>, vector<1x16xf32>,
        %get3A_300 = arith.index_cast %add3A_200 : i32 to index
        %get3A_301 = arith.constant 96 : index
        %get3A_302 = tpu.vector_load %arg9[%get3A_300, %get3A_301] {strides = array<i32>} : memref<128x128xf32, #tpu.memory_space<vmem>>, vector<1x16xf32>,
        %get3A_303 = vector.shape_cast %get3A_302 : vector<1x16xf32> to vector<16xf32>
        %get3A_304 = arith.index_cast %add3A_200 : i32 to index
        %get3A_305 = arith.constant 96 : index
        %get3A_306 = tpu.vector_load %arg11[%get3A_304, %get3A_305] {strides = array<i32>} : memref<128x128xf32, #tpu.memory_space<vmem>>, vector<1x16xf32>,
        %get3A_307 = vector.shape_cast %get3A_306 : vector<1x16xf32> to vector<16xf32>
        %add3A_308 = arith.addf %get3A_303, %get3A_307 : vector<16xf32>
        %max3A_309 = arith.constant 0.000000e+00 : f32
        %max3A_310 = vector.broadcast %max3A_309 : f32 to vector<16xf32>
        %max3A_311 = arith.maximumf %add3A_308, %max3A_310 : vector<16xf32>
        %swap3A_312 = arith.index_cast %add3A_200 : i32 to index
        %swap3A_313 = arith.constant 96 : index
        %swap3A_314 = tpu.vector_load %arg9[%swap3A_312, %swap3A_313] {strides = array<i32>} : memref<128x128xf32, #tpu.memory_space<vmem>>, vector<1x16xf32>,
        %swap3A_315 = vector.shape_cast %swap3A_314 : vector<1x16xf32> to vector<16xf32>
        %swap3A_316 = vector.shape_cast %max3A_311 : vector<16xf32> to vector<1x16xf32>
        tpu.vector_store %arg9[%swap3A_312, %swap3A_313], %swap3A_316 {strides = array<i32>} : memref<128x128xf32, #tpu.memory_space<vmem>>, vector<1x16xf32>,
        %get3A_317 = arith.index_cast %add3A_200 : i32 to index
        %get3A_318 = arith.constant 112 : index
        %get3A_319 = tpu.vector_load %arg9[%get3A_317, %get3A_318] {strides = array<i32>} : memref<128x128xf32, #tpu.memory_space<vmem>>, vector<1x16xf32>,
        %get3A_320 = vector.shape_cast %get3A_319 : vector<1x16xf32> to vector<16xf32>
        %get3A_321 = arith.index_cast %add3A_200 : i32 to index
        %get3A_322 = arith.constant 112 : index
        %get3A_323 = tpu.vector_load %arg11[%get3A_321, %get3A_322] {strides = array<i32>} : memref<128x128xf32, #tpu.memory_space<vmem>>, vector<1x16xf32>,
        %get3A_324 = vector.shape_cast %get3A_323 : vector<1x16xf32> to vector<16xf32>
        %add3A_325 = arith.addf %get3A_320, %get3A_324 : vector<16xf32>
        %max3A_326 = arith.constant 0.000000e+00 : f32
        %max3A_327 = vector.broadcast %max3A_326 : f32 to vector<16xf32>
        %max3A_328 = arith.maximumf %add3A_325, %max3A_327 : vector<16xf32>
        %swap3A_329 = arith.index_cast %add3A_200 : i32 to index
        %swap3A_330 = arith.constant 112 : index
        %swap3A_331 = tpu.vector_load %arg9[%swap3A_329, %swap3A_330] {strides = array<i32>} : memref<128x128xf32, #tpu.memory_space<vmem>>, vector<1x16xf32>,
        %swap3A_332 = vector.shape_cast %swap3A_331 : vector<1x16xf32> to vector<16xf32>
        %swap3A_333 = vector.shape_cast %max3A_328 : vector<16xf32> to vector<1x16xf32>
        tpu.vector_store %arg9[%swap3A_329, %swap3A_330], %swap3A_333 {strides = array<i32>} : memref<128x128xf32, #tpu.memory_space<vmem>>, vector<1x16xf32>,
        %mul3A_334 = arith.constant 2 : i32
        %mul3A_335 = arith.muli %mul3A_334, %scan3A_195 : i32
        %add3A_336 = arith.constant 1 : i32
        %add3A_337 = arith.addi %mul3A_335, %add3A_336 : i32
        %get3A_338 = arith.index_cast %add3A_337 : i32 to index
        %get3A_339 = arith.constant 0 : index
        %get3A_340 = tpu.vector_load %arg9[%get3A_338, %get3A_339] {strides = array<i32>} : memref<128x128xf32, #tpu.memory_space<vmem>>, vector<1x16xf32>,
        %get3A_341 = vector.shape_cast %get3A_340 : vector<1x16xf32> to vector<16xf32>
        %get3A_342 = arith.index_cast %add3A_337 : i32 to index
        %get3A_343 = arith.constant 0 : index
        %get3A_344 = tpu.vector_load %arg11[%get3A_342, %get3A_343] {strides = array<i32>} : memref<128x128xf32, #tpu.memory_space<vmem>>, vector<1x16xf32>,
        %get3A_345 = vector.shape_cast %get3A_344 : vector<1x16xf32> to vector<16xf32>
        %add3A_346 = arith.addf %get3A_341, %get3A_345 : vector<16xf32>
        %max3A_347 = arith.constant 0.000000e+00 : f32
        %max3A_348 = vector.broadcast %max3A_347 : f32 to vector<16xf32>
        %max3A_349 = arith.maximumf %add3A_346, %max3A_348 : vector<16xf32>
        %swap3A_350 = arith.index_cast %add3A_337 : i32 to index
        %swap3A_351 = arith.constant 0 : index
        %swap3A_352 = tpu.vector_load %arg9[%swap3A_350, %swap3A_351] {strides = array<i32>} : memref<128x128xf32, #tpu.memory_space<vmem>>, vector<1x16xf32>,
        %swap3A_353 = vector.shape_cast %swap3A_352 : vector<1x16xf32> to vector<16xf32>
        %swap3A_354 = vector.shape_cast %max3A_349 : vector<16xf32> to vector<1x16xf32>
        tpu.vector_store %arg9[%swap3A_350, %swap3A_351], %swap3A_354 {strides = array<i32>} : memref<128x128xf32, #tpu.memory_space<vmem>>, vector<1x16xf32>,
        %get3A_355 = arith.index_cast %add3A_337 : i32 to index
        %get3A_356 = arith.constant 16 : index
        %get3A_357 = tpu.vector_load %arg9[%get3A_355, %get3A_356] {strides = array<i32>} : memref<128x128xf32, #tpu.memory_space<vmem>>, vector<1x16xf32>,
        %get3A_358 = vector.shape_cast %get3A_357 : vector<1x16xf32> to vector<16xf32>
        %get3A_359 = arith.index_cast %add3A_337 : i32 to index
        %get3A_360 = arith.constant 16 : index
        %get3A_361 = tpu.vector_load %arg11[%get3A_359, %get3A_360] {strides = array<i32>} : memref<128x128xf32, #tpu.memory_space<vmem>>, vector<1x16xf32>,
        %get3A_362 = vector.shape_cast %get3A_361 : vector<1x16xf32> to vector<16xf32>
        %add3A_363 = arith.addf %get3A_358, %get3A_362 : vector<16xf32>
        %max3A_364 = arith.constant 0.000000e+00 : f32
        %max3A_365 = vector.broadcast %max3A_364 : f32 to vector<16xf32>
        %max3A_366 = arith.maximumf %add3A_363, %max3A_365 : vector<16xf32>
        %swap3A_367 = arith.index_cast %add3A_337 : i32 to index
        %swap3A_368 = arith.constant 16 : index
        %swap3A_369 = tpu.vector_load %arg9[%swap3A_367, %swap3A_368] {strides = array<i32>} : memref<128x128xf32, #tpu.memory_space<vmem>>, vector<1x16xf32>,
        %swap3A_370 = vector.shape_cast %swap3A_369 : vector<1x16xf32> to vector<16xf32>
        %swap3A_371 = vector.shape_cast %max3A_366 : vector<16xf32> to vector<1x16xf32>
        tpu.vector_store %arg9[%swap3A_367, %swap3A_368], %swap3A_371 {strides = array<i32>} : memref<128x128xf32, #tpu.memory_space<vmem>>, vector<1x16xf32>,
        %get3A_372 = arith.index_cast %add3A_337 : i32 to index
        %get3A_373 = arith.constant 32 : index
        %get3A_374 = tpu.vector_load %arg9[%get3A_372, %get3A_373] {strides = array<i32>} : memref<128x128xf32, #tpu.memory_space<vmem>>, vector<1x16xf32>,
        %get3A_375 = vector.shape_cast %get3A_374 : vector<1x16xf32> to vector<16xf32>
        %get3A_376 = arith.index_cast %add3A_337 : i32 to index
        %get3A_377 = arith.constant 32 : index
        %get3A_378 = tpu.vector_load %arg11[%get3A_376, %get3A_377] {strides = array<i32>} : memref<128x128xf32, #tpu.memory_space<vmem>>, vector<1x16xf32>,
        %get3A_379 = vector.shape_cast %get3A_378 : vector<1x16xf32> to vector<16xf32>
        %add3A_380 = arith.addf %get3A_375, %get3A_379 : vector<16xf32>
        %max3A_381 = arith.constant 0.000000e+00 : f32
        %max3A_382 = vector.broadcast %max3A_381 : f32 to vector<16xf32>
        %max3A_383 = arith.maximumf %add3A_380, %max3A_382 : vector<16xf32>
        %swap3A_384 = arith.index_cast %add3A_337 : i32 to index
        %swap3A_385 = arith.constant 32 : index
        %swap3A_386 = tpu.vector_load %arg9[%swap3A_384, %swap3A_385] {strides = array<i32>} : memref<128x128xf32, #tpu.memory_space<vmem>>, vector<1x16xf32>,
        %swap3A_387 = vector.shape_cast %swap3A_386 : vector<1x16xf32> to vector<16xf32>
        %swap3A_388 = vector.shape_cast %max3A_383 : vector<16xf32> to vector<1x16xf32>
        tpu.vector_store %arg9[%swap3A_384, %swap3A_385], %swap3A_388 {strides = array<i32>} : memref<128x128xf32, #tpu.memory_space<vmem>>, vector<1x16xf32>,
        %get3A_389 = arith.index_cast %add3A_337 : i32 to index
        %get3A_390 = arith.constant 48 : index
        %get3A_391 = tpu.vector_load %arg9[%get3A_389, %get3A_390] {strides = array<i32>} : memref<128x128xf32, #tpu.memory_space<vmem>>, vector<1x16xf32>,
        %get3A_392 = vector.shape_cast %get3A_391 : vector<1x16xf32> to vector<16xf32>
        %get3A_393 = arith.index_cast %add3A_337 : i32 to index
        %get3A_394 = arith.constant 48 : index
        %get3A_395 = tpu.vector_load %arg11[%get3A_393, %get3A_394] {strides = array<i32>} : memref<128x128xf32, #tpu.memory_space<vmem>>, vector<1x16xf32>,
        %get3A_396 = vector.shape_cast %get3A_395 : vector<1x16xf32> to vector<16xf32>
        %add3A_397 = arith.addf %get3A_392, %get3A_396 : vector<16xf32>
        %max3A_398 = arith.constant 0.000000e+00 : f32
        %max3A_399 = vector.broadcast %max3A_398 : f32 to vector<16xf32>
        %max3A_400 = arith.maximumf %add3A_397, %max3A_399 : vector<16xf32>
        %swap3A_401 = arith.index_cast %add3A_337 : i32 to index
        %swap3A_402 = arith.constant 48 : index
        %swap3A_403 = tpu.vector_load %arg9[%swap3A_401, %swap3A_402] {strides = array<i32>} : memref<128x128xf32, #tpu.memory_space<vmem>>, vector<1x16xf32>,
        %swap3A_404 = vector.shape_cast %swap3A_403 : vector<1x16xf32> to vector<16xf32>
        %swap3A_405 = vector.shape_cast %max3A_400 : vector<16xf32> to vector<1x16xf32>
        tpu.vector_store %arg9[%swap3A_401, %swap3A_402], %swap3A_405 {strides = array<i32>} : memref<128x128xf32, #tpu.memory_space<vmem>>, vector<1x16xf32>,
        %get3A_406 = arith.index_cast %add3A_337 : i32 to index
        %get3A_407 = arith.constant 64 : index
        %get3A_408 = tpu.vector_load %arg9[%get3A_406, %get3A_407] {strides = array<i32>} : memref<128x128xf32, #tpu.memory_space<vmem>>, vector<1x16xf32>,
        %get3A_409 = vector.shape_cast %get3A_408 : vector<1x16xf32> to vector<16xf32>
        %get3A_410 = arith.index_cast %add3A_337 : i32 to index
        %get3A_411 = arith.constant 64 : index
        %get3A_412 = tpu.vector_load %arg11[%get3A_410, %get3A_411] {strides = array<i32>} : memref<128x128xf32, #tpu.memory_space<vmem>>, vector<1x16xf32>,
        %get3A_413 = vector.shape_cast %get3A_412 : vector<1x16xf32> to vector<16xf32>
        %add3A_414 = arith.addf %get3A_409, %get3A_413 : vector<16xf32>
        %max3A_415 = arith.constant 0.000000e+00 : f32
        %max3A_416 = vector.broadcast %max3A_415 : f32 to vector<16xf32>
        %max3A_417 = arith.maximumf %add3A_414, %max3A_416 : vector<16xf32>
        %swap3A_418 = arith.index_cast %add3A_337 : i32 to index
        %swap3A_419 = arith.constant 64 : index
        %swap3A_420 = tpu.vector_load %arg9[%swap3A_418, %swap3A_419] {strides = array<i32>} : memref<128x128xf32, #tpu.memory_space<vmem>>, vector<1x16xf32>,
        %swap3A_421 = vector.shape_cast %swap3A_420 : vector<1x16xf32> to vector<16xf32>
        %swap3A_422 = vector.shape_cast %max3A_417 : vector<16xf32> to vector<1x16xf32>
        tpu.vector_store %arg9[%swap3A_418, %swap3A_419], %swap3A_422 {strides = array<i32>} : memref<128x128xf32, #tpu.memory_space<vmem>>, vector<1x16xf32>,
        %get3A_423 = arith.index_cast %add3A_337 : i32 to index
        %get3A_424 = arith.constant 80 : index
        %get3A_425 = tpu.vector_load %arg9[%get3A_423, %get3A_424] {strides = array<i32>} : memref<128x128xf32, #tpu.memory_space<vmem>>, vector<1x16xf32>,
        %get3A_426 = vector.shape_cast %get3A_425 : vector<1x16xf32> to vector<16xf32>
        %get3A_427 = arith.index_cast %add3A_337 : i32 to index
        %get3A_428 = arith.constant 80 : index
        %get3A_429 = tpu.vector_load %arg11[%get3A_427, %get3A_428] {strides = array<i32>} : memref<128x128xf32, #tpu.memory_space<vmem>>, vector<1x16xf32>,
        %get3A_430 = vector.shape_cast %get3A_429 : vector<1x16xf32> to vector<16xf32>
        %add3A_431 = arith.addf %get3A_426, %get3A_430 : vector<16xf32>
        %max3A_432 = arith.constant 0.000000e+00 : f32
        %max3A_433 = vector.broadcast %max3A_432 : f32 to vector<16xf32>
        %max3A_434 = arith.maximumf %add3A_431, %max3A_433 : vector<16xf32>
        %swap3A_435 = arith.index_cast %add3A_337 : i32 to index
        %swap3A_436 = arith.constant 80 : index
        %swap3A_437 = tpu.vector_load %arg9[%swap3A_435, %swap3A_436] {strides = array<i32>} : memref<128x128xf32, #tpu.memory_space<vmem>>, vector<1x16xf32>,
        %swap3A_438 = vector.shape_cast %swap3A_437 : vector<1x16xf32> to vector<16xf32>
        %swap3A_439 = vector.shape_cast %max3A_434 : vector<16xf32> to vector<1x16xf32>
        tpu.vector_store %arg9[%swap3A_435, %swap3A_436], %swap3A_439 {strides = array<i32>} : memref<128x128xf32, #tpu.memory_space<vmem>>, vector<1x16xf32>,
        %get3A_440 = arith.index_cast %add3A_337 : i32 to index
        %get3A_441 = arith.constant 96 : index
        %get3A_442 = tpu.vector_load %arg9[%get3A_440, %get3A_441] {strides = array<i32>} : memref<128x128xf32, #tpu.memory_space<vmem>>, vector<1x16xf32>,
        %get3A_443 = vector.shape_cast %get3A_442 : vector<1x16xf32> to vector<16xf32>
        %get3A_444 = arith.index_cast %add3A_337 : i32 to index
        %get3A_445 = arith.constant 96 : index
        %get3A_446 = tpu.vector_load %arg11[%get3A_444, %get3A_445] {strides = array<i32>} : memref<128x128xf32, #tpu.memory_space<vmem>>, vector<1x16xf32>,
        %get3A_447 = vector.shape_cast %get3A_446 : vector<1x16xf32> to vector<16xf32>
        %add3A_448 = arith.addf %get3A_443, %get3A_447 : vector<16xf32>
        %max3A_449 = arith.constant 0.000000e+00 : f32
        %max3A_450 = vector.broadcast %max3A_449 : f32 to vector<16xf32>
        %max3A_451 = arith.maximumf %add3A_448, %max3A_450 : vector<16xf32>
        %swap3A_452 = arith.index_cast %add3A_337 : i32 to index
        %swap3A_453 = arith.constant 96 : index
        %swap3A_454 = tpu.vector_load %arg9[%swap3A_452, %swap3A_453] {strides = array<i32>} : memref<128x128xf32, #tpu.memory_space<vmem>>, vector<1x16xf32>,
        %swap3A_455 = vector.shape_cast %swap3A_454 : vector<1x16xf32> to vector<16xf32>
        %swap3A_456 = vector.shape_cast %max3A_451 : vector<16xf32> to vector<1x16xf32>
        tpu.vector_store %arg9[%swap3A_452, %swap3A_453], %swap3A_456 {strides = array<i32>} : memref<128x128xf32, #tpu.memory_space<vmem>>, vector<1x16xf32>,
        %get3A_457 = arith.index_cast %add3A_337 : i32 to index
        %get3A_458 = arith.constant 112 : index
        %get3A_459 = tpu.vector_load %arg9[%get3A_457, %get3A_458] {strides = array<i32>} : memref<128x128xf32, #tpu.memory_space<vmem>>, vector<1x16xf32>,
        %get3A_460 = vector.shape_cast %get3A_459 : vector<1x16xf32> to vector<16xf32>
        %get3A_461 = arith.index_cast %add3A_337 : i32 to index
        %get3A_462 = arith.constant 112 : index
        %get3A_463 = tpu.vector_load %arg11[%get3A_461, %get3A_462] {strides = array<i32>} : memref<128x128xf32, #tpu.memory_space<vmem>>, vector<1x16xf32>,
        %get3A_464 = vector.shape_cast %get3A_463 : vector<1x16xf32> to vector<16xf32>
        %add3A_465 = arith.addf %get3A_460, %get3A_464 : vector<16xf32>
        %max3A_466 = arith.constant 0.000000e+00 : f32
        %max3A_467 = vector.broadcast %max3A_466 : f32 to vector<16xf32>
        %max3A_468 = arith.maximumf %add3A_465, %max3A_467 : vector<16xf32>
        %swap3A_469 = arith.index_cast %add3A_337 : i32 to index
        %swap3A_470 = arith.constant 112 : index
        %swap3A_471 = tpu.vector_load %arg9[%swap3A_469, %swap3A_470] {strides = array<i32>} : memref<128x128xf32, #tpu.memory_space<vmem>>, vector<1x16xf32>,
        %swap3A_472 = vector.shape_cast %swap3A_471 : vector<1x16xf32> to vector<16xf32>
        %swap3A_473 = vector.shape_cast %max3A_468 : vector<16xf32> to vector<1x16xf32>
        tpu.vector_store %arg9[%swap3A_469, %swap3A_470], %swap3A_473 {strides = array<i32>} : memref<128x128xf32, #tpu.memory_space<vmem>>, vector<1x16xf32>,
        %scan3A_474 = arith.constant 0 : i32
        scf.yield %scan3A_474 : i32
      }
      %scan3A_106 = arith.constant 64 : i32
      "tpu.region"() ({
        %run_scoped3A = tpu.sem_alloc : memref<!tpu.dma_semaphore, #tpu.memory_space<semaphore_mem>>
        %dma_start3A_195 = arith.constant 0 : i32
        %dma_start3A_196 = tpu.memref_slice %arg8[%select_n3A_61, %dma_start3A_195] : memref<80x128xi32, #tpu.memory_space<vmem>> -> memref<1x128xi32, #tpu.memory_space<vmem>>
        %dma_start3A_197 = tpu.memref_squeeze %dma_start3A_196 : memref<1x128xi32, #tpu.memory_space<vmem>> -> memref<128xi32, #tpu.memory_space<vmem>>
        %dma_start3A_198 = arith.constant 0 : i32
        %dma_start3A_199 = arith.constant 0 : i32
        %dma_start3A_200 = tpu.memref_slice %arg13[%dma_start3A_198, %dma_start3A_199] : memref<5120x128xf32, #tpu.memory_space<vmem_shared>> -> memref<5120x128xf32, #tpu.memory_space<vmem_shared>>
        tpu.enqueue_indirect_dma source(%arg9 : memref<128x128xf32, #tpu.memory_space<vmem>>) target(%dma_start3A_200 : memref<5120x128xf32, #tpu.memory_space<vmem_shared>>) offsets(%dma_start3A_197 : memref<128xi32, #tpu.memory_space<vmem>>) semaphore(%run_scoped3A : memref<!tpu.dma_semaphore, #tpu.memory_space<semaphore_mem>>) {add = true}
        %dma_wait3A_201 = arith.constant 0 : i32
        %dma_wait3A_202 = tpu.memref_slice %arg8[%select_n3A_61, %dma_wait3A_201] : memref<80x128xi32, #tpu.memory_space<vmem>> -> memref<1x128xi32, #tpu.memory_space<vmem>>
        %dma_wait3A_203 = tpu.memref_squeeze %dma_wait3A_202 : memref<1x128xi32, #tpu.memory_space<vmem>> -> memref<128xi32, #tpu.memory_space<vmem>>
        %dma_wait3A_204 = arith.constant 0 : i32
        %dma_wait3A_205 = arith.constant 0 : i32
        %dma_wait3A_206 = tpu.memref_slice %arg13[%dma_wait3A_204, %dma_wait3A_205] : memref<5120x128xf32, #tpu.memory_space<vmem_shared>> -> memref<5120x128xf32, #tpu.memory_space<vmem_shared>>
        tpu.wait_indirect_dma semaphore(%run_scoped3A : memref<!tpu.dma_semaphore, #tpu.memory_space<semaphore_mem>>) src(%arg9 : memref<128x128xf32, #tpu.memory_space<vmem>>) dst(%dma_wait3A_206 : memref<5120x128xf32, #tpu.memory_space<vmem_shared>>)
        tpu.yield
      }) : () -> ()
      %not3A = arith.constant true
      %not3A_107 = arith.xori %ne3A_98, %not3A : i1
      %add3A_108 = arith.constant 1 : i32
      %add3A_109 = arith.addi %add3A_52, %add3A_108 : i32
      %lt3A_110 = arith.constant 160 : i32
      %lt3A_111 = arith.cmpi slt, %add3A_109, %lt3A_110 : i32
      %and3A_112 = arith.andi %not3A_107, %lt3A_111 : i1
      %convert_element_type3A_113 = arith.extui %and3A_112 : i1 to i32
      %cond3A_114 = arith.constant 0 : i32
      %cond3A_115 = arith.cmpi ne, %convert_element_type3A_113, %cond3A_114 : i32
      scf.if %cond3A_115 {
        %add3A_195 = arith.constant 1 : i32
        %add3A_196 = arith.addi %add3A_52, %add3A_195 : i32
        %mul3A_197 = arith.constant 160 : i32
        %mul3A_198 = arith.muli %arg1, %mul3A_197 : i32
        %add3A_199 = arith.addi %mul3A_198, %add3A_196 : i32
        %multiple_of3A_200 = tpu.assume_multiple %add3A_199, 8 : i32
        "tpu.region"() ({
          %run_scoped3A = tpu.sem_alloc : memref<!tpu.dma_semaphore, #tpu.memory_space<semaphore_mem>>
          %dma_start3A_237 = arith.constant 0 : i32
          %dma_start3A_238 = tpu.memref_slice %arg3[%arg0, %multiple_of3A_200, %dma_start3A_237] : memref<2x2560x128xi32, #tpu.memory_space<hbm>> -> memref<1x80x128xi32, #tpu.memory_space<hbm>>
          %dma_start3A_239 = tpu.memref_squeeze %dma_start3A_238 : memref<1x80x128xi32, #tpu.memory_space<hbm>> -> memref<80x128xi32, #tpu.memory_space<hbm>>
          %dma_start3A_240 = arith.constant 0 : i32
          %dma_start3A_241 = tpu.memref_slice %arg3[%arg0, %multiple_of3A_200, %dma_start3A_240] : memref<2x2560x128xi32, #tpu.memory_space<hbm>> -> memref<1x80x128xi32, #tpu.memory_space<hbm>>
          %dma_start3A_242 = tpu.memref_squeeze %dma_start3A_241 : memref<1x80x128xi32, #tpu.memory_space<hbm>> -> memref<80x128xi32, #tpu.memory_space<hbm>>
          tpu.enqueue_dma source(%dma_start3A_242 : memref<80x128xi32, #tpu.memory_space<hbm>>) target(%arg7 : memref<80x128xi32, #tpu.memory_space<vmem>>) target_semaphore(%run_scoped3A : memref<!tpu.dma_semaphore, #tpu.memory_space<semaphore_mem>>)
          %dma_wait3A_243 = arith.constant 0 : i32
          %dma_wait3A_244 = tpu.memref_slice %arg3[%arg0, %multiple_of3A_200, %dma_wait3A_243] : memref<2x2560x128xi32, #tpu.memory_space<hbm>> -> memref<1x80x128xi32, #tpu.memory_space<hbm>>
          %dma_wait3A_245 = tpu.memref_squeeze %dma_wait3A_244 : memref<1x80x128xi32, #tpu.memory_space<hbm>> -> memref<80x128xi32, #tpu.memory_space<hbm>>
          %dma_wait3A_246 = arith.constant 0 : i32
          %dma_wait3A_247 = tpu.memref_slice %arg3[%arg0, %multiple_of3A_200, %dma_wait3A_246] : memref<2x2560x128xi32, #tpu.memory_space<hbm>> -> memref<1x80x128xi32, #tpu.memory_space<hbm>>
          %dma_wait3A_248 = tpu.memref_squeeze %dma_wait3A_247 : memref<1x80x128xi32, #tpu.memory_space<hbm>> -> memref<80x128xi32, #tpu.memory_space<hbm>>
          tpu.wait_dma2 semaphore(%run_scoped3A : memref<!tpu.dma_semaphore, #tpu.memory_space<semaphore_mem>>) src(%dma_wait3A_248 : memref<80x128xi32, #tpu.memory_space<hbm>>) dst(%arg7 : memref<80x128xi32, #tpu.memory_space<vmem>>)
          tpu.yield
        }) : () -> ()
        "tpu.region"() ({
          %run_scoped3A = tpu.sem_alloc : memref<!tpu.dma_semaphore, #tpu.memory_space<semaphore_mem>>
          %dma_start3A_237 = arith.constant 0 : i32
          %dma_start3A_238 = tpu.memref_slice %arg4[%arg0, %multiple_of3A_200, %dma_start3A_237] : memref<2x2560x128xi32, #tpu.memory_space<hbm>> -> memref<1x80x128xi32, #tpu.memory_space<hbm>>
          %dma_start3A_239 = tpu.memref_squeeze %dma_start3A_238 : memref<1x80x128xi32, #tpu.memory_space<hbm>> -> memref<80x128xi32, #tpu.memory_space<hbm>>
          %dma_start3A_240 = arith.constant 0 : i32
          %dma_start3A_241 = tpu.memref_slice %arg4[%arg0, %multiple_of3A_200, %dma_start3A_240] : memref<2x2560x128xi32, #tpu.memory_space<hbm>> -> memref<1x80x128xi32, #tpu.memory_space<hbm>>
          %dma_start3A_242 = tpu.memref_squeeze %dma_start3A_241 : memref<1x80x128xi32, #tpu.memory_space<hbm>> -> memref<80x128xi32, #tpu.memory_space<hbm>>
          tpu.enqueue_dma source(%dma_start3A_242 : memref<80x128xi32, #tpu.memory_space<hbm>>) target(%arg8 : memref<80x128xi32, #tpu.memory_space<vmem>>) target_semaphore(%run_scoped3A : memref<!tpu.dma_semaphore, #tpu.memory_space<semaphore_mem>>)
          %dma_wait3A_243 = arith.constant 0 : i32
          %dma_wait3A_244 = tpu.memref_slice %arg4[%arg0, %multiple_of3A_200, %dma_wait3A_243] : memref<2x2560x128xi32, #tpu.memory_space<hbm>> -> memref<1x80x128xi32, #tpu.memory_space<hbm>>
          %dma_wait3A_245 = tpu.memref_squeeze %dma_wait3A_244 : memref<1x80x128xi32, #tpu.memory_space<hbm>> -> memref<80x128xi32, #tpu.memory_space<hbm>>
          %dma_wait3A_246 = arith.constant 0 : i32
          %dma_wait3A_247 = tpu.memref_slice %arg4[%arg0, %multiple_of3A_200, %dma_wait3A_246] : memref<2x2560x128xi32, #tpu.memory_space<hbm>> -> memref<1x80x128xi32, #tpu.memory_space<hbm>>
          %dma_wait3A_248 = tpu.memref_squeeze %dma_wait3A_247 : memref<1x80x128xi32, #tpu.memory_space<hbm>> -> memref<80x128xi32, #tpu.memory_space<hbm>>
          tpu.wait_dma2 semaphore(%run_scoped3A : memref<!tpu.dma_semaphore, #tpu.memory_space<semaphore_mem>>) src(%dma_wait3A_248 : memref<80x128xi32, #tpu.memory_space<hbm>>) dst(%arg8 : memref<80x128xi32, #tpu.memory_space<vmem>>)
          tpu.yield
        }) : () -> ()
        %add3A_201 = arith.constant 1 : i32
        %add3A_202 = arith.addi %add3A_52, %add3A_201 : i32
        %jit3A_203 = arith.constant 80 : i32
        %eq3A_204 = arith.constant 0 : i32
        %eq3A_205 = arith.cmpi eq, %jit3A_203, %eq3A_204 : i32
        %jit3A_206 = arith.constant 1 : i32
        %select_n3A_207 = arith.select %eq3A_205, %jit3A_206, %jit3A_203 : i32
        %rem3A_208 = arith.remsi %add3A_202, %select_n3A_207 : i32
        %ne3A_209 = arith.constant 0 : i32
        %ne3A_210 = arith.cmpi ne, %rem3A_208, %ne3A_209 : i32
        %lt3A_211 = arith.constant 0 : i32
        %lt3A_212 = arith.cmpi slt, %rem3A_208, %lt3A_211 : i32
        %lt3A_213 = arith.constant 0 : i32
        %lt3A_214 = arith.cmpi slt, %select_n3A_207, %lt3A_213 : i32
        %ne3A_215 = arith.xori %lt3A_212, %lt3A_214 : i1
        %and3A_216 = arith.andi %ne3A_215, %ne3A_210 : i1
        %add3A_217 = arith.addi %rem3A_208, %select_n3A_207 : i32
        %select_n3A_218 = arith.select %and3A_216, %add3A_217, %rem3A_208 : i32
        %mul3A_219 = arith.constant 20480 : i32
        %mul3A_220 = arith.muli %arg1, %mul3A_219 : i32
        %mul3A_221 = arith.constant 128 : i32
        %mul3A_222 = arith.muli %add3A_202, %mul3A_221 : i32
        %add3A_223 = arith.addi %mul3A_220, %mul3A_222 : i32
        %dma_start3A_224 = arith.constant 0 : i32
        %dma_start3A_225 = arith.constant 0 : i32
        %dma_start3A_226 = tpu.memref_slice %arg5[%dma_start3A_224, %add3A_223, %dma_start3A_225] : memref<1x327680x128xf32, #tpu.memory_space<hbm>> -> memref<1x128x128xf32, #tpu.memory_space<hbm>>
        %dma_start3A_227 = tpu.memref_squeeze %dma_start3A_226 : memref<1x128x128xf32, #tpu.memory_space<hbm>> -> memref<128x128xf32, #tpu.memory_space<hbm>>
        %dma_start3A_228 = arith.constant 0 : i32
        %dma_start3A_229 = tpu.memref_slice %arg5[%dma_start3A_224, %add3A_223, %dma_start3A_228] : memref<1x327680x128xf32, #tpu.memory_space<hbm>> -> memref<1x128x128xf32, #tpu.memory_space<hbm>>
        %dma_start3A_230 = tpu.memref_squeeze %dma_start3A_229 : memref<1x128x128xf32, #tpu.memory_space<hbm>> -> memref<128x128xf32, #tpu.memory_space<hbm>>
        tpu.enqueue_dma source(%dma_start3A_230 : memref<128x128xf32, #tpu.memory_space<hbm>>) target(%arg12 : memref<128x128xf32, #tpu.memory_space<vmem>>) target_semaphore(%arg15 : memref<!tpu.dma_semaphore, #tpu.memory_space<semaphore_mem>>)
        %dma_start3A_231 = arith.constant 0 : i32
        %dma_start3A_232 = tpu.memref_slice %arg7[%select_n3A_218, %dma_start3A_231] : memref<80x128xi32, #tpu.memory_space<vmem>> -> memref<1x128xi32, #tpu.memory_space<vmem>>
        %dma_start3A_233 = tpu.memref_squeeze %dma_start3A_232 : memref<1x128xi32, #tpu.memory_space<vmem>> -> memref<128xi32, #tpu.memory_space<vmem>>
        %dma_start3A_234 = arith.constant 0 : i32
        %dma_start3A_235 = arith.constant 0 : i32
        %dma_start3A_236 = tpu.memref_slice %arg2[%dma_start3A_234, %dma_start3A_235] : memref<10240x128xf32, #tpu.memory_space<hbm>> -> memref<10240x128xf32, #tpu.memory_space<hbm>>
        tpu.enqueue_indirect_dma source(%dma_start3A_236 : memref<10240x128xf32, #tpu.memory_space<hbm>>) target(%arg10 : memref<128x128xf32, #tpu.memory_space<vmem>>) offsets(%dma_start3A_233 : memref<128xi32, #tpu.memory_space<vmem>>) semaphore(%arg15 : memref<!tpu.dma_semaphore, #tpu.memory_space<semaphore_mem>>)
      } else {
      }
      %mul3A_116 = arith.constant 2 : i32
      %mul3A_117 = arith.muli %mul3A_116, %scan3A_47 : i32
      %add3A_118 = arith.constant 1 : i32
      %add3A_119 = arith.addi %mul3A_117, %add3A_118 : i32
      %jit3A_120 = arith.constant 80 : i32
      %eq3A_121 = arith.constant 0 : i32
      %eq3A_122 = arith.cmpi eq, %jit3A_120, %eq3A_121 : i32
      %jit3A_123 = arith.constant 1 : i32
      %select_n3A_124 = arith.select %eq3A_122, %jit3A_123, %jit3A_120 : i32
      %rem3A_125 = arith.remsi %add3A_119, %select_n3A_124 : i32
      %ne3A_126 = arith.constant 0 : i32
      %ne3A_127 = arith.cmpi ne, %rem3A_125, %ne3A_126 : i32
      %lt3A_128 = arith.constant 0 : i32
      %lt3A_129 = arith.cmpi slt, %rem3A_125, %lt3A_128 : i32
      %lt3A_130 = arith.constant 0 : i32
      %lt3A_131 = arith.cmpi slt, %select_n3A_124, %lt3A_130 : i32
      %ne3A_132 = arith.xori %lt3A_129, %lt3A_131 : i1
      %and3A_133 = arith.andi %ne3A_132, %ne3A_127 : i1
      %add3A_134 = arith.addi %rem3A_125, %select_n3A_124 : i32
      %select_n3A_135 = arith.select %and3A_133, %add3A_134, %rem3A_125 : i32
      %mul3A_136 = arith.constant 20480 : i32
      %mul3A_137 = arith.muli %arg1, %mul3A_136 : i32
      %mul3A_138 = arith.constant 128 : i32
      %mul3A_139 = arith.muli %add3A_119, %mul3A_138 : i32
      %add3A_140 = arith.addi %mul3A_137, %mul3A_139 : i32
      %dma_wait3A_141 = arith.constant 0 : i32
      %dma_wait3A_142 = arith.constant 0 : i32
      %dma_wait3A_143 = tpu.memref_slice %arg5[%dma_wait3A_141, %add3A_140, %dma_wait3A_142] : memref<1x327680x128xf32, #tpu.memory_space<hbm>> -> memref<1x128x128xf32, #tpu.memory_space<hbm>>
      %dma_wait3A_144 = tpu.memref_squeeze %dma_wait3A_143 : memref<1x128x128xf32, #tpu.memory_space<hbm>> -> memref<128x128xf32, #tpu.memory_space<hbm>>
      %dma_wait3A_145 = arith.constant 0 : i32
      %dma_wait3A_146 = tpu.memref_slice %arg5[%dma_wait3A_141, %add3A_140, %dma_wait3A_145] : memref<1x327680x128xf32, #tpu.memory_space<hbm>> -> memref<1x128x128xf32, #tpu.memory_space<hbm>>
      %dma_wait3A_147 = tpu.memref_squeeze %dma_wait3A_146 : memref<1x128x128xf32, #tpu.memory_space<hbm>> -> memref<128x128xf32, #tpu.memory_space<hbm>>
      tpu.wait_dma2 semaphore(%arg15 : memref<!tpu.dma_semaphore, #tpu.memory_space<semaphore_mem>>) src(%dma_wait3A_147 : memref<128x128xf32, #tpu.memory_space<hbm>>) dst(%arg12 : memref<128x128xf32, #tpu.memory_space<vmem>>)
      %dma_wait3A_148 = arith.constant 0 : i32
      %dma_wait3A_149 = tpu.memref_slice %arg7[%select_n3A_135, %dma_wait3A_148] : memref<80x128xi32, #tpu.memory_space<vmem>> -> memref<1x128xi32, #tpu.memory_space<vmem>>
      %dma_wait3A_150 = tpu.memref_squeeze %dma_wait3A_149 : memref<1x128xi32, #tpu.memory_space<vmem>> -> memref<128xi32, #tpu.memory_space<vmem>>
      %dma_wait3A_151 = arith.constant 0 : i32
      %dma_wait3A_152 = arith.constant 0 : i32
      %dma_wait3A_153 = tpu.memref_slice %arg2[%dma_wait3A_151, %dma_wait3A_152] : memref<10240x128xf32, #tpu.memory_space<hbm>> -> memref<10240x128xf32, #tpu.memory_space<hbm>>
      tpu.wait_indirect_dma semaphore(%arg15 : memref<!tpu.dma_semaphore, #tpu.memory_space<semaphore_mem>>) src(%dma_wait3A_153 : memref<10240x128xf32, #tpu.memory_space<hbm>>) dst(%arg10 : memref<128x128xf32, #tpu.memory_space<vmem>>)
      %add3A_154 = arith.constant 1 : i32
      %add3A_155 = arith.addi %add3A_119, %add3A_154 : i32
      %jit3A_156 = arith.constant 80 : i32
      %eq3A_157 = arith.constant 0 : i32
      %eq3A_158 = arith.cmpi eq, %jit3A_156, %eq3A_157 : i32
      %jit3A_159 = arith.constant 1 : i32
      %select_n3A_160 = arith.select %eq3A_158, %jit3A_159, %jit3A_156 : i32
      %rem3A_161 = arith.remsi %add3A_155, %select_n3A_160 : i32
      %ne3A_162 = arith.constant 0 : i32
      %ne3A_163 = arith.cmpi ne, %rem3A_161, %ne3A_162 : i32
      %lt3A_164 = arith.constant 0 : i32
      %lt3A_165 = arith.cmpi slt, %rem3A_161, %lt3A_164 : i32
      %lt3A_166 = arith.constant 0 : i32
      %lt3A_167 = arith.cmpi slt, %select_n3A_160, %lt3A_166 : i32
      %ne3A_168 = arith.xori %lt3A_165, %lt3A_167 : i1
      %and3A_169 = arith.andi %ne3A_168, %ne3A_163 : i1
      %add3A_170 = arith.addi %rem3A_161, %select_n3A_160 : i32
      %select_n3A_171 = arith.select %and3A_169, %add3A_170, %rem3A_161 : i32
      %ne3A_172 = arith.constant 0 : i32
      %ne3A_173 = arith.cmpi ne, %select_n3A_171, %ne3A_172 : i32
      %convert_element_type3A_174 = arith.extui %ne3A_173 : i1 to i32
      %cond3A_175 = arith.constant 0 : i32
      %cond3A_176 = arith.cmpi ne, %convert_element_type3A_174, %cond3A_175 : i32
      scf.if %cond3A_176 {
        %add3A_195 = arith.constant 1 : i32
        %add3A_196 = arith.addi %add3A_119, %add3A_195 : i32
        %jit3A_197 = arith.constant 80 : i32
        %eq3A_198 = arith.constant 0 : i32
        %eq3A_199 = arith.cmpi eq, %jit3A_197, %eq3A_198 : i32
        %jit3A_200 = arith.constant 1 : i32
        %select_n3A_201 = arith.select %eq3A_199, %jit3A_200, %jit3A_197 : i32
        %rem3A_202 = arith.remsi %add3A_196, %select_n3A_201 : i32
        %ne3A_203 = arith.constant 0 : i32
        %ne3A_204 = arith.cmpi ne, %rem3A_202, %ne3A_203 : i32
        %lt3A_205 = arith.constant 0 : i32
        %lt3A_206 = arith.cmpi slt, %rem3A_202, %lt3A_205 : i32
        %lt3A_207 = arith.constant 0 : i32
        %lt3A_208 = arith.cmpi slt, %select_n3A_201, %lt3A_207 : i32
        %ne3A_209 = arith.xori %lt3A_206, %lt3A_208 : i1
        %and3A_210 = arith.andi %ne3A_209, %ne3A_204 : i1
        %add3A_211 = arith.addi %rem3A_202, %select_n3A_201 : i32
        %select_n3A_212 = arith.select %and3A_210, %add3A_211, %rem3A_202 : i32
        %mul3A_213 = arith.constant 20480 : i32
        %mul3A_214 = arith.muli %arg1, %mul3A_213 : i32
        %mul3A_215 = arith.constant 128 : i32
        %mul3A_216 = arith.muli %add3A_196, %mul3A_215 : i32
        %add3A_217 = arith.addi %mul3A_214, %mul3A_216 : i32
        %dma_start3A_218 = arith.constant 0 : i32
        %dma_start3A_219 = arith.constant 0 : i32
        %dma_start3A_220 = tpu.memref_slice %arg5[%dma_start3A_218, %add3A_217, %dma_start3A_219] : memref<1x327680x128xf32, #tpu.memory_space<hbm>> -> memref<1x128x128xf32, #tpu.memory_space<hbm>>
        %dma_start3A_221 = tpu.memref_squeeze %dma_start3A_220 : memref<1x128x128xf32, #tpu.memory_space<hbm>> -> memref<128x128xf32, #tpu.memory_space<hbm>>
        %dma_start3A_222 = arith.constant 0 : i32
        %dma_start3A_223 = tpu.memref_slice %arg5[%dma_start3A_218, %add3A_217, %dma_start3A_222] : memref<1x327680x128xf32, #tpu.memory_space<hbm>> -> memref<1x128x128xf32, #tpu.memory_space<hbm>>
        %dma_start3A_224 = tpu.memref_squeeze %dma_start3A_223 : memref<1x128x128xf32, #tpu.memory_space<hbm>> -> memref<128x128xf32, #tpu.memory_space<hbm>>
        tpu.enqueue_dma source(%dma_start3A_224 : memref<128x128xf32, #tpu.memory_space<hbm>>) target(%arg11 : memref<128x128xf32, #tpu.memory_space<vmem>>) target_semaphore(%arg14 : memref<!tpu.dma_semaphore, #tpu.memory_space<semaphore_mem>>)
        %dma_start3A_225 = arith.constant 0 : i32
        %dma_start3A_226 = tpu.memref_slice %arg7[%select_n3A_212, %dma_start3A_225] : memref<80x128xi32, #tpu.memory_space<vmem>> -> memref<1x128xi32, #tpu.memory_space<vmem>>
        %dma_start3A_227 = tpu.memref_squeeze %dma_start3A_226 : memref<1x128xi32, #tpu.memory_space<vmem>> -> memref<128xi32, #tpu.memory_space<vmem>>
        %dma_start3A_228 = arith.constant 0 : i32
        %dma_start3A_229 = arith.constant 0 : i32
        %dma_start3A_230 = tpu.memref_slice %arg2[%dma_start3A_228, %dma_start3A_229] : memref<10240x128xf32, #tpu.memory_space<hbm>> -> memref<10240x128xf32, #tpu.memory_space<hbm>>
        tpu.enqueue_indirect_dma source(%dma_start3A_230 : memref<10240x128xf32, #tpu.memory_space<hbm>>) target(%arg9 : memref<128x128xf32, #tpu.memory_space<vmem>>) offsets(%dma_start3A_227 : memref<128xi32, #tpu.memory_space<vmem>>) semaphore(%arg14 : memref<!tpu.dma_semaphore, #tpu.memory_space<semaphore_mem>>)
      } else {
      }
      %scan3A_177 = arith.constant 0 : i32
      %scan3A_178 = arith.constant 0 : i32
      %scan3A_179 = arith.constant 64 : i32
      %scan3A_180 = arith.addi %scan3A_178, %scan3A_179 : i32
      %scan3A_181 = arith.constant 1 : i32
      %scan3A_182 = scf.for %scan3A_195 = %scan3A_178 to %scan3A_180 step %scan3A_181 iter_args(%scan3A_196 = %scan3A_177) -> (i32)  : i32 {
        %mul3A_197 = arith.constant 2 : i32
        %mul3A_198 = arith.muli %mul3A_197, %scan3A_195 : i32
        %add3A_199 = arith.constant 0 : i32
        %add3A_200 = arith.addi %mul3A_198, %add3A_199 : i32
        %get3A = arith.index_cast %add3A_200 : i32 to index
        %get3A_201 = arith.constant 0 : index
        %get3A_202 = tpu.vector_load %arg10[%get3A, %get3A_201] {strides = array<i32>} : memref<128x128xf32, #tpu.memory_space<vmem>>, vector<1x16xf32>,
        %get3A_203 = vector.shape_cast %get3A_202 : vector<1x16xf32> to vector<16xf32>
        %get3A_204 = arith.index_cast %add3A_200 : i32 to index
        %get3A_205 = arith.constant 0 : index
        %get3A_206 = tpu.vector_load %arg12[%get3A_204, %get3A_205] {strides = array<i32>} : memref<128x128xf32, #tpu.memory_space<vmem>>, vector<1x16xf32>,
        %get3A_207 = vector.shape_cast %get3A_206 : vector<1x16xf32> to vector<16xf32>
        %add3A_208 = arith.addf %get3A_203, %get3A_207 : vector<16xf32>
        %max3A = arith.constant 0.000000e+00 : f32
        %max3A_209 = vector.broadcast %max3A : f32 to vector<16xf32>
        %max3A_210 = arith.maximumf %add3A_208, %max3A_209 : vector<16xf32>
        %swap3A = arith.index_cast %add3A_200 : i32 to index
        %swap3A_211 = arith.constant 0 : index
        %swap3A_212 = tpu.vector_load %arg10[%swap3A, %swap3A_211] {strides = array<i32>} : memref<128x128xf32, #tpu.memory_space<vmem>>, vector<1x16xf32>,
        %swap3A_213 = vector.shape_cast %swap3A_212 : vector<1x16xf32> to vector<16xf32>
        %swap3A_214 = vector.shape_cast %max3A_210 : vector<16xf32> to vector<1x16xf32>
        tpu.vector_store %arg10[%swap3A, %swap3A_211], %swap3A_214 {strides = array<i32>} : memref<128x128xf32, #tpu.memory_space<vmem>>, vector<1x16xf32>,
        %get3A_215 = arith.index_cast %add3A_200 : i32 to index
        %get3A_216 = arith.constant 16 : index
        %get3A_217 = tpu.vector_load %arg10[%get3A_215, %get3A_216] {strides = array<i32>} : memref<128x128xf32, #tpu.memory_space<vmem>>, vector<1x16xf32>,
        %get3A_218 = vector.shape_cast %get3A_217 : vector<1x16xf32> to vector<16xf32>
        %get3A_219 = arith.index_cast %add3A_200 : i32 to index
        %get3A_220 = arith.constant 16 : index
        %get3A_221 = tpu.vector_load %arg12[%get3A_219, %get3A_220] {strides = array<i32>} : memref<128x128xf32, #tpu.memory_space<vmem>>, vector<1x16xf32>,
        %get3A_222 = vector.shape_cast %get3A_221 : vector<1x16xf32> to vector<16xf32>
        %add3A_223 = arith.addf %get3A_218, %get3A_222 : vector<16xf32>
        %max3A_224 = arith.constant 0.000000e+00 : f32
        %max3A_225 = vector.broadcast %max3A_224 : f32 to vector<16xf32>
        %max3A_226 = arith.maximumf %add3A_223, %max3A_225 : vector<16xf32>
        %swap3A_227 = arith.index_cast %add3A_200 : i32 to index
        %swap3A_228 = arith.constant 16 : index
        %swap3A_229 = tpu.vector_load %arg10[%swap3A_227, %swap3A_228] {strides = array<i32>} : memref<128x128xf32, #tpu.memory_space<vmem>>, vector<1x16xf32>,
        %swap3A_230 = vector.shape_cast %swap3A_229 : vector<1x16xf32> to vector<16xf32>
        %swap3A_231 = vector.shape_cast %max3A_226 : vector<16xf32> to vector<1x16xf32>
        tpu.vector_store %arg10[%swap3A_227, %swap3A_228], %swap3A_231 {strides = array<i32>} : memref<128x128xf32, #tpu.memory_space<vmem>>, vector<1x16xf32>,
        %get3A_232 = arith.index_cast %add3A_200 : i32 to index
        %get3A_233 = arith.constant 32 : index
        %get3A_234 = tpu.vector_load %arg10[%get3A_232, %get3A_233] {strides = array<i32>} : memref<128x128xf32, #tpu.memory_space<vmem>>, vector<1x16xf32>,
        %get3A_235 = vector.shape_cast %get3A_234 : vector<1x16xf32> to vector<16xf32>
        %get3A_236 = arith.index_cast %add3A_200 : i32 to index
        %get3A_237 = arith.constant 32 : index
        %get3A_238 = tpu.vector_load %arg12[%get3A_236, %get3A_237] {strides = array<i32>} : memref<128x128xf32, #tpu.memory_space<vmem>>, vector<1x16xf32>,
        %get3A_239 = vector.shape_cast %get3A_238 : vector<1x16xf32> to vector<16xf32>
        %add3A_240 = arith.addf %get3A_235, %get3A_239 : vector<16xf32>
        %max3A_241 = arith.constant 0.000000e+00 : f32
        %max3A_242 = vector.broadcast %max3A_241 : f32 to vector<16xf32>
        %max3A_243 = arith.maximumf %add3A_240, %max3A_242 : vector<16xf32>
        %swap3A_244 = arith.index_cast %add3A_200 : i32 to index
        %swap3A_245 = arith.constant 32 : index
        %swap3A_246 = tpu.vector_load %arg10[%swap3A_244, %swap3A_245] {strides = array<i32>} : memref<128x128xf32, #tpu.memory_space<vmem>>, vector<1x16xf32>,
        %swap3A_247 = vector.shape_cast %swap3A_246 : vector<1x16xf32> to vector<16xf32>
        %swap3A_248 = vector.shape_cast %max3A_243 : vector<16xf32> to vector<1x16xf32>
        tpu.vector_store %arg10[%swap3A_244, %swap3A_245], %swap3A_248 {strides = array<i32>} : memref<128x128xf32, #tpu.memory_space<vmem>>, vector<1x16xf32>,
        %get3A_249 = arith.index_cast %add3A_200 : i32 to index
        %get3A_250 = arith.constant 48 : index
        %get3A_251 = tpu.vector_load %arg10[%get3A_249, %get3A_250] {strides = array<i32>} : memref<128x128xf32, #tpu.memory_space<vmem>>, vector<1x16xf32>,
        %get3A_252 = vector.shape_cast %get3A_251 : vector<1x16xf32> to vector<16xf32>
        %get3A_253 = arith.index_cast %add3A_200 : i32 to index
        %get3A_254 = arith.constant 48 : index
        %get3A_255 = tpu.vector_load %arg12[%get3A_253, %get3A_254] {strides = array<i32>} : memref<128x128xf32, #tpu.memory_space<vmem>>, vector<1x16xf32>,
        %get3A_256 = vector.shape_cast %get3A_255 : vector<1x16xf32> to vector<16xf32>
        %add3A_257 = arith.addf %get3A_252, %get3A_256 : vector<16xf32>
        %max3A_258 = arith.constant 0.000000e+00 : f32
        %max3A_259 = vector.broadcast %max3A_258 : f32 to vector<16xf32>
        %max3A_260 = arith.maximumf %add3A_257, %max3A_259 : vector<16xf32>
        %swap3A_261 = arith.index_cast %add3A_200 : i32 to index
        %swap3A_262 = arith.constant 48 : index
        %swap3A_263 = tpu.vector_load %arg10[%swap3A_261, %swap3A_262] {strides = array<i32>} : memref<128x128xf32, #tpu.memory_space<vmem>>, vector<1x16xf32>,
        %swap3A_264 = vector.shape_cast %swap3A_263 : vector<1x16xf32> to vector<16xf32>
        %swap3A_265 = vector.shape_cast %max3A_260 : vector<16xf32> to vector<1x16xf32>
        tpu.vector_store %arg10[%swap3A_261, %swap3A_262], %swap3A_265 {strides = array<i32>} : memref<128x128xf32, #tpu.memory_space<vmem>>, vector<1x16xf32>,
        %get3A_266 = arith.index_cast %add3A_200 : i32 to index
        %get3A_267 = arith.constant 64 : index
        %get3A_268 = tpu.vector_load %arg10[%get3A_266, %get3A_267] {strides = array<i32>} : memref<128x128xf32, #tpu.memory_space<vmem>>, vector<1x16xf32>,
        %get3A_269 = vector.shape_cast %get3A_268 : vector<1x16xf32> to vector<16xf32>
        %get3A_270 = arith.index_cast %add3A_200 : i32 to index
        %get3A_271 = arith.constant 64 : index
        %get3A_272 = tpu.vector_load %arg12[%get3A_270, %get3A_271] {strides = array<i32>} : memref<128x128xf32, #tpu.memory_space<vmem>>, vector<1x16xf32>,
        %get3A_273 = vector.shape_cast %get3A_272 : vector<1x16xf32> to vector<16xf32>
        %add3A_274 = arith.addf %get3A_269, %get3A_273 : vector<16xf32>
        %max3A_275 = arith.constant 0.000000e+00 : f32
        %max3A_276 = vector.broadcast %max3A_275 : f32 to vector<16xf32>
        %max3A_277 = arith.maximumf %add3A_274, %max3A_276 : vector<16xf32>
        %swap3A_278 = arith.index_cast %add3A_200 : i32 to index
        %swap3A_279 = arith.constant 64 : index
        %swap3A_280 = tpu.vector_load %arg10[%swap3A_278, %swap3A_279] {strides = array<i32>} : memref<128x128xf32, #tpu.memory_space<vmem>>, vector<1x16xf32>,
        %swap3A_281 = vector.shape_cast %swap3A_280 : vector<1x16xf32> to vector<16xf32>
        %swap3A_282 = vector.shape_cast %max3A_277 : vector<16xf32> to vector<1x16xf32>
        tpu.vector_store %arg10[%swap3A_278, %swap3A_279], %swap3A_282 {strides = array<i32>} : memref<128x128xf32, #tpu.memory_space<vmem>>, vector<1x16xf32>,
        %get3A_283 = arith.index_cast %add3A_200 : i32 to index
        %get3A_284 = arith.constant 80 : index
        %get3A_285 = tpu.vector_load %arg10[%get3A_283, %get3A_284] {strides = array<i32>} : memref<128x128xf32, #tpu.memory_space<vmem>>, vector<1x16xf32>,
        %get3A_286 = vector.shape_cast %get3A_285 : vector<1x16xf32> to vector<16xf32>
        %get3A_287 = arith.index_cast %add3A_200 : i32 to index
        %get3A_288 = arith.constant 80 : index
        %get3A_289 = tpu.vector_load %arg12[%get3A_287, %get3A_288] {strides = array<i32>} : memref<128x128xf32, #tpu.memory_space<vmem>>, vector<1x16xf32>,
        %get3A_290 = vector.shape_cast %get3A_289 : vector<1x16xf32> to vector<16xf32>
        %add3A_291 = arith.addf %get3A_286, %get3A_290 : vector<16xf32>
        %max3A_292 = arith.constant 0.000000e+00 : f32
        %max3A_293 = vector.broadcast %max3A_292 : f32 to vector<16xf32>
        %max3A_294 = arith.maximumf %add3A_291, %max3A_293 : vector<16xf32>
        %swap3A_295 = arith.index_cast %add3A_200 : i32 to index
        %swap3A_296 = arith.constant 80 : index
        %swap3A_297 = tpu.vector_load %arg10[%swap3A_295, %swap3A_296] {strides = array<i32>} : memref<128x128xf32, #tpu.memory_space<vmem>>, vector<1x16xf32>,
        %swap3A_298 = vector.shape_cast %swap3A_297 : vector<1x16xf32> to vector<16xf32>
        %swap3A_299 = vector.shape_cast %max3A_294 : vector<16xf32> to vector<1x16xf32>
        tpu.vector_store %arg10[%swap3A_295, %swap3A_296], %swap3A_299 {strides = array<i32>} : memref<128x128xf32, #tpu.memory_space<vmem>>, vector<1x16xf32>,
        %get3A_300 = arith.index_cast %add3A_200 : i32 to index
        %get3A_301 = arith.constant 96 : index
        %get3A_302 = tpu.vector_load %arg10[%get3A_300, %get3A_301] {strides = array<i32>} : memref<128x128xf32, #tpu.memory_space<vmem>>, vector<1x16xf32>,
        %get3A_303 = vector.shape_cast %get3A_302 : vector<1x16xf32> to vector<16xf32>
        %get3A_304 = arith.index_cast %add3A_200 : i32 to index
        %get3A_305 = arith.constant 96 : index
        %get3A_306 = tpu.vector_load %arg12[%get3A_304, %get3A_305] {strides = array<i32>} : memref<128x128xf32, #tpu.memory_space<vmem>>, vector<1x16xf32>,
        %get3A_307 = vector.shape_cast %get3A_306 : vector<1x16xf32> to vector<16xf32>
        %add3A_308 = arith.addf %get3A_303, %get3A_307 : vector<16xf32>
        %max3A_309 = arith.constant 0.000000e+00 : f32
        %max3A_310 = vector.broadcast %max3A_309 : f32 to vector<16xf32>
        %max3A_311 = arith.maximumf %add3A_308, %max3A_310 : vector<16xf32>
        %swap3A_312 = arith.index_cast %add3A_200 : i32 to index
        %swap3A_313 = arith.constant 96 : index
        %swap3A_314 = tpu.vector_load %arg10[%swap3A_312, %swap3A_313] {strides = array<i32>} : memref<128x128xf32, #tpu.memory_space<vmem>>, vector<1x16xf32>,
        %swap3A_315 = vector.shape_cast %swap3A_314 : vector<1x16xf32> to vector<16xf32>
        %swap3A_316 = vector.shape_cast %max3A_311 : vector<16xf32> to vector<1x16xf32>
        tpu.vector_store %arg10[%swap3A_312, %swap3A_313], %swap3A_316 {strides = array<i32>} : memref<128x128xf32, #tpu.memory_space<vmem>>, vector<1x16xf32>,
        %get3A_317 = arith.index_cast %add3A_200 : i32 to index
        %get3A_318 = arith.constant 112 : index
        %get3A_319 = tpu.vector_load %arg10[%get3A_317, %get3A_318] {strides = array<i32>} : memref<128x128xf32, #tpu.memory_space<vmem>>, vector<1x16xf32>,
        %get3A_320 = vector.shape_cast %get3A_319 : vector<1x16xf32> to vector<16xf32>
        %get3A_321 = arith.index_cast %add3A_200 : i32 to index
        %get3A_322 = arith.constant 112 : index
        %get3A_323 = tpu.vector_load %arg12[%get3A_321, %get3A_322] {strides = array<i32>} : memref<128x128xf32, #tpu.memory_space<vmem>>, vector<1x16xf32>,
        %get3A_324 = vector.shape_cast %get3A_323 : vector<1x16xf32> to vector<16xf32>
        %add3A_325 = arith.addf %get3A_320, %get3A_324 : vector<16xf32>
        %max3A_326 = arith.constant 0.000000e+00 : f32
        %max3A_327 = vector.broadcast %max3A_326 : f32 to vector<16xf32>
        %max3A_328 = arith.maximumf %add3A_325, %max3A_327 : vector<16xf32>
        %swap3A_329 = arith.index_cast %add3A_200 : i32 to index
        %swap3A_330 = arith.constant 112 : index
        %swap3A_331 = tpu.vector_load %arg10[%swap3A_329, %swap3A_330] {strides = array<i32>} : memref<128x128xf32, #tpu.memory_space<vmem>>, vector<1x16xf32>,
        %swap3A_332 = vector.shape_cast %swap3A_331 : vector<1x16xf32> to vector<16xf32>
        %swap3A_333 = vector.shape_cast %max3A_328 : vector<16xf32> to vector<1x16xf32>
        tpu.vector_store %arg10[%swap3A_329, %swap3A_330], %swap3A_333 {strides = array<i32>} : memref<128x128xf32, #tpu.memory_space<vmem>>, vector<1x16xf32>,
        %mul3A_334 = arith.constant 2 : i32
        %mul3A_335 = arith.muli %mul3A_334, %scan3A_195 : i32
        %add3A_336 = arith.constant 1 : i32
        %add3A_337 = arith.addi %mul3A_335, %add3A_336 : i32
        %get3A_338 = arith.index_cast %add3A_337 : i32 to index
        %get3A_339 = arith.constant 0 : index
        %get3A_340 = tpu.vector_load %arg10[%get3A_338, %get3A_339] {strides = array<i32>} : memref<128x128xf32, #tpu.memory_space<vmem>>, vector<1x16xf32>,
        %get3A_341 = vector.shape_cast %get3A_340 : vector<1x16xf32> to vector<16xf32>
        %get3A_342 = arith.index_cast %add3A_337 : i32 to index
        %get3A_343 = arith.constant 0 : index
        %get3A_344 = tpu.vector_load %arg12[%get3A_342, %get3A_343] {strides = array<i32>} : memref<128x128xf32, #tpu.memory_space<vmem>>, vector<1x16xf32>,
        %get3A_345 = vector.shape_cast %get3A_344 : vector<1x16xf32> to vector<16xf32>
        %add3A_346 = arith.addf %get3A_341, %get3A_345 : vector<16xf32>
        %max3A_347 = arith.constant 0.000000e+00 : f32
        %max3A_348 = vector.broadcast %max3A_347 : f32 to vector<16xf32>
        %max3A_349 = arith.maximumf %add3A_346, %max3A_348 : vector<16xf32>
        %swap3A_350 = arith.index_cast %add3A_337 : i32 to index
        %swap3A_351 = arith.constant 0 : index
        %swap3A_352 = tpu.vector_load %arg10[%swap3A_350, %swap3A_351] {strides = array<i32>} : memref<128x128xf32, #tpu.memory_space<vmem>>, vector<1x16xf32>,
        %swap3A_353 = vector.shape_cast %swap3A_352 : vector<1x16xf32> to vector<16xf32>
        %swap3A_354 = vector.shape_cast %max3A_349 : vector<16xf32> to vector<1x16xf32>
        tpu.vector_store %arg10[%swap3A_350, %swap3A_351], %swap3A_354 {strides = array<i32>} : memref<128x128xf32, #tpu.memory_space<vmem>>, vector<1x16xf32>,
        %get3A_355 = arith.index_cast %add3A_337 : i32 to index
        %get3A_356 = arith.constant 16 : index
        %get3A_357 = tpu.vector_load %arg10[%get3A_355, %get3A_356] {strides = array<i32>} : memref<128x128xf32, #tpu.memory_space<vmem>>, vector<1x16xf32>,
        %get3A_358 = vector.shape_cast %get3A_357 : vector<1x16xf32> to vector<16xf32>
        %get3A_359 = arith.index_cast %add3A_337 : i32 to index
        %get3A_360 = arith.constant 16 : index
        %get3A_361 = tpu.vector_load %arg12[%get3A_359, %get3A_360] {strides = array<i32>} : memref<128x128xf32, #tpu.memory_space<vmem>>, vector<1x16xf32>,
        %get3A_362 = vector.shape_cast %get3A_361 : vector<1x16xf32> to vector<16xf32>
        %add3A_363 = arith.addf %get3A_358, %get3A_362 : vector<16xf32>
        %max3A_364 = arith.constant 0.000000e+00 : f32
        %max3A_365 = vector.broadcast %max3A_364 : f32 to vector<16xf32>
        %max3A_366 = arith.maximumf %add3A_363, %max3A_365 : vector<16xf32>
        %swap3A_367 = arith.index_cast %add3A_337 : i32 to index
        %swap3A_368 = arith.constant 16 : index
        %swap3A_369 = tpu.vector_load %arg10[%swap3A_367, %swap3A_368] {strides = array<i32>} : memref<128x128xf32, #tpu.memory_space<vmem>>, vector<1x16xf32>,
        %swap3A_370 = vector.shape_cast %swap3A_369 : vector<1x16xf32> to vector<16xf32>
        %swap3A_371 = vector.shape_cast %max3A_366 : vector<16xf32> to vector<1x16xf32>
        tpu.vector_store %arg10[%swap3A_367, %swap3A_368], %swap3A_371 {strides = array<i32>} : memref<128x128xf32, #tpu.memory_space<vmem>>, vector<1x16xf32>,
        %get3A_372 = arith.index_cast %add3A_337 : i32 to index
        %get3A_373 = arith.constant 32 : index
        %get3A_374 = tpu.vector_load %arg10[%get3A_372, %get3A_373] {strides = array<i32>} : memref<128x128xf32, #tpu.memory_space<vmem>>, vector<1x16xf32>,
        %get3A_375 = vector.shape_cast %get3A_374 : vector<1x16xf32> to vector<16xf32>
        %get3A_376 = arith.index_cast %add3A_337 : i32 to index
        %get3A_377 = arith.constant 32 : index
        %get3A_378 = tpu.vector_load %arg12[%get3A_376, %get3A_377] {strides = array<i32>} : memref<128x128xf32, #tpu.memory_space<vmem>>, vector<1x16xf32>,
        %get3A_379 = vector.shape_cast %get3A_378 : vector<1x16xf32> to vector<16xf32>
        %add3A_380 = arith.addf %get3A_375, %get3A_379 : vector<16xf32>
        %max3A_381 = arith.constant 0.000000e+00 : f32
        %max3A_382 = vector.broadcast %max3A_381 : f32 to vector<16xf32>
        %max3A_383 = arith.maximumf %add3A_380, %max3A_382 : vector<16xf32>
        %swap3A_384 = arith.index_cast %add3A_337 : i32 to index
        %swap3A_385 = arith.constant 32 : index
        %swap3A_386 = tpu.vector_load %arg10[%swap3A_384, %swap3A_385] {strides = array<i32>} : memref<128x128xf32, #tpu.memory_space<vmem>>, vector<1x16xf32>,
        %swap3A_387 = vector.shape_cast %swap3A_386 : vector<1x16xf32> to vector<16xf32>
        %swap3A_388 = vector.shape_cast %max3A_383 : vector<16xf32> to vector<1x16xf32>
        tpu.vector_store %arg10[%swap3A_384, %swap3A_385], %swap3A_388 {strides = array<i32>} : memref<128x128xf32, #tpu.memory_space<vmem>>, vector<1x16xf32>,
        %get3A_389 = arith.index_cast %add3A_337 : i32 to index
        %get3A_390 = arith.constant 48 : index
        %get3A_391 = tpu.vector_load %arg10[%get3A_389, %get3A_390] {strides = array<i32>} : memref<128x128xf32, #tpu.memory_space<vmem>>, vector<1x16xf32>,
        %get3A_392 = vector.shape_cast %get3A_391 : vector<1x16xf32> to vector<16xf32>
        %get3A_393 = arith.index_cast %add3A_337 : i32 to index
        %get3A_394 = arith.constant 48 : index
        %get3A_395 = tpu.vector_load %arg12[%get3A_393, %get3A_394] {strides = array<i32>} : memref<128x128xf32, #tpu.memory_space<vmem>>, vector<1x16xf32>,
        %get3A_396 = vector.shape_cast %get3A_395 : vector<1x16xf32> to vector<16xf32>
        %add3A_397 = arith.addf %get3A_392, %get3A_396 : vector<16xf32>
        %max3A_398 = arith.constant 0.000000e+00 : f32
        %max3A_399 = vector.broadcast %max3A_398 : f32 to vector<16xf32>
        %max3A_400 = arith.maximumf %add3A_397, %max3A_399 : vector<16xf32>
        %swap3A_401 = arith.index_cast %add3A_337 : i32 to index
        %swap3A_402 = arith.constant 48 : index
        %swap3A_403 = tpu.vector_load %arg10[%swap3A_401, %swap3A_402] {strides = array<i32>} : memref<128x128xf32, #tpu.memory_space<vmem>>, vector<1x16xf32>,
        %swap3A_404 = vector.shape_cast %swap3A_403 : vector<1x16xf32> to vector<16xf32>
        %swap3A_405 = vector.shape_cast %max3A_400 : vector<16xf32> to vector<1x16xf32>
        tpu.vector_store %arg10[%swap3A_401, %swap3A_402], %swap3A_405 {strides = array<i32>} : memref<128x128xf32, #tpu.memory_space<vmem>>, vector<1x16xf32>,
        %get3A_406 = arith.index_cast %add3A_337 : i32 to index
        %get3A_407 = arith.constant 64 : index
        %get3A_408 = tpu.vector_load %arg10[%get3A_406, %get3A_407] {strides = array<i32>} : memref<128x128xf32, #tpu.memory_space<vmem>>, vector<1x16xf32>,
        %get3A_409 = vector.shape_cast %get3A_408 : vector<1x16xf32> to vector<16xf32>
        %get3A_410 = arith.index_cast %add3A_337 : i32 to index
        %get3A_411 = arith.constant 64 : index
        %get3A_412 = tpu.vector_load %arg12[%get3A_410, %get3A_411] {strides = array<i32>} : memref<128x128xf32, #tpu.memory_space<vmem>>, vector<1x16xf32>,
        %get3A_413 = vector.shape_cast %get3A_412 : vector<1x16xf32> to vector<16xf32>
        %add3A_414 = arith.addf %get3A_409, %get3A_413 : vector<16xf32>
        %max3A_415 = arith.constant 0.000000e+00 : f32
        %max3A_416 = vector.broadcast %max3A_415 : f32 to vector<16xf32>
        %max3A_417 = arith.maximumf %add3A_414, %max3A_416 : vector<16xf32>
        %swap3A_418 = arith.index_cast %add3A_337 : i32 to index
        %swap3A_419 = arith.constant 64 : index
        %swap3A_420 = tpu.vector_load %arg10[%swap3A_418, %swap3A_419] {strides = array<i32>} : memref<128x128xf32, #tpu.memory_space<vmem>>, vector<1x16xf32>,
        %swap3A_421 = vector.shape_cast %swap3A_420 : vector<1x16xf32> to vector<16xf32>
        %swap3A_422 = vector.shape_cast %max3A_417 : vector<16xf32> to vector<1x16xf32>
        tpu.vector_store %arg10[%swap3A_418, %swap3A_419], %swap3A_422 {strides = array<i32>} : memref<128x128xf32, #tpu.memory_space<vmem>>, vector<1x16xf32>,
        %get3A_423 = arith.index_cast %add3A_337 : i32 to index
        %get3A_424 = arith.constant 80 : index
        %get3A_425 = tpu.vector_load %arg10[%get3A_423, %get3A_424] {strides = array<i32>} : memref<128x128xf32, #tpu.memory_space<vmem>>, vector<1x16xf32>,
        %get3A_426 = vector.shape_cast %get3A_425 : vector<1x16xf32> to vector<16xf32>
        %get3A_427 = arith.index_cast %add3A_337 : i32 to index
        %get3A_428 = arith.constant 80 : index
        %get3A_429 = tpu.vector_load %arg12[%get3A_427, %get3A_428] {strides = array<i32>} : memref<128x128xf32, #tpu.memory_space<vmem>>, vector<1x16xf32>,
        %get3A_430 = vector.shape_cast %get3A_429 : vector<1x16xf32> to vector<16xf32>
        %add3A_431 = arith.addf %get3A_426, %get3A_430 : vector<16xf32>
        %max3A_432 = arith.constant 0.000000e+00 : f32
        %max3A_433 = vector.broadcast %max3A_432 : f32 to vector<16xf32>
        %max3A_434 = arith.maximumf %add3A_431, %max3A_433 : vector<16xf32>
        %swap3A_435 = arith.index_cast %add3A_337 : i32 to index
        %swap3A_436 = arith.constant 80 : index
        %swap3A_437 = tpu.vector_load %arg10[%swap3A_435, %swap3A_436] {strides = array<i32>} : memref<128x128xf32, #tpu.memory_space<vmem>>, vector<1x16xf32>,
        %swap3A_438 = vector.shape_cast %swap3A_437 : vector<1x16xf32> to vector<16xf32>
        %swap3A_439 = vector.shape_cast %max3A_434 : vector<16xf32> to vector<1x16xf32>
        tpu.vector_store %arg10[%swap3A_435, %swap3A_436], %swap3A_439 {strides = array<i32>} : memref<128x128xf32, #tpu.memory_space<vmem>>, vector<1x16xf32>,
        %get3A_440 = arith.index_cast %add3A_337 : i32 to index
        %get3A_441 = arith.constant 96 : index
        %get3A_442 = tpu.vector_load %arg10[%get3A_440, %get3A_441] {strides = array<i32>} : memref<128x128xf32, #tpu.memory_space<vmem>>, vector<1x16xf32>,
        %get3A_443 = vector.shape_cast %get3A_442 : vector<1x16xf32> to vector<16xf32>
        %get3A_444 = arith.index_cast %add3A_337 : i32 to index
        %get3A_445 = arith.constant 96 : index
        %get3A_446 = tpu.vector_load %arg12[%get3A_444, %get3A_445] {strides = array<i32>} : memref<128x128xf32, #tpu.memory_space<vmem>>, vector<1x16xf32>,
        %get3A_447 = vector.shape_cast %get3A_446 : vector<1x16xf32> to vector<16xf32>
        %add3A_448 = arith.addf %get3A_443, %get3A_447 : vector<16xf32>
        %max3A_449 = arith.constant 0.000000e+00 : f32
        %max3A_450 = vector.broadcast %max3A_449 : f32 to vector<16xf32>
        %max3A_451 = arith.maximumf %add3A_448, %max3A_450 : vector<16xf32>
        %swap3A_452 = arith.index_cast %add3A_337 : i32 to index
        %swap3A_453 = arith.constant 96 : index
        %swap3A_454 = tpu.vector_load %arg10[%swap3A_452, %swap3A_453] {strides = array<i32>} : memref<128x128xf32, #tpu.memory_space<vmem>>, vector<1x16xf32>,
        %swap3A_455 = vector.shape_cast %swap3A_454 : vector<1x16xf32> to vector<16xf32>
        %swap3A_456 = vector.shape_cast %max3A_451 : vector<16xf32> to vector<1x16xf32>
        tpu.vector_store %arg10[%swap3A_452, %swap3A_453], %swap3A_456 {strides = array<i32>} : memref<128x128xf32, #tpu.memory_space<vmem>>, vector<1x16xf32>,
        %get3A_457 = arith.index_cast %add3A_337 : i32 to index
        %get3A_458 = arith.constant 112 : index
        %get3A_459 = tpu.vector_load %arg10[%get3A_457, %get3A_458] {strides = array<i32>} : memref<128x128xf32, #tpu.memory_space<vmem>>, vector<1x16xf32>,
        %get3A_460 = vector.shape_cast %get3A_459 : vector<1x16xf32> to vector<16xf32>
        %get3A_461 = arith.index_cast %add3A_337 : i32 to index
        %get3A_462 = arith.constant 112 : index
        %get3A_463 = tpu.vector_load %arg12[%get3A_461, %get3A_462] {strides = array<i32>} : memref<128x128xf32, #tpu.memory_space<vmem>>, vector<1x16xf32>,
        %get3A_464 = vector.shape_cast %get3A_463 : vector<1x16xf32> to vector<16xf32>
        %add3A_465 = arith.addf %get3A_460, %get3A_464 : vector<16xf32>
        %max3A_466 = arith.constant 0.000000e+00 : f32
        %max3A_467 = vector.broadcast %max3A_466 : f32 to vector<16xf32>
        %max3A_468 = arith.maximumf %add3A_465, %max3A_467 : vector<16xf32>
        %swap3A_469 = arith.index_cast %add3A_337 : i32 to index
        %swap3A_470 = arith.constant 112 : index
        %swap3A_471 = tpu.vector_load %arg10[%swap3A_469, %swap3A_470] {strides = array<i32>} : memref<128x128xf32, #tpu.memory_space<vmem>>, vector<1x16xf32>,
        %swap3A_472 = vector.shape_cast %swap3A_471 : vector<1x16xf32> to vector<16xf32>
        %swap3A_473 = vector.shape_cast %max3A_468 : vector<16xf32> to vector<1x16xf32>
        tpu.vector_store %arg10[%swap3A_469, %swap3A_470], %swap3A_473 {strides = array<i32>} : memref<128x128xf32, #tpu.memory_space<vmem>>, vector<1x16xf32>,
        %scan3A_474 = arith.constant 0 : i32
        scf.yield %scan3A_474 : i32
      }
      %scan3A_183 = arith.constant 64 : i32
      "tpu.region"() ({
        %run_scoped3A = tpu.sem_alloc : memref<!tpu.dma_semaphore, #tpu.memory_space<semaphore_mem>>
        %dma_start3A_195 = arith.constant 0 : i32
        %dma_start3A_196 = tpu.memref_slice %arg8[%select_n3A_135, %dma_start3A_195] : memref<80x128xi32, #tpu.memory_space<vmem>> -> memref<1x128xi32, #tpu.memory_space<vmem>>
        %dma_start3A_197 = tpu.memref_squeeze %dma_start3A_196 : memref<1x128xi32, #tpu.memory_space<vmem>> -> memref<128xi32, #tpu.memory_space<vmem>>
        %dma_start3A_198 = arith.constant 0 : i32
        %dma_start3A_199 = arith.constant 0 : i32
        %dma_start3A_200 = tpu.memref_slice %arg13[%dma_start3A_198, %dma_start3A_199] : memref<5120x128xf32, #tpu.memory_space<vmem_shared>> -> memref<5120x128xf32, #tpu.memory_space<vmem_shared>>
        tpu.enqueue_indirect_dma source(%arg10 : memref<128x128xf32, #tpu.memory_space<vmem>>) target(%dma_start3A_200 : memref<5120x128xf32, #tpu.memory_space<vmem_shared>>) offsets(%dma_start3A_197 : memref<128xi32, #tpu.memory_space<vmem>>) semaphore(%run_scoped3A : memref<!tpu.dma_semaphore, #tpu.memory_space<semaphore_mem>>) {add = true}
        %dma_wait3A_201 = arith.constant 0 : i32
        %dma_wait3A_202 = tpu.memref_slice %arg8[%select_n3A_135, %dma_wait3A_201] : memref<80x128xi32, #tpu.memory_space<vmem>> -> memref<1x128xi32, #tpu.memory_space<vmem>>
        %dma_wait3A_203 = tpu.memref_squeeze %dma_wait3A_202 : memref<1x128xi32, #tpu.memory_space<vmem>> -> memref<128xi32, #tpu.memory_space<vmem>>
        %dma_wait3A_204 = arith.constant 0 : i32
        %dma_wait3A_205 = arith.constant 0 : i32
        %dma_wait3A_206 = tpu.memref_slice %arg13[%dma_wait3A_204, %dma_wait3A_205] : memref<5120x128xf32, #tpu.memory_space<vmem_shared>> -> memref<5120x128xf32, #tpu.memory_space<vmem_shared>>
        tpu.wait_indirect_dma semaphore(%run_scoped3A : memref<!tpu.dma_semaphore, #tpu.memory_space<semaphore_mem>>) src(%arg10 : memref<128x128xf32, #tpu.memory_space<vmem>>) dst(%dma_wait3A_206 : memref<5120x128xf32, #tpu.memory_space<vmem_shared>>)
        tpu.yield
      }) : () -> ()
      %not3A_184 = arith.constant true
      %not3A_185 = arith.xori %ne3A_173, %not3A_184 : i1
      %add3A_186 = arith.constant 1 : i32
      %add3A_187 = arith.addi %add3A_119, %add3A_186 : i32
      %lt3A_188 = arith.constant 160 : i32
      %lt3A_189 = arith.cmpi slt, %add3A_187, %lt3A_188 : i32
      %and3A_190 = arith.andi %not3A_185, %lt3A_189 : i1
      %convert_element_type3A_191 = arith.extui %and3A_190 : i1 to i32
      %cond3A_192 = arith.constant 0 : i32
      %cond3A_193 = arith.cmpi ne, %convert_element_type3A_191, %cond3A_192 : i32
      scf.if %cond3A_193 {
        %add3A_195 = arith.constant 1 : i32
        %add3A_196 = arith.addi %add3A_119, %add3A_195 : i32
        %mul3A_197 = arith.constant 160 : i32
        %mul3A_198 = arith.muli %arg1, %mul3A_197 : i32
        %add3A_199 = arith.addi %mul3A_198, %add3A_196 : i32
        %multiple_of3A_200 = tpu.assume_multiple %add3A_199, 8 : i32
        "tpu.region"() ({
          %run_scoped3A = tpu.sem_alloc : memref<!tpu.dma_semaphore, #tpu.memory_space<semaphore_mem>>
          %dma_start3A_237 = arith.constant 0 : i32
          %dma_start3A_238 = tpu.memref_slice %arg3[%arg0, %multiple_of3A_200, %dma_start3A_237] : memref<2x2560x128xi32, #tpu.memory_space<hbm>> -> memref<1x80x128xi32, #tpu.memory_space<hbm>>
          %dma_start3A_239 = tpu.memref_squeeze %dma_start3A_238 : memref<1x80x128xi32, #tpu.memory_space<hbm>> -> memref<80x128xi32, #tpu.memory_space<hbm>>
          %dma_start3A_240 = arith.constant 0 : i32
          %dma_start3A_241 = tpu.memref_slice %arg3[%arg0, %multiple_of3A_200, %dma_start3A_240] : memref<2x2560x128xi32, #tpu.memory_space<hbm>> -> memref<1x80x128xi32, #tpu.memory_space<hbm>>
          %dma_start3A_242 = tpu.memref_squeeze %dma_start3A_241 : memref<1x80x128xi32, #tpu.memory_space<hbm>> -> memref<80x128xi32, #tpu.memory_space<hbm>>
          tpu.enqueue_dma source(%dma_start3A_242 : memref<80x128xi32, #tpu.memory_space<hbm>>) target(%arg7 : memref<80x128xi32, #tpu.memory_space<vmem>>) target_semaphore(%run_scoped3A : memref<!tpu.dma_semaphore, #tpu.memory_space<semaphore_mem>>)
          %dma_wait3A_243 = arith.constant 0 : i32
          %dma_wait3A_244 = tpu.memref_slice %arg3[%arg0, %multiple_of3A_200, %dma_wait3A_243] : memref<2x2560x128xi32, #tpu.memory_space<hbm>> -> memref<1x80x128xi32, #tpu.memory_space<hbm>>
          %dma_wait3A_245 = tpu.memref_squeeze %dma_wait3A_244 : memref<1x80x128xi32, #tpu.memory_space<hbm>> -> memref<80x128xi32, #tpu.memory_space<hbm>>
          %dma_wait3A_246 = arith.constant 0 : i32
          %dma_wait3A_247 = tpu.memref_slice %arg3[%arg0, %multiple_of3A_200, %dma_wait3A_246] : memref<2x2560x128xi32, #tpu.memory_space<hbm>> -> memref<1x80x128xi32, #tpu.memory_space<hbm>>
          %dma_wait3A_248 = tpu.memref_squeeze %dma_wait3A_247 : memref<1x80x128xi32, #tpu.memory_space<hbm>> -> memref<80x128xi32, #tpu.memory_space<hbm>>
          tpu.wait_dma2 semaphore(%run_scoped3A : memref<!tpu.dma_semaphore, #tpu.memory_space<semaphore_mem>>) src(%dma_wait3A_248 : memref<80x128xi32, #tpu.memory_space<hbm>>) dst(%arg7 : memref<80x128xi32, #tpu.memory_space<vmem>>)
          tpu.yield
        }) : () -> ()
        "tpu.region"() ({
          %run_scoped3A = tpu.sem_alloc : memref<!tpu.dma_semaphore, #tpu.memory_space<semaphore_mem>>
          %dma_start3A_237 = arith.constant 0 : i32
          %dma_start3A_238 = tpu.memref_slice %arg4[%arg0, %multiple_of3A_200, %dma_start3A_237] : memref<2x2560x128xi32, #tpu.memory_space<hbm>> -> memref<1x80x128xi32, #tpu.memory_space<hbm>>
          %dma_start3A_239 = tpu.memref_squeeze %dma_start3A_238 : memref<1x80x128xi32, #tpu.memory_space<hbm>> -> memref<80x128xi32, #tpu.memory_space<hbm>>
          %dma_start3A_240 = arith.constant 0 : i32
          %dma_start3A_241 = tpu.memref_slice %arg4[%arg0, %multiple_of3A_200, %dma_start3A_240] : memref<2x2560x128xi32, #tpu.memory_space<hbm>> -> memref<1x80x128xi32, #tpu.memory_space<hbm>>
          %dma_start3A_242 = tpu.memref_squeeze %dma_start3A_241 : memref<1x80x128xi32, #tpu.memory_space<hbm>> -> memref<80x128xi32, #tpu.memory_space<hbm>>
          tpu.enqueue_dma source(%dma_start3A_242 : memref<80x128xi32, #tpu.memory_space<hbm>>) target(%arg8 : memref<80x128xi32, #tpu.memory_space<vmem>>) target_semaphore(%run_scoped3A : memref<!tpu.dma_semaphore, #tpu.memory_space<semaphore_mem>>)
          %dma_wait3A_243 = arith.constant 0 : i32
          %dma_wait3A_244 = tpu.memref_slice %arg4[%arg0, %multiple_of3A_200, %dma_wait3A_243] : memref<2x2560x128xi32, #tpu.memory_space<hbm>> -> memref<1x80x128xi32, #tpu.memory_space<hbm>>
          %dma_wait3A_245 = tpu.memref_squeeze %dma_wait3A_244 : memref<1x80x128xi32, #tpu.memory_space<hbm>> -> memref<80x128xi32, #tpu.memory_space<hbm>>
          %dma_wait3A_246 = arith.constant 0 : i32
          %dma_wait3A_247 = tpu.memref_slice %arg4[%arg0, %multiple_of3A_200, %dma_wait3A_246] : memref<2x2560x128xi32, #tpu.memory_space<hbm>> -> memref<1x80x128xi32, #tpu.memory_space<hbm>>
          %dma_wait3A_248 = tpu.memref_squeeze %dma_wait3A_247 : memref<1x80x128xi32, #tpu.memory_space<hbm>> -> memref<80x128xi32, #tpu.memory_space<hbm>>
          tpu.wait_dma2 semaphore(%run_scoped3A : memref<!tpu.dma_semaphore, #tpu.memory_space<semaphore_mem>>) src(%dma_wait3A_248 : memref<80x128xi32, #tpu.memory_space<hbm>>) dst(%arg8 : memref<80x128xi32, #tpu.memory_space<vmem>>)
          tpu.yield
        }) : () -> ()
        %add3A_201 = arith.constant 1 : i32
        %add3A_202 = arith.addi %add3A_119, %add3A_201 : i32
        %jit3A_203 = arith.constant 80 : i32
        %eq3A_204 = arith.constant 0 : i32
        %eq3A_205 = arith.cmpi eq, %jit3A_203, %eq3A_204 : i32
        %jit3A_206 = arith.constant 1 : i32
        %select_n3A_207 = arith.select %eq3A_205, %jit3A_206, %jit3A_203 : i32
        %rem3A_208 = arith.remsi %add3A_202, %select_n3A_207 : i32
        %ne3A_209 = arith.constant 0 : i32
        %ne3A_210 = arith.cmpi ne, %rem3A_208, %ne3A_209 : i32
        %lt3A_211 = arith.constant 0 : i32
        %lt3A_212 = arith.cmpi slt, %rem3A_208, %lt3A_211 : i32
        %lt3A_213 = arith.constant 0 : i32
        %lt3A_214 = arith.cmpi slt, %select_n3A_207, %lt3A_213 : i32
        %ne3A_215 = arith.xori %lt3A_212, %lt3A_214 : i1
        %and3A_216 = arith.andi %ne3A_215, %ne3A_210 : i1
        %add3A_217 = arith.addi %rem3A_208, %select_n3A_207 : i32
        %select_n3A_218 = arith.select %and3A_216, %add3A_217, %rem3A_208 : i32
        %mul3A_219 = arith.constant 20480 : i32
        %mul3A_220 = arith.muli %arg1, %mul3A_219 : i32
        %mul3A_221 = arith.constant 128 : i32
        %mul3A_222 = arith.muli %add3A_202, %mul3A_221 : i32
        %add3A_223 = arith.addi %mul3A_220, %mul3A_222 : i32
        %dma_start3A_224 = arith.constant 0 : i32
        %dma_start3A_225 = arith.constant 0 : i32
        %dma_start3A_226 = tpu.memref_slice %arg5[%dma_start3A_224, %add3A_223, %dma_start3A_225] : memref<1x327680x128xf32, #tpu.memory_space<hbm>> -> memref<1x128x128xf32, #tpu.memory_space<hbm>>
        %dma_start3A_227 = tpu.memref_squeeze %dma_start3A_226 : memref<1x128x128xf32, #tpu.memory_space<hbm>> -> memref<128x128xf32, #tpu.memory_space<hbm>>
        %dma_start3A_228 = arith.constant 0 : i32
        %dma_start3A_229 = tpu.memref_slice %arg5[%dma_start3A_224, %add3A_223, %dma_start3A_228] : memref<1x327680x128xf32, #tpu.memory_space<hbm>> -> memref<1x128x128xf32, #tpu.memory_space<hbm>>
        %dma_start3A_230 = tpu.memref_squeeze %dma_start3A_229 : memref<1x128x128xf32, #tpu.memory_space<hbm>> -> memref<128x128xf32, #tpu.memory_space<hbm>>
        tpu.enqueue_dma source(%dma_start3A_230 : memref<128x128xf32, #tpu.memory_space<hbm>>) target(%arg11 : memref<128x128xf32, #tpu.memory_space<vmem>>) target_semaphore(%arg14 : memref<!tpu.dma_semaphore, #tpu.memory_space<semaphore_mem>>)
        %dma_start3A_231 = arith.constant 0 : i32
        %dma_start3A_232 = tpu.memref_slice %arg7[%select_n3A_218, %dma_start3A_231] : memref<80x128xi32, #tpu.memory_space<vmem>> -> memref<1x128xi32, #tpu.memory_space<vmem>>
        %dma_start3A_233 = tpu.memref_squeeze %dma_start3A_232 : memref<1x128xi32, #tpu.memory_space<vmem>> -> memref<128xi32, #tpu.memory_space<vmem>>
        %dma_start3A_234 = arith.constant 0 : i32
        %dma_start3A_235 = arith.constant 0 : i32
        %dma_start3A_236 = tpu.memref_slice %arg2[%dma_start3A_234, %dma_start3A_235] : memref<10240x128xf32, #tpu.memory_space<hbm>> -> memref<10240x128xf32, #tpu.memory_space<hbm>>
        tpu.enqueue_indirect_dma source(%dma_start3A_236 : memref<10240x128xf32, #tpu.memory_space<hbm>>) target(%arg9 : memref<128x128xf32, #tpu.memory_space<vmem>>) offsets(%dma_start3A_233 : memref<128xi32, #tpu.memory_space<vmem>>) semaphore(%arg14 : memref<!tpu.dma_semaphore, #tpu.memory_space<semaphore_mem>>)
      } else {
      }
      %scan3A_194 = arith.constant 0 : i32
      scf.yield %scan3A_194 : i32
    }
    %scan3A_38 = arith.constant 80 : i32
    %barrier3A_39 = arith.constant 0 : index
    tpu.barrier barrier_id(%barrier3A_39)
    %mul3A_40 = arith.constant 320 : i32
    %mul3A_41 = arith.muli %arg1, %mul3A_40 : i32
    %mul3A_42 = arith.constant 5120 : i32
    %mul3A_43 = arith.muli %arg0, %mul3A_42 : i32
    %mul3A_44 = arith.constant 320 : i32
    %mul3A_45 = arith.muli %arg1, %mul3A_44 : i32
    %add3A_46 = arith.addi %mul3A_43, %mul3A_45 : i32
    "tpu.region"() ({
      %run_scoped3A = tpu.sem_alloc : memref<!tpu.dma_semaphore, #tpu.memory_space<semaphore_mem>>
      %dma_start3A_47 = arith.constant 0 : i32
      %dma_start3A_48 = tpu.memref_slice %arg6[%add3A_46, %dma_start3A_47] : memref<10240x128xf32, #tpu.memory_space<hbm>> -> memref<320x128xf32, #tpu.memory_space<hbm>>
      %dma_start3A_49 = arith.constant 0 : i32
      %dma_start3A_50 = tpu.memref_slice %arg13[%mul3A_41, %dma_start3A_49] : memref<5120x128xf32, #tpu.memory_space<vmem_shared>> -> memref<320x128xf32, #tpu.memory_space<vmem_shared>>
      tpu.enqueue_dma source(%dma_start3A_50 : memref<320x128xf32, #tpu.memory_space<vmem_shared>>) target(%dma_start3A_48 : memref<320x128xf32, #tpu.memory_space<hbm>>) target_semaphore(%run_scoped3A : memref<!tpu.dma_semaphore, #tpu.memory_space<semaphore_mem>>)
      %dma_wait3A = arith.constant 0 : i32
      %dma_wait3A_51 = tpu.memref_slice %arg6[%add3A_46, %dma_wait3A] : memref<10240x128xf32, #tpu.memory_space<hbm>> -> memref<320x128xf32, #tpu.memory_space<hbm>>
      %dma_wait3A_52 = arith.constant 0 : i32
      %dma_wait3A_53 = tpu.memref_slice %arg13[%mul3A_41, %dma_wait3A_52] : memref<5120x128xf32, #tpu.memory_space<vmem_shared>> -> memref<320x128xf32, #tpu.memory_space<vmem_shared>>
      tpu.wait_dma2 semaphore(%run_scoped3A : memref<!tpu.dma_semaphore, #tpu.memory_space<semaphore_mem>>) src(%dma_wait3A_53 : memref<320x128xf32, #tpu.memory_space<vmem_shared>>) dst(%dma_wait3A_51 : memref<320x128xf32, #tpu.memory_space<hbm>>)
      tpu.yield
    }) : () -> ()
    return
  }
}

module attributes {stable_mosaic.version = 14 : i64} {
  func.func @_edge_mm_body(%arg0: i32, %arg1: memref<2048x16xf32, #tpu.memory_space<vmem>>, %arg2: memref<1x16x128xf32, #tpu.memory_space<vmem>>, %arg3: memref<1x1x128xf32, #tpu.memory_space<vmem>>, %arg4: memref<1x2048x128xf32, #tpu.memory_space<vmem>>) attributes {dimension_semantics = [#tpu.dimension_semantics<arbitrary>], iteration_bounds = array<i64: 160>, scalar_prefetch = 0 : i64, scratch_operands = 0 : i64, tpu.core_type = #tpu.core_type<tc>, window_params = [{transform_indices = @transform_0, window_bounds = array<i64: 2048, 16>}, {pipeline_mode = #tpu.pipeline_mode<synchronous>, transform_indices = @transform_1, window_bounds = array<i64: 1, 16, 128>}, {pipeline_mode = #tpu.pipeline_mode<synchronous>, transform_indices = @transform_2, window_bounds = array<i64: 1, 1, 128>}, {transform_indices = @transform_3, window_bounds = array<i64: 1, 2048, 128>}]} {
    %get3A = arith.constant 0 : index
    %get3A_0 = arith.constant 0 : index
    %get3A_1 = vector.load %arg1[%get3A, %get3A_0] : memref<2048x16xf32, #tpu.memory_space<vmem>>, vector<2048x16xf32>
    %get3A_2 = arith.constant 0 : index
    %get3A_3 = arith.constant 0 : index
    %get3A_4 = arith.constant 0 : index
    %get3A_5 = vector.load %arg2[%get3A_2, %get3A_3, %get3A_4] : memref<1x16x128xf32, #tpu.memory_space<vmem>>, vector<1x16x128xf32>
    %get3A_6 = vector.shape_cast %get3A_5 : vector<1x16x128xf32> to vector<16x128xf32>
    %dot_general3A = arith.constant dense<0.000000e+00> : vector<2048x128xf32>
    %dot_general3A_7 = tpu.matmul %get3A_1, %get3A_6, %dot_general3A {dimension_numbers = #tpu.dot_dimension_numbers<[1], [0], [0], [1], [0, 0, 1, 1], [], []>, transpose_lhs_hint = false} : vector<2048x16xf32>, vector<16x128xf32>, vector<2048x128xf32> -> vector<2048x128xf32>
    %get3A_8 = arith.constant 0 : index
    %get3A_9 = arith.constant 0 : index
    %get3A_10 = arith.constant 0 : index
    %get3A_11 = vector.load %arg3[%get3A_8, %get3A_9, %get3A_10] : memref<1x1x128xf32, #tpu.memory_space<vmem>>, vector<1x1x128xf32>
    %get3A_12 = vector.shape_cast %get3A_11 : vector<1x1x128xf32> to vector<1x128xf32>
    %add3A = vector.broadcast %get3A_12 : vector<1x128xf32> to vector<2048x128xf32>
    %add3A_13 = arith.addf %dot_general3A_7, %add3A : vector<2048x128xf32>
    %swap3A = arith.constant 0 : index
    %swap3A_14 = arith.constant 0 : index
    %swap3A_15 = arith.constant 0 : index
    %swap3A_16 = vector.load %arg4[%swap3A, %swap3A_14, %swap3A_15] : memref<1x2048x128xf32, #tpu.memory_space<vmem>>, vector<1x2048x128xf32>
    %swap3A_17 = vector.shape_cast %swap3A_16 : vector<1x2048x128xf32> to vector<2048x128xf32>
    %swap3A_18 = vector.shape_cast %add3A_13 : vector<2048x128xf32> to vector<1x2048x128xf32>
    tpu.vector_store %arg4[%swap3A, %swap3A_14, %swap3A_15], %swap3A_18 {strides = array<i32>} : memref<1x2048x128xf32, #tpu.memory_space<vmem>>, vector<1x2048x128xf32>,
    return
  }
  func.func @transform_0(%arg0: i32) -> (i32, i32) {
    %c0_i32 = arith.constant 0 : i32
    %c0_i32_0 = arith.constant 0 : i32
    return %arg0, %c0_i32 : i32, i32
  }
  func.func @transform_1(%arg0: i32) -> (i32, i32, i32) {
    %c0_i32 = arith.constant 0 : i32
    %c0_i32_0 = arith.constant 0 : i32
    %c0_i32_1 = arith.constant 0 : i32
    %c0_i32_2 = arith.constant 0 : i32
    return %c0_i32, %c0_i32_0, %c0_i32_1 : i32, i32, i32
  }
  func.func @transform_2(%arg0: i32) -> (i32, i32, i32) {
    %c0_i32 = arith.constant 0 : i32
    %c0_i32_0 = arith.constant 0 : i32
    %c0_i32_1 = arith.constant 0 : i32
    %c0_i32_2 = arith.constant 0 : i32
    return %c0_i32, %c0_i32_0, %c0_i32_1 : i32, i32, i32
  }
  func.func @transform_3(%arg0: i32) -> (i32, i32, i32) {
    %c0_i32 = arith.constant 0 : i32
    %c0_i32_0 = arith.constant 0 : i32
    %c0_i32_1 = arith.constant 0 : i32
    return %c0_i32, %arg0, %c0_i32_0 : i32, i32, i32
  }
}

module attributes {stable_mosaic.version = 14 : i64} {
  func.func @_enc_body(%arg0: i32, %arg1: memref<1024x128xf32, #tpu.memory_space<vmem>>, %arg2: memref<128x128xf32, #tpu.memory_space<vmem>>, %arg3: memref<1x128xf32, #tpu.memory_space<vmem>>, %arg4: memref<1024x128xf32, #tpu.memory_space<vmem>>) attributes {dimension_semantics = [#tpu.dimension_semantics<arbitrary>], iteration_bounds = array<i64: 10>, scalar_prefetch = 0 : i64, scratch_operands = 0 : i64, tpu.core_type = #tpu.core_type<tc>, window_params = [{transform_indices = @transform_0, window_bounds = array<i64: 1024, 128>}, {pipeline_mode = #tpu.pipeline_mode<synchronous>, transform_indices = @transform_1, window_bounds = array<i64: 128, 128>}, {pipeline_mode = #tpu.pipeline_mode<synchronous>, transform_indices = @transform_2, window_bounds = array<i64: 1, 128>}, {transform_indices = @transform_3, window_bounds = array<i64: 1024, 128>}]} {
    %get3A = arith.constant 0 : index
    %get3A_0 = arith.constant 0 : index
    %get3A_1 = vector.load %arg1[%get3A, %get3A_0] : memref<1024x128xf32, #tpu.memory_space<vmem>>, vector<1024x128xf32>
    %get3A_2 = arith.constant 0 : index
    %get3A_3 = arith.constant 0 : index
    %get3A_4 = vector.load %arg2[%get3A_2, %get3A_3] : memref<128x128xf32, #tpu.memory_space<vmem>>, vector<128x128xf32>
    %dot_general3A = arith.constant dense<0.000000e+00> : vector<1024x128xf32>
    %dot_general3A_5 = tpu.matmul %get3A_1, %get3A_4, %dot_general3A {dimension_numbers = #tpu.dot_dimension_numbers<[1], [0], [0], [1], [0, 0, 1, 1], [], []>, transpose_lhs_hint = false} : vector<1024x128xf32>, vector<128x128xf32>, vector<1024x128xf32> -> vector<1024x128xf32>
    %get3A_6 = arith.constant 0 : index
    %get3A_7 = arith.constant 0 : index
    %get3A_8 = vector.load %arg3[%get3A_6, %get3A_7] : memref<1x128xf32, #tpu.memory_space<vmem>>, vector<1x128xf32>
    %add3A = vector.broadcast %get3A_8 : vector<1x128xf32> to vector<1024x128xf32>
    %add3A_9 = arith.addf %dot_general3A_5, %add3A : vector<1024x128xf32>
    %mul3A = arith.constant 1024 : i32
    %mul3A_10 = arith.muli %arg0, %mul3A : i32
    %iota3A = tpu.iota {dimensions = array<i32: 0>} : vector<1024x1xi32>
    %add3A_11 = vector.broadcast %mul3A_10 : i32 to vector<1024x1xi32>
    %add3A_12 = arith.addi %add3A_11, %iota3A : vector<1024x1xi32>
    %lt3A = arith.constant 10000 : i32
    %lt3A_13 = vector.broadcast %lt3A : i32 to vector<1024x1xi32>
    %lt3A_14 = arith.cmpi slt, %add3A_12, %lt3A_13 : vector<1024x1xi32>
    %jit3A = arith.constant -1.000000e+30 : f32
    %broadcast_in_dim3A = vector.shape_cast %lt3A_14 : vector<1024x1xi1> to vector<1024x1xi1>
    %broadcast_in_dim3A_15 = vector.broadcast %broadcast_in_dim3A : vector<1024x1xi1> to vector<1024x128xi1>
    %broadcast_in_dim3A_16 = vector.broadcast %jit3A : f32 to vector<1024x128xf32>
    %select_n3A = arith.select %broadcast_in_dim3A_15, %add3A_9, %broadcast_in_dim3A_16 : vector<1024x128xi1>, vector<1024x128xf32>
    %swap3A = arith.constant 0 : index
    %swap3A_17 = arith.constant 0 : index
    %swap3A_18 = vector.load %arg4[%swap3A, %swap3A_17] : memref<1024x128xf32, #tpu.memory_space<vmem>>, vector<1024x128xf32>
    tpu.vector_store %arg4[%swap3A, %swap3A_17], %select_n3A {strides = array<i32>} : memref<1024x128xf32, #tpu.memory_space<vmem>>, vector<1024x128xf32>,
    return
  }
  func.func @transform_0(%arg0: i32) -> (i32, i32) {
    %c0_i32 = arith.constant 0 : i32
    %c0_i32_0 = arith.constant 0 : i32
    return %arg0, %c0_i32 : i32, i32
  }
  func.func @transform_1(%arg0: i32) -> (i32, i32) {
    %c0_i32 = arith.constant 0 : i32
    %c0_i32_0 = arith.constant 0 : i32
    %c0_i32_1 = arith.constant 0 : i32
    return %c0_i32, %c0_i32_0 : i32, i32
  }
  func.func @transform_2(%arg0: i32) -> (i32, i32) {
    %c0_i32 = arith.constant 0 : i32
    %c0_i32_0 = arith.constant 0 : i32
    %c0_i32_1 = arith.constant 0 : i32
    return %c0_i32, %c0_i32_0 : i32, i32
  }
  func.func @transform_3(%arg0: i32) -> (i32, i32) {
    %c0_i32 = arith.constant 0 : i32
    %c0_i32_0 = arith.constant 0 : i32
    return %arg0, %c0_i32 : i32, i32
  }
}

module attributes {stable_mosaic.version = 14 : i64} {
  func.func @_mlp_body(%arg0: i32, %arg1: memref<1x128xf32, #tpu.memory_space<vmem>>, %arg2: memref<1024x128xf32, #tpu.memory_space<vmem>>, %arg3: memref<1024x128xf32, #tpu.memory_space<vmem>>, %arg4: memref<128x128xf32, #tpu.memory_space<vmem>>, %arg5: memref<1x128xf32, #tpu.memory_space<vmem>>, %arg6: memref<128x128xf32, #tpu.memory_space<vmem>>, %arg7: memref<1x128xf32, #tpu.memory_space<vmem>>, %arg8: memref<1024x128xf32, #tpu.memory_space<vmem>>) attributes {dimension_semantics = [#tpu.dimension_semantics<arbitrary>], iteration_bounds = array<i64: 10>, scalar_prefetch = 0 : i64, scratch_operands = 0 : i64, tpu.core_type = #tpu.core_type<tc>, window_params = [{pipeline_mode = #tpu.pipeline_mode<synchronous>, transform_indices = @transform_0, window_bounds = array<i64: 1, 128>}, {transform_indices = @transform_1, window_bounds = array<i64: 1024, 128>}, {transform_indices = @transform_2, window_bounds = array<i64: 1024, 128>}, {pipeline_mode = #tpu.pipeline_mode<synchronous>, transform_indices = @transform_3, window_bounds = array<i64: 128, 128>}, {pipeline_mode = #tpu.pipeline_mode<synchronous>, transform_indices = @transform_4, window_bounds = array<i64: 1, 128>}, {pipeline_mode = #tpu.pipeline_mode<synchronous>, transform_indices = @transform_5, window_bounds = array<i64: 128, 128>}, {pipeline_mode = #tpu.pipeline_mode<synchronous>, transform_indices = @transform_6, window_bounds = array<i64: 1, 128>}, {transform_indices = @transform_7, window_bounds = array<i64: 1024, 128>}]} {
    %get3A = arith.constant 0 : index
    %get3A_0 = arith.constant 0 : index
    %get3A_1 = vector.load %arg2[%get3A, %get3A_0] : memref<1024x128xf32, #tpu.memory_space<vmem>>, vector<1024x128xf32>
    %get3A_2 = arith.constant 0 : index
    %get3A_3 = arith.constant 0 : index
    %get3A_4 = vector.load %arg1[%get3A_2, %get3A_3] : memref<1x128xf32, #tpu.memory_space<vmem>>, vector<1x128xf32>
    %mul3A = vector.broadcast %get3A_4 : vector<1x128xf32> to vector<1024x128xf32>
    %mul3A_5 = arith.mulf %get3A_1, %mul3A : vector<1024x128xf32>
    %get3A_6 = arith.constant 0 : index
    %get3A_7 = arith.constant 0 : index
    %get3A_8 = vector.load %arg3[%get3A_6, %get3A_7] : memref<1024x128xf32, #tpu.memory_space<vmem>>, vector<1024x128xf32>
    %add3A = arith.addf %mul3A_5, %get3A_8 : vector<1024x128xf32>
    %get3A_9 = arith.constant 0 : index
    %get3A_10 = arith.constant 0 : index
    %get3A_11 = vector.load %arg4[%get3A_9, %get3A_10] : memref<128x128xf32, #tpu.memory_space<vmem>>, vector<128x128xf32>
    %dot_general3A = arith.constant dense<0.000000e+00> : vector<1024x128xf32>
    %dot_general3A_12 = tpu.matmul %add3A, %get3A_11, %dot_general3A {dimension_numbers = #tpu.dot_dimension_numbers<[1], [0], [0], [1], [0, 0, 1, 1], [], []>, transpose_lhs_hint = false} : vector<1024x128xf32>, vector<128x128xf32>, vector<1024x128xf32> -> vector<1024x128xf32>
    %get3A_13 = arith.constant 0 : index
    %get3A_14 = arith.constant 0 : index
    %get3A_15 = vector.load %arg5[%get3A_13, %get3A_14] : memref<1x128xf32, #tpu.memory_space<vmem>>, vector<1x128xf32>
    %add3A_16 = vector.broadcast %get3A_15 : vector<1x128xf32> to vector<1024x128xf32>
    %add3A_17 = arith.addf %dot_general3A_12, %add3A_16 : vector<1024x128xf32>
    %max3A = arith.constant 0.000000e+00 : f32
    %max3A_18 = vector.broadcast %max3A : f32 to vector<1024x128xf32>
    %max3A_19 = arith.maximumf %add3A_17, %max3A_18 : vector<1024x128xf32>
    %get3A_20 = arith.constant 0 : index
    %get3A_21 = arith.constant 0 : index
    %get3A_22 = vector.load %arg6[%get3A_20, %get3A_21] : memref<128x128xf32, #tpu.memory_space<vmem>>, vector<128x128xf32>
    %dot_general3A_23 = arith.constant dense<0.000000e+00> : vector<1024x128xf32>
    %dot_general3A_24 = tpu.matmul %max3A_19, %get3A_22, %dot_general3A_23 {dimension_numbers = #tpu.dot_dimension_numbers<[1], [0], [0], [1], [0, 0, 1, 1], [], []>, transpose_lhs_hint = false} : vector<1024x128xf32>, vector<128x128xf32>, vector<1024x128xf32> -> vector<1024x128xf32>
    %get3A_25 = arith.constant 0 : index
    %get3A_26 = arith.constant 0 : index
    %get3A_27 = vector.load %arg7[%get3A_25, %get3A_26] : memref<1x128xf32, #tpu.memory_space<vmem>>, vector<1x128xf32>
    %add3A_28 = vector.broadcast %get3A_27 : vector<1x128xf32> to vector<1024x128xf32>
    %add3A_29 = arith.addf %dot_general3A_24, %add3A_28 : vector<1024x128xf32>
    %max3A_30 = arith.constant 0.000000e+00 : f32
    %max3A_31 = vector.broadcast %max3A_30 : f32 to vector<1024x128xf32>
    %max3A_32 = arith.maximumf %add3A_29, %max3A_31 : vector<1024x128xf32>
    %mul3A_33 = arith.constant 1024 : i32
    %mul3A_34 = arith.muli %arg0, %mul3A_33 : i32
    %iota3A = tpu.iota {dimensions = array<i32: 0>} : vector<1024x1xi32>
    %add3A_35 = vector.broadcast %mul3A_34 : i32 to vector<1024x1xi32>
    %add3A_36 = arith.addi %add3A_35, %iota3A : vector<1024x1xi32>
    %lt3A = arith.constant 10000 : i32
    %lt3A_37 = vector.broadcast %lt3A : i32 to vector<1024x1xi32>
    %lt3A_38 = arith.cmpi slt, %add3A_36, %lt3A_37 : vector<1024x1xi32>
    %jit3A = arith.constant -1.000000e+30 : f32
    %broadcast_in_dim3A = vector.shape_cast %lt3A_38 : vector<1024x1xi1> to vector<1024x1xi1>
    %broadcast_in_dim3A_39 = vector.broadcast %broadcast_in_dim3A : vector<1024x1xi1> to vector<1024x128xi1>
    %broadcast_in_dim3A_40 = vector.broadcast %jit3A : f32 to vector<1024x128xf32>
    %select_n3A = arith.select %broadcast_in_dim3A_39, %max3A_32, %broadcast_in_dim3A_40 : vector<1024x128xi1>, vector<1024x128xf32>
    %swap3A = arith.constant 0 : index
    %swap3A_41 = arith.constant 0 : index
    %swap3A_42 = vector.load %arg8[%swap3A, %swap3A_41] : memref<1024x128xf32, #tpu.memory_space<vmem>>, vector<1024x128xf32>
    tpu.vector_store %arg8[%swap3A, %swap3A_41], %select_n3A {strides = array<i32>} : memref<1024x128xf32, #tpu.memory_space<vmem>>, vector<1024x128xf32>,
    return
  }
  func.func @transform_0(%arg0: i32) -> (i32, i32) {
    %c0_i32 = arith.constant 0 : i32
    %c0_i32_0 = arith.constant 0 : i32
    %c0_i32_1 = arith.constant 0 : i32
    return %c0_i32, %c0_i32_0 : i32, i32
  }
  func.func @transform_1(%arg0: i32) -> (i32, i32) {
    %c0_i32 = arith.constant 0 : i32
    %c0_i32_0 = arith.constant 0 : i32
    return %arg0, %c0_i32 : i32, i32
  }
  func.func @transform_2(%arg0: i32) -> (i32, i32) {
    %c0_i32 = arith.constant 0 : i32
    %c0_i32_0 = arith.constant 0 : i32
    return %arg0, %c0_i32 : i32, i32
  }
  func.func @transform_3(%arg0: i32) -> (i32, i32) {
    %c0_i32 = arith.constant 0 : i32
    %c0_i32_0 = arith.constant 0 : i32
    %c0_i32_1 = arith.constant 0 : i32
    return %c0_i32, %c0_i32_0 : i32, i32
  }
  func.func @transform_4(%arg0: i32) -> (i32, i32) {
    %c0_i32 = arith.constant 0 : i32
    %c0_i32_0 = arith.constant 0 : i32
    %c0_i32_1 = arith.constant 0 : i32
    return %c0_i32, %c0_i32_0 : i32, i32
  }
  func.func @transform_5(%arg0: i32) -> (i32, i32) {
    %c0_i32 = arith.constant 0 : i32
    %c0_i32_0 = arith.constant 0 : i32
    %c0_i32_1 = arith.constant 0 : i32
    return %c0_i32, %c0_i32_0 : i32, i32
  }
  func.func @transform_6(%arg0: i32) -> (i32, i32) {
    %c0_i32 = arith.constant 0 : i32
    %c0_i32_0 = arith.constant 0 : i32
    %c0_i32_1 = arith.constant 0 : i32
    return %c0_i32, %c0_i32_0 : i32, i32
  }
  func.func @transform_7(%arg0: i32) -> (i32, i32) {
    %c0_i32 = arith.constant 0 : i32
    %c0_i32_0 = arith.constant 0 : i32
    return %arg0, %c0_i32 : i32, i32
  }
}

module attributes {stable_mosaic.version = 14 : i64} {
  func.func @_pool_body(%arg0: i32, %arg1: memref<1x1x1024xi32, #tpu.memory_space<vmem>>, %arg2: memref<1024x128xf32, #tpu.memory_space<vmem>>, %arg3: memref<128x128xf32, #tpu.memory_space<vmem>>, %arg4: memref<1x128xf32, #tpu.memory_space<vmem>>, %arg5: memref<64x128xf32, #tpu.memory_space<vmem>>) attributes {dimension_semantics = [#tpu.dimension_semantics<arbitrary>], iteration_bounds = array<i64: 10>, scalar_prefetch = 0 : i64, scratch_operands = 0 : i64, tpu.core_type = #tpu.core_type<tc>, window_params = [{transform_indices = @transform_0, window_bounds = array<i64: 1, 1, 1024>}, {transform_indices = @transform_1, window_bounds = array<i64: 1024, 128>}, {pipeline_mode = #tpu.pipeline_mode<synchronous>, transform_indices = @transform_2, window_bounds = array<i64: 128, 128>}, {pipeline_mode = #tpu.pipeline_mode<synchronous>, transform_indices = @transform_3, window_bounds = array<i64: 1, 128>}, {pipeline_mode = #tpu.pipeline_mode<synchronous>, transform_indices = @transform_4, window_bounds = array<i64: 64, 128>}]} {
    %get3A = arith.constant 0 : index
    %get3A_0 = arith.constant 0 : index
    %get3A_1 = arith.constant 0 : index
    %get3A_2 = vector.load %arg1[%get3A, %get3A_0, %get3A_1] : memref<1x1x1024xi32, #tpu.memory_space<vmem>>, vector<1x1x1024xi32>
    %get3A_3 = vector.shape_cast %get3A_2 : vector<1x1x1024xi32> to vector<1x1024xi32>
    %iota3A = tpu.iota {dimensions = array<i32: 0>} : vector<64x1024xi32>
    %eq3A = vector.broadcast %get3A_3 : vector<1x1024xi32> to vector<64x1024xi32>
    %eq3A_4 = arith.cmpi eq, %iota3A, %eq3A : vector<64x1024xi32>
    %convert_element_type3A = arith.extui %eq3A_4 : vector<64x1024xi1> to vector<64x1024xi32>
    %convert_element_type3A_5 = arith.sitofp %convert_element_type3A : vector<64x1024xi32> to vector<64x1024xf32>
    %get3A_6 = arith.constant 0 : index
    %get3A_7 = arith.constant 0 : index
    %get3A_8 = vector.load %arg2[%get3A_6, %get3A_7] : memref<1024x128xf32, #tpu.memory_space<vmem>>, vector<1024x128xf32>
    %dot_general3A = arith.constant dense<0.000000e+00> : vector<64x128xf32>
    %dot_general3A_9 = tpu.matmul %convert_element_type3A_5, %get3A_8, %dot_general3A {dimension_numbers = #tpu.dot_dimension_numbers<[1], [0], [0], [1], [0, 0, 1, 1], [], []>, transpose_lhs_hint = false} : vector<64x1024xf32>, vector<1024x128xf32>, vector<64x128xf32> -> vector<64x128xf32>
    %eq3A_10 = arith.constant 0 : i32
    %eq3A_11 = arith.cmpi eq, %arg0, %eq3A_10 : i32
    %convert_element_type3A_12 = arith.extui %eq3A_11 : i1 to i32
    %cond3A = arith.constant 0 : i32
    %cond3A_13 = arith.cmpi ne, %convert_element_type3A_12, %cond3A : i32
    scf.if %cond3A_13 {
      %swap3A = arith.constant 0 : index
      %swap3A_23 = arith.constant 0 : index
      %swap3A_24 = vector.load %arg5[%swap3A, %swap3A_23] : memref<64x128xf32, #tpu.memory_space<vmem>>, vector<64x128xf32>
      tpu.vector_store %arg5[%swap3A, %swap3A_23], %dot_general3A_9 {strides = array<i32>} : memref<64x128xf32, #tpu.memory_space<vmem>>, vector<64x128xf32>,
    } else {
    }
    %gt3A = arith.constant 0 : i32
    %gt3A_14 = arith.cmpi sgt, %arg0, %gt3A : i32
    %convert_element_type3A_15 = arith.extui %gt3A_14 : i1 to i32
    %cond3A_16 = arith.constant 0 : i32
    %cond3A_17 = arith.cmpi ne, %convert_element_type3A_15, %cond3A_16 : i32
    scf.if %cond3A_17 {
      %get3A_23 = arith.constant 0 : index
      %get3A_24 = arith.constant 0 : index
      %get3A_25 = vector.load %arg5[%get3A_23, %get3A_24] : memref<64x128xf32, #tpu.memory_space<vmem>>, vector<64x128xf32>
      %add3A = arith.addf %get3A_25, %dot_general3A_9 : vector<64x128xf32>
      %swap3A = arith.constant 0 : index
      %swap3A_26 = arith.constant 0 : index
      %swap3A_27 = vector.load %arg5[%swap3A, %swap3A_26] : memref<64x128xf32, #tpu.memory_space<vmem>>, vector<64x128xf32>
      tpu.vector_store %arg5[%swap3A, %swap3A_26], %add3A {strides = array<i32>} : memref<64x128xf32, #tpu.memory_space<vmem>>, vector<64x128xf32>,
    } else {
    }
    %eq3A_18 = arith.constant 9 : i32
    %eq3A_19 = arith.cmpi eq, %arg0, %eq3A_18 : i32
    %convert_element_type3A_20 = arith.extui %eq3A_19 : i1 to i32
    %cond3A_21 = arith.constant 0 : i32
    %cond3A_22 = arith.cmpi ne, %convert_element_type3A_20, %cond3A_21 : i32
    scf.if %cond3A_22 {
      %get3A_23 = arith.constant 0 : index
      %get3A_24 = arith.constant 0 : index
      %get3A_25 = vector.load %arg5[%get3A_23, %get3A_24] : memref<64x128xf32, #tpu.memory_space<vmem>>, vector<64x128xf32>
      %get3A_26 = arith.constant 0 : index
      %get3A_27 = arith.constant 0 : index
      %get3A_28 = vector.load %arg3[%get3A_26, %get3A_27] : memref<128x128xf32, #tpu.memory_space<vmem>>, vector<128x128xf32>
      %dot_general3A_29 = arith.constant dense<0.000000e+00> : vector<64x128xf32>
      %dot_general3A_30 = tpu.matmul %get3A_25, %get3A_28, %dot_general3A_29 {dimension_numbers = #tpu.dot_dimension_numbers<[1], [0], [0], [1], [0, 0, 1, 1], [], []>, transpose_lhs_hint = false} : vector<64x128xf32>, vector<128x128xf32>, vector<64x128xf32> -> vector<64x128xf32>
      %get3A_31 = arith.constant 0 : index
      %get3A_32 = arith.constant 0 : index
      %get3A_33 = vector.load %arg4[%get3A_31, %get3A_32] : memref<1x128xf32, #tpu.memory_space<vmem>>, vector<1x128xf32>
      %add3A = vector.broadcast %get3A_33 : vector<1x128xf32> to vector<64x128xf32>
      %add3A_34 = arith.addf %dot_general3A_30, %add3A : vector<64x128xf32>
      %swap3A = arith.constant 0 : index
      %swap3A_35 = arith.constant 0 : index
      %swap3A_36 = vector.load %arg5[%swap3A, %swap3A_35] : memref<64x128xf32, #tpu.memory_space<vmem>>, vector<64x128xf32>
      tpu.vector_store %arg5[%swap3A, %swap3A_35], %add3A_34 {strides = array<i32>} : memref<64x128xf32, #tpu.memory_space<vmem>>, vector<64x128xf32>,
    } else {
    }
    return
  }
  func.func @transform_0(%arg0: i32) -> (i32, i32, i32) {
    %c0_i32 = arith.constant 0 : i32
    %c0_i32_0 = arith.constant 0 : i32
    %c0_i32_1 = arith.constant 0 : i32
    return %arg0, %c0_i32, %c0_i32_0 : i32, i32, i32
  }
  func.func @transform_1(%arg0: i32) -> (i32, i32) {
    %c0_i32 = arith.constant 0 : i32
    %c0_i32_0 = arith.constant 0 : i32
    return %arg0, %c0_i32 : i32, i32
  }
  func.func @transform_2(%arg0: i32) -> (i32, i32) {
    %c0_i32 = arith.constant 0 : i32
    %c0_i32_0 = arith.constant 0 : i32
    %c0_i32_1 = arith.constant 0 : i32
    return %c0_i32, %c0_i32_0 : i32, i32
  }
  func.func @transform_3(%arg0: i32) -> (i32, i32) {
    %c0_i32 = arith.constant 0 : i32
    %c0_i32_0 = arith.constant 0 : i32
    %c0_i32_1 = arith.constant 0 : i32
    return %c0_i32, %c0_i32_0 : i32, i32
  }
  func.func @transform_4(%arg0: i32) -> (i32, i32) {
    %c0_i32 = arith.constant 0 : i32
    %c0_i32_0 = arith.constant 0 : i32
    %c0_i32_1 = arith.constant 0 : i32
    return %c0_i32, %c0_i32_0 : i32, i32
  }
}

</mosaic_0001>

<sc_bundles>
// kernel: kernel.13.cloned.1.call-start
scs
__scs_entry_jumppad:
0x0: {  	(pc) =	sbr.rel $0x88, $3  }
0x1: {  	(tag) =	ssettag $0x0;
	lr =	simm.s32 $0x1  }
0x2: {  	[smem:$0x3F92] =	sst lr;
	_ =	strace $0xD0000000  }
0x3: {  	_ = 	snop  }
0x4: {  	_ = 	snop  }
0x5: {  	_ = 	snop  }
0x6: {  	_ = 	snop  }
0x7: {  	_ = 	snop  }
__scs_overlays_trampoline_lowered:
0x8: {  	[smem:$0x3FA1] =	sst s0  }
0x9: {  	[smem:$0x3FA2] =	sst s1  }
0xa: {  	[smem:$0x3FA3] =	sst s2  }
0xb: {  	[smem:$0x3FA4] =	sst s3  }
0xc: {  	[smem:$0x3FA5] =	sst s4  }
0xd: {  	[smem:$0x3FA6] =	sst s5  }
0xe: {  	[smem:$0x3FA7] =	sst s6  }
0xf: {  	[smem:$0x3FA8] =	sst s7  }
0x10: {  	[smem:$0x3FA9] =	sst s8  }
0x11: {  	[smem:$0x3FAA] =	sst s9;
	s0 =	simm.s32 @!p0 $0x0  }
0x12: {  	s1 =	sld [smem:$0x3F90];
	s0 =	simm.s32 @p0 $0x1  }
0x13: {  	[smem:$0x3FAB] =	sst s0;
	s0 =	simm.s32 @!p1 $0x0  }
0x14: {  	s2 =	sld [smem:$0x3F8F];
	s0 =	simm.s32 @p1 $0x1  }
0x15: {  	[smem:$0x3FAC] =	sst s0;
	s0 =	simm.s32 @!p2 $0x0  }
0x16: {  	s3 =	sld [smem:$0x3FDB];
	s0 =	simm.s32 @p2 $0x1  }
0x17: {  	s4 =	simm.s32 $0x1BF5;
	[smem:$0x3FAE] =	sst s0  }
0x18: {  	s0 =	sld [smem:$0x3F91];
	_ =	swait.ge [sflag:s4], $0x0  }
0x19: {  	s7 =	sld [smem:$0x3F92]  }
0x1a: {  	s8 =	sadd.s32 $0xFFFFE003, lr  }
0x1b: {  	s9 =	sadd.s32 $0xFFFFFEF7, lr;
	s5 =	simm.s32 $0xFFFFFFFF;
	p2 =	slt.u32 s8, $0xFFFFF086  }
0x1c: {  	p1 =	slt.u32 s9, $0xF7A;
	s5 =	simm.s32 @!p2 $0x0  }
0x1d: {  	s5 =	simm.s32 @p1 $0x1;
	p0 =	seq.s32 s7, s2  }
0x1e: {  	s7 =	smul.u32 @!p0 $0xF7A, s2;
	p2 =	seq.s32 @!p0 s5, $0x0  }
0x1f: {  	s9 =	smul.u32 $0xF7A, s1;
	s8 =	simm.s32 @!p0 $0x1BF5;
	p2 =	por !p2, p0  }
0x20: {  	[sflag:s8] =	ssyncset.s32 @!p0 $0xFFFFF086;
	s6 =	sadd.s32 @!p0 s3, s7;
	s7 =	simm.s32 @!p0 $0x108  }
0x21: {  	s3 =	sadd.s32 s3, s9;
	s6 =	sadd.s32 @!p0 $0x88, s6;
	s7 =	simm.s32 @p2 $0x1082  }
0x22: {  	[simem:s7], [sflag:s8] =	dma.local @!p0 [hbm:s6], $0xF7A  }
0x23: {  	s9 =	sor.u32 $0xD0000000, s2;
	s6 =	simm.s32 $0x108;
	_ =	swait.ge @!p0 [sflag:s8], $0x0  }
0x24: {  	s3 =	sadd.s32 $0x88, s3;
	s6 =	simm.s32 @!p1 $0x1082;
	[sflag:s4] =	ssyncset.s32 $0xFFFFF086  }
0x25: {  	[simem:s6], [sflag:s4] =	dma.local [hbm:s3], $0xF7A  }
0x26: {  	[smem:$0x3F92] =	sst s1;
	(tag) =	ssettag s2;
	_ =	strace s9  }
0x27: {  	s1 =	sld [smem:$0x3FA2]  }
0x28: {  	s2 =	sld [smem:$0x3FA3]  }
0x29: {  	s4 =	sld [smem:$0x3FA5]  }
0x2a: {  	p0 =	seq.s32 s5, $0x0;
	s5 =	sld [smem:$0x3FA6]  }
0x2b: {  	s6 =	sld [smem:$0x3FA7]  }
0x2c: {  	s7 =	sld [smem:$0x3FA8]  }
0x2d: {  	s3 =	simm.s32 $0x108;
	s8 =	sld [smem:$0x3FA9]  }
0x2e: {  	s3 =	simm.s32 @!p0 $0x1082;
	s9 =	sld [smem:$0x3FAA]  }
0x2f: {  	lr =	sadd.s32 s0, s3;
	s0 =	sld [smem:$0x3FA1]  }
0x30: {  	s3 =	sld [smem:$0x3FA4]  }
0x31: {  	[smem:$0x3FAD] =	sst s10  }
0x32: {  	s10 =	sld [smem:$0x3FAB];
	_ =	sdelay $0x3  }
0x33: {  	p0 =	seq.s32 s10, $0x1;
	s10 =	sld [smem:$0x3FAD];
	_ =	sdelay $0x3  }
0x34: {  	[smem:$0x3FAD] =	sst s10  }
0x35: {  	s10 =	sld [smem:$0x3FAC];
	_ =	sdelay $0x3  }
0x36: {  	p1 =	seq.s32 s10, $0x1;
	s10 =	sld [smem:$0x3FAD];
	_ =	sdelay $0x3  }
0x37: {  	[smem:$0x3FAD] =	sst s10  }
0x38: {  	s10 =	sld [smem:$0x3FAE]  }
0x39: {  	_ = 	snop;
	(pc) =	sbr.ind lr, $3  }
0x3a: {  	_ = 	snop  }
0x3b: {  	_ = 	snop  }
0x3c: {  	p2 =	seq.s32 s10, $0x1;
	s10 =	sld [smem:$0x3FAD]  }
0x3d: {  	_ =	shalt  }
0x3e: {  	_ =	shalt  }
0x3f: {  	_ =	shalt  }
0x40: {  	_ =	shalt  }
0x41: {  	_ =	shalt  }
0x42: {  	_ =	shalt  }
0x43: {  	_ =	shalt  }
0x44: {  	_ =	shalt  }
0x45: {  	_ =	shalt  }
0x46: {  	_ =	shalt  }
0x47: {  	_ =	shalt  }
0x48: {  	_ =	shalt  }
0x49: {  	_ =	shalt  }
0x4a: {  	_ =	shalt  }
0x4b: {  	_ =	shalt  }
0x4c: {  	_ =	shalt  }
0x4d: {  	_ =	shalt  }
0x4e: {  	_ =	shalt  }
0x4f: {  	_ =	shalt  }
0x50: {  	_ =	shalt  }
0x51: {  	_ =	shalt  }
0x52: {  	_ =	shalt  }
0x53: {  	_ =	shalt  }
0x54: {  	_ =	shalt  }
0x55: {  	_ =	shalt  }
0x56: {  	_ =	shalt  }
0x57: {  	_ =	shalt  }
0x58: {  	_ =	shalt  }
0x59: {  	_ =	shalt  }
0x5a: {  	_ =	shalt  }
0x5b: {  	_ =	shalt  }
0x5c: {  	_ =	shalt  }
0x5d: {  	_ =	shalt  }
0x5e: {  	_ =	shalt  }
0x5f: {  	_ =	shalt  }
0x60: {  	_ =	shalt  }
0x61: {  	_ =	shalt  }
0x62: {  	_ =	shalt  }
0x63: {  	_ =	shalt  }
0x64: {  	_ =	shalt  }
0x65: {  	_ =	shalt  }
0x66: {  	_ =	shalt  }
0x67: {  	_ =	shalt  }
0x68: {  	_ =	shalt  }
0x69: {  	_ =	shalt  }
0x6a: {  	_ =	shalt  }
0x6b: {  	_ =	shalt  }
0x6c: {  	_ =	shalt  }
0x6d: {  	_ =	shalt  }
0x6e: {  	_ =	shalt  }
0x6f: {  	_ =	shalt  }
0x70: {  	_ =	shalt  }
0x71: {  	_ =	shalt  }
0x72: {  	_ =	shalt  }
0x73: {  	_ =	shalt  }
0x74: {  	_ =	shalt  }
0x75: {  	_ =	shalt  }
0x76: {  	_ =	shalt  }
0x77: {  	_ =	shalt  }
0x78: {  	_ =	shalt  }
0x79: {  	_ =	shalt  }
0x7a: {  	_ =	shalt  }
0x7b: {  	_ =	shalt  }
0x7c: {  	_ =	shalt  }
0x7d: {  	_ =	shalt  }
0x7e: {  	_ =	shalt  }
0x7f: {  	_ =	shalt  }
0x80: {  	_ =	shalt  }
0x81: {  	_ =	shalt  }
0x82: {  	_ =	shalt  }
0x83: {  	_ =	shalt  }
0x84: {  	_ =	shalt  }
0x85: {  	_ =	shalt  }
0x86: {  	_ =	shalt  }
0x87: {  	_ =	shalt  }
.Lfunc_end0:
.L_simem_size_0:
called_computation_lowered:
.L_overlay_start_0:
0x88: {  	s2 =	sld [smem:$0x3FD9]  }
0x89: {  	s3 =	sld [smem:$0x3FFE];
	_ =	sdelay $0x1  }
0x8a: {  	s1 =	srdreg.scid  }
0x8b: {  	s0 =	sand.u32 $0x1, s1  }
0x8c: {  	s16 =	sshll.u32 s0, $0xA;
	s2 =	sadd.s32 s3, s2  }
0x8d: {  	s2 =	sadd.s32 s2, s16  }
0x8e: {  	[smem:$0x3FB9] =	sst s2  }
0x8f: {  	_ = 	snop  }
0x90: {  	(tm) =	ssettm $0x1  }
0x91: {  	s17 =	sld [smem:$0x3FFB];
	_ =	sdelay $0x3  }
0x92: {  	_ =	strace s17  }
0x93: {  	s2 =	sld [smem:$0x3FFC];
	_ =	sdelay $0x3  }
0x94: {  	_ =	strace s2  }
0x95: {  	s2 =	sld [smem:$0x3FFD];
	_ =	sdelay $0x3  }
0x96: {  	_ =	strace s2  }
0x97: {  	_ =	strace $0x8FFFFFFF  }
0x98: {  	s18 =	sld [smem:$0x3FDB];
	_ =	sdelay $0x1  }
0x99: {  	s19 =	simm.s32 $_scs_section_size  }
0x9a: {  	s4 =	simm.s32 $_size__tile_overlayer_lowered;
	s5 =	simm.s32 $_tile_overlayer_lowered  }
0x9b: {  	s22 =	simm.s32 $0x1BFF;
	s21 =	sshll.u32 s5, $0x1;
	s2 =	sadd.s32 s19, s18  }
0x9c: {  	s6 =	simm.s32 $0x0;
	s20 =	sshll.u32 s4, $0x1;
	s4 =	sadd.s32 s21, s2  }
0x9d: {  	[timem:s6], [sflag:s22] =	dma.local [hbm:s4], s20  }
0x9e: {  	_ =	swait.ge [sflag:s22], s20  }
0x9f: {  	s3 =	ssub.s32 $0x0, s20;
	[sflag:s22] =	ssyncset.done $0x0  }
0xa0: {  	[sflag:s22] =	ssyncadd.s32 s3;
	_ =	sdelay $0x1  }
0xa1: {  	s23 =	simm.s32 $0x1B8B  }
0xa2: {  	_ =	swait.ge [sflag:s23], $0x1  }
0xa3: {  	[sflag:s23] =	ssyncset.done $0x0  }
0xa4: {  	s25 =	simm.s32 $0x1B8E;
	s24 =	sld [smem:$0x3FFE];
	[sflag:s23] =	ssyncadd.s32 $0xFFFFFFFF  }
0xa5: {  	s26 =	simm.s32 $execute0_lowered;
	[smem:$0x3FD2] =	sst s25  }
0xa6: {  	s4 =	sshll.u32 s26, $0x1;
	_ =	strace $0x80000046;
	[dreg:$0x1] =	wrdreg $0xFFFFFFFF  }
0xa7: {  	s28 =	simm.s32 $_size_execute0_lowered;
	s2 =	sadd.s32 s2, s4;
	[dreg:$0x0] =	wrdreg $0x0  }
0xa8: {  	s4 =	sshll.u32 s28, $0x1;
	[dreg:$0x2] =	wrdreg s2  }
0xa9: {  	[dreg:$0x3] =	wrdreg s4  }
0xaa: {  	[dreg:$0x4] =	wrdreg $0xC0  }
0xab: {  	_ =	task [dreg:s6], $0x5FFFF  }
0xac: {  	[dreg:$0x1] =	wrdreg $0xFFFFFFFF  }
0xad: {  	[dreg:$0x0] =	wrdreg $0x60  }
0xae: {  	[dreg:$0x2] =	wrdreg s24  }
0xaf: {  	[dreg:$0x3] =	wrdreg $0x150000  }
0xb0: {  	[dreg:$0x4] =	wrdreg $0x9  }
0xb1: {  	_ =	task.clear_ibuf [dreg:s6], $0x5FFFF;
	_ =	strace $0x90000046  }
0xb2: {  	s29 =	simm.s32 $0x9;
	_ =	strace $0x80000048  }
0xb3: {  	_ =	swait.ge [sflag:s29], $0x1  }
0xb4: {  	[sflag:s29] =	ssyncadd.s32 $0xFFFFFFFF  }
0xb5: {  	_ =	strace $0x90000048  }
0xb6: {  	_ =	sfence  }
0xb7: {  	s30 =	sld [smem:$0x0];
	_ =	sdelay $0x2  }
0xb8: {  	s31 =	sshll.u32 s1, $0xD;
	s1 =	sshrl.u32 s1, $0x2  }
0xb9: {  	s3 =	sand.u32 $0x4000, s31;
	s1 =	sadd.s32 s1, s30  }
0xba: {  	s0 =	sor.u32 s3, s0;
	s1 =	sshll.u32 s1, $0x11  }
0xbb: {  	s0 =	sor.u32 s1, s0  }
0xbc: {  	s0 =	sadd.s32 $0x8F2B, s0  }
0xbd: {  	[sflag:s0] =	ssyncadd.remote.s32 $0x1  }
0xbe: {  	_ =	sfence.sel $0xFFFF  }
0xbf: {  	[dreg:$0x0] =	wrdreg $0xFFFFFFFF;
	(pc) =	sbr.abs _section_cstart, $3  }
0xc0: {  	[dreg:$0x1] =	wrdreg $0xFFFFFFFF  }
0xc1: {  	_ =	task.clear_ibuf [dreg:s6], $0x2FFFF;
	_ =	strace $0x9FFFFFFF  }
0xc2: {  	(tm) =	ssettm $0x7FFFFFFF  }
0xc3: {  	_ =	shalt  }
tec
execute0_lowered:
.L_overlay_start_1:
0x0: {  	(tag) =	ssettag $0x1  }
0x1: {  	s0 =	rddreg [dreg:$0x0]  }
0x2: {  	s1 =	rddreg [dreg:$0x1]  }
0x3: {  	s3 =	simm.s32 $0x0;
	s2 =	srdreg.scid;
	s16 =	stileid.u32  }
0x4: {  	s19 =	simm.s32 $0xD000;
	s20 =	simm.s32 $0x3;
	s22 =	simm.s32 $0x80  }
0x5: {  	s23 =	simm.s32 $0x5000;
	s24 =	simm.s32 $0x1;
	s25 =	simm.s32 $0x11000  }
0x6: {  	s28 =	simm.s32 $0x2;
	s29 =	simm.s32 $0x0;
	s8 =	smul.u32 $0x1400, s16  }
0x7: {  	[smem:$0x7FF] =	sst s3;
	s2 =	sand.u32 $0x1, s2;
	s10 =	smul.u32 $0x28000, s16  }
0x8: {  	s4 =	sadd.s32 $0x6600, s0;
	s5 =	sadd.s32 $0x2E600, s0;
	s12 =	smul.u32 $0x5000, s16  }
0x9: {  	s6 =	sadd.s32 $0x42600, s0;
	s7 =	sadd.s32 $0x9E8800, s0;
	s15 =	smul.u32 $0x50000, s16  }
0xa: {  	_ =	strace $0x80000047;
	s9 =	smul.u32 $0x14000, s2;
	s11 =	ssub.s32 $0x2, s2  }
0xb: {  	s26 =	sshrl.u32 s11, $0x1;
	s10 =	sshrl.u32 s10, $0x2;
	s15 =	sadd.s32 s7, s15  }
0xc: {  	s9 =	sadd.s32 s8, s9;
	s8 =	smul.u32 $0x50000, s2;
	s2 =	ssub.s32 s11, s26  }
0xd: {  	s26 =	simm.s32 $0x9000;
	s0 =	sadd.s32 s9, s0;
	s9 =	sadd.s32 s10, s1  }
0xe: {  	s18 =	smax.u32 s2, $0x1;
	s30 =	sadd.s32 s12, s8;
	s12 =	smul.u32 $0xA0, s16  }
0xf: {  	s10 =	sadd.s32 $0x4000, s9;
	s31 =	sadd.s32 $0x8000, s9;
	s16 =	smul.u32 $0x280000, s16  }
0x10: {  	s17 =	sadd.s32 $0x56600, s0;
	[dreg:$0x3] =	wrdreg s10;
	s10 =	sshrl.u32 s30, $0x3  }
0x11: {  	v0 =	vimm.f32 $0.0e+00;
	[dreg:$0x4] =	wrdreg s31;
	s13 =	sadd.s32 s5, s10;
	s14 =	sadd.s32 s6, s10  }
.LBB2_1:
0x12: {  	s0 =	simm.s32 $0x0;
	s2 =	simm.s32 $0x200  }
.LBB2_2:
0x13: {  	p0 =	sne.s32 s2, $0xFE00;
	[tilespmem:s0+$0xD070] =	vst v0  }
0x14: {  	[tilespmem:s0+$0xD000] =	vst v0  }
0x15: {  	[tilespmem:s0+$0xD010] =	vst v0  }
.Ltmp0:
0x16: {  	[tilespmem:s0+$0xD020] =	vst v0;
	(pc) =	sbr.rel @p0 .LBB2_2-.Ltmp0, $4  }
0x17: {  	[tilespmem:s0+$0xD030] =	vst v0  }
0x18: {  	[tilespmem:s0+$0xD040] =	vst v0  }
0x19: {  	[tilespmem:s0+$0xD050] =	vst v0  }
0x1a: {  	[tilespmem:s0+$0xD060] =	vst v0;
	s0 =	sshra.s32 s2, $0x2;
	s2 =	sadd.s32 $0x200, s2  }
0x1b: {  	[tilespmem:s0+$0xD070] =	vst v0  }
0x1c: {  	[tilespmem:s0+$0xD000] =	vst v0  }
0x1d: {  	[tilespmem:s0+$0xD010] =	vst v0  }
0x1e: {  	[tilespmem:s0+$0xD020] =	vst v0  }
0x1f: {  	[tilespmem:s0+$0xD030] =	vst v0  }
0x20: {  	[tilespmem:s0+$0xD040] =	vst v0  }
0x21: {  	[tilespmem:s0+$0xD050] =	vst v0  }
0x22: {  	[tilespmem:s0+$0xD060] =	vst v0  }
0x23: {  	[spmem:s9] =	stream.linear.scatter [tilespmem:s19], [sflag:$0x3], $0x4000, $0x38;
	[tilespmem:$0x1F000] =	vst v63  }
0x24: {  	_ =	swait.ge [sflag:s20], $0x4000  }
0x25: {  	[sflag:s20] =	ssyncset.done $0x0  }
0x26: {  	s11 =	rddreg [dreg:$0x3];
	[sflag:s20] =	ssyncadd.s32 $0xFFFFC000  }
0x27: {  	[spmem:s11] =	stream.linear.scatter [tilespmem:s19], [sflag:$0x3], $0x4000, $0x38;
	[tilespmem:$0x1F000] =	vst v63  }
0x28: {  	_ =	swait.ge [sflag:s20], $0x4000  }
0x29: {  	[sflag:s20] =	ssyncset.done $0x0  }
0x2a: {  	s21 =	rddreg [dreg:$0x4];
	[sflag:s20] =	ssyncadd.s32 $0xFFFFC000  }
0x2b: {  	[spmem:s21] =	stream.linear.scatter [tilespmem:s19], [sflag:$0x3], $0x2000, $0x38;
	[tilespmem:$0x1F000] =	vst v63  }
0x2c: {  	_ =	swait.ge [sflag:s20], $0x2000  }
0x2d: {  	[sflag:s20] =	ssyncset.done $0x0  }
0x2e: {  	[sflag:s20] =	ssyncadd.s32 $0xFFFFE000  }
0x2f: {  	[bflag:$0x0] =	sbarrier.arrive $0xFFFF  }
0x30: {  	[tilespmem:s29], [sflag:$0x3] =	stream.linear.gather [hbm4b:s13+s29], $0x2800, $0x38;
	[tilespmem:$0x1F000] =	vst v63  }
0x31: {  	_ =	swait.ge [sflag:s20], $0x2800  }
0x32: {  	[sflag:s20] =	ssyncset.done $0x0  }
0x33: {  	s31 =	simm.s32 $0x2800;
	[sflag:s20] =	ssyncadd.s32 $0xFFFFD800  }
0x34: {  	[tilespmem:s31], [sflag:$0x3] =	stream.linear.gather [hbm4b:s14+s29], $0x2800, $0x38;
	[tilespmem:$0x1F000] =	vst v63  }
0x35: {  	_ =	swait.ge [sflag:s20], $0x2800  }
0x36: {  	[sflag:s20] =	ssyncset.done $0x0  }
0x37: {  	[sflag:s20] =	ssyncadd.s32 $0xFFFFD800  }
0x38: {  	[tilespmem:s19], [sflag:$0x1] =	stream.linear.gather [hbm4b:s15+s29], $0x4000, $0x38;
	[tilespmem:$0x1F000] =	vst v63  }
0x39: {  	s30 =	simm.s32 $0x0  }
0x3a: {  	[tilespmem:s23], [sflag:$0x1] =	stream.indirect.gather [hbm4b:s4+s22], $0x80, s29, s22, $0xb8;
	[tilespmem:$0x1F000] =	vst v63  }
.LBB2_4:
0x3b: {  	_ =	swait.ge [sflag:s24], $0x4000  }
0x3c: {  	s2 =	sshllo.u32 s30, $0x1;
	s0 =	sshll.u32 s30, $0x1;
	[sflag:s24] =	ssyncset.done $0x0  }
0x3d: {  	p0 =	slt.u32 s30, $0x28;
	s10 =	sshll.u32 s2, $0xE;
	[sflag:s24] =	ssyncadd.s32 $0xFFFFC000  }
0x3e: {  	s21 =	sadd.s32 $0xFFFFFFB1, s0;
	s10 =	sadd.s32 s16, s10;
	_ =	swait.ge [sflag:s24], $0x4000  }
0x3f: {  	s21 =	smov.u32 @p0 s2;
	s10 =	sshrl.u32 s10, $0x3;
	[sflag:s24] =	ssyncset.done $0x0  }
0x40: {  	s21 =	sshll.u32 s21, $0x9;
	s11 =	sadd.s32 s7, s10;
	[sflag:s24] =	ssyncadd.s32 $0xFFFFC000  }
0x41: {  	[tilespmem:s25], [sflag:$0x2] =	stream.linear.gather [hbm4b:s11+s29], $0x4000, $0x38;
	[tilespmem:$0x1F000] =	vst v63  }
0x42: {  	s31 =	sshrl.u32 s21, $0x2;
	s21 =	simm.s32 $0x0  }
0x43: {  	[tilespmem:s26], [sflag:$0x2] =	stream.indirect.gather [hbm4b:s4+s22], $0x80, s31, s22, $0xb8;
	[tilespmem:$0x1F000] =	vst v63  }
0x44: {  	v7 =	vld [tilespmem:s21+$0xD000]  }
0x45: {  	v8 =	vld [tilespmem:s21+$0xD010]  }
0x46: {  	v9 =	vld [tilespmem:s21+$0xD020]  }
0x47: {  	v10 =	vld [tilespmem:s21+$0xD030]  }
0x48: {  	v11 =	vld [tilespmem:s21+$0xD040]  }
0x49: {  	v12 =	vld [tilespmem:s21+$0xD050]  }
0x4a: {  	v13 =	vld [tilespmem:s21+$0xD060]  }
0x4b: {  	v14 =	vld [tilespmem:s21+$0xD070]  }
0x4c: {  	v15 =	vld [tilespmem:s21+$0xD080]  }
0x4d: {  	v16 =	vld [tilespmem:s21+$0xD090]  }
0x4e: {  	v6 =	vld [tilespmem:s21+$0xD0A0]  }
0x4f: {  	v5 =	vld [tilespmem:s21+$0xD0B0]  }
0x50: {  	v4 =	vld [tilespmem:s21+$0xD0C0]  }
0x51: {  	v17 =	vld [tilespmem:s21+$0x5000]  }
0x52: {  	v18 =	vld [tilespmem:s21+$0x5010]  }
0x53: {  	v3 =	vld [tilespmem:s21+$0xD0D0]  }
0x54: {  	v19 =	vld [tilespmem:s21+$0x5020]  }
0x55: {  	v20 =	vld [tilespmem:s21+$0x5030]  }
0x56: {  	v2 =	vld [tilespmem:s21+$0xD0E0];
	v7 =	vadd.f32 v7, v17  }
0x57: {  	v21 =	vld [tilespmem:s21+$0x5040];
	v8 =	vadd.f32 v8, v18  }
0x58: {  	v60 =	vld [tilespmem:s21+$0x5050];
	v7 =	vmax.f32 v7, $0.0e+00  }
0x59: {  	v1 =	vld [tilespmem:s21+$0xD0F0];
	v8 =	vmax.f32 v8, $0.0e+00;
	[tilespmem:s21+$0x5000] =	vst v7;
	v7 =	vadd.f32 v9, v19  }
0x5a: {  	v22 =	vld [tilespmem:s21+$0x5060];
	[tilespmem:s21+$0x5010] =	vst v8;
	v8 =	vadd.f32 v10, v20  }
0x5b: {  	v61 =	vld [tilespmem:s21+$0x5070];
	v7 =	vmax.f32 v7, $0.0e+00  }
0x5c: {  	v62 =	vld [tilespmem:s21+$0x5080];
	v9 =	vmax.f32 v8, $0.0e+00;
	[tilespmem:s21+$0x5020] =	vst v7;
	v7 =	vadd.f32 v11, v21  }
0x5d: {  	v63 =	vld [tilespmem:s21+$0x5090];
	[tilespmem:s21+$0x5030] =	vst v9;
	v9 =	vadd.f32 v12, v60  }
0x5e: {  	v8 =	vld [tilespmem:s21+$0x50A0];
	v10 =	vmax.f32 v7, $0.0e+00  }
0x5f: {  	v7 =	vld [tilespmem:s21+$0x50B0];
	v11 =	vmax.f32 v9, $0.0e+00;
	[tilespmem:s21+$0x5040] =	vst v10;
	v10 =	vadd.f32 v13, v22  }
0x60: {  	v9 =	vld [tilespmem:s21+$0x50C0];
	[tilespmem:s21+$0x5050] =	vst v11;
	v11 =	vadd.f32 v14, v61  }
0x61: {  	v13 =	vadd.f32 v15, v62;
	v12 =	vmax.f32 v10, $0.0e+00;
	v10 =	vld [tilespmem:s21+$0x50D0]  }
0x62: {  	s2 =	simm.s32 $0x400;
	v14 =	vmax.f32 v11, $0.0e+00;
	v11 =	vld [tilespmem:s21+$0x50E0];
	[tilespmem:s21+$0x5060] =	vst v12;
	v12 =	vadd.f32 v16, v63  }
.LBB2_5:
0x63: {  	s10 =	sshra.s32 s2, $0x2;
	p1 =	sne.s32 s2, $0xFC00;
	[tilespmem:s21+$0x5070] =	vst v14;
	v13 =	vmax.f32 v13, $0.0e+00;
	v6 =	vadd.f32 v6, v8;
	v8 =	vld [tilespmem:s21+$0x50F0]  }
0x64: {  	v14 =	vld [tilespmem:s10+$0xD000];
	[tilespmem:s21+$0x5080] =	vst v13;
	v12 =	vmax.f32 v12, $0.0e+00;
	v5 =	vadd.f32 v5, v7  }
0x65: {  	v7 =	vld [tilespmem:s10+$0xD010];
	[tilespmem:s21+$0x5090] =	vst v12;
	v6 =	vmax.f32 v6, $0.0e+00;
	v4 =	vadd.f32 v4, v9  }
0x66: {  	v9 =	vld [tilespmem:s10+$0xD020];
	[tilespmem:s21+$0x50A0] =	vst v6;
	v5 =	vmax.f32 v5, $0.0e+00;
	v3 =	vadd.f32 v3, v10  }
0x67: {  	v10 =	vld [tilespmem:s10+$0xD030];
	[tilespmem:s21+$0x50B0] =	vst v5;
	v4 =	vmax.f32 v4, $0.0e+00;
	v2 =	vadd.f32 v2, v11  }
0x68: {  	v11 =	vld [tilespmem:s10+$0xD040];
	[tilespmem:s21+$0x50C0] =	vst v4;
	v3 =	vmax.f32 v3, $0.0e+00;
	v1 =	vadd.f32 v1, v8  }
0x69: {  	v8 =	vld [tilespmem:s10+$0xD050];
	[tilespmem:s21+$0x50D0] =	vst v3;
	v2 =	vmax.f32 v2, $0.0e+00  }
0x6a: {  	v12 =	vld [tilespmem:s10+$0xD060];
	[tilespmem:s21+$0x50E0] =	vst v2;
	v1 =	vmax.f32 v1, $0.0e+00  }
0x6b: {  	v13 =	vld [tilespmem:s10+$0xD070];
	[tilespmem:s21+$0x50F0] =	vst v1;
	s21 =	smov.u32 s10  }
0x6c: {  	v15 =	vld [tilespmem:s21+$0xD080]  }
0x6d: {  	v16 =	vld [tilespmem:s21+$0xD090]  }
0x6e: {  	v6 =	vld [tilespmem:s21+$0xD0A0]  }
0x6f: {  	v5 =	vld [tilespmem:s21+$0xD0B0]  }
0x70: {  	v4 =	vld [tilespmem:s21+$0xD0C0]  }
0x71: {  	v3 =	vld [tilespmem:s21+$0xD0D0]  }
0x72: {  	v2 =	vld [tilespmem:s21+$0xD0E0]  }
0x73: {  	v1 =	vld [tilespmem:s21+$0xD0F0]  }
0x74: {  	v17 =	vld [tilespmem:s21+$0x5000]  }
0x75: {  	v18 =	vld [tilespmem:s21+$0x5010]  }
0x76: {  	v19 =	vld [tilespmem:s21+$0x5020]  }
0x77: {  	v20 =	vld [tilespmem:s21+$0x5030]  }
0x78: {  	v21 =	vld [tilespmem:s21+$0x5040]  }
0x79: {  	v14 =	vadd.f32 v14, v17;
	v17 =	vld [tilespmem:s21+$0x5050]  }
0x7a: {  	v7 =	vadd.f32 v7, v18;
	v18 =	vld [tilespmem:s21+$0x5060]  }
0x7b: {  	v14 =	vmax.f32 v14, $0.0e+00;
	v9 =	vadd.f32 v9, v19;
	v19 =	vld [tilespmem:s21+$0x5070]  }
0x7c: {  	[tilespmem:s21+$0x5000] =	vst v14;
	v7 =	vmax.f32 v7, $0.0e+00;
	v10 =	vadd.f32 v10, v20;
	v14 =	vld [tilespmem:s21+$0x5080]  }
0x7d: {  	[tilespmem:s21+$0x5010] =	vst v7;
	v7 =	vmax.f32 v9, $0.0e+00;
	v9 =	vadd.f32 v11, v21;
	v11 =	vld [tilespmem:s21+$0x5090]  }
.Ltmp1:
0x7e: {  	[tilespmem:s21+$0x5020] =	vst v7;
	v7 =	vmax.f32 v10, $0.0e+00;
	v10 =	vadd.f32 v8, v17;
	v8 =	vld [tilespmem:s21+$0x50A0];
	(pc) =	sbr.rel @p1 .LBB2_5-.Ltmp1, $4  }
0x7f: {  	[tilespmem:s21+$0x5030] =	vst v7;
	v9 =	vmax.f32 v9, $0.0e+00;
	v12 =	vadd.f32 v12, v18;
	v7 =	vld [tilespmem:s21+$0x50B0]  }
0x80: {  	[tilespmem:s21+$0x5040] =	vst v9;
	v10 =	vmax.f32 v10, $0.0e+00;
	v17 =	vadd.f32 v13, v19;
	v9 =	vld [tilespmem:s21+$0x50C0]  }
0x81: {  	[tilespmem:s21+$0x5050] =	vst v10;
	v12 =	vmax.f32 v12, $0.0e+00;
	v13 =	vadd.f32 v15, v14;
	v10 =	vld [tilespmem:s21+$0x50D0]  }
0x82: {  	s2 =	sadd.s32 $0x400, s2;
	[tilespmem:s21+$0x5060] =	vst v12;
	v14 =	vmax.f32 v17, $0.0e+00;
	v12 =	vadd.f32 v16, v11;
	v11 =	vld [tilespmem:s21+$0x50E0]  }
0x83: {  	[tilespmem:s21+$0x5070] =	vst v14;
	v13 =	vmax.f32 v13, $0.0e+00;
	v6 =	vadd.f32 v6, v8;
	v8 =	vld [tilespmem:s21+$0x50F0]  }
0x84: {  	[tilespmem:s21+$0x5080] =	vst v13;
	v12 =	vmax.f32 v12, $0.0e+00;
	v5 =	vadd.f32 v5, v7  }
0x85: {  	[tilespmem:s21+$0x5090] =	vst v12;
	v6 =	vmax.f32 v6, $0.0e+00;
	v4 =	vadd.f32 v4, v9  }
0x86: {  	[tilespmem:s21+$0x50A0] =	vst v6;
	v5 =	vmax.f32 v5, $0.0e+00;
	v3 =	vadd.f32 v3, v10  }
0x87: {  	s2 =	sshll.u32 s30, $0xA;
	[tilespmem:s21+$0x50B0] =	vst v5;
	v4 =	vmax.f32 v4, $0.0e+00;
	v2 =	vadd.f32 v2, v11  }
0x88: {  	s10 =	sadd.s32 $0xFFFF6000, s2;
	[tilespmem:s21+$0x50C0] =	vst v4;
	v3 =	vmax.f32 v3, $0.0e+00;
	v1 =	vadd.f32 v1, v8  }
0x89: {  	s10 =	smov.u32 @p0 s2;
	[tilespmem:s21+$0x50D0] =	vst v3;
	v2 =	vmax.f32 v2, $0.0e+00  }
0x8a: {  	s0 =	sadd.s32 $0x2, s0;
	s2 =	sshra.s32 s10, $0x2;
	[tilespmem:s21+$0x50E0] =	vst v2;
	v1 =	vmax.f32 v1, $0.0e+00  }
0x8b: {  	s2 =	sadd.s32 $0x2800, s2;
	[tilespmem:s21+$0x50F0] =	vst v1;
	s21 =	smulhi.u32 $0x66666667, s0  }
0x8c: {  	[spmem:s1] =	stream.indirect.scatter.add.f32 [tilespmem:s23], [sflag:$0x3], $0x80, s2, s22, $0xb8;
	[tilespmem:$0x1F000] =	vst v63  }
0x8d: {  	_ =	swait.ge [sflag:s20], $0x4000;
	s2 =	sshrl.u32 s21, $0x5  }
0x8e: {  	[sflag:s20] =	ssyncset.done $0x0;
	s2 =	smul.u32 $0x50, s2  }
0x8f: {  	[sflag:s20] =	ssyncadd.s32 $0xFFFFC000  }
0x90: {  	_ =	swait.ge [sflag:s28], $0x4000;
	s21 =	ssub.s32 s0, s2  }
0x91: {  	[sflag:s28] =	ssyncset.done $0x0;
	p0 =	seq.s32 s21, $0x0  }
0x92: {  	[sflag:s28] =	ssyncadd.s32 $0xFFFFC000;
	s2 =	sshll.u32 @!p0 s0, $0xE  }
0x93: {  	_ =	swait.ge [sflag:s28], $0x4000;
	s2 =	sadd.s32 @!p0 s16, s2  }
0x94: {  	s10 =	simm.s32 @!p0 $0x0;
	[sflag:s28] =	ssyncset.done $0x0;
	s2 =	sshrl.u32 @!p0 s2, $0x3  }
0x95: {  	s11 =	simm.s32 @!p0 $0xD000;
	[sflag:s28] =	ssyncadd.s32 $0xFFFFC000;
	s2 =	sadd.s32 @!p0 s7, s2  }
0x96: {  	[tilespmem:s11], [sflag:$0x1] =	stream.linear.gather @!p0 [hbm4b:s2+s10], $0x4000, $0x38;
	[tilespmem:$0x1F000] =	vst v63  }
0x97: {  	s2 =	sshll.u32 @!p0 s21, $0x7  }
0x98: {  	s10 =	simm.s32 @!p0 $0x80;
	s11 =	simm.s32 @!p0 $0x5000;
	s2 =	sand.u32 @!p0 $0x3FFFFF80, s2  }
0x99: {  	[tilespmem:s11], [sflag:$0x1] =	stream.indirect.gather @!p0 [hbm4b:s4+s10], $0x80, s2, s10, $0xb8;
	[tilespmem:$0x1F000] =	vst v63  }
0x9a: {  	s2 =	simm.s32 $0x0  }
0x9b: {  	v7 =	vld [tilespmem:s2+$0x11000]  }
0x9c: {  	v8 =	vld [tilespmem:s2+$0x11010]  }
0x9d: {  	v9 =	vld [tilespmem:s2+$0x11020]  }
0x9e: {  	v10 =	vld [tilespmem:s2+$0x11030]  }
0x9f: {  	v11 =	vld [tilespmem:s2+$0x11040]  }
0xa0: {  	v12 =	vld [tilespmem:s2+$0x11050]  }
0xa1: {  	v13 =	vld [tilespmem:s2+$0x11060]  }
0xa2: {  	v14 =	vld [tilespmem:s2+$0x11070]  }
0xa3: {  	v15 =	vld [tilespmem:s2+$0x11080]  }
0xa4: {  	v16 =	vld [tilespmem:s2+$0x11090]  }
0xa5: {  	v6 =	vld [tilespmem:s2+$0x110A0]  }
0xa6: {  	v5 =	vld [tilespmem:s2+$0x110B0]  }
0xa7: {  	v4 =	vld [tilespmem:s2+$0x110C0]  }
0xa8: {  	v17 =	vld [tilespmem:s2+$0x9000]  }
0xa9: {  	v18 =	vld [tilespmem:s2+$0x9010]  }
0xaa: {  	v3 =	vld [tilespmem:s2+$0x110D0]  }
0xab: {  	v19 =	vld [tilespmem:s2+$0x9020]  }
0xac: {  	v20 =	vld [tilespmem:s2+$0x9030]  }
0xad: {  	v2 =	vld [tilespmem:s2+$0x110E0];
	v7 =	vadd.f32 v7, v17  }
0xae: {  	v21 =	vld [tilespmem:s2+$0x9040];
	v8 =	vadd.f32 v8, v18  }
0xaf: {  	v60 =	vld [tilespmem:s2+$0x9050];
	v7 =	vmax.f32 v7, $0.0e+00  }
0xb0: {  	v1 =	vld [tilespmem:s2+$0x110F0];
	v8 =	vmax.f32 v8, $0.0e+00;
	[tilespmem:s2+$0x9000] =	vst v7;
	v7 =	vadd.f32 v9, v19  }
0xb1: {  	v22 =	vld [tilespmem:s2+$0x9060];
	[tilespmem:s2+$0x9010] =	vst v8;
	v8 =	vadd.f32 v10, v20  }
0xb2: {  	v61 =	vld [tilespmem:s2+$0x9070];
	v7 =	vmax.f32 v7, $0.0e+00  }
0xb3: {  	v62 =	vld [tilespmem:s2+$0x9080];
	v9 =	vmax.f32 v8, $0.0e+00;
	[tilespmem:s2+$0x9020] =	vst v7;
	v7 =	vadd.f32 v11, v21  }
0xb4: {  	v63 =	vld [tilespmem:s2+$0x9090];
	[tilespmem:s2+$0x9030] =	vst v9;
	v9 =	vadd.f32 v12, v60  }
0xb5: {  	v8 =	vld [tilespmem:s2+$0x90A0];
	v10 =	vmax.f32 v7, $0.0e+00  }
0xb6: {  	v7 =	vld [tilespmem:s2+$0x90B0];
	v11 =	vmax.f32 v9, $0.0e+00;
	[tilespmem:s2+$0x9040] =	vst v10;
	v10 =	vadd.f32 v13, v22  }
0xb7: {  	v9 =	vld [tilespmem:s2+$0x90C0];
	[tilespmem:s2+$0x9050] =	vst v11;
	v11 =	vadd.f32 v14, v61  }
0xb8: {  	v13 =	vadd.f32 v15, v62;
	v12 =	vmax.f32 v10, $0.0e+00;
	v10 =	vld [tilespmem:s2+$0x90D0]  }
0xb9: {  	s10 =	simm.s32 $0x400;
	v14 =	vmax.f32 v11, $0.0e+00;
	v11 =	vld [tilespmem:s2+$0x90E0];
	[tilespmem:s2+$0x9060] =	vst v12;
	v12 =	vadd.f32 v16, v63  }
.LBB2_7:
0xba: {  	s11 =	sshra.s32 s10, $0x2;
	p0 =	sne.s32 s10, $0xFC00;
	[tilespmem:s2+$0x9070] =	vst v14;
	v13 =	vmax.f32 v13, $0.0e+00;
	v6 =	vadd.f32 v6, v8;
	v8 =	vld [tilespmem:s2+$0x90F0]  }
0xbb: {  	v14 =	vld [tilespmem:s11+$0x11000];
	[tilespmem:s2+$0x9080] =	vst v13;
	v12 =	vmax.f32 v12, $0.0e+00;
	v5 =	vadd.f32 v5, v7  }
0xbc: {  	v7 =	vld [tilespmem:s11+$0x11010];
	[tilespmem:s2+$0x9090] =	vst v12;
	v6 =	vmax.f32 v6, $0.0e+00;
	v4 =	vadd.f32 v4, v9  }
0xbd: {  	v9 =	vld [tilespmem:s11+$0x11020];
	[tilespmem:s2+$0x90A0] =	vst v6;
	v5 =	vmax.f32 v5, $0.0e+00;
	v3 =	vadd.f32 v3, v10  }
0xbe: {  	v10 =	vld [tilespmem:s11+$0x11030];
	[tilespmem:s2+$0x90B0] =	vst v5;
	v4 =	vmax.f32 v4, $0.0e+00;
	v2 =	vadd.f32 v2, v11  }
0xbf: {  	v11 =	vld [tilespmem:s11+$0x11040];
	[tilespmem:s2+$0x90C0] =	vst v4;
	v3 =	vmax.f32 v3, $0.0e+00;
	v1 =	vadd.f32 v1, v8  }
0xc0: {  	v8 =	vld [tilespmem:s11+$0x11050];
	[tilespmem:s2+$0x90D0] =	vst v3;
	v2 =	vmax.f32 v2, $0.0e+00  }
0xc1: {  	v12 =	vld [tilespmem:s11+$0x11060];
	[tilespmem:s2+$0x90E0] =	vst v2;
	v1 =	vmax.f32 v1, $0.0e+00  }
0xc2: {  	v13 =	vld [tilespmem:s11+$0x11070];
	[tilespmem:s2+$0x90F0] =	vst v1;
	s2 =	smov.u32 s11  }
0xc3: {  	v15 =	vld [tilespmem:s2+$0x11080]  }
0xc4: {  	v16 =	vld [tilespmem:s2+$0x11090]  }
0xc5: {  	v6 =	vld [tilespmem:s2+$0x110A0]  }
0xc6: {  	v5 =	vld [tilespmem:s2+$0x110B0]  }
0xc7: {  	v4 =	vld [tilespmem:s2+$0x110C0]  }
0xc8: {  	v3 =	vld [tilespmem:s2+$0x110D0]  }
0xc9: {  	v2 =	vld [tilespmem:s2+$0x110E0]  }
0xca: {  	v1 =	vld [tilespmem:s2+$0x110F0]  }
0xcb: {  	v17 =	vld [tilespmem:s2+$0x9000]  }
0xcc: {  	v18 =	vld [tilespmem:s2+$0x9010]  }
0xcd: {  	v19 =	vld [tilespmem:s2+$0x9020]  }
0xce: {  	v20 =	vld [tilespmem:s2+$0x9030]  }
0xcf: {  	v21 =	vld [tilespmem:s2+$0x9040]  }
0xd0: {  	v14 =	vadd.f32 v14, v17;
	v17 =	vld [tilespmem:s2+$0x9050]  }
0xd1: {  	v7 =	vadd.f32 v7, v18;
	v18 =	vld [tilespmem:s2+$0x9060]  }
0xd2: {  	v14 =	vmax.f32 v14, $0.0e+00;
	v9 =	vadd.f32 v9, v19;
	v19 =	vld [tilespmem:s2+$0x9070]  }
0xd3: {  	[tilespmem:s2+$0x9000] =	vst v14;
	v7 =	vmax.f32 v7, $0.0e+00;
	v10 =	vadd.f32 v10, v20;
	v14 =	vld [tilespmem:s2+$0x9080]  }
0xd4: {  	[tilespmem:s2+$0x9010] =	vst v7;
	v7 =	vmax.f32 v9, $0.0e+00;
	v9 =	vadd.f32 v11, v21;
	v11 =	vld [tilespmem:s2+$0x9090]  }
.Ltmp2:
0xd5: {  	[tilespmem:s2+$0x9020] =	vst v7;
	v7 =	vmax.f32 v10, $0.0e+00;
	v10 =	vadd.f32 v8, v17;
	v8 =	vld [tilespmem:s2+$0x90A0];
	(pc) =	sbr.rel @p0 .LBB2_7-.Ltmp2, $4  }
0xd6: {  	[tilespmem:s2+$0x9030] =	vst v7;
	v9 =	vmax.f32 v9, $0.0e+00;
	v12 =	vadd.f32 v12, v18;
	v7 =	vld [tilespmem:s2+$0x90B0]  }
0xd7: {  	[tilespmem:s2+$0x9040] =	vst v9;
	v10 =	vmax.f32 v10, $0.0e+00;
	v17 =	vadd.f32 v13, v19;
	v9 =	vld [tilespmem:s2+$0x90C0]  }
0xd8: {  	[tilespmem:s2+$0x9050] =	vst v10;
	v12 =	vmax.f32 v12, $0.0e+00;
	v13 =	vadd.f32 v15, v14;
	v10 =	vld [tilespmem:s2+$0x90D0]  }
0xd9: {  	s10 =	sadd.s32 $0x400, s10;
	[tilespmem:s2+$0x9060] =	vst v12;
	v14 =	vmax.f32 v17, $0.0e+00;
	v12 =	vadd.f32 v16, v11;
	v11 =	vld [tilespmem:s2+$0x90E0]  }
0xda: {  	[tilespmem:s2+$0x9070] =	vst v14;
	v13 =	vmax.f32 v13, $0.0e+00;
	v6 =	vadd.f32 v6, v8;
	v63 =	vld [tilespmem:s2+$0x90F0]  }
0xdb: {  	[tilespmem:s2+$0x9080] =	vst v13;
	v12 =	vmax.f32 v12, $0.0e+00;
	v5 =	vadd.f32 v5, v7  }
0xdc: {  	[tilespmem:s2+$0x9090] =	vst v12;
	v6 =	vmax.f32 v6, $0.0e+00;
	v4 =	vadd.f32 v4, v9  }
0xdd: {  	[tilespmem:s2+$0x90A0] =	vst v6;
	v5 =	vmax.f32 v5, $0.0e+00;
	v3 =	vadd.f32 v3, v10  }
0xde: {  	[tilespmem:s2+$0x90B0] =	vst v5;
	v4 =	vmax.f32 v4, $0.0e+00;
	v2 =	vadd.f32 v2, v11  }
0xdf: {  	p0 =	seq.s32 s30, $0x4F;
	[tilespmem:s2+$0x90C0] =	vst v4;
	v3 =	vmax.f32 v3, $0.0e+00;
	v1 =	vadd.f32 v1, v63  }
0xe0: {  	p1 =	sne.s32 @!p0 s21, $0x0;
	[tilespmem:s2+$0x90D0] =	vst v3;
	v2 =	vmax.f32 v2, $0.0e+00  }
0xe1: {  	p0 =	por p1, p0;
	[tilespmem:s2+$0x90E0] =	vst v2;
	v1 =	vmax.f32 v1, $0.0e+00  }
0xe2: {  	s31 =	sadd.s32 $0x2800, s31;
	[tilespmem:s2+$0x90F0] =	vst v1;
	s2 =	sadd.s32 @!p0 s12, s0  }
0xe3: {  	[spmem:s1] =	stream.indirect.scatter.add.f32 [tilespmem:s26], [sflag:$0x3], $0x80, s31, s22, $0xb8;
	[tilespmem:$0x1F000] =	vst v63  }
0xe4: {  	s2 =	sshll.u32 @!p0 s2, $0x7  }
0xe5: {  	s2 =	sand.u32 @!p0 $0xFFC00, s2  }
0xe6: {  	_ =	swait.ge [sflag:s20], $0x4000;
	s2 =	sadd.s32 @!p0 s8, s2  }
0xe7: {  	[sflag:s20] =	ssyncset.done $0x0;
	s2 =	sshrl.u32 @!p0 s2, $0x3  }
0xe8: {  	s11 =	simm.s32 @!p0 $0x0;
	[sflag:s20] =	ssyncadd.s32 $0xFFFFC000;
	s10 =	sadd.s32 @!p0 s5, s2  }
0xe9: {  	[tilespmem:s11], [sflag:$0x3] =	stream.linear.gather @!p0 [hbm4b:s10+s11], $0x2800, $0x38;
	[tilespmem:$0x1F000] =	vst v63  }
0xea: {  	s10 =	simm.s32 @!p0 $0x3  }
0xeb: {  	_ =	swait.ge @!p0 [sflag:s10], $0x2800  }
0xec: {  	s21 =	simm.s32 @!p0 $0x2800;
	[sflag:s10] =	ssyncset.done @!p0 $0x0  }
0xed: {  	s0 =	sshll.u32 @!p0 s0, $0xE;
	s2 =	sadd.s32 @!p0 s6, s2;
	[sflag:s10] =	ssyncadd.s32 @!p0 $0xFFFFD800  }
0xee: {  	[tilespmem:s21], [sflag:$0x3] =	stream.linear.gather @!p0 [hbm4b:s2+s11], $0x2800, $0x38;
	[tilespmem:$0x1F000] =	vst v63  }
0xef: {  	s0 =	sadd.s32 @!p0 s16, s0;
	_ =	swait.ge @!p0 [sflag:s10], $0x2800  }
0xf0: {  	s0 =	sshrl.u32 @!p0 s0, $0x3;
	[sflag:s10] =	ssyncset.done @!p0 $0x0  }
0xf1: {  	s0 =	sadd.s32 @!p0 s7, s0;
	s2 =	simm.s32 @!p0 $0xD000;
	[sflag:s10] =	ssyncadd.s32 @!p0 $0xFFFFD800  }
0xf2: {  	[tilespmem:s2], [sflag:$0x1] =	stream.linear.gather @!p0 [hbm4b:s0+s11], $0x4000, $0x38;
	[tilespmem:$0x1F000] =	vst v63  }
0xf3: {  	s30 =	sadd.s32 $0x1, s30;
	s0 =	simm.s32 @!p0 $0x80;
	s2 =	simm.s32 @!p0 $0x5000  }
0xf4: {  	[tilespmem:s2], [sflag:$0x1] =	stream.indirect.gather @!p0 [hbm4b:s4+s0], $0x80, s11, s0, $0xb8;
	[tilespmem:$0x1F000] =	vst v63  }
0xf5: {  	p0 =	sne.s32 s30, $0x50  }
.Ltmp3:
0xf6: {  	_ = 	snop;
	(pc) =	sbr.rel @p0 .LBB2_4-.Ltmp3, $1  }
0xf7: {  	_ =	sdelay $0x3  }
0xf8: {  	s0 =	stileid.u32;
	s3 =	sadd.s32 $0x1, s3  }
0xf9: {  	[bflag:$0x0] =	sbarrier.arrive $0xFFFF;
	s0 =	sshll.u32 s0, $0x6;
	p0 =	sne.s32 s3, s18  }
.Ltmp4:
0xfa: {  	s2 =	sshrl.u32 s9, $0x3;
	s0 =	sor.u32 $0x1C03, s0;
	(pc) =	sbr.rel @p0 .LBB2_1-.Ltmp4, $4  }
0xfb: {  	[hbm:s17], [sflag:s0] =	dma.local [spmem:s2], $0x1400  }
0xfc: {  	_ =	swait.ge [sflag:s20], $0x1400  }
0xfd: {  	[sflag:s20] =	ssyncset.done $0x0  }
0xfe: {  	[sflag:s20] =	ssyncadd.s32 $0xFFFFEC00  }
0xff: {  	_ =	sfence.sel $0x180000  }
0x100: {  	[bflag:$0x0] =	sbarrier.arrive $0xFFFF  }
0x101: {  	_ =	strace $0x90000047  }
0x102: {  	s0 =	stileid.u32;
	[bflag:$0x2] =	sbarrier.arrive $0xFFFF  }
0x103: {  	p0 =	sne.s32 s0, $0x0;
	s0 =	rddreg [dreg:$0x2]  }
0x104: {  	s0 =	sadd.s32 @!p0 $0x100000, s0  }
0x105: {  	[sflag:s0] =	ssyncadd.tile.s32 @!p0 $0x1;
	_ =	shalt  }
.Lfunc_end2:
_tile_overlayer_lowered:
.L_overlay_start_2:
0x106: {  	(tag) =	ssettag $0x2  }
0x107: {  	s0 =	rddreg [dreg:$0x0];
	s2 =	stileid.u32  }
0x108: {  	s1 =	rddreg [dreg:$0x1];
	p0 =	sne.s32 s2, $0x0  }
0x109: {  	s3 =	rddreg [dreg:$0x2];
	[bflag:$0x3] =	sbarrier.arrive $0xFFFF;
	s2 =	simm.s32 @!p0 $0x1C03  }
0x10a: {  	[timem:s3], [sflag:s2] =	dma.local @!p0 [hbm:s0], s1  }
0x10b: {  	s0 =	simm.s32 @!p0 $0x3  }
0x10c: {  	_ =	swait.ge @!p0 [sflag:s0], s1  }
0x10d: {  	s1 =	ssub.s32 @!p0 $0x0, s1;
	[sflag:s0] =	ssyncset.done @!p0 $0x0  }
0x10e: {  	[sflag:s0] =	ssyncadd.s32 @!p0 s1  }
0x10f: {  	[bflag:$0x3] =	sbarrier.arrive $0xFFFF  }
0x110: {  	_ =	shalt  }

// kernel: kernel.16.cloned.1.call-start
scs
__scs_entry_jumppad:
0x0: {  	(pc) =	sbr.rel $0x88, $3  }
0x1: {  	(tag) =	ssettag $0x0;
	lr =	simm.s32 $0x1  }
0x2: {  	[smem:$0x3F92] =	sst lr;
	_ =	strace $0xD0000000  }
0x3: {  	_ = 	snop  }
0x4: {  	_ = 	snop  }
0x5: {  	_ = 	snop  }
0x6: {  	_ = 	snop  }
0x7: {  	_ = 	snop  }
__scs_overlays_trampoline_lowered:
0x8: {  	[smem:$0x3FA1] =	sst s0  }
0x9: {  	[smem:$0x3FA2] =	sst s1  }
0xa: {  	[smem:$0x3FA3] =	sst s2  }
0xb: {  	[smem:$0x3FA4] =	sst s3  }
0xc: {  	[smem:$0x3FA5] =	sst s4  }
0xd: {  	[smem:$0x3FA6] =	sst s5  }
0xe: {  	[smem:$0x3FA7] =	sst s6  }
0xf: {  	[smem:$0x3FA8] =	sst s7  }
0x10: {  	[smem:$0x3FA9] =	sst s8  }
0x11: {  	[smem:$0x3FAA] =	sst s9;
	s0 =	simm.s32 @!p0 $0x0  }
0x12: {  	s1 =	sld [smem:$0x3F90];
	s0 =	simm.s32 @p0 $0x1  }
0x13: {  	[smem:$0x3FAB] =	sst s0;
	s0 =	simm.s32 @!p1 $0x0  }
0x14: {  	s2 =	sld [smem:$0x3F8F];
	s0 =	simm.s32 @p1 $0x1  }
0x15: {  	[smem:$0x3FAC] =	sst s0;
	s0 =	simm.s32 @!p2 $0x0  }
0x16: {  	s3 =	sld [smem:$0x3FDB];
	s0 =	simm.s32 @p2 $0x1  }
0x17: {  	s4 =	simm.s32 $0x1BF5;
	[smem:$0x3FAE] =	sst s0  }
0x18: {  	s0 =	sld [smem:$0x3F91];
	_ =	swait.ge [sflag:s4], $0x0  }
0x19: {  	s7 =	sld [smem:$0x3F92]  }
0x1a: {  	s8 =	sadd.s32 $0xFFFFE003, lr  }
0x1b: {  	s9 =	sadd.s32 $0xFFFFFEF7, lr;
	s5 =	simm.s32 $0xFFFFFFFF;
	p2 =	slt.u32 s8, $0xFFFFF086  }
0x1c: {  	p1 =	slt.u32 s9, $0xF7A;
	s5 =	simm.s32 @!p2 $0x0  }
0x1d: {  	s5 =	simm.s32 @p1 $0x1;
	p0 =	seq.s32 s7, s2  }
0x1e: {  	s7 =	smul.u32 @!p0 $0xF7A, s2;
	p2 =	seq.s32 @!p0 s5, $0x0  }
0x1f: {  	s9 =	smul.u32 $0xF7A, s1;
	s8 =	simm.s32 @!p0 $0x1BF5;
	p2 =	por !p2, p0  }
0x20: {  	[sflag:s8] =	ssyncset.s32 @!p0 $0xFFFFF086;
	s6 =	sadd.s32 @!p0 s3, s7;
	s7 =	simm.s32 @!p0 $0x108  }
0x21: {  	s3 =	sadd.s32 s3, s9;
	s6 =	sadd.s32 @!p0 $0x88, s6;
	s7 =	simm.s32 @p2 $0x1082  }
0x22: {  	[simem:s7], [sflag:s8] =	dma.local @!p0 [hbm:s6], $0xF7A  }
0x23: {  	s9 =	sor.u32 $0xD0000000, s2;
	s6 =	simm.s32 $0x108;
	_ =	swait.ge @!p0 [sflag:s8], $0x0  }
0x24: {  	s3 =	sadd.s32 $0x88, s3;
	s6 =	simm.s32 @!p1 $0x1082;
	[sflag:s4] =	ssyncset.s32 $0xFFFFF086  }
0x25: {  	[simem:s6], [sflag:s4] =	dma.local [hbm:s3], $0xF7A  }
0x26: {  	[smem:$0x3F92] =	sst s1;
	(tag) =	ssettag s2;
	_ =	strace s9  }
0x27: {  	s1 =	sld [smem:$0x3FA2]  }
0x28: {  	s2 =	sld [smem:$0x3FA3]  }
0x29: {  	s4 =	sld [smem:$0x3FA5]  }
0x2a: {  	p0 =	seq.s32 s5, $0x0;
	s5 =	sld [smem:$0x3FA6]  }
0x2b: {  	s6 =	sld [smem:$0x3FA7]  }
0x2c: {  	s7 =	sld [smem:$0x3FA8]  }
0x2d: {  	s3 =	simm.s32 $0x108;
	s8 =	sld [smem:$0x3FA9]  }
0x2e: {  	s3 =	simm.s32 @!p0 $0x1082;
	s9 =	sld [smem:$0x3FAA]  }
0x2f: {  	lr =	sadd.s32 s0, s3;
	s0 =	sld [smem:$0x3FA1]  }
0x30: {  	s3 =	sld [smem:$0x3FA4]  }
0x31: {  	[smem:$0x3FAD] =	sst s10  }
0x32: {  	s10 =	sld [smem:$0x3FAB];
	_ =	sdelay $0x3  }
0x33: {  	p0 =	seq.s32 s10, $0x1;
	s10 =	sld [smem:$0x3FAD];
	_ =	sdelay $0x3  }
0x34: {  	[smem:$0x3FAD] =	sst s10  }
0x35: {  	s10 =	sld [smem:$0x3FAC];
	_ =	sdelay $0x3  }
0x36: {  	p1 =	seq.s32 s10, $0x1;
	s10 =	sld [smem:$0x3FAD];
	_ =	sdelay $0x3  }
0x37: {  	[smem:$0x3FAD] =	sst s10  }
0x38: {  	s10 =	sld [smem:$0x3FAE]  }
0x39: {  	_ = 	snop;
	(pc) =	sbr.ind lr, $3  }
0x3a: {  	_ = 	snop  }
0x3b: {  	_ = 	snop  }
0x3c: {  	p2 =	seq.s32 s10, $0x1;
	s10 =	sld [smem:$0x3FAD]  }
0x3d: {  	_ =	shalt  }
0x3e: {  	_ =	shalt  }
0x3f: {  	_ =	shalt  }
0x40: {  	_ =	shalt  }
0x41: {  	_ =	shalt  }
0x42: {  	_ =	shalt  }
0x43: {  	_ =	shalt  }
0x44: {  	_ =	shalt  }
0x45: {  	_ =	shalt  }
0x46: {  	_ =	shalt  }
0x47: {  	_ =	shalt  }
0x48: {  	_ =	shalt  }
0x49: {  	_ =	shalt  }
0x4a: {  	_ =	shalt  }
0x4b: {  	_ =	shalt  }
0x4c: {  	_ =	shalt  }
0x4d: {  	_ =	shalt  }
0x4e: {  	_ =	shalt  }
0x4f: {  	_ =	shalt  }
0x50: {  	_ =	shalt  }
0x51: {  	_ =	shalt  }
0x52: {  	_ =	shalt  }
0x53: {  	_ =	shalt  }
0x54: {  	_ =	shalt  }
0x55: {  	_ =	shalt  }
0x56: {  	_ =	shalt  }
0x57: {  	_ =	shalt  }
0x58: {  	_ =	shalt  }
0x59: {  	_ =	shalt  }
0x5a: {  	_ =	shalt  }
0x5b: {  	_ =	shalt  }
0x5c: {  	_ =	shalt  }
0x5d: {  	_ =	shalt  }
0x5e: {  	_ =	shalt  }
0x5f: {  	_ =	shalt  }
0x60: {  	_ =	shalt  }
0x61: {  	_ =	shalt  }
0x62: {  	_ =	shalt  }
0x63: {  	_ =	shalt  }
0x64: {  	_ =	shalt  }
0x65: {  	_ =	shalt  }
0x66: {  	_ =	shalt  }
0x67: {  	_ =	shalt  }
0x68: {  	_ =	shalt  }
0x69: {  	_ =	shalt  }
0x6a: {  	_ =	shalt  }
0x6b: {  	_ =	shalt  }
0x6c: {  	_ =	shalt  }
0x6d: {  	_ =	shalt  }
0x6e: {  	_ =	shalt  }
0x6f: {  	_ =	shalt  }
0x70: {  	_ =	shalt  }
0x71: {  	_ =	shalt  }
0x72: {  	_ =	shalt  }
0x73: {  	_ =	shalt  }
0x74: {  	_ =	shalt  }
0x75: {  	_ =	shalt  }
0x76: {  	_ =	shalt  }
0x77: {  	_ =	shalt  }
0x78: {  	_ =	shalt  }
0x79: {  	_ =	shalt  }
0x7a: {  	_ =	shalt  }
0x7b: {  	_ =	shalt  }
0x7c: {  	_ =	shalt  }
0x7d: {  	_ =	shalt  }
0x7e: {  	_ =	shalt  }
0x7f: {  	_ =	shalt  }
0x80: {  	_ =	shalt  }
0x81: {  	_ =	shalt  }
0x82: {  	_ =	shalt  }
0x83: {  	_ =	shalt  }
0x84: {  	_ =	shalt  }
0x85: {  	_ =	shalt  }
0x86: {  	_ =	shalt  }
0x87: {  	_ =	shalt  }
.Lfunc_end0:
.L_simem_size_0:
called_computation.1_lowered:
.L_overlay_start_0:
0x88: {  	s2 =	sld [smem:$0x3FD9]  }
0x89: {  	s3 =	sld [smem:$0x3FFE];
	_ =	sdelay $0x1  }
0x8a: {  	s1 =	srdreg.scid  }
0x8b: {  	s0 =	sand.u32 $0x1, s1  }
0x8c: {  	s16 =	sshll.u32 s0, $0xA;
	s2 =	sadd.s32 s3, s2  }
0x8d: {  	s2 =	sadd.s32 s2, s16  }
0x8e: {  	[smem:$0x3FB9] =	sst s2  }
0x8f: {  	_ = 	snop  }
0x90: {  	(tm) =	ssettm $0x1  }
0x91: {  	s17 =	sld [smem:$0x3FFB];
	_ =	sdelay $0x3  }
0x92: {  	_ =	strace s17  }
0x93: {  	s2 =	sld [smem:$0x3FFC];
	_ =	sdelay $0x3  }
0x94: {  	_ =	strace s2  }
0x95: {  	s2 =	sld [smem:$0x3FFD];
	_ =	sdelay $0x3  }
0x96: {  	_ =	strace s2  }
0x97: {  	_ =	strace $0x8FFFFFFF  }
0x98: {  	s18 =	sld [smem:$0x3FDB];
	_ =	sdelay $0x1  }
0x99: {  	s19 =	simm.s32 $_scs_section_size  }
0x9a: {  	s4 =	simm.s32 $_size__tile_overlayer_lowered;
	s5 =	simm.s32 $_tile_overlayer_lowered  }
0x9b: {  	s22 =	simm.s32 $0x1BFF;
	s21 =	sshll.u32 s5, $0x1;
	s2 =	sadd.s32 s19, s18  }
0x9c: {  	s6 =	simm.s32 $0x0;
	s20 =	sshll.u32 s4, $0x1;
	s4 =	sadd.s32 s21, s2  }
0x9d: {  	[timem:s6], [sflag:s22] =	dma.local [hbm:s4], s20  }
0x9e: {  	_ =	swait.ge [sflag:s22], s20  }
0x9f: {  	s3 =	ssub.s32 $0x0, s20;
	[sflag:s22] =	ssyncset.done $0x0  }
0xa0: {  	[sflag:s22] =	ssyncadd.s32 s3;
	_ =	sdelay $0x1  }
0xa1: {  	s23 =	simm.s32 $0x1B8B  }
0xa2: {  	_ =	swait.ge [sflag:s23], $0x1  }
0xa3: {  	[sflag:s23] =	ssyncset.done $0x0  }
0xa4: {  	s25 =	simm.s32 $0x1B8E;
	s24 =	sld [smem:$0x3FFE];
	[sflag:s23] =	ssyncadd.s32 $0xFFFFFFFF  }
0xa5: {  	s26 =	simm.s32 $execute0_lowered;
	[smem:$0x3FD2] =	sst s25  }
0xa6: {  	s4 =	sshll.u32 s26, $0x1;
	_ =	strace $0x80000049;
	[dreg:$0x1] =	wrdreg $0xFFFFFFFF  }
0xa7: {  	s28 =	simm.s32 $_size_execute0_lowered;
	s2 =	sadd.s32 s2, s4;
	[dreg:$0x0] =	wrdreg $0x0  }
0xa8: {  	s4 =	sshll.u32 s28, $0x1;
	[dreg:$0x2] =	wrdreg s2  }
0xa9: {  	[dreg:$0x3] =	wrdreg s4  }
0xaa: {  	[dreg:$0x4] =	wrdreg $0xC0  }
0xab: {  	_ =	task [dreg:s6], $0x5FFFF  }
0xac: {  	[dreg:$0x1] =	wrdreg $0xFFFFFFFF  }
0xad: {  	[dreg:$0x0] =	wrdreg $0x60  }
0xae: {  	[dreg:$0x2] =	wrdreg s24  }
0xaf: {  	[dreg:$0x3] =	wrdreg $0x150000  }
0xb0: {  	[dreg:$0x4] =	wrdreg $0x9  }
0xb1: {  	_ =	task.clear_ibuf [dreg:s6], $0x5FFFF;
	_ =	strace $0x90000049  }
0xb2: {  	s29 =	simm.s32 $0x9;
	_ =	strace $0x8000004B  }
0xb3: {  	_ =	swait.ge [sflag:s29], $0x1  }
0xb4: {  	[sflag:s29] =	ssyncadd.s32 $0xFFFFFFFF  }
0xb5: {  	_ =	strace $0x9000004B  }
0xb6: {  	_ =	sfence  }
0xb7: {  	s30 =	sld [smem:$0x0];
	_ =	sdelay $0x2  }
0xb8: {  	s31 =	sshll.u32 s1, $0xD;
	s1 =	sshrl.u32 s1, $0x2  }
0xb9: {  	s3 =	sand.u32 $0x4000, s31;
	s1 =	sadd.s32 s1, s30  }
0xba: {  	s0 =	sor.u32 s3, s0;
	s1 =	sshll.u32 s1, $0x11  }
0xbb: {  	s0 =	sor.u32 s1, s0  }
0xbc: {  	s0 =	sadd.s32 $0x8F2B, s0  }
0xbd: {  	[sflag:s0] =	ssyncadd.remote.s32 $0x1  }
0xbe: {  	_ =	sfence.sel $0xFFFF  }
0xbf: {  	[dreg:$0x0] =	wrdreg $0xFFFFFFFF;
	(pc) =	sbr.abs _section_cstart, $3  }
0xc0: {  	[dreg:$0x1] =	wrdreg $0xFFFFFFFF  }
0xc1: {  	_ =	task.clear_ibuf [dreg:s6], $0x2FFFF;
	_ =	strace $0x9FFFFFFF  }
0xc2: {  	(tm) =	ssettm $0x7FFFFFFF  }
0xc3: {  	_ =	shalt  }
tec
execute0_lowered:
.L_overlay_start_1:
0x0: {  	(tag) =	ssettag $0x1  }
0x1: {  	s0 =	rddreg [dreg:$0x0]  }
0x2: {  	s1 =	rddreg [dreg:$0x1]  }
0x3: {  	s3 =	simm.s32 $0x0;
	s2 =	srdreg.scid;
	s16 =	stileid.u32  }
0x4: {  	s19 =	simm.s32 $0xD000;
	s20 =	simm.s32 $0x3;
	s22 =	simm.s32 $0x80  }
0x5: {  	s23 =	simm.s32 $0x5000;
	s24 =	simm.s32 $0x1;
	s25 =	simm.s32 $0x11000  }
0x6: {  	s28 =	simm.s32 $0x2;
	s29 =	simm.s32 $0x0;
	s8 =	smul.u32 $0x1400, s16  }
0x7: {  	[smem:$0x7FF] =	sst s3;
	s2 =	sand.u32 $0x1, s2;
	s10 =	smul.u32 $0x28000, s16  }
0x8: {  	s4 =	sadd.s32 $0x6600, s0;
	s5 =	sadd.s32 $0x2E600, s0;
	s12 =	smul.u32 $0x5000, s16  }
0x9: {  	s6 =	sadd.s32 $0x42600, s0;
	s7 =	sadd.s32 $0xEE8800, s0;
	s15 =	smul.u32 $0x50000, s16  }
0xa: {  	_ =	strace $0x8000004A;
	s9 =	smul.u32 $0x14000, s2;
	s11 =	ssub.s32 $0x2, s2  }
0xb: {  	s26 =	sshrl.u32 s11, $0x1;
	s10 =	sshrl.u32 s10, $0x2;
	s15 =	sadd.s32 s7, s15  }
0xc: {  	s9 =	sadd.s32 s8, s9;
	s8 =	smul.u32 $0x50000, s2;
	s2 =	ssub.s32 s11, s26  }
0xd: {  	s26 =	simm.s32 $0x9000;
	s0 =	sadd.s32 s9, s0;
	s9 =	sadd.s32 s10, s1  }
0xe: {  	s18 =	smax.u32 s2, $0x1;
	s30 =	sadd.s32 s12, s8;
	s12 =	smul.u32 $0xA0, s16  }
0xf: {  	s10 =	sadd.s32 $0x4000, s9;
	s31 =	sadd.s32 $0x8000, s9;
	s16 =	smul.u32 $0x280000, s16  }
0x10: {  	s17 =	sadd.s32 $0x56600, s0;
	[dreg:$0x3] =	wrdreg s10;
	s10 =	sshrl.u32 s30, $0x3  }
0x11: {  	v0 =	vimm.f32 $0.0e+00;
	[dreg:$0x4] =	wrdreg s31;
	s13 =	sadd.s32 s5, s10;
	s14 =	sadd.s32 s6, s10  }
.LBB2_1:
0x12: {  	s0 =	simm.s32 $0x0;
	s2 =	simm.s32 $0x200  }
.LBB2_2:
0x13: {  	p0 =	sne.s32 s2, $0xFE00;
	[tilespmem:s0+$0xD070] =	vst v0  }
0x14: {  	[tilespmem:s0+$0xD000] =	vst v0  }
0x15: {  	[tilespmem:s0+$0xD010] =	vst v0  }
.Ltmp0:
0x16: {  	[tilespmem:s0+$0xD020] =	vst v0;
	(pc) =	sbr.rel @p0 .LBB2_2-.Ltmp0, $4  }
0x17: {  	[tilespmem:s0+$0xD030] =	vst v0  }
0x18: {  	[tilespmem:s0+$0xD040] =	vst v0  }
0x19: {  	[tilespmem:s0+$0xD050] =	vst v0  }
0x1a: {  	[tilespmem:s0+$0xD060] =	vst v0;
	s0 =	sshra.s32 s2, $0x2;
	s2 =	sadd.s32 $0x200, s2  }
0x1b: {  	[tilespmem:s0+$0xD070] =	vst v0  }
0x1c: {  	[tilespmem:s0+$0xD000] =	vst v0  }
0x1d: {  	[tilespmem:s0+$0xD010] =	vst v0  }
0x1e: {  	[tilespmem:s0+$0xD020] =	vst v0  }
0x1f: {  	[tilespmem:s0+$0xD030] =	vst v0  }
0x20: {  	[tilespmem:s0+$0xD040] =	vst v0  }
0x21: {  	[tilespmem:s0+$0xD050] =	vst v0  }
0x22: {  	[tilespmem:s0+$0xD060] =	vst v0  }
0x23: {  	[spmem:s9] =	stream.linear.scatter [tilespmem:s19], [sflag:$0x3], $0x4000, $0x38;
	[tilespmem:$0x1F000] =	vst v63  }
0x24: {  	_ =	swait.ge [sflag:s20], $0x4000  }
0x25: {  	[sflag:s20] =	ssyncset.done $0x0  }
0x26: {  	s11 =	rddreg [dreg:$0x3];
	[sflag:s20] =	ssyncadd.s32 $0xFFFFC000  }
0x27: {  	[spmem:s11] =	stream.linear.scatter [tilespmem:s19], [sflag:$0x3], $0x4000, $0x38;
	[tilespmem:$0x1F000] =	vst v63  }
0x28: {  	_ =	swait.ge [sflag:s20], $0x4000  }
0x29: {  	[sflag:s20] =	ssyncset.done $0x0  }
0x2a: {  	s21 =	rddreg [dreg:$0x4];
	[sflag:s20] =	ssyncadd.s32 $0xFFFFC000  }
0x2b: {  	[spmem:s21] =	stream.linear.scatter [tilespmem:s19], [sflag:$0x3], $0x2000, $0x38;
	[tilespmem:$0x1F000] =	vst v63  }
0x2c: {  	_ =	swait.ge [sflag:s20], $0x2000  }
0x2d: {  	[sflag:s20] =	ssyncset.done $0x0  }
0x2e: {  	[sflag:s20] =	ssyncadd.s32 $0xFFFFE000  }
0x2f: {  	[bflag:$0x0] =	sbarrier.arrive $0xFFFF  }
0x30: {  	[tilespmem:s29], [sflag:$0x3] =	stream.linear.gather [hbm4b:s13+s29], $0x2800, $0x38;
	[tilespmem:$0x1F000] =	vst v63  }
0x31: {  	_ =	swait.ge [sflag:s20], $0x2800  }
0x32: {  	[sflag:s20] =	ssyncset.done $0x0  }
0x33: {  	s31 =	simm.s32 $0x2800;
	[sflag:s20] =	ssyncadd.s32 $0xFFFFD800  }
0x34: {  	[tilespmem:s31], [sflag:$0x3] =	stream.linear.gather [hbm4b:s14+s29], $0x2800, $0x38;
	[tilespmem:$0x1F000] =	vst v63  }
0x35: {  	_ =	swait.ge [sflag:s20], $0x2800  }
0x36: {  	[sflag:s20] =	ssyncset.done $0x0  }
0x37: {  	[sflag:s20] =	ssyncadd.s32 $0xFFFFD800  }
0x38: {  	[tilespmem:s19], [sflag:$0x1] =	stream.linear.gather [hbm4b:s15+s29], $0x4000, $0x38;
	[tilespmem:$0x1F000] =	vst v63  }
0x39: {  	s30 =	simm.s32 $0x0  }
0x3a: {  	[tilespmem:s23], [sflag:$0x1] =	stream.indirect.gather [hbm4b:s4+s22], $0x80, s29, s22, $0xb8;
	[tilespmem:$0x1F000] =	vst v63  }
.LBB2_4:
0x3b: {  	_ =	swait.ge [sflag:s24], $0x4000  }
0x3c: {  	s2 =	sshllo.u32 s30, $0x1;
	s0 =	sshll.u32 s30, $0x1;
	[sflag:s24] =	ssyncset.done $0x0  }
0x3d: {  	p0 =	slt.u32 s30, $0x28;
	s10 =	sshll.u32 s2, $0xE;
	[sflag:s24] =	ssyncadd.s32 $0xFFFFC000  }
0x3e: {  	s21 =	sadd.s32 $0xFFFFFFB1, s0;
	s10 =	sadd.s32 s16, s10;
	_ =	swait.ge [sflag:s24], $0x4000  }
0x3f: {  	s21 =	smov.u32 @p0 s2;
	s10 =	sshrl.u32 s10, $0x3;
	[sflag:s24] =	ssyncset.done $0x0  }
0x40: {  	s21 =	sshll.u32 s21, $0x9;
	s11 =	sadd.s32 s7, s10;
	[sflag:s24] =	ssyncadd.s32 $0xFFFFC000  }
0x41: {  	[tilespmem:s25], [sflag:$0x2] =	stream.linear.gather [hbm4b:s11+s29], $0x4000, $0x38;
	[tilespmem:$0x1F000] =	vst v63  }
0x42: {  	s31 =	sshrl.u32 s21, $0x2;
	s21 =	simm.s32 $0x0  }
0x43: {  	[tilespmem:s26], [sflag:$0x2] =	stream.indirect.gather [hbm4b:s4+s22], $0x80, s31, s22, $0xb8;
	[tilespmem:$0x1F000] =	vst v63  }
0x44: {  	v7 =	vld [tilespmem:s21+$0xD000]  }
0x45: {  	v8 =	vld [tilespmem:s21+$0xD010]  }
0x46: {  	v9 =	vld [tilespmem:s21+$0xD020]  }
0x47: {  	v10 =	vld [tilespmem:s21+$0xD030]  }
0x48: {  	v11 =	vld [tilespmem:s21+$0xD040]  }
0x49: {  	v12 =	vld [tilespmem:s21+$0xD050]  }
0x4a: {  	v13 =	vld [tilespmem:s21+$0xD060]  }
0x4b: {  	v14 =	vld [tilespmem:s21+$0xD070]  }
0x4c: {  	v15 =	vld [tilespmem:s21+$0xD080]  }
0x4d: {  	v16 =	vld [tilespmem:s21+$0xD090]  }
0x4e: {  	v6 =	vld [tilespmem:s21+$0xD0A0]  }
0x4f: {  	v5 =	vld [tilespmem:s21+$0xD0B0]  }
0x50: {  	v4 =	vld [tilespmem:s21+$0xD0C0]  }
0x51: {  	v17 =	vld [tilespmem:s21+$0x5000]  }
0x52: {  	v18 =	vld [tilespmem:s21+$0x5010]  }
0x53: {  	v3 =	vld [tilespmem:s21+$0xD0D0]  }
0x54: {  	v19 =	vld [tilespmem:s21+$0x5020]  }
0x55: {  	v20 =	vld [tilespmem:s21+$0x5030]  }
0x56: {  	v2 =	vld [tilespmem:s21+$0xD0E0];
	v7 =	vadd.f32 v7, v17  }
0x57: {  	v21 =	vld [tilespmem:s21+$0x5040];
	v8 =	vadd.f32 v8, v18  }
0x58: {  	v60 =	vld [tilespmem:s21+$0x5050];
	v7 =	vmax.f32 v7, $0.0e+00  }
0x59: {  	v1 =	vld [tilespmem:s21+$0xD0F0];
	v8 =	vmax.f32 v8, $0.0e+00;
	[tilespmem:s21+$0x5000] =	vst v7;
	v7 =	vadd.f32 v9, v19  }
0x5a: {  	v22 =	vld [tilespmem:s21+$0x5060];
	[tilespmem:s21+$0x5010] =	vst v8;
	v8 =	vadd.f32 v10, v20  }
0x5b: {  	v61 =	vld [tilespmem:s21+$0x5070];
	v7 =	vmax.f32 v7, $0.0e+00  }
0x5c: {  	v62 =	vld [tilespmem:s21+$0x5080];
	v9 =	vmax.f32 v8, $0.0e+00;
	[tilespmem:s21+$0x5020] =	vst v7;
	v7 =	vadd.f32 v11, v21  }
0x5d: {  	v63 =	vld [tilespmem:s21+$0x5090];
	[tilespmem:s21+$0x5030] =	vst v9;
	v9 =	vadd.f32 v12, v60  }
0x5e: {  	v8 =	vld [tilespmem:s21+$0x50A0];
	v10 =	vmax.f32 v7, $0.0e+00  }
0x5f: {  	v7 =	vld [tilespmem:s21+$0x50B0];
	v11 =	vmax.f32 v9, $0.0e+00;
	[tilespmem:s21+$0x5040] =	vst v10;
	v10 =	vadd.f32 v13, v22  }
0x60: {  	v9 =	vld [tilespmem:s21+$0x50C0];
	[tilespmem:s21+$0x5050] =	vst v11;
	v11 =	vadd.f32 v14, v61  }
0x61: {  	v13 =	vadd.f32 v15, v62;
	v12 =	vmax.f32 v10, $0.0e+00;
	v10 =	vld [tilespmem:s21+$0x50D0]  }
0x62: {  	s2 =	simm.s32 $0x400;
	v14 =	vmax.f32 v11, $0.0e+00;
	v11 =	vld [tilespmem:s21+$0x50E0];
	[tilespmem:s21+$0x5060] =	vst v12;
	v12 =	vadd.f32 v16, v63  }
.LBB2_5:
0x63: {  	s10 =	sshra.s32 s2, $0x2;
	p1 =	sne.s32 s2, $0xFC00;
	[tilespmem:s21+$0x5070] =	vst v14;
	v13 =	vmax.f32 v13, $0.0e+00;
	v6 =	vadd.f32 v6, v8;
	v8 =	vld [tilespmem:s21+$0x50F0]  }
0x64: {  	v14 =	vld [tilespmem:s10+$0xD000];
	[tilespmem:s21+$0x5080] =	vst v13;
	v12 =	vmax.f32 v12, $0.0e+00;
	v5 =	vadd.f32 v5, v7  }
0x65: {  	v7 =	vld [tilespmem:s10+$0xD010];
	[tilespmem:s21+$0x5090] =	vst v12;
	v6 =	vmax.f32 v6, $0.0e+00;
	v4 =	vadd.f32 v4, v9  }
0x66: {  	v9 =	vld [tilespmem:s10+$0xD020];
	[tilespmem:s21+$0x50A0] =	vst v6;
	v5 =	vmax.f32 v5, $0.0e+00;
	v3 =	vadd.f32 v3, v10  }
0x67: {  	v10 =	vld [tilespmem:s10+$0xD030];
	[tilespmem:s21+$0x50B0] =	vst v5;
	v4 =	vmax.f32 v4, $0.0e+00;
	v2 =	vadd.f32 v2, v11  }
0x68: {  	v11 =	vld [tilespmem:s10+$0xD040];
	[tilespmem:s21+$0x50C0] =	vst v4;
	v3 =	vmax.f32 v3, $0.0e+00;
	v1 =	vadd.f32 v1, v8  }
0x69: {  	v8 =	vld [tilespmem:s10+$0xD050];
	[tilespmem:s21+$0x50D0] =	vst v3;
	v2 =	vmax.f32 v2, $0.0e+00  }
0x6a: {  	v12 =	vld [tilespmem:s10+$0xD060];
	[tilespmem:s21+$0x50E0] =	vst v2;
	v1 =	vmax.f32 v1, $0.0e+00  }
0x6b: {  	v13 =	vld [tilespmem:s10+$0xD070];
	[tilespmem:s21+$0x50F0] =	vst v1;
	s21 =	smov.u32 s10  }
0x6c: {  	v15 =	vld [tilespmem:s21+$0xD080]  }
0x6d: {  	v16 =	vld [tilespmem:s21+$0xD090]  }
0x6e: {  	v6 =	vld [tilespmem:s21+$0xD0A0]  }
0x6f: {  	v5 =	vld [tilespmem:s21+$0xD0B0]  }
0x70: {  	v4 =	vld [tilespmem:s21+$0xD0C0]  }
0x71: {  	v3 =	vld [tilespmem:s21+$0xD0D0]  }
0x72: {  	v2 =	vld [tilespmem:s21+$0xD0E0]  }
0x73: {  	v1 =	vld [tilespmem:s21+$0xD0F0]  }
0x74: {  	v17 =	vld [tilespmem:s21+$0x5000]  }
0x75: {  	v18 =	vld [tilespmem:s21+$0x5010]  }
0x76: {  	v19 =	vld [tilespmem:s21+$0x5020]  }
0x77: {  	v20 =	vld [tilespmem:s21+$0x5030]  }
0x78: {  	v21 =	vld [tilespmem:s21+$0x5040]  }
0x79: {  	v14 =	vadd.f32 v14, v17;
	v17 =	vld [tilespmem:s21+$0x5050]  }
0x7a: {  	v7 =	vadd.f32 v7, v18;
	v18 =	vld [tilespmem:s21+$0x5060]  }
0x7b: {  	v14 =	vmax.f32 v14, $0.0e+00;
	v9 =	vadd.f32 v9, v19;
	v19 =	vld [tilespmem:s21+$0x5070]  }
0x7c: {  	[tilespmem:s21+$0x5000] =	vst v14;
	v7 =	vmax.f32 v7, $0.0e+00;
	v10 =	vadd.f32 v10, v20;
	v14 =	vld [tilespmem:s21+$0x5080]  }
0x7d: {  	[tilespmem:s21+$0x5010] =	vst v7;
	v7 =	vmax.f32 v9, $0.0e+00;
	v9 =	vadd.f32 v11, v21;
	v11 =	vld [tilespmem:s21+$0x5090]  }
.Ltmp1:
0x7e: {  	[tilespmem:s21+$0x5020] =	vst v7;
	v7 =	vmax.f32 v10, $0.0e+00;
	v10 =	vadd.f32 v8, v17;
	v8 =	vld [tilespmem:s21+$0x50A0];
	(pc) =	sbr.rel @p1 .LBB2_5-.Ltmp1, $4  }
0x7f: {  	[tilespmem:s21+$0x5030] =	vst v7;
	v9 =	vmax.f32 v9, $0.0e+00;
	v12 =	vadd.f32 v12, v18;
	v7 =	vld [tilespmem:s21+$0x50B0]  }
0x80: {  	[tilespmem:s21+$0x5040] =	vst v9;
	v10 =	vmax.f32 v10, $0.0e+00;
	v17 =	vadd.f32 v13, v19;
	v9 =	vld [tilespmem:s21+$0x50C0]  }
0x81: {  	[tilespmem:s21+$0x5050] =	vst v10;
	v12 =	vmax.f32 v12, $0.0e+00;
	v13 =	vadd.f32 v15, v14;
	v10 =	vld [tilespmem:s21+$0x50D0]  }
0x82: {  	s2 =	sadd.s32 $0x400, s2;
	[tilespmem:s21+$0x5060] =	vst v12;
	v14 =	vmax.f32 v17, $0.0e+00;
	v12 =	vadd.f32 v16, v11;
	v11 =	vld [tilespmem:s21+$0x50E0]  }
0x83: {  	[tilespmem:s21+$0x5070] =	vst v14;
	v13 =	vmax.f32 v13, $0.0e+00;
	v6 =	vadd.f32 v6, v8;
	v8 =	vld [tilespmem:s21+$0x50F0]  }
0x84: {  	[tilespmem:s21+$0x5080] =	vst v13;
	v12 =	vmax.f32 v12, $0.0e+00;
	v5 =	vadd.f32 v5, v7  }
0x85: {  	[tilespmem:s21+$0x5090] =	vst v12;
	v6 =	vmax.f32 v6, $0.0e+00;
	v4 =	vadd.f32 v4, v9  }
0x86: {  	[tilespmem:s21+$0x50A0] =	vst v6;
	v5 =	vmax.f32 v5, $0.0e+00;
	v3 =	vadd.f32 v3, v10  }
0x87: {  	s2 =	sshll.u32 s30, $0xA;
	[tilespmem:s21+$0x50B0] =	vst v5;
	v4 =	vmax.f32 v4, $0.0e+00;
	v2 =	vadd.f32 v2, v11  }
0x88: {  	s10 =	sadd.s32 $0xFFFF6000, s2;
	[tilespmem:s21+$0x50C0] =	vst v4;
	v3 =	vmax.f32 v3, $0.0e+00;
	v1 =	vadd.f32 v1, v8  }
0x89: {  	s10 =	smov.u32 @p0 s2;
	[tilespmem:s21+$0x50D0] =	vst v3;
	v2 =	vmax.f32 v2, $0.0e+00  }
0x8a: {  	s0 =	sadd.s32 $0x2, s0;
	s2 =	sshra.s32 s10, $0x2;
	[tilespmem:s21+$0x50E0] =	vst v2;
	v1 =	vmax.f32 v1, $0.0e+00  }
0x8b: {  	s2 =	sadd.s32 $0x2800, s2;
	[tilespmem:s21+$0x50F0] =	vst v1;
	s21 =	smulhi.u32 $0x66666667, s0  }
0x8c: {  	[spmem:s1] =	stream.indirect.scatter.add.f32 [tilespmem:s23], [sflag:$0x3], $0x80, s2, s22, $0xb8;
	[tilespmem:$0x1F000] =	vst v63  }
0x8d: {  	_ =	swait.ge [sflag:s20], $0x4000;
	s2 =	sshrl.u32 s21, $0x5  }
0x8e: {  	[sflag:s20] =	ssyncset.done $0x0;
	s2 =	smul.u32 $0x50, s2  }
0x8f: {  	[sflag:s20] =	ssyncadd.s32 $0xFFFFC000  }
0x90: {  	_ =	swait.ge [sflag:s28], $0x4000;
	s21 =	ssub.s32 s0, s2  }
0x91: {  	[sflag:s28] =	ssyncset.done $0x0;
	p0 =	seq.s32 s21, $0x0  }
0x92: {  	[sflag:s28] =	ssyncadd.s32 $0xFFFFC000;
	s2 =	sshll.u32 @!p0 s0, $0xE  }
0x93: {  	_ =	swait.ge [sflag:s28], $0x4000;
	s2 =	sadd.s32 @!p0 s16, s2  }
0x94: {  	s10 =	simm.s32 @!p0 $0x0;
	[sflag:s28] =	ssyncset.done $0x0;
	s2 =	sshrl.u32 @!p0 s2, $0x3  }
0x95: {  	s11 =	simm.s32 @!p0 $0xD000;
	[sflag:s28] =	ssyncadd.s32 $0xFFFFC000;
	s2 =	sadd.s32 @!p0 s7, s2  }
0x96: {  	[tilespmem:s11], [sflag:$0x1] =	stream.linear.gather @!p0 [hbm4b:s2+s10], $0x4000, $0x38;
	[tilespmem:$0x1F000] =	vst v63  }
0x97: {  	s2 =	sshll.u32 @!p0 s21, $0x7  }
0x98: {  	s10 =	simm.s32 @!p0 $0x80;
	s11 =	simm.s32 @!p0 $0x5000;
	s2 =	sand.u32 @!p0 $0x3FFFFF80, s2  }
0x99: {  	[tilespmem:s11], [sflag:$0x1] =	stream.indirect.gather @!p0 [hbm4b:s4+s10], $0x80, s2, s10, $0xb8;
	[tilespmem:$0x1F000] =	vst v63  }
0x9a: {  	s2 =	simm.s32 $0x0  }
0x9b: {  	v7 =	vld [tilespmem:s2+$0x11000]  }
0x9c: {  	v8 =	vld [tilespmem:s2+$0x11010]  }
0x9d: {  	v9 =	vld [tilespmem:s2+$0x11020]  }
0x9e: {  	v10 =	vld [tilespmem:s2+$0x11030]  }
0x9f: {  	v11 =	vld [tilespmem:s2+$0x11040]  }
0xa0: {  	v12 =	vld [tilespmem:s2+$0x11050]  }
0xa1: {  	v13 =	vld [tilespmem:s2+$0x11060]  }
0xa2: {  	v14 =	vld [tilespmem:s2+$0x11070]  }
0xa3: {  	v15 =	vld [tilespmem:s2+$0x11080]  }
0xa4: {  	v16 =	vld [tilespmem:s2+$0x11090]  }
0xa5: {  	v6 =	vld [tilespmem:s2+$0x110A0]  }
0xa6: {  	v5 =	vld [tilespmem:s2+$0x110B0]  }
0xa7: {  	v4 =	vld [tilespmem:s2+$0x110C0]  }
0xa8: {  	v17 =	vld [tilespmem:s2+$0x9000]  }
0xa9: {  	v18 =	vld [tilespmem:s2+$0x9010]  }
0xaa: {  	v3 =	vld [tilespmem:s2+$0x110D0]  }
0xab: {  	v19 =	vld [tilespmem:s2+$0x9020]  }
0xac: {  	v20 =	vld [tilespmem:s2+$0x9030]  }
0xad: {  	v2 =	vld [tilespmem:s2+$0x110E0];
	v7 =	vadd.f32 v7, v17  }
0xae: {  	v21 =	vld [tilespmem:s2+$0x9040];
	v8 =	vadd.f32 v8, v18  }
0xaf: {  	v60 =	vld [tilespmem:s2+$0x9050];
	v7 =	vmax.f32 v7, $0.0e+00  }
0xb0: {  	v1 =	vld [tilespmem:s2+$0x110F0];
	v8 =	vmax.f32 v8, $0.0e+00;
	[tilespmem:s2+$0x9000] =	vst v7;
	v7 =	vadd.f32 v9, v19  }
0xb1: {  	v22 =	vld [tilespmem:s2+$0x9060];
	[tilespmem:s2+$0x9010] =	vst v8;
	v8 =	vadd.f32 v10, v20  }
0xb2: {  	v61 =	vld [tilespmem:s2+$0x9070];
	v7 =	vmax.f32 v7, $0.0e+00  }
0xb3: {  	v62 =	vld [tilespmem:s2+$0x9080];
	v9 =	vmax.f32 v8, $0.0e+00;
	[tilespmem:s2+$0x9020] =	vst v7;
	v7 =	vadd.f32 v11, v21  }
0xb4: {  	v63 =	vld [tilespmem:s2+$0x9090];
	[tilespmem:s2+$0x9030] =	vst v9;
	v9 =	vadd.f32 v12, v60  }
0xb5: {  	v8 =	vld [tilespmem:s2+$0x90A0];
	v10 =	vmax.f32 v7, $0.0e+00  }
0xb6: {  	v7 =	vld [tilespmem:s2+$0x90B0];
	v11 =	vmax.f32 v9, $0.0e+00;
	[tilespmem:s2+$0x9040] =	vst v10;
	v10 =	vadd.f32 v13, v22  }
0xb7: {  	v9 =	vld [tilespmem:s2+$0x90C0];
	[tilespmem:s2+$0x9050] =	vst v11;
	v11 =	vadd.f32 v14, v61  }
0xb8: {  	v13 =	vadd.f32 v15, v62;
	v12 =	vmax.f32 v10, $0.0e+00;
	v10 =	vld [tilespmem:s2+$0x90D0]  }
0xb9: {  	s10 =	simm.s32 $0x400;
	v14 =	vmax.f32 v11, $0.0e+00;
	v11 =	vld [tilespmem:s2+$0x90E0];
	[tilespmem:s2+$0x9060] =	vst v12;
	v12 =	vadd.f32 v16, v63  }
.LBB2_7:
0xba: {  	s11 =	sshra.s32 s10, $0x2;
	p0 =	sne.s32 s10, $0xFC00;
	[tilespmem:s2+$0x9070] =	vst v14;
	v13 =	vmax.f32 v13, $0.0e+00;
	v6 =	vadd.f32 v6, v8;
	v8 =	vld [tilespmem:s2+$0x90F0]  }
0xbb: {  	v14 =	vld [tilespmem:s11+$0x11000];
	[tilespmem:s2+$0x9080] =	vst v13;
	v12 =	vmax.f32 v12, $0.0e+00;
	v5 =	vadd.f32 v5, v7  }
0xbc: {  	v7 =	vld [tilespmem:s11+$0x11010];
	[tilespmem:s2+$0x9090] =	vst v12;
	v6 =	vmax.f32 v6, $0.0e+00;
	v4 =	vadd.f32 v4, v9  }
0xbd: {  	v9 =	vld [tilespmem:s11+$0x11020];
	[tilespmem:s2+$0x90A0] =	vst v6;
	v5 =	vmax.f32 v5, $0.0e+00;
	v3 =	vadd.f32 v3, v10  }
0xbe: {  	v10 =	vld [tilespmem:s11+$0x11030];
	[tilespmem:s2+$0x90B0] =	vst v5;
	v4 =	vmax.f32 v4, $0.0e+00;
	v2 =	vadd.f32 v2, v11  }
0xbf: {  	v11 =	vld [tilespmem:s11+$0x11040];
	[tilespmem:s2+$0x90C0] =	vst v4;
	v3 =	vmax.f32 v3, $0.0e+00;
	v1 =	vadd.f32 v1, v8  }
0xc0: {  	v8 =	vld [tilespmem:s11+$0x11050];
	[tilespmem:s2+$0x90D0] =	vst v3;
	v2 =	vmax.f32 v2, $0.0e+00  }
0xc1: {  	v12 =	vld [tilespmem:s11+$0x11060];
	[tilespmem:s2+$0x90E0] =	vst v2;
	v1 =	vmax.f32 v1, $0.0e+00  }
0xc2: {  	v13 =	vld [tilespmem:s11+$0x11070];
	[tilespmem:s2+$0x90F0] =	vst v1;
	s2 =	smov.u32 s11  }
0xc3: {  	v15 =	vld [tilespmem:s2+$0x11080]  }
0xc4: {  	v16 =	vld [tilespmem:s2+$0x11090]  }
0xc5: {  	v6 =	vld [tilespmem:s2+$0x110A0]  }
0xc6: {  	v5 =	vld [tilespmem:s2+$0x110B0]  }
0xc7: {  	v4 =	vld [tilespmem:s2+$0x110C0]  }
0xc8: {  	v3 =	vld [tilespmem:s2+$0x110D0]  }
0xc9: {  	v2 =	vld [tilespmem:s2+$0x110E0]  }
0xca: {  	v1 =	vld [tilespmem:s2+$0x110F0]  }
0xcb: {  	v17 =	vld [tilespmem:s2+$0x9000]  }
0xcc: {  	v18 =	vld [tilespmem:s2+$0x9010]  }
0xcd: {  	v19 =	vld [tilespmem:s2+$0x9020]  }
0xce: {  	v20 =	vld [tilespmem:s2+$0x9030]  }
0xcf: {  	v21 =	vld [tilespmem:s2+$0x9040]  }
0xd0: {  	v14 =	vadd.f32 v14, v17;
	v17 =	vld [tilespmem:s2+$0x9050]  }
0xd1: {  	v7 =	vadd.f32 v7, v18;
	v18 =	vld [tilespmem:s2+$0x9060]  }
0xd2: {  	v14 =	vmax.f32 v14, $0.0e+00;
	v9 =	vadd.f32 v9, v19;
	v19 =	vld [tilespmem:s2+$0x9070]  }
0xd3: {  	[tilespmem:s2+$0x9000] =	vst v14;
	v7 =	vmax.f32 v7, $0.0e+00;
	v10 =	vadd.f32 v10, v20;
	v14 =	vld [tilespmem:s2+$0x9080]  }
0xd4: {  	[tilespmem:s2+$0x9010] =	vst v7;
	v7 =	vmax.f32 v9, $0.0e+00;
	v9 =	vadd.f32 v11, v21;
	v11 =	vld [tilespmem:s2+$0x9090]  }
.Ltmp2:
0xd5: {  	[tilespmem:s2+$0x9020] =	vst v7;
	v7 =	vmax.f32 v10, $0.0e+00;
	v10 =	vadd.f32 v8, v17;
	v8 =	vld [tilespmem:s2+$0x90A0];
	(pc) =	sbr.rel @p0 .LBB2_7-.Ltmp2, $4  }
0xd6: {  	[tilespmem:s2+$0x9030] =	vst v7;
	v9 =	vmax.f32 v9, $0.0e+00;
	v12 =	vadd.f32 v12, v18;
	v7 =	vld [tilespmem:s2+$0x90B0]  }
0xd7: {  	[tilespmem:s2+$0x9040] =	vst v9;
	v10 =	vmax.f32 v10, $0.0e+00;
	v17 =	vadd.f32 v13, v19;
	v9 =	vld [tilespmem:s2+$0x90C0]  }
0xd8: {  	[tilespmem:s2+$0x9050] =	vst v10;
	v12 =	vmax.f32 v12, $0.0e+00;
	v13 =	vadd.f32 v15, v14;
	v10 =	vld [tilespmem:s2+$0x90D0]  }
0xd9: {  	s10 =	sadd.s32 $0x400, s10;
	[tilespmem:s2+$0x9060] =	vst v12;
	v14 =	vmax.f32 v17, $0.0e+00;
	v12 =	vadd.f32 v16, v11;
	v11 =	vld [tilespmem:s2+$0x90E0]  }
0xda: {  	[tilespmem:s2+$0x9070] =	vst v14;
	v13 =	vmax.f32 v13, $0.0e+00;
	v6 =	vadd.f32 v6, v8;
	v63 =	vld [tilespmem:s2+$0x90F0]  }
0xdb: {  	[tilespmem:s2+$0x9080] =	vst v13;
	v12 =	vmax.f32 v12, $0.0e+00;
	v5 =	vadd.f32 v5, v7  }
0xdc: {  	[tilespmem:s2+$0x9090] =	vst v12;
	v6 =	vmax.f32 v6, $0.0e+00;
	v4 =	vadd.f32 v4, v9  }
0xdd: {  	[tilespmem:s2+$0x90A0] =	vst v6;
	v5 =	vmax.f32 v5, $0.0e+00;
	v3 =	vadd.f32 v3, v10  }
0xde: {  	[tilespmem:s2+$0x90B0] =	vst v5;
	v4 =	vmax.f32 v4, $0.0e+00;
	v2 =	vadd.f32 v2, v11  }
0xdf: {  	p0 =	seq.s32 s30, $0x4F;
	[tilespmem:s2+$0x90C0] =	vst v4;
	v3 =	vmax.f32 v3, $0.0e+00;
	v1 =	vadd.f32 v1, v63  }
0xe0: {  	p1 =	sne.s32 @!p0 s21, $0x0;
	[tilespmem:s2+$0x90D0] =	vst v3;
	v2 =	vmax.f32 v2, $0.0e+00  }
0xe1: {  	p0 =	por p1, p0;
	[tilespmem:s2+$0x90E0] =	vst v2;
	v1 =	vmax.f32 v1, $0.0e+00  }
0xe2: {  	s31 =	sadd.s32 $0x2800, s31;
	[tilespmem:s2+$0x90F0] =	vst v1;
	s2 =	sadd.s32 @!p0 s12, s0  }
0xe3: {  	[spmem:s1] =	stream.indirect.scatter.add.f32 [tilespmem:s26], [sflag:$0x3], $0x80, s31, s22, $0xb8;
	[tilespmem:$0x1F000] =	vst v63  }
0xe4: {  	s2 =	sshll.u32 @!p0 s2, $0x7  }
0xe5: {  	s2 =	sand.u32 @!p0 $0xFFC00, s2  }
0xe6: {  	_ =	swait.ge [sflag:s20], $0x4000;
	s2 =	sadd.s32 @!p0 s8, s2  }
0xe7: {  	[sflag:s20] =	ssyncset.done $0x0;
	s2 =	sshrl.u32 @!p0 s2, $0x3  }
0xe8: {  	s11 =	simm.s32 @!p0 $0x0;
	[sflag:s20] =	ssyncadd.s32 $0xFFFFC000;
	s10 =	sadd.s32 @!p0 s5, s2  }
0xe9: {  	[tilespmem:s11], [sflag:$0x3] =	stream.linear.gather @!p0 [hbm4b:s10+s11], $0x2800, $0x38;
	[tilespmem:$0x1F000] =	vst v63  }
0xea: {  	s10 =	simm.s32 @!p0 $0x3  }
0xeb: {  	_ =	swait.ge @!p0 [sflag:s10], $0x2800  }
0xec: {  	s21 =	simm.s32 @!p0 $0x2800;
	[sflag:s10] =	ssyncset.done @!p0 $0x0  }
0xed: {  	s0 =	sshll.u32 @!p0 s0, $0xE;
	s2 =	sadd.s32 @!p0 s6, s2;
	[sflag:s10] =	ssyncadd.s32 @!p0 $0xFFFFD800  }
0xee: {  	[tilespmem:s21], [sflag:$0x3] =	stream.linear.gather @!p0 [hbm4b:s2+s11], $0x2800, $0x38;
	[tilespmem:$0x1F000] =	vst v63  }
0xef: {  	s0 =	sadd.s32 @!p0 s16, s0;
	_ =	swait.ge @!p0 [sflag:s10], $0x2800  }
0xf0: {  	s0 =	sshrl.u32 @!p0 s0, $0x3;
	[sflag:s10] =	ssyncset.done @!p0 $0x0  }
0xf1: {  	s0 =	sadd.s32 @!p0 s7, s0;
	s2 =	simm.s32 @!p0 $0xD000;
	[sflag:s10] =	ssyncadd.s32 @!p0 $0xFFFFD800  }
0xf2: {  	[tilespmem:s2], [sflag:$0x1] =	stream.linear.gather @!p0 [hbm4b:s0+s11], $0x4000, $0x38;
	[tilespmem:$0x1F000] =	vst v63  }
0xf3: {  	s30 =	sadd.s32 $0x1, s30;
	s0 =	simm.s32 @!p0 $0x80;
	s2 =	simm.s32 @!p0 $0x5000  }
0xf4: {  	[tilespmem:s2], [sflag:$0x1] =	stream.indirect.gather @!p0 [hbm4b:s4+s0], $0x80, s11, s0, $0xb8;
	[tilespmem:$0x1F000] =	vst v63  }
0xf5: {  	p0 =	sne.s32 s30, $0x50  }
.Ltmp3:
0xf6: {  	_ = 	snop;
	(pc) =	sbr.rel @p0 .LBB2_4-.Ltmp3, $1  }
0xf7: {  	_ =	sdelay $0x3  }
0xf8: {  	s0 =	stileid.u32;
	s3 =	sadd.s32 $0x1, s3  }
0xf9: {  	[bflag:$0x0] =	sbarrier.arrive $0xFFFF;
	s0 =	sshll.u32 s0, $0x6;
	p0 =	sne.s32 s3, s18  }
.Ltmp4:
0xfa: {  	s2 =	sshrl.u32 s9, $0x3;
	s0 =	sor.u32 $0x1C03, s0;
	(pc) =	sbr.rel @p0 .LBB2_1-.Ltmp4, $4  }
0xfb: {  	[hbm:s17], [sflag:s0] =	dma.local [spmem:s2], $0x1400  }
0xfc: {  	_ =	swait.ge [sflag:s20], $0x1400  }
0xfd: {  	[sflag:s20] =	ssyncset.done $0x0  }
0xfe: {  	[sflag:s20] =	ssyncadd.s32 $0xFFFFEC00  }
0xff: {  	_ =	sfence.sel $0x180000  }
0x100: {  	[bflag:$0x0] =	sbarrier.arrive $0xFFFF  }
0x101: {  	_ =	strace $0x9000004A  }
0x102: {  	s0 =	stileid.u32;
	[bflag:$0x2] =	sbarrier.arrive $0xFFFF  }
0x103: {  	p0 =	sne.s32 s0, $0x0;
	s0 =	rddreg [dreg:$0x2]  }
0x104: {  	s0 =	sadd.s32 @!p0 $0x100000, s0  }
0x105: {  	[sflag:s0] =	ssyncadd.tile.s32 @!p0 $0x1;
	_ =	shalt  }
.Lfunc_end2:
_tile_overlayer_lowered:
.L_overlay_start_2:
0x106: {  	(tag) =	ssettag $0x2  }
0x107: {  	s0 =	rddreg [dreg:$0x0];
	s2 =	stileid.u32  }
0x108: {  	s1 =	rddreg [dreg:$0x1];
	p0 =	sne.s32 s2, $0x0  }
0x109: {  	s3 =	rddreg [dreg:$0x2];
	[bflag:$0x3] =	sbarrier.arrive $0xFFFF;
	s2 =	simm.s32 @!p0 $0x1C03  }
0x10a: {  	[timem:s3], [sflag:s2] =	dma.local @!p0 [hbm:s0], s1  }
0x10b: {  	s0 =	simm.s32 @!p0 $0x3  }
0x10c: {  	_ =	swait.ge @!p0 [sflag:s0], s1  }
0x10d: {  	s1 =	ssub.s32 @!p0 $0x0, s1;
	[sflag:s0] =	ssyncset.done @!p0 $0x0  }
0x10e: {  	[sflag:s0] =	ssyncadd.s32 @!p0 s1  }
0x10f: {  	[bflag:$0x3] =	sbarrier.arrive $0xFFFF  }
0x110: {  	_ =	shalt  }

// kernel: kernel.19.cloned.1.call-start
scs
__scs_entry_jumppad:
0x0: {  	(pc) =	sbr.rel $0x88, $3  }
0x1: {  	(tag) =	ssettag $0x0;
	lr =	simm.s32 $0x1  }
0x2: {  	[smem:$0x3F92] =	sst lr;
	_ =	strace $0xD0000000  }
0x3: {  	_ = 	snop  }
0x4: {  	_ = 	snop  }
0x5: {  	_ = 	snop  }
0x6: {  	_ = 	snop  }
0x7: {  	_ = 	snop  }
__scs_overlays_trampoline_lowered:
0x8: {  	[smem:$0x3FA1] =	sst s0  }
0x9: {  	[smem:$0x3FA2] =	sst s1  }
0xa: {  	[smem:$0x3FA3] =	sst s2  }
0xb: {  	[smem:$0x3FA4] =	sst s3  }
0xc: {  	[smem:$0x3FA5] =	sst s4  }
0xd: {  	[smem:$0x3FA6] =	sst s5  }
0xe: {  	[smem:$0x3FA7] =	sst s6  }
0xf: {  	[smem:$0x3FA8] =	sst s7  }
0x10: {  	[smem:$0x3FA9] =	sst s8  }
0x11: {  	[smem:$0x3FAA] =	sst s9;
	s0 =	simm.s32 @!p0 $0x0  }
0x12: {  	s1 =	sld [smem:$0x3F90];
	s0 =	simm.s32 @p0 $0x1  }
0x13: {  	[smem:$0x3FAB] =	sst s0;
	s0 =	simm.s32 @!p1 $0x0  }
0x14: {  	s2 =	sld [smem:$0x3F8F];
	s0 =	simm.s32 @p1 $0x1  }
0x15: {  	[smem:$0x3FAC] =	sst s0;
	s0 =	simm.s32 @!p2 $0x0  }
0x16: {  	s3 =	sld [smem:$0x3FDB];
	s0 =	simm.s32 @p2 $0x1  }
0x17: {  	s4 =	simm.s32 $0x1BF5;
	[smem:$0x3FAE] =	sst s0  }
0x18: {  	s0 =	sld [smem:$0x3F91];
	_ =	swait.ge [sflag:s4], $0x0  }
0x19: {  	s7 =	sld [smem:$0x3F92]  }
0x1a: {  	s8 =	sadd.s32 $0xFFFFE003, lr  }
0x1b: {  	s9 =	sadd.s32 $0xFFFFFEF7, lr;
	s5 =	simm.s32 $0xFFFFFFFF;
	p2 =	slt.u32 s8, $0xFFFFF086  }
0x1c: {  	p1 =	slt.u32 s9, $0xF7A;
	s5 =	simm.s32 @!p2 $0x0  }
0x1d: {  	s5 =	simm.s32 @p1 $0x1;
	p0 =	seq.s32 s7, s2  }
0x1e: {  	s7 =	smul.u32 @!p0 $0xF7A, s2;
	p2 =	seq.s32 @!p0 s5, $0x0  }
0x1f: {  	s9 =	smul.u32 $0xF7A, s1;
	s8 =	simm.s32 @!p0 $0x1BF5;
	p2 =	por !p2, p0  }
0x20: {  	[sflag:s8] =	ssyncset.s32 @!p0 $0xFFFFF086;
	s6 =	sadd.s32 @!p0 s3, s7;
	s7 =	simm.s32 @!p0 $0x108  }
0x21: {  	s3 =	sadd.s32 s3, s9;
	s6 =	sadd.s32 @!p0 $0x88, s6;
	s7 =	simm.s32 @p2 $0x1082  }
0x22: {  	[simem:s7], [sflag:s8] =	dma.local @!p0 [hbm:s6], $0xF7A  }
0x23: {  	s9 =	sor.u32 $0xD0000000, s2;
	s6 =	simm.s32 $0x108;
	_ =	swait.ge @!p0 [sflag:s8], $0x0  }
0x24: {  	s3 =	sadd.s32 $0x88, s3;
	s6 =	simm.s32 @!p1 $0x1082;
	[sflag:s4] =	ssyncset.s32 $0xFFFFF086  }
0x25: {  	[simem:s6], [sflag:s4] =	dma.local [hbm:s3], $0xF7A  }
0x26: {  	[smem:$0x3F92] =	sst s1;
	(tag) =	ssettag s2;
	_ =	strace s9  }
0x27: {  	s1 =	sld [smem:$0x3FA2]  }
0x28: {  	s2 =	sld [smem:$0x3FA3]  }
0x29: {  	s4 =	sld [smem:$0x3FA5]  }
0x2a: {  	p0 =	seq.s32 s5, $0x0;
	s5 =	sld [smem:$0x3FA6]  }
0x2b: {  	s6 =	sld [smem:$0x3FA7]  }
0x2c: {  	s7 =	sld [smem:$0x3FA8]  }
0x2d: {  	s3 =	simm.s32 $0x108;
	s8 =	sld [smem:$0x3FA9]  }
0x2e: {  	s3 =	simm.s32 @!p0 $0x1082;
	s9 =	sld [smem:$0x3FAA]  }
0x2f: {  	lr =	sadd.s32 s0, s3;
	s0 =	sld [smem:$0x3FA1]  }
0x30: {  	s3 =	sld [smem:$0x3FA4]  }
0x31: {  	[smem:$0x3FAD] =	sst s10  }
0x32: {  	s10 =	sld [smem:$0x3FAB];
	_ =	sdelay $0x3  }
0x33: {  	p0 =	seq.s32 s10, $0x1;
	s10 =	sld [smem:$0x3FAD];
	_ =	sdelay $0x3  }
0x34: {  	[smem:$0x3FAD] =	sst s10  }
0x35: {  	s10 =	sld [smem:$0x3FAC];
	_ =	sdelay $0x3  }
0x36: {  	p1 =	seq.s32 s10, $0x1;
	s10 =	sld [smem:$0x3FAD];
	_ =	sdelay $0x3  }
0x37: {  	[smem:$0x3FAD] =	sst s10  }
0x38: {  	s10 =	sld [smem:$0x3FAE]  }
0x39: {  	_ = 	snop;
	(pc) =	sbr.ind lr, $3  }
0x3a: {  	_ = 	snop  }
0x3b: {  	_ = 	snop  }
0x3c: {  	p2 =	seq.s32 s10, $0x1;
	s10 =	sld [smem:$0x3FAD]  }
0x3d: {  	_ =	shalt  }
0x3e: {  	_ =	shalt  }
0x3f: {  	_ =	shalt  }
0x40: {  	_ =	shalt  }
0x41: {  	_ =	shalt  }
0x42: {  	_ =	shalt  }
0x43: {  	_ =	shalt  }
0x44: {  	_ =	shalt  }
0x45: {  	_ =	shalt  }
0x46: {  	_ =	shalt  }
0x47: {  	_ =	shalt  }
0x48: {  	_ =	shalt  }
0x49: {  	_ =	shalt  }
0x4a: {  	_ =	shalt  }
0x4b: {  	_ =	shalt  }
0x4c: {  	_ =	shalt  }
0x4d: {  	_ =	shalt  }
0x4e: {  	_ =	shalt  }
0x4f: {  	_ =	shalt  }
0x50: {  	_ =	shalt  }
0x51: {  	_ =	shalt  }
0x52: {  	_ =	shalt  }
0x53: {  	_ =	shalt  }
0x54: {  	_ =	shalt  }
0x55: {  	_ =	shalt  }
0x56: {  	_ =	shalt  }
0x57: {  	_ =	shalt  }
0x58: {  	_ =	shalt  }
0x59: {  	_ =	shalt  }
0x5a: {  	_ =	shalt  }
0x5b: {  	_ =	shalt  }
0x5c: {  	_ =	shalt  }
0x5d: {  	_ =	shalt  }
0x5e: {  	_ =	shalt  }
0x5f: {  	_ =	shalt  }
0x60: {  	_ =	shalt  }
0x61: {  	_ =	shalt  }
0x62: {  	_ =	shalt  }
0x63: {  	_ =	shalt  }
0x64: {  	_ =	shalt  }
0x65: {  	_ =	shalt  }
0x66: {  	_ =	shalt  }
0x67: {  	_ =	shalt  }
0x68: {  	_ =	shalt  }
0x69: {  	_ =	shalt  }
0x6a: {  	_ =	shalt  }
0x6b: {  	_ =	shalt  }
0x6c: {  	_ =	shalt  }
0x6d: {  	_ =	shalt  }
0x6e: {  	_ =	shalt  }
0x6f: {  	_ =	shalt  }
0x70: {  	_ =	shalt  }
0x71: {  	_ =	shalt  }
0x72: {  	_ =	shalt  }
0x73: {  	_ =	shalt  }
0x74: {  	_ =	shalt  }
0x75: {  	_ =	shalt  }
0x76: {  	_ =	shalt  }
0x77: {  	_ =	shalt  }
0x78: {  	_ =	shalt  }
0x79: {  	_ =	shalt  }
0x7a: {  	_ =	shalt  }
0x7b: {  	_ =	shalt  }
0x7c: {  	_ =	shalt  }
0x7d: {  	_ =	shalt  }
0x7e: {  	_ =	shalt  }
0x7f: {  	_ =	shalt  }
0x80: {  	_ =	shalt  }
0x81: {  	_ =	shalt  }
0x82: {  	_ =	shalt  }
0x83: {  	_ =	shalt  }
0x84: {  	_ =	shalt  }
0x85: {  	_ =	shalt  }
0x86: {  	_ =	shalt  }
0x87: {  	_ =	shalt  }
.Lfunc_end0:
.L_simem_size_0:
called_computation.2_lowered:
.L_overlay_start_0:
0x88: {  	s2 =	sld [smem:$0x3FD9]  }
0x89: {  	s3 =	sld [smem:$0x3FFE];
	_ =	sdelay $0x1  }
0x8a: {  	s1 =	srdreg.scid  }
0x8b: {  	s0 =	sand.u32 $0x1, s1  }
0x8c: {  	s16 =	sshll.u32 s0, $0xA;
	s2 =	sadd.s32 s3, s2  }
0x8d: {  	s2 =	sadd.s32 s2, s16  }
0x8e: {  	[smem:$0x3FB9] =	sst s2  }
0x8f: {  	_ = 	snop  }
0x90: {  	(tm) =	ssettm $0x1  }
0x91: {  	s17 =	sld [smem:$0x3FFB];
	_ =	sdelay $0x3  }
0x92: {  	_ =	strace s17  }
0x93: {  	s2 =	sld [smem:$0x3FFC];
	_ =	sdelay $0x3  }
0x94: {  	_ =	strace s2  }
0x95: {  	s2 =	sld [smem:$0x3FFD];
	_ =	sdelay $0x3  }
0x96: {  	_ =	strace s2  }
0x97: {  	_ =	strace $0x8FFFFFFF  }
0x98: {  	s18 =	sld [smem:$0x3FDB];
	_ =	sdelay $0x1  }
0x99: {  	s19 =	simm.s32 $_scs_section_size  }
0x9a: {  	s4 =	simm.s32 $_size__tile_overlayer_lowered;
	s5 =	simm.s32 $_tile_overlayer_lowered  }
0x9b: {  	s22 =	simm.s32 $0x1BFF;
	s21 =	sshll.u32 s5, $0x1;
	s2 =	sadd.s32 s19, s18  }
0x9c: {  	s6 =	simm.s32 $0x0;
	s20 =	sshll.u32 s4, $0x1;
	s4 =	sadd.s32 s21, s2  }
0x9d: {  	[timem:s6], [sflag:s22] =	dma.local [hbm:s4], s20  }
0x9e: {  	_ =	swait.ge [sflag:s22], s20  }
0x9f: {  	s3 =	ssub.s32 $0x0, s20;
	[sflag:s22] =	ssyncset.done $0x0  }
0xa0: {  	[sflag:s22] =	ssyncadd.s32 s3;
	_ =	sdelay $0x1  }
0xa1: {  	s23 =	simm.s32 $0x1B8B  }
0xa2: {  	_ =	swait.ge [sflag:s23], $0x1  }
0xa3: {  	[sflag:s23] =	ssyncset.done $0x0  }
0xa4: {  	s25 =	simm.s32 $0x1B8E;
	s24 =	sld [smem:$0x3FFE];
	[sflag:s23] =	ssyncadd.s32 $0xFFFFFFFF  }
0xa5: {  	s26 =	simm.s32 $execute0_lowered;
	[smem:$0x3FD2] =	sst s25  }
0xa6: {  	s4 =	sshll.u32 s26, $0x1;
	_ =	strace $0x8000004C;
	[dreg:$0x1] =	wrdreg $0xFFFFFFFF  }
0xa7: {  	s28 =	simm.s32 $_size_execute0_lowered;
	s2 =	sadd.s32 s2, s4;
	[dreg:$0x0] =	wrdreg $0x0  }
0xa8: {  	s4 =	sshll.u32 s28, $0x1;
	[dreg:$0x2] =	wrdreg s2  }
0xa9: {  	[dreg:$0x3] =	wrdreg s4  }
0xaa: {  	[dreg:$0x4] =	wrdreg $0xC0  }
0xab: {  	_ =	task [dreg:s6], $0x5FFFF  }
0xac: {  	[dreg:$0x1] =	wrdreg $0xFFFFFFFF  }
0xad: {  	[dreg:$0x0] =	wrdreg $0x60  }
0xae: {  	[dreg:$0x2] =	wrdreg s24  }
0xaf: {  	[dreg:$0x3] =	wrdreg $0x150000  }
0xb0: {  	[dreg:$0x4] =	wrdreg $0x9  }
0xb1: {  	_ =	task.clear_ibuf [dreg:s6], $0x5FFFF;
	_ =	strace $0x9000004C  }
0xb2: {  	s29 =	simm.s32 $0x9;
	_ =	strace $0x8000004E  }
0xb3: {  	_ =	swait.ge [sflag:s29], $0x1  }
0xb4: {  	[sflag:s29] =	ssyncadd.s32 $0xFFFFFFFF  }
0xb5: {  	_ =	strace $0x9000004E  }
0xb6: {  	_ =	sfence  }
0xb7: {  	s30 =	sld [smem:$0x0];
	_ =	sdelay $0x2  }
0xb8: {  	s31 =	sshll.u32 s1, $0xD;
	s1 =	sshrl.u32 s1, $0x2  }
0xb9: {  	s3 =	sand.u32 $0x4000, s31;
	s1 =	sadd.s32 s1, s30  }
0xba: {  	s0 =	sor.u32 s3, s0;
	s1 =	sshll.u32 s1, $0x11  }
0xbb: {  	s0 =	sor.u32 s1, s0  }
0xbc: {  	s0 =	sadd.s32 $0x8F2B, s0  }
0xbd: {  	[sflag:s0] =	ssyncadd.remote.s32 $0x1  }
0xbe: {  	_ =	sfence.sel $0xFFFF  }
0xbf: {  	[dreg:$0x0] =	wrdreg $0xFFFFFFFF;
	(pc) =	sbr.abs _section_cstart, $3  }
0xc0: {  	[dreg:$0x1] =	wrdreg $0xFFFFFFFF  }
0xc1: {  	_ =	task.clear_ibuf [dreg:s6], $0x2FFFF;
	_ =	strace $0x9FFFFFFF  }
0xc2: {  	(tm) =	ssettm $0x7FFFFFFF  }
0xc3: {  	_ =	shalt  }
tec
execute0_lowered:
.L_overlay_start_1:
0x0: {  	(tag) =	ssettag $0x1  }
0x1: {  	s0 =	rddreg [dreg:$0x0]  }
0x2: {  	s1 =	rddreg [dreg:$0x1]  }
0x3: {  	s3 =	simm.s32 $0x0;
	s2 =	srdreg.scid;
	s16 =	stileid.u32  }
0x4: {  	s19 =	simm.s32 $0xD000;
	s20 =	simm.s32 $0x3;
	s22 =	simm.s32 $0x80  }
0x5: {  	s23 =	simm.s32 $0x5000;
	s24 =	simm.s32 $0x1;
	s25 =	simm.s32 $0x11000  }
0x6: {  	s28 =	simm.s32 $0x2;
	s29 =	simm.s32 $0x0;
	s8 =	smul.u32 $0x1400, s16  }
0x7: {  	[smem:$0x7FF] =	sst s3;
	s2 =	sand.u32 $0x1, s2;
	s10 =	smul.u32 $0x28000, s16  }
0x8: {  	s4 =	sadd.s32 $0x6600, s0;
	s5 =	sadd.s32 $0x2E600, s0;
	s12 =	smul.u32 $0x5000, s16  }
0x9: {  	s6 =	sadd.s32 $0x42600, s0;
	s7 =	sadd.s32 $0x9E8800, s0;
	s15 =	smul.u32 $0x50000, s16  }
0xa: {  	_ =	strace $0x8000004D;
	s9 =	smul.u32 $0x14000, s2;
	s11 =	ssub.s32 $0x2, s2  }
0xb: {  	s26 =	sshrl.u32 s11, $0x1;
	s10 =	sshrl.u32 s10, $0x2;
	s15 =	sadd.s32 s7, s15  }
0xc: {  	s9 =	sadd.s32 s8, s9;
	s8 =	smul.u32 $0x50000, s2;
	s2 =	ssub.s32 s11, s26  }
0xd: {  	s26 =	simm.s32 $0x9000;
	s0 =	sadd.s32 s9, s0;
	s9 =	sadd.s32 s10, s1  }
0xe: {  	s18 =	smax.u32 s2, $0x1;
	s30 =	sadd.s32 s12, s8;
	s12 =	smul.u32 $0xA0, s16  }
0xf: {  	s10 =	sadd.s32 $0x4000, s9;
	s31 =	sadd.s32 $0x8000, s9;
	s16 =	smul.u32 $0x280000, s16  }
0x10: {  	s17 =	sadd.s32 $0x56600, s0;
	[dreg:$0x3] =	wrdreg s10;
	s10 =	sshrl.u32 s30, $0x3  }
0x11: {  	v0 =	vimm.f32 $0.0e+00;
	[dreg:$0x4] =	wrdreg s31;
	s13 =	sadd.s32 s5, s10;
	s14 =	sadd.s32 s6, s10  }
.LBB2_1:
0x12: {  	s0 =	simm.s32 $0x0;
	s2 =	simm.s32 $0x200  }
.LBB2_2:
0x13: {  	p0 =	sne.s32 s2, $0xFE00;
	[tilespmem:s0+$0xD070] =	vst v0  }
0x14: {  	[tilespmem:s0+$0xD000] =	vst v0  }
0x15: {  	[tilespmem:s0+$0xD010] =	vst v0  }
.Ltmp0:
0x16: {  	[tilespmem:s0+$0xD020] =	vst v0;
	(pc) =	sbr.rel @p0 .LBB2_2-.Ltmp0, $4  }
0x17: {  	[tilespmem:s0+$0xD030] =	vst v0  }
0x18: {  	[tilespmem:s0+$0xD040] =	vst v0  }
0x19: {  	[tilespmem:s0+$0xD050] =	vst v0  }
0x1a: {  	[tilespmem:s0+$0xD060] =	vst v0;
	s0 =	sshra.s32 s2, $0x2;
	s2 =	sadd.s32 $0x200, s2  }
0x1b: {  	[tilespmem:s0+$0xD070] =	vst v0  }
0x1c: {  	[tilespmem:s0+$0xD000] =	vst v0  }
0x1d: {  	[tilespmem:s0+$0xD010] =	vst v0  }
0x1e: {  	[tilespmem:s0+$0xD020] =	vst v0  }
0x1f: {  	[tilespmem:s0+$0xD030] =	vst v0  }
0x20: {  	[tilespmem:s0+$0xD040] =	vst v0  }
0x21: {  	[tilespmem:s0+$0xD050] =	vst v0  }
0x22: {  	[tilespmem:s0+$0xD060] =	vst v0  }
0x23: {  	[spmem:s9] =	stream.linear.scatter [tilespmem:s19], [sflag:$0x3], $0x4000, $0x38;
	[tilespmem:$0x1F000] =	vst v63  }
0x24: {  	_ =	swait.ge [sflag:s20], $0x4000  }
0x25: {  	[sflag:s20] =	ssyncset.done $0x0  }
0x26: {  	s11 =	rddreg [dreg:$0x3];
	[sflag:s20] =	ssyncadd.s32 $0xFFFFC000  }
0x27: {  	[spmem:s11] =	stream.linear.scatter [tilespmem:s19], [sflag:$0x3], $0x4000, $0x38;
	[tilespmem:$0x1F000] =	vst v63  }
0x28: {  	_ =	swait.ge [sflag:s20], $0x4000  }
0x29: {  	[sflag:s20] =	ssyncset.done $0x0  }
0x2a: {  	s21 =	rddreg [dreg:$0x4];
	[sflag:s20] =	ssyncadd.s32 $0xFFFFC000  }
0x2b: {  	[spmem:s21] =	stream.linear.scatter [tilespmem:s19], [sflag:$0x3], $0x2000, $0x38;
	[tilespmem:$0x1F000] =	vst v63  }
0x2c: {  	_ =	swait.ge [sflag:s20], $0x2000  }
0x2d: {  	[sflag:s20] =	ssyncset.done $0x0  }
0x2e: {  	[sflag:s20] =	ssyncadd.s32 $0xFFFFE000  }
0x2f: {  	[bflag:$0x0] =	sbarrier.arrive $0xFFFF  }
0x30: {  	[tilespmem:s29], [sflag:$0x3] =	stream.linear.gather [hbm4b:s13+s29], $0x2800, $0x38;
	[tilespmem:$0x1F000] =	vst v63  }
0x31: {  	_ =	swait.ge [sflag:s20], $0x2800  }
0x32: {  	[sflag:s20] =	ssyncset.done $0x0  }
0x33: {  	s31 =	simm.s32 $0x2800;
	[sflag:s20] =	ssyncadd.s32 $0xFFFFD800  }
0x34: {  	[tilespmem:s31], [sflag:$0x3] =	stream.linear.gather [hbm4b:s14+s29], $0x2800, $0x38;
	[tilespmem:$0x1F000] =	vst v63  }
0x35: {  	_ =	swait.ge [sflag:s20], $0x2800  }
0x36: {  	[sflag:s20] =	ssyncset.done $0x0  }
0x37: {  	[sflag:s20] =	ssyncadd.s32 $0xFFFFD800  }
0x38: {  	[tilespmem:s19], [sflag:$0x1] =	stream.linear.gather [hbm4b:s15+s29], $0x4000, $0x38;
	[tilespmem:$0x1F000] =	vst v63  }
0x39: {  	s30 =	simm.s32 $0x0  }
0x3a: {  	[tilespmem:s23], [sflag:$0x1] =	stream.indirect.gather [hbm4b:s4+s22], $0x80, s29, s22, $0xb8;
	[tilespmem:$0x1F000] =	vst v63  }
.LBB2_4:
0x3b: {  	_ =	swait.ge [sflag:s24], $0x4000  }
0x3c: {  	s2 =	sshllo.u32 s30, $0x1;
	s0 =	sshll.u32 s30, $0x1;
	[sflag:s24] =	ssyncset.done $0x0  }
0x3d: {  	p0 =	slt.u32 s30, $0x28;
	s10 =	sshll.u32 s2, $0xE;
	[sflag:s24] =	ssyncadd.s32 $0xFFFFC000  }
0x3e: {  	s21 =	sadd.s32 $0xFFFFFFB1, s0;
	s10 =	sadd.s32 s16, s10;
	_ =	swait.ge [sflag:s24], $0x4000  }
0x3f: {  	s21 =	smov.u32 @p0 s2;
	s10 =	sshrl.u32 s10, $0x3;
	[sflag:s24] =	ssyncset.done $0x0  }
0x40: {  	s21 =	sshll.u32 s21, $0x9;
	s11 =	sadd.s32 s7, s10;
	[sflag:s24] =	ssyncadd.s32 $0xFFFFC000  }
0x41: {  	[tilespmem:s25], [sflag:$0x2] =	stream.linear.gather [hbm4b:s11+s29], $0x4000, $0x38;
	[tilespmem:$0x1F000] =	vst v63  }
0x42: {  	s31 =	sshrl.u32 s21, $0x2;
	s21 =	simm.s32 $0x0  }
0x43: {  	[tilespmem:s26], [sflag:$0x2] =	stream.indirect.gather [hbm4b:s4+s22], $0x80, s31, s22, $0xb8;
	[tilespmem:$0x1F000] =	vst v63  }
0x44: {  	v7 =	vld [tilespmem:s21+$0xD000]  }
0x45: {  	v8 =	vld [tilespmem:s21+$0xD010]  }
0x46: {  	v9 =	vld [tilespmem:s21+$0xD020]  }
0x47: {  	v10 =	vld [tilespmem:s21+$0xD030]  }
0x48: {  	v11 =	vld [tilespmem:s21+$0xD040]  }
0x49: {  	v12 =	vld [tilespmem:s21+$0xD050]  }
0x4a: {  	v13 =	vld [tilespmem:s21+$0xD060]  }
0x4b: {  	v14 =	vld [tilespmem:s21+$0xD070]  }
0x4c: {  	v15 =	vld [tilespmem:s21+$0xD080]  }
0x4d: {  	v16 =	vld [tilespmem:s21+$0xD090]  }
0x4e: {  	v6 =	vld [tilespmem:s21+$0xD0A0]  }
0x4f: {  	v5 =	vld [tilespmem:s21+$0xD0B0]  }
0x50: {  	v4 =	vld [tilespmem:s21+$0xD0C0]  }
0x51: {  	v17 =	vld [tilespmem:s21+$0x5000]  }
0x52: {  	v18 =	vld [tilespmem:s21+$0x5010]  }
0x53: {  	v3 =	vld [tilespmem:s21+$0xD0D0]  }
0x54: {  	v19 =	vld [tilespmem:s21+$0x5020]  }
0x55: {  	v20 =	vld [tilespmem:s21+$0x5030]  }
0x56: {  	v2 =	vld [tilespmem:s21+$0xD0E0];
	v7 =	vadd.f32 v7, v17  }
0x57: {  	v21 =	vld [tilespmem:s21+$0x5040];
	v8 =	vadd.f32 v8, v18  }
0x58: {  	v60 =	vld [tilespmem:s21+$0x5050];
	v7 =	vmax.f32 v7, $0.0e+00  }
0x59: {  	v1 =	vld [tilespmem:s21+$0xD0F0];
	v8 =	vmax.f32 v8, $0.0e+00;
	[tilespmem:s21+$0x5000] =	vst v7;
	v7 =	vadd.f32 v9, v19  }
0x5a: {  	v22 =	vld [tilespmem:s21+$0x5060];
	[tilespmem:s21+$0x5010] =	vst v8;
	v8 =	vadd.f32 v10, v20  }
0x5b: {  	v61 =	vld [tilespmem:s21+$0x5070];
	v7 =	vmax.f32 v7, $0.0e+00  }
0x5c: {  	v62 =	vld [tilespmem:s21+$0x5080];
	v9 =	vmax.f32 v8, $0.0e+00;
	[tilespmem:s21+$0x5020] =	vst v7;
	v7 =	vadd.f32 v11, v21  }
0x5d: {  	v63 =	vld [tilespmem:s21+$0x5090];
	[tilespmem:s21+$0x5030] =	vst v9;
	v9 =	vadd.f32 v12, v60  }
0x5e: {  	v8 =	vld [tilespmem:s21+$0x50A0];
	v10 =	vmax.f32 v7, $0.0e+00  }
0x5f: {  	v7 =	vld [tilespmem:s21+$0x50B0];
	v11 =	vmax.f32 v9, $0.0e+00;
	[tilespmem:s21+$0x5040] =	vst v10;
	v10 =	vadd.f32 v13, v22  }
0x60: {  	v9 =	vld [tilespmem:s21+$0x50C0];
	[tilespmem:s21+$0x5050] =	vst v11;
	v11 =	vadd.f32 v14, v61  }
0x61: {  	v13 =	vadd.f32 v15, v62;
	v12 =	vmax.f32 v10, $0.0e+00;
	v10 =	vld [tilespmem:s21+$0x50D0]  }
0x62: {  	s2 =	simm.s32 $0x400;
	v14 =	vmax.f32 v11, $0.0e+00;
	v11 =	vld [tilespmem:s21+$0x50E0];
	[tilespmem:s21+$0x5060] =	vst v12;
	v12 =	vadd.f32 v16, v63  }
.LBB2_5:
0x63: {  	s10 =	sshra.s32 s2, $0x2;
	p1 =	sne.s32 s2, $0xFC00;
	[tilespmem:s21+$0x5070] =	vst v14;
	v13 =	vmax.f32 v13, $0.0e+00;
	v6 =	vadd.f32 v6, v8;
	v8 =	vld [tilespmem:s21+$0x50F0]  }
0x64: {  	v14 =	vld [tilespmem:s10+$0xD000];
	[tilespmem:s21+$0x5080] =	vst v13;
	v12 =	vmax.f32 v12, $0.0e+00;
	v5 =	vadd.f32 v5, v7  }
0x65: {  	v7 =	vld [tilespmem:s10+$0xD010];
	[tilespmem:s21+$0x5090] =	vst v12;
	v6 =	vmax.f32 v6, $0.0e+00;
	v4 =	vadd.f32 v4, v9  }
0x66: {  	v9 =	vld [tilespmem:s10+$0xD020];
	[tilespmem:s21+$0x50A0] =	vst v6;
	v5 =	vmax.f32 v5, $0.0e+00;
	v3 =	vadd.f32 v3, v10  }
0x67: {  	v10 =	vld [tilespmem:s10+$0xD030];
	[tilespmem:s21+$0x50B0] =	vst v5;
	v4 =	vmax.f32 v4, $0.0e+00;
	v2 =	vadd.f32 v2, v11  }
0x68: {  	v11 =	vld [tilespmem:s10+$0xD040];
	[tilespmem:s21+$0x50C0] =	vst v4;
	v3 =	vmax.f32 v3, $0.0e+00;
	v1 =	vadd.f32 v1, v8  }
0x69: {  	v8 =	vld [tilespmem:s10+$0xD050];
	[tilespmem:s21+$0x50D0] =	vst v3;
	v2 =	vmax.f32 v2, $0.0e+00  }
0x6a: {  	v12 =	vld [tilespmem:s10+$0xD060];
	[tilespmem:s21+$0x50E0] =	vst v2;
	v1 =	vmax.f32 v1, $0.0e+00  }
0x6b: {  	v13 =	vld [tilespmem:s10+$0xD070];
	[tilespmem:s21+$0x50F0] =	vst v1;
	s21 =	smov.u32 s10  }
0x6c: {  	v15 =	vld [tilespmem:s21+$0xD080]  }
0x6d: {  	v16 =	vld [tilespmem:s21+$0xD090]  }
0x6e: {  	v6 =	vld [tilespmem:s21+$0xD0A0]  }
0x6f: {  	v5 =	vld [tilespmem:s21+$0xD0B0]  }
0x70: {  	v4 =	vld [tilespmem:s21+$0xD0C0]  }
0x71: {  	v3 =	vld [tilespmem:s21+$0xD0D0]  }
0x72: {  	v2 =	vld [tilespmem:s21+$0xD0E0]  }
0x73: {  	v1 =	vld [tilespmem:s21+$0xD0F0]  }
0x74: {  	v17 =	vld [tilespmem:s21+$0x5000]  }
0x75: {  	v18 =	vld [tilespmem:s21+$0x5010]  }
0x76: {  	v19 =	vld [tilespmem:s21+$0x5020]  }
0x77: {  	v20 =	vld [tilespmem:s21+$0x5030]  }
0x78: {  	v21 =	vld [tilespmem:s21+$0x5040]  }
0x79: {  	v14 =	vadd.f32 v14, v17;
	v17 =	vld [tilespmem:s21+$0x5050]  }
0x7a: {  	v7 =	vadd.f32 v7, v18;
	v18 =	vld [tilespmem:s21+$0x5060]  }
0x7b: {  	v14 =	vmax.f32 v14, $0.0e+00;
	v9 =	vadd.f32 v9, v19;
	v19 =	vld [tilespmem:s21+$0x5070]  }
0x7c: {  	[tilespmem:s21+$0x5000] =	vst v14;
	v7 =	vmax.f32 v7, $0.0e+00;
	v10 =	vadd.f32 v10, v20;
	v14 =	vld [tilespmem:s21+$0x5080]  }
0x7d: {  	[tilespmem:s21+$0x5010] =	vst v7;
	v7 =	vmax.f32 v9, $0.0e+00;
	v9 =	vadd.f32 v11, v21;
	v11 =	vld [tilespmem:s21+$0x5090]  }
.Ltmp1:
0x7e: {  	[tilespmem:s21+$0x5020] =	vst v7;
	v7 =	vmax.f32 v10, $0.0e+00;
	v10 =	vadd.f32 v8, v17;
	v8 =	vld [tilespmem:s21+$0x50A0];
	(pc) =	sbr.rel @p1 .LBB2_5-.Ltmp1, $4  }
0x7f: {  	[tilespmem:s21+$0x5030] =	vst v7;
	v9 =	vmax.f32 v9, $0.0e+00;
	v12 =	vadd.f32 v12, v18;
	v7 =	vld [tilespmem:s21+$0x50B0]  }
0x80: {  	[tilespmem:s21+$0x5040] =	vst v9;
	v10 =	vmax.f32 v10, $0.0e+00;
	v17 =	vadd.f32 v13, v19;
	v9 =	vld [tilespmem:s21+$0x50C0]  }
0x81: {  	[tilespmem:s21+$0x5050] =	vst v10;
	v12 =	vmax.f32 v12, $0.0e+00;
	v13 =	vadd.f32 v15, v14;
	v10 =	vld [tilespmem:s21+$0x50D0]  }
0x82: {  	s2 =	sadd.s32 $0x400, s2;
	[tilespmem:s21+$0x5060] =	vst v12;
	v14 =	vmax.f32 v17, $0.0e+00;
	v12 =	vadd.f32 v16, v11;
	v11 =	vld [tilespmem:s21+$0x50E0]  }
0x83: {  	[tilespmem:s21+$0x5070] =	vst v14;
	v13 =	vmax.f32 v13, $0.0e+00;
	v6 =	vadd.f32 v6, v8;
	v8 =	vld [tilespmem:s21+$0x50F0]  }
0x84: {  	[tilespmem:s21+$0x5080] =	vst v13;
	v12 =	vmax.f32 v12, $0.0e+00;
	v5 =	vadd.f32 v5, v7  }
0x85: {  	[tilespmem:s21+$0x5090] =	vst v12;
	v6 =	vmax.f32 v6, $0.0e+00;
	v4 =	vadd.f32 v4, v9  }
0x86: {  	[tilespmem:s21+$0x50A0] =	vst v6;
	v5 =	vmax.f32 v5, $0.0e+00;
	v3 =	vadd.f32 v3, v10  }
0x87: {  	s2 =	sshll.u32 s30, $0xA;
	[tilespmem:s21+$0x50B0] =	vst v5;
	v4 =	vmax.f32 v4, $0.0e+00;
	v2 =	vadd.f32 v2, v11  }
0x88: {  	s10 =	sadd.s32 $0xFFFF6000, s2;
	[tilespmem:s21+$0x50C0] =	vst v4;
	v3 =	vmax.f32 v3, $0.0e+00;
	v1 =	vadd.f32 v1, v8  }
0x89: {  	s10 =	smov.u32 @p0 s2;
	[tilespmem:s21+$0x50D0] =	vst v3;
	v2 =	vmax.f32 v2, $0.0e+00  }
0x8a: {  	s0 =	sadd.s32 $0x2, s0;
	s2 =	sshra.s32 s10, $0x2;
	[tilespmem:s21+$0x50E0] =	vst v2;
	v1 =	vmax.f32 v1, $0.0e+00  }
0x8b: {  	s2 =	sadd.s32 $0x2800, s2;
	[tilespmem:s21+$0x50F0] =	vst v1;
	s21 =	smulhi.u32 $0x66666667, s0  }
0x8c: {  	[spmem:s1] =	stream.indirect.scatter.add.f32 [tilespmem:s23], [sflag:$0x3], $0x80, s2, s22, $0xb8;
	[tilespmem:$0x1F000] =	vst v63  }
0x8d: {  	_ =	swait.ge [sflag:s20], $0x4000;
	s2 =	sshrl.u32 s21, $0x5  }
0x8e: {  	[sflag:s20] =	ssyncset.done $0x0;
	s2 =	smul.u32 $0x50, s2  }
0x8f: {  	[sflag:s20] =	ssyncadd.s32 $0xFFFFC000  }
0x90: {  	_ =	swait.ge [sflag:s28], $0x4000;
	s21 =	ssub.s32 s0, s2  }
0x91: {  	[sflag:s28] =	ssyncset.done $0x0;
	p0 =	seq.s32 s21, $0x0  }
0x92: {  	[sflag:s28] =	ssyncadd.s32 $0xFFFFC000;
	s2 =	sshll.u32 @!p0 s0, $0xE  }
0x93: {  	_ =	swait.ge [sflag:s28], $0x4000;
	s2 =	sadd.s32 @!p0 s16, s2  }
0x94: {  	s10 =	simm.s32 @!p0 $0x0;
	[sflag:s28] =	ssyncset.done $0x0;
	s2 =	sshrl.u32 @!p0 s2, $0x3  }
0x95: {  	s11 =	simm.s32 @!p0 $0xD000;
	[sflag:s28] =	ssyncadd.s32 $0xFFFFC000;
	s2 =	sadd.s32 @!p0 s7, s2  }
0x96: {  	[tilespmem:s11], [sflag:$0x1] =	stream.linear.gather @!p0 [hbm4b:s2+s10], $0x4000, $0x38;
	[tilespmem:$0x1F000] =	vst v63  }
0x97: {  	s2 =	sshll.u32 @!p0 s21, $0x7  }
0x98: {  	s10 =	simm.s32 @!p0 $0x80;
	s11 =	simm.s32 @!p0 $0x5000;
	s2 =	sand.u32 @!p0 $0x3FFFFF80, s2  }
0x99: {  	[tilespmem:s11], [sflag:$0x1] =	stream.indirect.gather @!p0 [hbm4b:s4+s10], $0x80, s2, s10, $0xb8;
	[tilespmem:$0x1F000] =	vst v63  }
0x9a: {  	s2 =	simm.s32 $0x0  }
0x9b: {  	v7 =	vld [tilespmem:s2+$0x11000]  }
0x9c: {  	v8 =	vld [tilespmem:s2+$0x11010]  }
0x9d: {  	v9 =	vld [tilespmem:s2+$0x11020]  }
0x9e: {  	v10 =	vld [tilespmem:s2+$0x11030]  }
0x9f: {  	v11 =	vld [tilespmem:s2+$0x11040]  }
0xa0: {  	v12 =	vld [tilespmem:s2+$0x11050]  }
0xa1: {  	v13 =	vld [tilespmem:s2+$0x11060]  }
0xa2: {  	v14 =	vld [tilespmem:s2+$0x11070]  }
0xa3: {  	v15 =	vld [tilespmem:s2+$0x11080]  }
0xa4: {  	v16 =	vld [tilespmem:s2+$0x11090]  }
0xa5: {  	v6 =	vld [tilespmem:s2+$0x110A0]  }
0xa6: {  	v5 =	vld [tilespmem:s2+$0x110B0]  }
0xa7: {  	v4 =	vld [tilespmem:s2+$0x110C0]  }
0xa8: {  	v17 =	vld [tilespmem:s2+$0x9000]  }
0xa9: {  	v18 =	vld [tilespmem:s2+$0x9010]  }
0xaa: {  	v3 =	vld [tilespmem:s2+$0x110D0]  }
0xab: {  	v19 =	vld [tilespmem:s2+$0x9020]  }
0xac: {  	v20 =	vld [tilespmem:s2+$0x9030]  }
0xad: {  	v2 =	vld [tilespmem:s2+$0x110E0];
	v7 =	vadd.f32 v7, v17  }
0xae: {  	v21 =	vld [tilespmem:s2+$0x9040];
	v8 =	vadd.f32 v8, v18  }
0xaf: {  	v60 =	vld [tilespmem:s2+$0x9050];
	v7 =	vmax.f32 v7, $0.0e+00  }
0xb0: {  	v1 =	vld [tilespmem:s2+$0x110F0];
	v8 =	vmax.f32 v8, $0.0e+00;
	[tilespmem:s2+$0x9000] =	vst v7;
	v7 =	vadd.f32 v9, v19  }
0xb1: {  	v22 =	vld [tilespmem:s2+$0x9060];
	[tilespmem:s2+$0x9010] =	vst v8;
	v8 =	vadd.f32 v10, v20  }
0xb2: {  	v61 =	vld [tilespmem:s2+$0x9070];
	v7 =	vmax.f32 v7, $0.0e+00  }
0xb3: {  	v62 =	vld [tilespmem:s2+$0x9080];
	v9 =	vmax.f32 v8, $0.0e+00;
	[tilespmem:s2+$0x9020] =	vst v7;
	v7 =	vadd.f32 v11, v21  }
0xb4: {  	v63 =	vld [tilespmem:s2+$0x9090];
	[tilespmem:s2+$0x9030] =	vst v9;
	v9 =	vadd.f32 v12, v60  }
0xb5: {  	v8 =	vld [tilespmem:s2+$0x90A0];
	v10 =	vmax.f32 v7, $0.0e+00  }
0xb6: {  	v7 =	vld [tilespmem:s2+$0x90B0];
	v11 =	vmax.f32 v9, $0.0e+00;
	[tilespmem:s2+$0x9040] =	vst v10;
	v10 =	vadd.f32 v13, v22  }
0xb7: {  	v9 =	vld [tilespmem:s2+$0x90C0];
	[tilespmem:s2+$0x9050] =	vst v11;
	v11 =	vadd.f32 v14, v61  }
0xb8: {  	v13 =	vadd.f32 v15, v62;
	v12 =	vmax.f32 v10, $0.0e+00;
	v10 =	vld [tilespmem:s2+$0x90D0]  }
0xb9: {  	s10 =	simm.s32 $0x400;
	v14 =	vmax.f32 v11, $0.0e+00;
	v11 =	vld [tilespmem:s2+$0x90E0];
	[tilespmem:s2+$0x9060] =	vst v12;
	v12 =	vadd.f32 v16, v63  }
.LBB2_7:
0xba: {  	s11 =	sshra.s32 s10, $0x2;
	p0 =	sne.s32 s10, $0xFC00;
	[tilespmem:s2+$0x9070] =	vst v14;
	v13 =	vmax.f32 v13, $0.0e+00;
	v6 =	vadd.f32 v6, v8;
	v8 =	vld [tilespmem:s2+$0x90F0]  }
0xbb: {  	v14 =	vld [tilespmem:s11+$0x11000];
	[tilespmem:s2+$0x9080] =	vst v13;
	v12 =	vmax.f32 v12, $0.0e+00;
	v5 =	vadd.f32 v5, v7  }
0xbc: {  	v7 =	vld [tilespmem:s11+$0x11010];
	[tilespmem:s2+$0x9090] =	vst v12;
	v6 =	vmax.f32 v6, $0.0e+00;
	v4 =	vadd.f32 v4, v9  }
0xbd: {  	v9 =	vld [tilespmem:s11+$0x11020];
	[tilespmem:s2+$0x90A0] =	vst v6;
	v5 =	vmax.f32 v5, $0.0e+00;
	v3 =	vadd.f32 v3, v10  }
0xbe: {  	v10 =	vld [tilespmem:s11+$0x11030];
	[tilespmem:s2+$0x90B0] =	vst v5;
	v4 =	vmax.f32 v4, $0.0e+00;
	v2 =	vadd.f32 v2, v11  }
0xbf: {  	v11 =	vld [tilespmem:s11+$0x11040];
	[tilespmem:s2+$0x90C0] =	vst v4;
	v3 =	vmax.f32 v3, $0.0e+00;
	v1 =	vadd.f32 v1, v8  }
0xc0: {  	v8 =	vld [tilespmem:s11+$0x11050];
	[tilespmem:s2+$0x90D0] =	vst v3;
	v2 =	vmax.f32 v2, $0.0e+00  }
0xc1: {  	v12 =	vld [tilespmem:s11+$0x11060];
	[tilespmem:s2+$0x90E0] =	vst v2;
	v1 =	vmax.f32 v1, $0.0e+00  }
0xc2: {  	v13 =	vld [tilespmem:s11+$0x11070];
	[tilespmem:s2+$0x90F0] =	vst v1;
	s2 =	smov.u32 s11  }
0xc3: {  	v15 =	vld [tilespmem:s2+$0x11080]  }
0xc4: {  	v16 =	vld [tilespmem:s2+$0x11090]  }
0xc5: {  	v6 =	vld [tilespmem:s2+$0x110A0]  }
0xc6: {  	v5 =	vld [tilespmem:s2+$0x110B0]  }
0xc7: {  	v4 =	vld [tilespmem:s2+$0x110C0]  }
0xc8: {  	v3 =	vld [tilespmem:s2+$0x110D0]  }
0xc9: {  	v2 =	vld [tilespmem:s2+$0x110E0]  }
0xca: {  	v1 =	vld [tilespmem:s2+$0x110F0]  }
0xcb: {  	v17 =	vld [tilespmem:s2+$0x9000]  }
0xcc: {  	v18 =	vld [tilespmem:s2+$0x9010]  }
0xcd: {  	v19 =	vld [tilespmem:s2+$0x9020]  }
0xce: {  	v20 =	vld [tilespmem:s2+$0x9030]  }
0xcf: {  	v21 =	vld [tilespmem:s2+$0x9040]  }
0xd0: {  	v14 =	vadd.f32 v14, v17;
	v17 =	vld [tilespmem:s2+$0x9050]  }
0xd1: {  	v7 =	vadd.f32 v7, v18;
	v18 =	vld [tilespmem:s2+$0x9060]  }
0xd2: {  	v14 =	vmax.f32 v14, $0.0e+00;
	v9 =	vadd.f32 v9, v19;
	v19 =	vld [tilespmem:s2+$0x9070]  }
0xd3: {  	[tilespmem:s2+$0x9000] =	vst v14;
	v7 =	vmax.f32 v7, $0.0e+00;
	v10 =	vadd.f32 v10, v20;
	v14 =	vld [tilespmem:s2+$0x9080]  }
0xd4: {  	[tilespmem:s2+$0x9010] =	vst v7;
	v7 =	vmax.f32 v9, $0.0e+00;
	v9 =	vadd.f32 v11, v21;
	v11 =	vld [tilespmem:s2+$0x9090]  }
.Ltmp2:
0xd5: {  	[tilespmem:s2+$0x9020] =	vst v7;
	v7 =	vmax.f32 v10, $0.0e+00;
	v10 =	vadd.f32 v8, v17;
	v8 =	vld [tilespmem:s2+$0x90A0];
	(pc) =	sbr.rel @p0 .LBB2_7-.Ltmp2, $4  }
0xd6: {  	[tilespmem:s2+$0x9030] =	vst v7;
	v9 =	vmax.f32 v9, $0.0e+00;
	v12 =	vadd.f32 v12, v18;
	v7 =	vld [tilespmem:s2+$0x90B0]  }
0xd7: {  	[tilespmem:s2+$0x9040] =	vst v9;
	v10 =	vmax.f32 v10, $0.0e+00;
	v17 =	vadd.f32 v13, v19;
	v9 =	vld [tilespmem:s2+$0x90C0]  }
0xd8: {  	[tilespmem:s2+$0x9050] =	vst v10;
	v12 =	vmax.f32 v12, $0.0e+00;
	v13 =	vadd.f32 v15, v14;
	v10 =	vld [tilespmem:s2+$0x90D0]  }
0xd9: {  	s10 =	sadd.s32 $0x400, s10;
	[tilespmem:s2+$0x9060] =	vst v12;
	v14 =	vmax.f32 v17, $0.0e+00;
	v12 =	vadd.f32 v16, v11;
	v11 =	vld [tilespmem:s2+$0x90E0]  }
0xda: {  	[tilespmem:s2+$0x9070] =	vst v14;
	v13 =	vmax.f32 v13, $0.0e+00;
	v6 =	vadd.f32 v6, v8;
	v63 =	vld [tilespmem:s2+$0x90F0]  }
0xdb: {  	[tilespmem:s2+$0x9080] =	vst v13;
	v12 =	vmax.f32 v12, $0.0e+00;
	v5 =	vadd.f32 v5, v7  }
0xdc: {  	[tilespmem:s2+$0x9090] =	vst v12;
	v6 =	vmax.f32 v6, $0.0e+00;
	v4 =	vadd.f32 v4, v9  }
0xdd: {  	[tilespmem:s2+$0x90A0] =	vst v6;
	v5 =	vmax.f32 v5, $0.0e+00;
	v3 =	vadd.f32 v3, v10  }
0xde: {  	[tilespmem:s2+$0x90B0] =	vst v5;
	v4 =	vmax.f32 v4, $0.0e+00;
	v2 =	vadd.f32 v2, v11  }
0xdf: {  	p0 =	seq.s32 s30, $0x4F;
	[tilespmem:s2+$0x90C0] =	vst v4;
	v3 =	vmax.f32 v3, $0.0e+00;
	v1 =	vadd.f32 v1, v63  }
0xe0: {  	p1 =	sne.s32 @!p0 s21, $0x0;
	[tilespmem:s2+$0x90D0] =	vst v3;
	v2 =	vmax.f32 v2, $0.0e+00  }
0xe1: {  	p0 =	por p1, p0;
	[tilespmem:s2+$0x90E0] =	vst v2;
	v1 =	vmax.f32 v1, $0.0e+00  }
0xe2: {  	s31 =	sadd.s32 $0x2800, s31;
	[tilespmem:s2+$0x90F0] =	vst v1;
	s2 =	sadd.s32 @!p0 s12, s0  }
0xe3: {  	[spmem:s1] =	stream.indirect.scatter.add.f32 [tilespmem:s26], [sflag:$0x3], $0x80, s31, s22, $0xb8;
	[tilespmem:$0x1F000] =	vst v63  }
0xe4: {  	s2 =	sshll.u32 @!p0 s2, $0x7  }
0xe5: {  	s2 =	sand.u32 @!p0 $0xFFC00, s2  }
0xe6: {  	_ =	swait.ge [sflag:s20], $0x4000;
	s2 =	sadd.s32 @!p0 s8, s2  }
0xe7: {  	[sflag:s20] =	ssyncset.done $0x0;
	s2 =	sshrl.u32 @!p0 s2, $0x3  }
0xe8: {  	s11 =	simm.s32 @!p0 $0x0;
	[sflag:s20] =	ssyncadd.s32 $0xFFFFC000;
	s10 =	sadd.s32 @!p0 s5, s2  }
0xe9: {  	[tilespmem:s11], [sflag:$0x3] =	stream.linear.gather @!p0 [hbm4b:s10+s11], $0x2800, $0x38;
	[tilespmem:$0x1F000] =	vst v63  }
0xea: {  	s10 =	simm.s32 @!p0 $0x3  }
0xeb: {  	_ =	swait.ge @!p0 [sflag:s10], $0x2800  }
0xec: {  	s21 =	simm.s32 @!p0 $0x2800;
	[sflag:s10] =	ssyncset.done @!p0 $0x0  }
0xed: {  	s0 =	sshll.u32 @!p0 s0, $0xE;
	s2 =	sadd.s32 @!p0 s6, s2;
	[sflag:s10] =	ssyncadd.s32 @!p0 $0xFFFFD800  }
0xee: {  	[tilespmem:s21], [sflag:$0x3] =	stream.linear.gather @!p0 [hbm4b:s2+s11], $0x2800, $0x38;
	[tilespmem:$0x1F000] =	vst v63  }
0xef: {  	s0 =	sadd.s32 @!p0 s16, s0;
	_ =	swait.ge @!p0 [sflag:s10], $0x2800  }
0xf0: {  	s0 =	sshrl.u32 @!p0 s0, $0x3;
	[sflag:s10] =	ssyncset.done @!p0 $0x0  }
0xf1: {  	s0 =	sadd.s32 @!p0 s7, s0;
	s2 =	simm.s32 @!p0 $0xD000;
	[sflag:s10] =	ssyncadd.s32 @!p0 $0xFFFFD800  }
0xf2: {  	[tilespmem:s2], [sflag:$0x1] =	stream.linear.gather @!p0 [hbm4b:s0+s11], $0x4000, $0x38;
	[tilespmem:$0x1F000] =	vst v63  }
0xf3: {  	s30 =	sadd.s32 $0x1, s30;
	s0 =	simm.s32 @!p0 $0x80;
	s2 =	simm.s32 @!p0 $0x5000  }
0xf4: {  	[tilespmem:s2], [sflag:$0x1] =	stream.indirect.gather @!p0 [hbm4b:s4+s0], $0x80, s11, s0, $0xb8;
	[tilespmem:$0x1F000] =	vst v63  }
0xf5: {  	p0 =	sne.s32 s30, $0x50  }
.Ltmp3:
0xf6: {  	_ = 	snop;
	(pc) =	sbr.rel @p0 .LBB2_4-.Ltmp3, $1  }
0xf7: {  	_ =	sdelay $0x3  }
0xf8: {  	s0 =	stileid.u32;
	s3 =	sadd.s32 $0x1, s3  }
0xf9: {  	[bflag:$0x0] =	sbarrier.arrive $0xFFFF;
	s0 =	sshll.u32 s0, $0x6;
	p0 =	sne.s32 s3, s18  }
.Ltmp4:
0xfa: {  	s2 =	sshrl.u32 s9, $0x3;
	s0 =	sor.u32 $0x1C03, s0;
	(pc) =	sbr.rel @p0 .LBB2_1-.Ltmp4, $4  }
0xfb: {  	[hbm:s17], [sflag:s0] =	dma.local [spmem:s2], $0x1400  }
0xfc: {  	_ =	swait.ge [sflag:s20], $0x1400  }
0xfd: {  	[sflag:s20] =	ssyncset.done $0x0  }
0xfe: {  	[sflag:s20] =	ssyncadd.s32 $0xFFFFEC00  }
0xff: {  	_ =	sfence.sel $0x180000  }
0x100: {  	[bflag:$0x0] =	sbarrier.arrive $0xFFFF  }
0x101: {  	_ =	strace $0x9000004D  }
0x102: {  	s0 =	stileid.u32;
	[bflag:$0x2] =	sbarrier.arrive $0xFFFF  }
0x103: {  	p0 =	sne.s32 s0, $0x0;
	s0 =	rddreg [dreg:$0x2]  }
0x104: {  	s0 =	sadd.s32 @!p0 $0x100000, s0  }
0x105: {  	[sflag:s0] =	ssyncadd.tile.s32 @!p0 $0x1;
	_ =	shalt  }
.Lfunc_end2:
_tile_overlayer_lowered:
.L_overlay_start_2:
0x106: {  	(tag) =	ssettag $0x2  }
0x107: {  	s0 =	rddreg [dreg:$0x0];
	s2 =	stileid.u32  }
0x108: {  	s1 =	rddreg [dreg:$0x1];
	p0 =	sne.s32 s2, $0x0  }
0x109: {  	s3 =	rddreg [dreg:$0x2];
	[bflag:$0x3] =	sbarrier.arrive $0xFFFF;
	s2 =	simm.s32 @!p0 $0x1C03  }
0x10a: {  	[timem:s3], [sflag:s2] =	dma.local @!p0 [hbm:s0], s1  }
0x10b: {  	s0 =	simm.s32 @!p0 $0x3  }
0x10c: {  	_ =	swait.ge @!p0 [sflag:s0], s1  }
0x10d: {  	s1 =	ssub.s32 @!p0 $0x0, s1;
	[sflag:s0] =	ssyncset.done @!p0 $0x0  }
0x10e: {  	[sflag:s0] =	ssyncadd.s32 @!p0 s1  }
0x10f: {  	[bflag:$0x3] =	sbarrier.arrive $0xFFFF  }
0x110: {  	_ =	shalt  }

</sc_bundles>
